<compile_context>
chip_gen: v7x
topology: tpu7x:2x2x1
jax: 0.10.2.dev20260603
libtpu: 0.0.44.dev20260713+nightly
codegen_flags: <defaults>
</compile_context>

<pallas_src>
import functools

import jax
import jax.numpy as jnp
from jax import lax
from jax.experimental import pallas as pl
from jax.experimental.pallas import tpu as pltpu
from jax.experimental.pallas import tpu_sc as plsc

B, N, K = 4, 2048, 32
D_IN, D_OUT = 128, 128
RQ = 256
NB = N // RQ
KG = 8
AQ = 128
NAB = N // AQ
TW = 256
_BIG = 3.0e38

_NC, _NS = 2, 16
_NW = _NC * _NS
_TOTB = N * K
_RPW = _TOTB // _NW
_CH = 128
_NCH = _RPW // _CH


def _fold_body(posW2_ref, W1bot_ref, b1_ref, posb2_ref, Wf_ref, cb_ref):
    W1bot = W1bot_ref[...]
    Wf_ref[...] = jnp.dot(posW2_ref[...], W1bot,
                          preferred_element_type=jnp.float32,
                          precision=lax.Precision.HIGHEST)
    cb_ref[...] = b1_ref[...] + jnp.dot(posb2_ref[...], W1bot,
                                        preferred_element_type=jnp.float32,
                                        precision=lax.Precision.HIGHEST)


def _prep_body(pq_ref, pc_ref, ptq_ref, f_ref, posW1_ref, W1top_ref, cb_ref,
               ttab_ref, idx_ref, vals_ref, m_ref):
    kg = pl.program_id(1)

    @pl.when(kg == 0)
    def _init():
        ttab_ref[:, 0:64] = jnp.dot(pq_ref[...], posW1_ref[...],
                                    preferred_element_type=jnp.float32,
                                    precision=lax.Precision.HIGHEST)
        ttab_ref[:, 64:128] = jnp.zeros((RQ, 64), jnp.float32)
        ttab_ref[:, 128:256] = jnp.dot(
            f_ref[...], W1top_ref[...],
            preferred_element_type=jnp.float32,
            precision=lax.Precision.HIGHEST) + cb_ref[...]
        pc = pc_ref[...]
        pn = jnp.sum(pc * pc, axis=1, keepdims=True)
        dots = jnp.dot(pc, ptq_ref[...],
                       preferred_element_type=jnp.float32,
                       precision=lax.Precision.HIGHEST)
        vals0 = pn - 2.0 * dots
        vals_ref[...] = vals0
        m_ref[...] = jnp.min(vals0, axis=0, keepdims=True)

    vals = vals_ref[...]
    subf = lax.broadcasted_iota(jnp.int32, (N, RQ), 0).astype(jnp.float32)
    m = m_ref[...]
    for j in range(KG):
        am = jnp.min(jnp.where(vals == m, subf, _BIG),
                     axis=0, keepdims=True)
        idx_ref[0, j] = am.reshape(RQ).astype(jnp.int32)
        m = jnp.min(jnp.where(vals > m, vals, _BIG),
                    axis=0, keepdims=True)
    m_ref[...] = m


def _sc_gather_body(idx_hbm, ttab_hbm, out_hbm, idx_v, rows_v, sem0, sem1):
    wid = lax.axis_index("s") * _NC + lax.axis_index("c")
    base = wid * _RPW
    sems = (sem0, sem1)

    for bsel in range(2):
        off0 = pl.multiple_of(base + bsel * _CH, _CH)
        pltpu.sync_copy(idx_hbm.at[pl.ds(off0, _CH)], idx_v.at[bsel])
        pltpu.async_copy(ttab_hbm.at[idx_v.at[bsel]], rows_v.at[bsel],
                         sems[bsel])

    def pair(g, carry):
        for bsel in range(2):
            c = g * 2 + bsel
            off = pl.multiple_of(base + c * _CH, _CH)
            pltpu.make_async_copy(ttab_hbm.at[idx_v.at[bsel]],
                                  rows_v.at[bsel], sems[bsel]).wait()
            pltpu.sync_copy(rows_v.at[bsel], out_hbm.at[pl.ds(off, _CH)])

            @pl.when(c + 2 < _NCH)
            def _next():
                offn = pl.multiple_of(base + (c + 2) * _CH, _CH)
                pltpu.sync_copy(idx_hbm.at[pl.ds(offn, _CH)], idx_v.at[bsel])
                pltpu.async_copy(ttab_hbm.at[idx_v.at[bsel]],
                                 rows_v.at[bsel], sems[bsel])
        return carry

    lax.fori_loop(0, _NCH // 2, pair, 0)


def _agg_body(gt_ref, ttab_ref, Wf_ref, pb1_ref, W2_ref, b2_ref, out_ref):
    gt = gt_ref[...]
    qc = ttab_ref[:, 0:64]
    a = jnp.maximum(gt[:, :, 0:64] - qc[None] + pb1_ref[...][None], 0.0)
    mm = jnp.dot(a.reshape(K * AQ, 64), Wf_ref[...],
                 preferred_element_type=jnp.float32,
                 precision=lax.Precision.HIGHEST)
    z = gt[:, :, 128:256] + mm.reshape(K, AQ, 128)
    s = jnp.sum(jnp.maximum(z, 0.0), axis=0)
    out_ref[...] = jnp.dot(s * (1.0 / K), W2_ref[...],
                           preferred_element_type=jnp.float32,
                           precision=lax.Precision.HIGHEST) + b2_ref[...]


_fold_call = pl.pallas_call(
    _fold_body,
    out_shape=[jax.ShapeDtypeStruct((64, 128), jnp.float32),
               jax.ShapeDtypeStruct((1, 128), jnp.float32)],
)

_prep_call = pl.pallas_call(
    _prep_body,
    grid=(NB, K // KG),
    in_specs=[
        pl.BlockSpec((RQ, 3), lambda nb, kg: (nb, 0)),
        pl.BlockSpec((N, 3), lambda nb, kg: (0, 0)),
        pl.BlockSpec((3, RQ), lambda nb, kg: (0, nb)),
        pl.BlockSpec((RQ, D_IN), lambda nb, kg: (nb, 0)),
        pl.BlockSpec((3, 64), lambda nb, kg: (0, 0)),
        pl.BlockSpec((D_IN, 128), lambda nb, kg: (0, 0)),
        pl.BlockSpec((1, 128), lambda nb, kg: (0, 0)),
    ],
    out_specs=[
        pl.BlockSpec((RQ, TW), lambda nb, kg: (nb, 0)),
        pl.BlockSpec((1, KG, RQ), lambda nb, kg: (kg, 0, nb)),
    ],
    out_shape=[jax.ShapeDtypeStruct((N, TW), jnp.float32),
               jax.ShapeDtypeStruct((K // KG, KG, N), jnp.int32)],
    scratch_shapes=[pltpu.VMEM((N, RQ), jnp.float32),
                    pltpu.VMEM((1, RQ), jnp.float32)],
)

_agg_call = pl.pallas_call(
    _agg_body,
    grid=(NAB,),
    in_specs=[
        pl.BlockSpec((K, AQ, TW), lambda nab: (0, nab, 0)),
        pl.BlockSpec((AQ, TW), lambda nab: (nab, 0)),
        pl.BlockSpec((64, 128), lambda nab: (0, 0)),
        pl.BlockSpec((1, 64), lambda nab: (0, 0)),
        pl.BlockSpec((128, 128), lambda nab: (0, 0)),
        pl.BlockSpec((1, 128), lambda nab: (0, 0)),
    ],
    out_specs=pl.BlockSpec((AQ, D_OUT), lambda nab: (nab, 0)),
    out_shape=jax.ShapeDtypeStruct((N, D_OUT), jnp.float32),
)


@functools.cache
def _sc_gather_call():
    return functools.partial(
        pl.kernel,
        out_type=jax.ShapeDtypeStruct((_TOTB, TW), jnp.float32),
        mesh=plsc.VectorSubcoreMesh(core_axis_name="c",
                                    subcore_axis_name="s"),
        scratch_types=[pltpu.VMEM((2, _CH), jnp.int32),
                       pltpu.VMEM((2, _CH, TW), jnp.float32),
                       pltpu.SemaphoreType.DMA,
                       pltpu.SemaphoreType.DMA],
    )(_sc_gather_body)


def kernel(points, features, density, pos_W1, pos_b1, pos_W2, pos_b2,
           mlp_W1, mlp_b1, mlp_W2, mlp_b2,
           dw_W1, dw_b1, dw_W2, dw_b2, dw_W3, dw_b3):
    del density, dw_W1, dw_b1, dw_W2, dw_b2, dw_W3, dw_b3
    pT = points.transpose(0, 2, 1)
    W1_top = mlp_W1[:D_IN]
    W1_bot = mlp_W1[D_IN:]
    Wf, cb = _fold_call(pos_W2, W1_bot, mlp_b1.reshape(1, 128),
                        pos_b2.reshape(1, 64))
    scg = _sc_gather_call()
    pb1 = pos_b1.reshape(1, 64)
    b2 = mlp_b2.reshape(1, 128)
    outs = []
    for b in range(B):
        ttab, idx = _prep_call(points[b], points[b], pT[b], features[b],
                               pos_W1, W1_top, cb)
        gt = scg(idx.reshape(_TOTB), ttab)
        outs.append(_agg_call(gt.reshape(K, N, TW), ttab, Wf, pb1,
                              mlp_W2, b2))
    return jnp.stack(outs)

# --- scband reference (transcript-rebuilt; emitter-appended) ---
"""Pipeline reference for scband-density-aware-feature-aggregator-42417097015678 (READ-ONLY COPY).

The authoritative reference and input builder live on the scoring server;
editing this copy changes nothing except your own understanding.
"""

import jax, jax.numpy as jnp
import numpy as np

B, N, K = 4, 2048, 32
D_IN, D_OUT = 128, 128

def setup_inputs(seed: int = 0) -> dict:
    key = jax.random.key(seed)
    ks = jax.random.split(key, 16)
    return {
        "points": jax.random.normal(ks[0], (B, N, 3), dtype=jnp.float32),
        "features": jax.random.normal(ks[1], (B, N, D_IN), dtype=jnp.float32),
        "density": jax.random.uniform(ks[2], (B, N, 1), dtype=jnp.float32),
        "pos_W1": jax.random.normal(ks[3], (3, 64), dtype=jnp.float32) * 0.1,
        "pos_b1": jnp.zeros((64,), dtype=jnp.float32),
        "pos_W2": jax.random.normal(ks[4], (64, 64), dtype=jnp.float32) * 0.1,
        "pos_b2": jnp.zeros((64,), dtype=jnp.float32),
        "mlp_W1": jax.random.normal(ks[5], (D_IN + 64, 128), dtype=jnp.float32) * 0.05,
        "mlp_b1": jnp.zeros((128,), dtype=jnp.float32),
        "mlp_W2": jax.random.normal(ks[6], (128, D_OUT), dtype=jnp.float32) * 0.05,
        "mlp_b2": jnp.zeros((D_OUT,), dtype=jnp.float32),
        "dw_W1": jax.random.normal(ks[7], (1, 64), dtype=jnp.float32) * 0.1,
        "dw_b1": jnp.zeros((64,), dtype=jnp.float32),
        "dw_W2": jax.random.normal(ks[8], (64, 32), dtype=jnp.float32) * 0.1,
        "dw_b2": jnp.zeros((32,), dtype=jnp.float32),
        "dw_W3": jax.random.normal(ks[9], (32, 1), dtype=jnp.float32) * 0.1,
        "dw_b3": jnp.zeros((1,), dtype=jnp.float32),
    }

def reference(points, features, density, pos_W1, pos_b1, pos_W2, pos_b2,
              mlp_W1, mlp_b1, mlp_W2, mlp_b2,
              dw_W1, dw_b1, dw_W2, dw_b2, dw_W3, dw_b3):
    def per_batch(p, f, d):
        # kNN (kd_tree equivalent: exact nearest neighbors incl. self)
        d2 = jnp.sum((p[:, None, :] - p[None, :, :]) ** 2, axis=-1)  # [N, N]
        _, idx = jax.lax.top_k(-d2, K)                                # [N, K]
        neighbor_feat = jnp.take(f, idx, axis=0)                      # [N, K, D_IN]
        rel_pos = jnp.take(p, idx, axis=0) - p[:, None, :]            # [N, K, 3]
        h = jax.nn.relu(rel_pos @ pos_W1 + pos_b1)
        pos_enc = h @ pos_W2 + pos_b2                                 # [N, K, 64]
        cat_feat = jnp.concatenate([neighbor_feat, pos_enc], axis=-1)
        m = jax.nn.relu(cat_feat @ mlp_W1 + mlp_b1) @ mlp_W2 + mlp_b2 # [N, K, D_OUT]
        center_density = jnp.broadcast_to(d[:, None, :], (N, K, 1))   # [N, K, 1]
        w = jax.nn.relu(center_density @ dw_W1 + dw_b1)
        w = jax.nn.relu(w @ dw_W2 + dw_b2)
        w = jax.nn.sigmoid(w @ dw_W3 + dw_b3)                          # [N, K, 1]
        w = jax.nn.softmax(w, axis=1)
        return jnp.sum(w * m, axis=1)                                  # [N, D_OUT]
    return jax.vmap(per_batch)(points, features, density)

if __name__ == "__main__":
    import jax
    _d = setup_inputs()
    print(jax.jit(kernel)(*tuple(_d.values())))

</pallas_src>

<mosaic_0001>
#map = affine_map<(d0, d1) -> (0)>
#map1 = affine_map<(d0, d1) -> (0, 0)>
module attributes {stable_mosaic.version = 14 : i64} {
  func.func @_sc_gather_body(%arg0: i32, %arg1: i32, %arg2: memref<65536xi32, #tpu.memory_space<hbm>>, %arg3: memref<2048x256xf32, #tpu.memory_space<hbm>>, %arg4: memref<65536x256xf32, #tpu.memory_space<hbm>>, %arg5: memref<2x128xi32, #tpu.memory_space<vmem>>, %arg6: memref<2x128x256xf32, #tpu.memory_space<vmem>>, %arg7: memref<!tpu.dma_semaphore, #tpu.memory_space<semaphore_mem>>, %arg8: memref<!tpu.dma_semaphore, #tpu.memory_space<semaphore_mem>>) attributes {dimension_semantics = [#tpu.dimension_semantics<core_parallel>, #tpu.dimension_semantics<subcore_parallel>], iteration_bounds = array<i64: 2, 16>, scalar_prefetch = 0 : i64, scratch_operands = 4 : i64, tpu.core_type = #tpu.core_type<sc_vector_subcore>, window_params = [{transform_indices = #map}, {transform_indices = #map1}, {transform_indices = #map1}]} {
    %mul3A = arith.constant 2 : i32
    %mul3A_0 = arith.muli %arg1, %mul3A : i32
    %add3A = arith.addi %mul3A_0, %arg0 : i32
    %mul3A_1 = arith.constant 2048 : i32
    %mul3A_2 = arith.muli %add3A, %mul3A_1 : i32
    %add3A_3 = arith.constant 0 : i32
    %add3A_4 = arith.addi %mul3A_2, %add3A_3 : i32
    %multiple_of3A = tpu.assume_multiple %add3A_4, 128 : i32
    %run_scoped3A = arith.constant 0 : i32
    "tpu.region"() ({
      %run_scoped3A_37 = tpu.sem_alloc : memref<!tpu.dma_semaphore, #tpu.memory_space<semaphore_mem>>
      %dma_start3A_38 = arith.constant 0 : i32
      %dma_start3A_39 = tpu.memref_slice %arg5[%run_scoped3A, %dma_start3A_38] : memref<2x128xi32, #tpu.memory_space<vmem>> -> memref<1x128xi32, #tpu.memory_space<vmem>>
      %dma_start3A_40 = tpu.memref_squeeze %dma_start3A_39 : memref<1x128xi32, #tpu.memory_space<vmem>> -> memref<128xi32, #tpu.memory_space<vmem>>
      %dma_start3A_41 = tpu.memref_slice %arg2[%multiple_of3A] : memref<65536xi32, #tpu.memory_space<hbm>> -> memref<128xi32, #tpu.memory_space<hbm>>
      %dma_start3A_42 = arith.constant 0 : i32
      %dma_start3A_43 = tpu.memref_slice %arg5[%run_scoped3A, %dma_start3A_42] : memref<2x128xi32, #tpu.memory_space<vmem>> -> memref<1x128xi32, #tpu.memory_space<vmem>>
      %dma_start3A_44 = tpu.memref_squeeze %dma_start3A_43 : memref<1x128xi32, #tpu.memory_space<vmem>> -> memref<128xi32, #tpu.memory_space<vmem>>
      %dma_start3A_45 = tpu.memref_slice %arg2[%multiple_of3A] : memref<65536xi32, #tpu.memory_space<hbm>> -> memref<128xi32, #tpu.memory_space<hbm>>
      tpu.enqueue_dma source(%dma_start3A_45 : memref<128xi32, #tpu.memory_space<hbm>>) target(%dma_start3A_44 : memref<128xi32, #tpu.memory_space<vmem>>) target_semaphore(%run_scoped3A_37 : memref<!tpu.dma_semaphore, #tpu.memory_space<semaphore_mem>>)
      %dma_wait3A = arith.constant 0 : i32
      %dma_wait3A_46 = tpu.memref_slice %arg5[%run_scoped3A, %dma_wait3A] : memref<2x128xi32, #tpu.memory_space<vmem>> -> memref<1x128xi32, #tpu.memory_space<vmem>>
      %dma_wait3A_47 = tpu.memref_squeeze %dma_wait3A_46 : memref<1x128xi32, #tpu.memory_space<vmem>> -> memref<128xi32, #tpu.memory_space<vmem>>
      %dma_wait3A_48 = tpu.memref_slice %arg2[%multiple_of3A] : memref<65536xi32, #tpu.memory_space<hbm>> -> memref<128xi32, #tpu.memory_space<hbm>>
      %dma_wait3A_49 = arith.constant 0 : i32
      %dma_wait3A_50 = tpu.memref_slice %arg5[%run_scoped3A, %dma_wait3A_49] : memref<2x128xi32, #tpu.memory_space<vmem>> -> memref<1x128xi32, #tpu.memory_space<vmem>>
      %dma_wait3A_51 = tpu.memref_squeeze %dma_wait3A_50 : memref<1x128xi32, #tpu.memory_space<vmem>> -> memref<128xi32, #tpu.memory_space<vmem>>
      %dma_wait3A_52 = tpu.memref_slice %arg2[%multiple_of3A] : memref<65536xi32, #tpu.memory_space<hbm>> -> memref<128xi32, #tpu.memory_space<hbm>>
      tpu.wait_dma2 semaphore(%run_scoped3A_37 : memref<!tpu.dma_semaphore, #tpu.memory_space<semaphore_mem>>) src(%dma_wait3A_52 : memref<128xi32, #tpu.memory_space<hbm>>) dst(%dma_wait3A_51 : memref<128xi32, #tpu.memory_space<vmem>>)
      tpu.yield
    }) : () -> ()
    %dma_start3A = arith.constant 0 : i32
    %dma_start3A_5 = arith.constant 0 : i32
    %dma_start3A_6 = arith.constant 0 : i32
    %dma_start3A_7 = arith.constant 0 : i32
    %dma_start3A_8 = tpu.memref_slice %arg6[%dma_start3A_5, %dma_start3A_6, %dma_start3A_7] : memref<2x128x256xf32, #tpu.memory_space<vmem>> -> memref<1x128x256xf32, #tpu.memory_space<vmem>>
    %dma_start3A_9 = tpu.memref_squeeze %dma_start3A_8 : memref<1x128x256xf32, #tpu.memory_space<vmem>> -> memref<128x256xf32, #tpu.memory_space<vmem>>
    %dma_start3A_10 = arith.constant 0 : i32
    %dma_start3A_11 = tpu.memref_slice %arg5[%dma_start3A, %dma_start3A_10] : memref<2x128xi32, #tpu.memory_space<vmem>> -> memref<1x128xi32, #tpu.memory_space<vmem>>
    %dma_start3A_12 = tpu.memref_squeeze %dma_start3A_11 : memref<1x128xi32, #tpu.memory_space<vmem>> -> memref<128xi32, #tpu.memory_space<vmem>>
    %dma_start3A_13 = arith.constant 0 : i32
    %dma_start3A_14 = arith.constant 0 : i32
    %dma_start3A_15 = tpu.memref_slice %arg3[%dma_start3A_13, %dma_start3A_14] : memref<2048x256xf32, #tpu.memory_space<hbm>> -> memref<2048x256xf32, #tpu.memory_space<hbm>>
    tpu.enqueue_indirect_dma source(%dma_start3A_15 : memref<2048x256xf32, #tpu.memory_space<hbm>>) target(%dma_start3A_9 : memref<128x256xf32, #tpu.memory_space<vmem>>) offsets(%dma_start3A_12 : memref<128xi32, #tpu.memory_space<vmem>>) semaphore(%arg7 : memref<!tpu.dma_semaphore, #tpu.memory_space<semaphore_mem>>)
    %add3A_16 = arith.constant 128 : i32
    %add3A_17 = arith.addi %mul3A_2, %add3A_16 : i32
    %multiple_of3A_18 = tpu.assume_multiple %add3A_17, 128 : i32
    %run_scoped3A_19 = arith.constant 1 : i32
    "tpu.region"() ({
      %run_scoped3A_37 = tpu.sem_alloc : memref<!tpu.dma_semaphore, #tpu.memory_space<semaphore_mem>>
      %dma_start3A_38 = arith.constant 0 : i32
      %dma_start3A_39 = tpu.memref_slice %arg5[%run_scoped3A_19, %dma_start3A_38] : memref<2x128xi32, #tpu.memory_space<vmem>> -> memref<1x128xi32, #tpu.memory_space<vmem>>
      %dma_start3A_40 = tpu.memref_squeeze %dma_start3A_39 : memref<1x128xi32, #tpu.memory_space<vmem>> -> memref<128xi32, #tpu.memory_space<vmem>>
      %dma_start3A_41 = tpu.memref_slice %arg2[%multiple_of3A_18] : memref<65536xi32, #tpu.memory_space<hbm>> -> memref<128xi32, #tpu.memory_space<hbm>>
      %dma_start3A_42 = arith.constant 0 : i32
      %dma_start3A_43 = tpu.memref_slice %arg5[%run_scoped3A_19, %dma_start3A_42] : memref<2x128xi32, #tpu.memory_space<vmem>> -> memref<1x128xi32, #tpu.memory_space<vmem>>
      %dma_start3A_44 = tpu.memref_squeeze %dma_start3A_43 : memref<1x128xi32, #tpu.memory_space<vmem>> -> memref<128xi32, #tpu.memory_space<vmem>>
      %dma_start3A_45 = tpu.memref_slice %arg2[%multiple_of3A_18] : memref<65536xi32, #tpu.memory_space<hbm>> -> memref<128xi32, #tpu.memory_space<hbm>>
      tpu.enqueue_dma source(%dma_start3A_45 : memref<128xi32, #tpu.memory_space<hbm>>) target(%dma_start3A_44 : memref<128xi32, #tpu.memory_space<vmem>>) target_semaphore(%run_scoped3A_37 : memref<!tpu.dma_semaphore, #tpu.memory_space<semaphore_mem>>)
      %dma_wait3A = arith.constant 0 : i32
      %dma_wait3A_46 = tpu.memref_slice %arg5[%run_scoped3A_19, %dma_wait3A] : memref<2x128xi32, #tpu.memory_space<vmem>> -> memref<1x128xi32, #tpu.memory_space<vmem>>
      %dma_wait3A_47 = tpu.memref_squeeze %dma_wait3A_46 : memref<1x128xi32, #tpu.memory_space<vmem>> -> memref<128xi32, #tpu.memory_space<vmem>>
      %dma_wait3A_48 = tpu.memref_slice %arg2[%multiple_of3A_18] : memref<65536xi32, #tpu.memory_space<hbm>> -> memref<128xi32, #tpu.memory_space<hbm>>
      %dma_wait3A_49 = arith.constant 0 : i32
      %dma_wait3A_50 = tpu.memref_slice %arg5[%run_scoped3A_19, %dma_wait3A_49] : memref<2x128xi32, #tpu.memory_space<vmem>> -> memref<1x128xi32, #tpu.memory_space<vmem>>
      %dma_wait3A_51 = tpu.memref_squeeze %dma_wait3A_50 : memref<1x128xi32, #tpu.memory_space<vmem>> -> memref<128xi32, #tpu.memory_space<vmem>>
      %dma_wait3A_52 = tpu.memref_slice %arg2[%multiple_of3A_18] : memref<65536xi32, #tpu.memory_space<hbm>> -> memref<128xi32, #tpu.memory_space<hbm>>
      tpu.wait_dma2 semaphore(%run_scoped3A_37 : memref<!tpu.dma_semaphore, #tpu.memory_space<semaphore_mem>>) src(%dma_wait3A_52 : memref<128xi32, #tpu.memory_space<hbm>>) dst(%dma_wait3A_51 : memref<128xi32, #tpu.memory_space<vmem>>)
      tpu.yield
    }) : () -> ()
    %dma_start3A_20 = arith.constant 1 : i32
    %dma_start3A_21 = arith.constant 1 : i32
    %dma_start3A_22 = arith.constant 0 : i32
    %dma_start3A_23 = arith.constant 0 : i32
    %dma_start3A_24 = tpu.memref_slice %arg6[%dma_start3A_21, %dma_start3A_22, %dma_start3A_23] : memref<2x128x256xf32, #tpu.memory_space<vmem>> -> memref<1x128x256xf32, #tpu.memory_space<vmem>>
    %dma_start3A_25 = tpu.memref_squeeze %dma_start3A_24 : memref<1x128x256xf32, #tpu.memory_space<vmem>> -> memref<128x256xf32, #tpu.memory_space<vmem>>
    %dma_start3A_26 = arith.constant 0 : i32
    %dma_start3A_27 = tpu.memref_slice %arg5[%dma_start3A_20, %dma_start3A_26] : memref<2x128xi32, #tpu.memory_space<vmem>> -> memref<1x128xi32, #tpu.memory_space<vmem>>
    %dma_start3A_28 = tpu.memref_squeeze %dma_start3A_27 : memref<1x128xi32, #tpu.memory_space<vmem>> -> memref<128xi32, #tpu.memory_space<vmem>>
    %dma_start3A_29 = arith.constant 0 : i32
    %dma_start3A_30 = arith.constant 0 : i32
    %dma_start3A_31 = tpu.memref_slice %arg3[%dma_start3A_29, %dma_start3A_30] : memref<2048x256xf32, #tpu.memory_space<hbm>> -> memref<2048x256xf32, #tpu.memory_space<hbm>>
    tpu.enqueue_indirect_dma source(%dma_start3A_31 : memref<2048x256xf32, #tpu.memory_space<hbm>>) target(%dma_start3A_25 : memref<128x256xf32, #tpu.memory_space<vmem>>) offsets(%dma_start3A_28 : memref<128xi32, #tpu.memory_space<vmem>>) semaphore(%arg8 : memref<!tpu.dma_semaphore, #tpu.memory_space<semaphore_mem>>)
    %scan3A = arith.constant 0 : i32
    %scan3A_32 = arith.constant 0 : i32
    %scan3A_33 = arith.constant 8 : i32
    %scan3A_34 = arith.addi %scan3A_32, %scan3A_33 : i32
    %scan3A_35 = arith.constant 1 : i32
    scf.for %scan3A_37 = %scan3A_32 to %scan3A_34 step %scan3A_35  : i32 {
      %mul3A_38 = arith.constant 2 : i32
      %mul3A_39 = arith.muli %scan3A_37, %mul3A_38 : i32
      %add3A_40 = arith.constant 0 : i32
      %add3A_41 = arith.addi %mul3A_39, %add3A_40 : i32
      %mul3A_42 = arith.constant 128 : i32
      %mul3A_43 = arith.muli %add3A_41, %mul3A_42 : i32
      %add3A_44 = arith.addi %mul3A_2, %mul3A_43 : i32
      %multiple_of3A_45 = tpu.assume_multiple %add3A_44, 128 : i32
      %dma_wait3A = arith.constant 0 : i32
      %dma_wait3A_46 = arith.constant 0 : i32
      %dma_wait3A_47 = arith.constant 0 : i32
      %dma_wait3A_48 = arith.constant 0 : i32
      %dma_wait3A_49 = tpu.memref_slice %arg6[%dma_wait3A_46, %dma_wait3A_47, %dma_wait3A_48] : memref<2x128x256xf32, #tpu.memory_space<vmem>> -> memref<1x128x256xf32, #tpu.memory_space<vmem>>
      %dma_wait3A_50 = tpu.memref_squeeze %dma_wait3A_49 : memref<1x128x256xf32, #tpu.memory_space<vmem>> -> memref<128x256xf32, #tpu.memory_space<vmem>>
      %dma_wait3A_51 = arith.constant 0 : i32
      %dma_wait3A_52 = tpu.memref_slice %arg5[%dma_wait3A, %dma_wait3A_51] : memref<2x128xi32, #tpu.memory_space<vmem>> -> memref<1x128xi32, #tpu.memory_space<vmem>>
      %dma_wait3A_53 = tpu.memref_squeeze %dma_wait3A_52 : memref<1x128xi32, #tpu.memory_space<vmem>> -> memref<128xi32, #tpu.memory_space<vmem>>
      %dma_wait3A_54 = arith.constant 0 : i32
      %dma_wait3A_55 = arith.constant 0 : i32
      %dma_wait3A_56 = tpu.memref_slice %arg3[%dma_wait3A_54, %dma_wait3A_55] : memref<2048x256xf32, #tpu.memory_space<hbm>> -> memref<2048x256xf32, #tpu.memory_space<hbm>>
      tpu.wait_indirect_dma semaphore(%arg7 : memref<!tpu.dma_semaphore, #tpu.memory_space<semaphore_mem>>) src(%dma_wait3A_56 : memref<2048x256xf32, #tpu.memory_space<hbm>>) dst(%dma_wait3A_50 : memref<128x256xf32, #tpu.memory_space<vmem>>)
      %run_scoped3A_57 = arith.constant 0 : i32
      "tpu.region"() ({
        %run_scoped3A_90 = tpu.sem_alloc : memref<!tpu.dma_semaphore, #tpu.memory_space<semaphore_mem>>
        %dma_start3A_91 = arith.constant 0 : i32
        %dma_start3A_92 = arith.constant 0 : i32
        %dma_start3A_93 = tpu.memref_slice %arg6[%run_scoped3A_57, %dma_start3A_91, %dma_start3A_92] : memref<2x128x256xf32, #tpu.memory_space<vmem>> -> memref<1x128x256xf32, #tpu.memory_space<vmem>>
        %dma_start3A_94 = tpu.memref_squeeze %dma_start3A_93 : memref<1x128x256xf32, #tpu.memory_space<vmem>> -> memref<128x256xf32, #tpu.memory_space<vmem>>
        %dma_start3A_95 = arith.constant 0 : i32
        %dma_start3A_96 = tpu.memref_slice %arg4[%multiple_of3A_45, %dma_start3A_95] : memref<65536x256xf32, #tpu.memory_space<hbm>> -> memref<128x256xf32, #tpu.memory_space<hbm>>
        %dma_start3A_97 = arith.constant 0 : i32
        %dma_start3A_98 = tpu.memref_slice %arg4[%multiple_of3A_45, %dma_start3A_97] : memref<65536x256xf32, #tpu.memory_space<hbm>> -> memref<128x256xf32, #tpu.memory_space<hbm>>
        %dma_start3A_99 = arith.constant 0 : i32
        %dma_start3A_100 = arith.constant 0 : i32
        %dma_start3A_101 = tpu.memref_slice %arg6[%run_scoped3A_57, %dma_start3A_99, %dma_start3A_100] : memref<2x128x256xf32, #tpu.memory_space<vmem>> -> memref<1x128x256xf32, #tpu.memory_space<vmem>>
        %dma_start3A_102 = tpu.memref_squeeze %dma_start3A_101 : memref<1x128x256xf32, #tpu.memory_space<vmem>> -> memref<128x256xf32, #tpu.memory_space<vmem>>
        tpu.enqueue_dma source(%dma_start3A_102 : memref<128x256xf32, #tpu.memory_space<vmem>>) target(%dma_start3A_98 : memref<128x256xf32, #tpu.memory_space<hbm>>) target_semaphore(%run_scoped3A_90 : memref<!tpu.dma_semaphore, #tpu.memory_space<semaphore_mem>>)
        %dma_wait3A_103 = arith.constant 0 : i32
        %dma_wait3A_104 = arith.constant 0 : i32
        %dma_wait3A_105 = tpu.memref_slice %arg6[%run_scoped3A_57, %dma_wait3A_103, %dma_wait3A_104] : memref<2x128x256xf32, #tpu.memory_space<vmem>> -> memref<1x128x256xf32, #tpu.memory_space<vmem>>
        %dma_wait3A_106 = tpu.memref_squeeze %dma_wait3A_105 : memref<1x128x256xf32, #tpu.memory_space<vmem>> -> memref<128x256xf32, #tpu.memory_space<vmem>>
        %dma_wait3A_107 = arith.constant 0 : i32
        %dma_wait3A_108 = tpu.memref_slice %arg4[%multiple_of3A_45, %dma_wait3A_107] : memref<65536x256xf32, #tpu.memory_space<hbm>> -> memref<128x256xf32, #tpu.memory_space<hbm>>
        %dma_wait3A_109 = arith.constant 0 : i32
        %dma_wait3A_110 = tpu.memref_slice %arg4[%multiple_of3A_45, %dma_wait3A_109] : memref<65536x256xf32, #tpu.memory_space<hbm>> -> memref<128x256xf32, #tpu.memory_space<hbm>>
        %dma_wait3A_111 = arith.constant 0 : i32
        %dma_wait3A_112 = arith.constant 0 : i32
        %dma_wait3A_113 = tpu.memref_slice %arg6[%run_scoped3A_57, %dma_wait3A_111, %dma_wait3A_112] : memref<2x128x256xf32, #tpu.memory_space<vmem>> -> memref<1x128x256xf32, #tpu.memory_space<vmem>>
        %dma_wait3A_114 = tpu.memref_squeeze %dma_wait3A_113 : memref<1x128x256xf32, #tpu.memory_space<vmem>> -> memref<128x256xf32, #tpu.memory_space<vmem>>
        tpu.wait_dma2 semaphore(%run_scoped3A_90 : memref<!tpu.dma_semaphore, #tpu.memory_space<semaphore_mem>>) src(%dma_wait3A_114 : memref<128x256xf32, #tpu.memory_space<vmem>>) dst(%dma_wait3A_110 : memref<128x256xf32, #tpu.memory_space<hbm>>)
        tpu.yield
      }) : () -> ()
      %add3A_58 = arith.constant 2 : i32
      %add3A_59 = arith.addi %add3A_41, %add3A_58 : i32
      %lt3A = arith.constant 16 : i32
      %lt3A_60 = arith.cmpi slt, %add3A_59, %lt3A : i32
      %convert_element_type3A = arith.extui %lt3A_60 : i1 to i32
      %cond3A = arith.constant 0 : i32
      %cond3A_61 = arith.cmpi ne, %convert_element_type3A, %cond3A : i32
      scf.if %cond3A_61 {
        %add3A_90 = arith.constant 2 : i32
        %add3A_91 = arith.addi %add3A_41, %add3A_90 : i32
        %mul3A_92 = arith.constant 128 : i32
        %mul3A_93 = arith.muli %add3A_91, %mul3A_92 : i32
        %add3A_94 = arith.addi %mul3A_2, %mul3A_93 : i32
        %multiple_of3A_95 = tpu.assume_multiple %add3A_94, 128 : i32
        %run_scoped3A_96 = arith.constant 0 : i32
        "tpu.region"() ({
          %run_scoped3A_109 = tpu.sem_alloc : memref<!tpu.dma_semaphore, #tpu.memory_space<semaphore_mem>>
          %dma_start3A_110 = arith.constant 0 : i32
          %dma_start3A_111 = tpu.memref_slice %arg5[%run_scoped3A_96, %dma_start3A_110] : memref<2x128xi32, #tpu.memory_space<vmem>> -> memref<1x128xi32, #tpu.memory_space<vmem>>
          %dma_start3A_112 = tpu.memref_squeeze %dma_start3A_111 : memref<1x128xi32, #tpu.memory_space<vmem>> -> memref<128xi32, #tpu.memory_space<vmem>>
          %dma_start3A_113 = tpu.memref_slice %arg2[%multiple_of3A_95] : memref<65536xi32, #tpu.memory_space<hbm>> -> memref<128xi32, #tpu.memory_space<hbm>>
          %dma_start3A_114 = arith.constant 0 : i32
          %dma_start3A_115 = tpu.memref_slice %arg5[%run_scoped3A_96, %dma_start3A_114] : memref<2x128xi32, #tpu.memory_space<vmem>> -> memref<1x128xi32, #tpu.memory_space<vmem>>
          %dma_start3A_116 = tpu.memref_squeeze %dma_start3A_115 : memref<1x128xi32, #tpu.memory_space<vmem>> -> memref<128xi32, #tpu.memory_space<vmem>>
          %dma_start3A_117 = tpu.memref_slice %arg2[%multiple_of3A_95] : memref<65536xi32, #tpu.memory_space<hbm>> -> memref<128xi32, #tpu.memory_space<hbm>>
          tpu.enqueue_dma source(%dma_start3A_117 : memref<128xi32, #tpu.memory_space<hbm>>) target(%dma_start3A_116 : memref<128xi32, #tpu.memory_space<vmem>>) target_semaphore(%run_scoped3A_109 : memref<!tpu.dma_semaphore, #tpu.memory_space<semaphore_mem>>)
          %dma_wait3A_118 = arith.constant 0 : i32
          %dma_wait3A_119 = tpu.memref_slice %arg5[%run_scoped3A_96, %dma_wait3A_118] : memref<2x128xi32, #tpu.memory_space<vmem>> -> memref<1x128xi32, #tpu.memory_space<vmem>>
          %dma_wait3A_120 = tpu.memref_squeeze %dma_wait3A_119 : memref<1x128xi32, #tpu.memory_space<vmem>> -> memref<128xi32, #tpu.memory_space<vmem>>
          %dma_wait3A_121 = tpu.memref_slice %arg2[%multiple_of3A_95] : memref<65536xi32, #tpu.memory_space<hbm>> -> memref<128xi32, #tpu.memory_space<hbm>>
          %dma_wait3A_122 = arith.constant 0 : i32
          %dma_wait3A_123 = tpu.memref_slice %arg5[%run_scoped3A_96, %dma_wait3A_122] : memref<2x128xi32, #tpu.memory_space<vmem>> -> memref<1x128xi32, #tpu.memory_space<vmem>>
          %dma_wait3A_124 = tpu.memref_squeeze %dma_wait3A_123 : memref<1x128xi32, #tpu.memory_space<vmem>> -> memref<128xi32, #tpu.memory_space<vmem>>
          %dma_wait3A_125 = tpu.memref_slice %arg2[%multiple_of3A_95] : memref<65536xi32, #tpu.memory_space<hbm>> -> memref<128xi32, #tpu.memory_space<hbm>>
          tpu.wait_dma2 semaphore(%run_scoped3A_109 : memref<!tpu.dma_semaphore, #tpu.memory_space<semaphore_mem>>) src(%dma_wait3A_125 : memref<128xi32, #tpu.memory_space<hbm>>) dst(%dma_wait3A_124 : memref<128xi32, #tpu.memory_space<vmem>>)
          tpu.yield
        }) : () -> ()
        %dma_start3A_97 = arith.constant 0 : i32
        %dma_start3A_98 = arith.constant 0 : i32
        %dma_start3A_99 = arith.constant 0 : i32
        %dma_start3A_100 = arith.constant 0 : i32
        %dma_start3A_101 = tpu.memref_slice %arg6[%dma_start3A_98, %dma_start3A_99, %dma_start3A_100] : memref<2x128x256xf32, #tpu.memory_space<vmem>> -> memref<1x128x256xf32, #tpu.memory_space<vmem>>
        %dma_start3A_102 = tpu.memref_squeeze %dma_start3A_101 : memref<1x128x256xf32, #tpu.memory_space<vmem>> -> memref<128x256xf32, #tpu.memory_space<vmem>>
        %dma_start3A_103 = arith.constant 0 : i32
        %dma_start3A_104 = tpu.memref_slice %arg5[%dma_start3A_97, %dma_start3A_103] : memref<2x128xi32, #tpu.memory_space<vmem>> -> memref<1x128xi32, #tpu.memory_space<vmem>>
        %dma_start3A_105 = tpu.memref_squeeze %dma_start3A_104 : memref<1x128xi32, #tpu.memory_space<vmem>> -> memref<128xi32, #tpu.memory_space<vmem>>
        %dma_start3A_106 = arith.constant 0 : i32
        %dma_start3A_107 = arith.constant 0 : i32
        %dma_start3A_108 = tpu.memref_slice %arg3[%dma_start3A_106, %dma_start3A_107] : memref<2048x256xf32, #tpu.memory_space<hbm>> -> memref<2048x256xf32, #tpu.memory_space<hbm>>
        tpu.enqueue_indirect_dma source(%dma_start3A_108 : memref<2048x256xf32, #tpu.memory_space<hbm>>) target(%dma_start3A_102 : memref<128x256xf32, #tpu.memory_space<vmem>>) offsets(%dma_start3A_105 : memref<128xi32, #tpu.memory_space<vmem>>) semaphore(%arg7 : memref<!tpu.dma_semaphore, #tpu.memory_space<semaphore_mem>>)
      } else {
      }
      %mul3A_62 = arith.constant 2 : i32
      %mul3A_63 = arith.muli %scan3A_37, %mul3A_62 : i32
      %add3A_64 = arith.constant 1 : i32
      %add3A_65 = arith.addi %mul3A_63, %add3A_64 : i32
      %mul3A_66 = arith.constant 128 : i32
      %mul3A_67 = arith.muli %add3A_65, %mul3A_66 : i32
      %add3A_68 = arith.addi %mul3A_2, %mul3A_67 : i32
      %multiple_of3A_69 = tpu.assume_multiple %add3A_68, 128 : i32
      %dma_wait3A_70 = arith.constant 1 : i32
      %dma_wait3A_71 = arith.constant 1 : i32
      %dma_wait3A_72 = arith.constant 0 : i32
      %dma_wait3A_73 = arith.constant 0 : i32
      %dma_wait3A_74 = tpu.memref_slice %arg6[%dma_wait3A_71, %dma_wait3A_72, %dma_wait3A_73] : memref<2x128x256xf32, #tpu.memory_space<vmem>> -> memref<1x128x256xf32, #tpu.memory_space<vmem>>
      %dma_wait3A_75 = tpu.memref_squeeze %dma_wait3A_74 : memref<1x128x256xf32, #tpu.memory_space<vmem>> -> memref<128x256xf32, #tpu.memory_space<vmem>>
      %dma_wait3A_76 = arith.constant 0 : i32
      %dma_wait3A_77 = tpu.memref_slice %arg5[%dma_wait3A_70, %dma_wait3A_76] : memref<2x128xi32, #tpu.memory_space<vmem>> -> memref<1x128xi32, #tpu.memory_space<vmem>>
      %dma_wait3A_78 = tpu.memref_squeeze %dma_wait3A_77 : memref<1x128xi32, #tpu.memory_space<vmem>> -> memref<128xi32, #tpu.memory_space<vmem>>
      %dma_wait3A_79 = arith.constant 0 : i32
      %dma_wait3A_80 = arith.constant 0 : i32
      %dma_wait3A_81 = tpu.memref_slice %arg3[%dma_wait3A_79, %dma_wait3A_80] : memref<2048x256xf32, #tpu.memory_space<hbm>> -> memref<2048x256xf32, #tpu.memory_space<hbm>>
      tpu.wait_indirect_dma semaphore(%arg8 : memref<!tpu.dma_semaphore, #tpu.memory_space<semaphore_mem>>) src(%dma_wait3A_81 : memref<2048x256xf32, #tpu.memory_space<hbm>>) dst(%dma_wait3A_75 : memref<128x256xf32, #tpu.memory_space<vmem>>)
      %run_scoped3A_82 = arith.constant 1 : i32
      "tpu.region"() ({
        %run_scoped3A_90 = tpu.sem_alloc : memref<!tpu.dma_semaphore, #tpu.memory_space<semaphore_mem>>
        %dma_start3A_91 = arith.constant 0 : i32
        %dma_start3A_92 = arith.constant 0 : i32
        %dma_start3A_93 = tpu.memref_slice %arg6[%run_scoped3A_82, %dma_start3A_91, %dma_start3A_92] : memref<2x128x256xf32, #tpu.memory_space<vmem>> -> memref<1x128x256xf32, #tpu.memory_space<vmem>>
        %dma_start3A_94 = tpu.memref_squeeze %dma_start3A_93 : memref<1x128x256xf32, #tpu.memory_space<vmem>> -> memref<128x256xf32, #tpu.memory_space<vmem>>
        %dma_start3A_95 = arith.constant 0 : i32
        %dma_start3A_96 = tpu.memref_slice %arg4[%multiple_of3A_69, %dma_start3A_95] : memref<65536x256xf32, #tpu.memory_space<hbm>> -> memref<128x256xf32, #tpu.memory_space<hbm>>
        %dma_start3A_97 = arith.constant 0 : i32
        %dma_start3A_98 = tpu.memref_slice %arg4[%multiple_of3A_69, %dma_start3A_97] : memref<65536x256xf32, #tpu.memory_space<hbm>> -> memref<128x256xf32, #tpu.memory_space<hbm>>
        %dma_start3A_99 = arith.constant 0 : i32
        %dma_start3A_100 = arith.constant 0 : i32
        %dma_start3A_101 = tpu.memref_slice %arg6[%run_scoped3A_82, %dma_start3A_99, %dma_start3A_100] : memref<2x128x256xf32, #tpu.memory_space<vmem>> -> memref<1x128x256xf32, #tpu.memory_space<vmem>>
        %dma_start3A_102 = tpu.memref_squeeze %dma_start3A_101 : memref<1x128x256xf32, #tpu.memory_space<vmem>> -> memref<128x256xf32, #tpu.memory_space<vmem>>
        tpu.enqueue_dma source(%dma_start3A_102 : memref<128x256xf32, #tpu.memory_space<vmem>>) target(%dma_start3A_98 : memref<128x256xf32, #tpu.memory_space<hbm>>) target_semaphore(%run_scoped3A_90 : memref<!tpu.dma_semaphore, #tpu.memory_space<semaphore_mem>>)
        %dma_wait3A_103 = arith.constant 0 : i32
        %dma_wait3A_104 = arith.constant 0 : i32
        %dma_wait3A_105 = tpu.memref_slice %arg6[%run_scoped3A_82, %dma_wait3A_103, %dma_wait3A_104] : memref<2x128x256xf32, #tpu.memory_space<vmem>> -> memref<1x128x256xf32, #tpu.memory_space<vmem>>
        %dma_wait3A_106 = tpu.memref_squeeze %dma_wait3A_105 : memref<1x128x256xf32, #tpu.memory_space<vmem>> -> memref<128x256xf32, #tpu.memory_space<vmem>>
        %dma_wait3A_107 = arith.constant 0 : i32
        %dma_wait3A_108 = tpu.memref_slice %arg4[%multiple_of3A_69, %dma_wait3A_107] : memref<65536x256xf32, #tpu.memory_space<hbm>> -> memref<128x256xf32, #tpu.memory_space<hbm>>
        %dma_wait3A_109 = arith.constant 0 : i32
        %dma_wait3A_110 = tpu.memref_slice %arg4[%multiple_of3A_69, %dma_wait3A_109] : memref<65536x256xf32, #tpu.memory_space<hbm>> -> memref<128x256xf32, #tpu.memory_space<hbm>>
        %dma_wait3A_111 = arith.constant 0 : i32
        %dma_wait3A_112 = arith.constant 0 : i32
        %dma_wait3A_113 = tpu.memref_slice %arg6[%run_scoped3A_82, %dma_wait3A_111, %dma_wait3A_112] : memref<2x128x256xf32, #tpu.memory_space<vmem>> -> memref<1x128x256xf32, #tpu.memory_space<vmem>>
        %dma_wait3A_114 = tpu.memref_squeeze %dma_wait3A_113 : memref<1x128x256xf32, #tpu.memory_space<vmem>> -> memref<128x256xf32, #tpu.memory_space<vmem>>
        tpu.wait_dma2 semaphore(%run_scoped3A_90 : memref<!tpu.dma_semaphore, #tpu.memory_space<semaphore_mem>>) src(%dma_wait3A_114 : memref<128x256xf32, #tpu.memory_space<vmem>>) dst(%dma_wait3A_110 : memref<128x256xf32, #tpu.memory_space<hbm>>)
        tpu.yield
      }) : () -> ()
      %add3A_83 = arith.constant 2 : i32
      %add3A_84 = arith.addi %add3A_65, %add3A_83 : i32
      %lt3A_85 = arith.constant 16 : i32
      %lt3A_86 = arith.cmpi slt, %add3A_84, %lt3A_85 : i32
      %convert_element_type3A_87 = arith.extui %lt3A_86 : i1 to i32
      %cond3A_88 = arith.constant 0 : i32
      %cond3A_89 = arith.cmpi ne, %convert_element_type3A_87, %cond3A_88 : i32
      scf.if %cond3A_89 {
        %add3A_90 = arith.constant 2 : i32
        %add3A_91 = arith.addi %add3A_65, %add3A_90 : i32
        %mul3A_92 = arith.constant 128 : i32
        %mul3A_93 = arith.muli %add3A_91, %mul3A_92 : i32
        %add3A_94 = arith.addi %mul3A_2, %mul3A_93 : i32
        %multiple_of3A_95 = tpu.assume_multiple %add3A_94, 128 : i32
        %run_scoped3A_96 = arith.constant 1 : i32
        "tpu.region"() ({
          %run_scoped3A_109 = tpu.sem_alloc : memref<!tpu.dma_semaphore, #tpu.memory_space<semaphore_mem>>
          %dma_start3A_110 = arith.constant 0 : i32
          %dma_start3A_111 = tpu.memref_slice %arg5[%run_scoped3A_96, %dma_start3A_110] : memref<2x128xi32, #tpu.memory_space<vmem>> -> memref<1x128xi32, #tpu.memory_space<vmem>>
          %dma_start3A_112 = tpu.memref_squeeze %dma_start3A_111 : memref<1x128xi32, #tpu.memory_space<vmem>> -> memref<128xi32, #tpu.memory_space<vmem>>
          %dma_start3A_113 = tpu.memref_slice %arg2[%multiple_of3A_95] : memref<65536xi32, #tpu.memory_space<hbm>> -> memref<128xi32, #tpu.memory_space<hbm>>
          %dma_start3A_114 = arith.constant 0 : i32
          %dma_start3A_115 = tpu.memref_slice %arg5[%run_scoped3A_96, %dma_start3A_114] : memref<2x128xi32, #tpu.memory_space<vmem>> -> memref<1x128xi32, #tpu.memory_space<vmem>>
          %dma_start3A_116 = tpu.memref_squeeze %dma_start3A_115 : memref<1x128xi32, #tpu.memory_space<vmem>> -> memref<128xi32, #tpu.memory_space<vmem>>
          %dma_start3A_117 = tpu.memref_slice %arg2[%multiple_of3A_95] : memref<65536xi32, #tpu.memory_space<hbm>> -> memref<128xi32, #tpu.memory_space<hbm>>
          tpu.enqueue_dma source(%dma_start3A_117 : memref<128xi32, #tpu.memory_space<hbm>>) target(%dma_start3A_116 : memref<128xi32, #tpu.memory_space<vmem>>) target_semaphore(%run_scoped3A_109 : memref<!tpu.dma_semaphore, #tpu.memory_space<semaphore_mem>>)
          %dma_wait3A_118 = arith.constant 0 : i32
          %dma_wait3A_119 = tpu.memref_slice %arg5[%run_scoped3A_96, %dma_wait3A_118] : memref<2x128xi32, #tpu.memory_space<vmem>> -> memref<1x128xi32, #tpu.memory_space<vmem>>
          %dma_wait3A_120 = tpu.memref_squeeze %dma_wait3A_119 : memref<1x128xi32, #tpu.memory_space<vmem>> -> memref<128xi32, #tpu.memory_space<vmem>>
          %dma_wait3A_121 = tpu.memref_slice %arg2[%multiple_of3A_95] : memref<65536xi32, #tpu.memory_space<hbm>> -> memref<128xi32, #tpu.memory_space<hbm>>
          %dma_wait3A_122 = arith.constant 0 : i32
          %dma_wait3A_123 = tpu.memref_slice %arg5[%run_scoped3A_96, %dma_wait3A_122] : memref<2x128xi32, #tpu.memory_space<vmem>> -> memref<1x128xi32, #tpu.memory_space<vmem>>
          %dma_wait3A_124 = tpu.memref_squeeze %dma_wait3A_123 : memref<1x128xi32, #tpu.memory_space<vmem>> -> memref<128xi32, #tpu.memory_space<vmem>>
          %dma_wait3A_125 = tpu.memref_slice %arg2[%multiple_of3A_95] : memref<65536xi32, #tpu.memory_space<hbm>> -> memref<128xi32, #tpu.memory_space<hbm>>
          tpu.wait_dma2 semaphore(%run_scoped3A_109 : memref<!tpu.dma_semaphore, #tpu.memory_space<semaphore_mem>>) src(%dma_wait3A_125 : memref<128xi32, #tpu.memory_space<hbm>>) dst(%dma_wait3A_124 : memref<128xi32, #tpu.memory_space<vmem>>)
          tpu.yield
        }) : () -> ()
        %dma_start3A_97 = arith.constant 1 : i32
        %dma_start3A_98 = arith.constant 1 : i32
        %dma_start3A_99 = arith.constant 0 : i32
        %dma_start3A_100 = arith.constant 0 : i32
        %dma_start3A_101 = tpu.memref_slice %arg6[%dma_start3A_98, %dma_start3A_99, %dma_start3A_100] : memref<2x128x256xf32, #tpu.memory_space<vmem>> -> memref<1x128x256xf32, #tpu.memory_space<vmem>>
        %dma_start3A_102 = tpu.memref_squeeze %dma_start3A_101 : memref<1x128x256xf32, #tpu.memory_space<vmem>> -> memref<128x256xf32, #tpu.memory_space<vmem>>
        %dma_start3A_103 = arith.constant 0 : i32
        %dma_start3A_104 = tpu.memref_slice %arg5[%dma_start3A_97, %dma_start3A_103] : memref<2x128xi32, #tpu.memory_space<vmem>> -> memref<1x128xi32, #tpu.memory_space<vmem>>
        %dma_start3A_105 = tpu.memref_squeeze %dma_start3A_104 : memref<1x128xi32, #tpu.memory_space<vmem>> -> memref<128xi32, #tpu.memory_space<vmem>>
        %dma_start3A_106 = arith.constant 0 : i32
        %dma_start3A_107 = arith.constant 0 : i32
        %dma_start3A_108 = tpu.memref_slice %arg3[%dma_start3A_106, %dma_start3A_107] : memref<2048x256xf32, #tpu.memory_space<hbm>> -> memref<2048x256xf32, #tpu.memory_space<hbm>>
        tpu.enqueue_indirect_dma source(%dma_start3A_108 : memref<2048x256xf32, #tpu.memory_space<hbm>>) target(%dma_start3A_102 : memref<128x256xf32, #tpu.memory_space<vmem>>) offsets(%dma_start3A_105 : memref<128xi32, #tpu.memory_space<vmem>>) semaphore(%arg8 : memref<!tpu.dma_semaphore, #tpu.memory_space<semaphore_mem>>)
      } else {
      }
    }
    %scan3A_36 = arith.constant 8 : i32
    return
  }
}

#map = affine_map<(d0, d1) -> (0)>
#map1 = affine_map<(d0, d1) -> (0, 0)>
module attributes {stable_mosaic.version = 14 : i64} {
  func.func @_sc_gather_body(%arg0: i32, %arg1: i32, %arg2: memref<65536xi32, #tpu.memory_space<hbm>>, %arg3: memref<2048x256xf32, #tpu.memory_space<hbm>>, %arg4: memref<65536x256xf32, #tpu.memory_space<hbm>>, %arg5: memref<2x128xi32, #tpu.memory_space<vmem>>, %arg6: memref<2x128x256xf32, #tpu.memory_space<vmem>>, %arg7: memref<!tpu.dma_semaphore, #tpu.memory_space<semaphore_mem>>, %arg8: memref<!tpu.dma_semaphore, #tpu.memory_space<semaphore_mem>>) attributes {dimension_semantics = [#tpu.dimension_semantics<core_parallel>, #tpu.dimension_semantics<subcore_parallel>], iteration_bounds = array<i64: 2, 16>, scalar_prefetch = 0 : i64, scratch_operands = 4 : i64, tpu.core_type = #tpu.core_type<sc_vector_subcore>, window_params = [{transform_indices = #map}, {transform_indices = #map1}, {transform_indices = #map1}]} {
    %mul3A = arith.constant 2 : i32
    %mul3A_0 = arith.muli %arg1, %mul3A : i32
    %add3A = arith.addi %mul3A_0, %arg0 : i32
    %mul3A_1 = arith.constant 2048 : i32
    %mul3A_2 = arith.muli %add3A, %mul3A_1 : i32
    %add3A_3 = arith.constant 0 : i32
    %add3A_4 = arith.addi %mul3A_2, %add3A_3 : i32
    %multiple_of3A = tpu.assume_multiple %add3A_4, 128 : i32
    %run_scoped3A = arith.constant 0 : i32
    "tpu.region"() ({
      %run_scoped3A_37 = tpu.sem_alloc : memref<!tpu.dma_semaphore, #tpu.memory_space<semaphore_mem>>
      %dma_start3A_38 = arith.constant 0 : i32
      %dma_start3A_39 = tpu.memref_slice %arg5[%run_scoped3A, %dma_start3A_38] : memref<2x128xi32, #tpu.memory_space<vmem>> -> memref<1x128xi32, #tpu.memory_space<vmem>>
      %dma_start3A_40 = tpu.memref_squeeze %dma_start3A_39 : memref<1x128xi32, #tpu.memory_space<vmem>> -> memref<128xi32, #tpu.memory_space<vmem>>
      %dma_start3A_41 = tpu.memref_slice %arg2[%multiple_of3A] : memref<65536xi32, #tpu.memory_space<hbm>> -> memref<128xi32, #tpu.memory_space<hbm>>
      %dma_start3A_42 = arith.constant 0 : i32
      %dma_start3A_43 = tpu.memref_slice %arg5[%run_scoped3A, %dma_start3A_42] : memref<2x128xi32, #tpu.memory_space<vmem>> -> memref<1x128xi32, #tpu.memory_space<vmem>>
      %dma_start3A_44 = tpu.memref_squeeze %dma_start3A_43 : memref<1x128xi32, #tpu.memory_space<vmem>> -> memref<128xi32, #tpu.memory_space<vmem>>
      %dma_start3A_45 = tpu.memref_slice %arg2[%multiple_of3A] : memref<65536xi32, #tpu.memory_space<hbm>> -> memref<128xi32, #tpu.memory_space<hbm>>
      tpu.enqueue_dma source(%dma_start3A_45 : memref<128xi32, #tpu.memory_space<hbm>>) target(%dma_start3A_44 : memref<128xi32, #tpu.memory_space<vmem>>) target_semaphore(%run_scoped3A_37 : memref<!tpu.dma_semaphore, #tpu.memory_space<semaphore_mem>>)
      %dma_wait3A = arith.constant 0 : i32
      %dma_wait3A_46 = tpu.memref_slice %arg5[%run_scoped3A, %dma_wait3A] : memref<2x128xi32, #tpu.memory_space<vmem>> -> memref<1x128xi32, #tpu.memory_space<vmem>>
      %dma_wait3A_47 = tpu.memref_squeeze %dma_wait3A_46 : memref<1x128xi32, #tpu.memory_space<vmem>> -> memref<128xi32, #tpu.memory_space<vmem>>
      %dma_wait3A_48 = tpu.memref_slice %arg2[%multiple_of3A] : memref<65536xi32, #tpu.memory_space<hbm>> -> memref<128xi32, #tpu.memory_space<hbm>>
      %dma_wait3A_49 = arith.constant 0 : i32
      %dma_wait3A_50 = tpu.memref_slice %arg5[%run_scoped3A, %dma_wait3A_49] : memref<2x128xi32, #tpu.memory_space<vmem>> -> memref<1x128xi32, #tpu.memory_space<vmem>>
      %dma_wait3A_51 = tpu.memref_squeeze %dma_wait3A_50 : memref<1x128xi32, #tpu.memory_space<vmem>> -> memref<128xi32, #tpu.memory_space<vmem>>
      %dma_wait3A_52 = tpu.memref_slice %arg2[%multiple_of3A] : memref<65536xi32, #tpu.memory_space<hbm>> -> memref<128xi32, #tpu.memory_space<hbm>>
      tpu.wait_dma2 semaphore(%run_scoped3A_37 : memref<!tpu.dma_semaphore, #tpu.memory_space<semaphore_mem>>) src(%dma_wait3A_52 : memref<128xi32, #tpu.memory_space<hbm>>) dst(%dma_wait3A_51 : memref<128xi32, #tpu.memory_space<vmem>>)
      tpu.yield
    }) : () -> ()
    %dma_start3A = arith.constant 0 : i32
    %dma_start3A_5 = arith.constant 0 : i32
    %dma_start3A_6 = arith.constant 0 : i32
    %dma_start3A_7 = arith.constant 0 : i32
    %dma_start3A_8 = tpu.memref_slice %arg6[%dma_start3A_5, %dma_start3A_6, %dma_start3A_7] : memref<2x128x256xf32, #tpu.memory_space<vmem>> -> memref<1x128x256xf32, #tpu.memory_space<vmem>>
    %dma_start3A_9 = tpu.memref_squeeze %dma_start3A_8 : memref<1x128x256xf32, #tpu.memory_space<vmem>> -> memref<128x256xf32, #tpu.memory_space<vmem>>
    %dma_start3A_10 = arith.constant 0 : i32
    %dma_start3A_11 = tpu.memref_slice %arg5[%dma_start3A, %dma_start3A_10] : memref<2x128xi32, #tpu.memory_space<vmem>> -> memref<1x128xi32, #tpu.memory_space<vmem>>
    %dma_start3A_12 = tpu.memref_squeeze %dma_start3A_11 : memref<1x128xi32, #tpu.memory_space<vmem>> -> memref<128xi32, #tpu.memory_space<vmem>>
    %dma_start3A_13 = arith.constant 0 : i32
    %dma_start3A_14 = arith.constant 0 : i32
    %dma_start3A_15 = tpu.memref_slice %arg3[%dma_start3A_13, %dma_start3A_14] : memref<2048x256xf32, #tpu.memory_space<hbm>> -> memref<2048x256xf32, #tpu.memory_space<hbm>>
    tpu.enqueue_indirect_dma source(%dma_start3A_15 : memref<2048x256xf32, #tpu.memory_space<hbm>>) target(%dma_start3A_9 : memref<128x256xf32, #tpu.memory_space<vmem>>) offsets(%dma_start3A_12 : memref<128xi32, #tpu.memory_space<vmem>>) semaphore(%arg7 : memref<!tpu.dma_semaphore, #tpu.memory_space<semaphore_mem>>)
    %add3A_16 = arith.constant 128 : i32
    %add3A_17 = arith.addi %mul3A_2, %add3A_16 : i32
    %multiple_of3A_18 = tpu.assume_multiple %add3A_17, 128 : i32
    %run_scoped3A_19 = arith.constant 1 : i32
    "tpu.region"() ({
      %run_scoped3A_37 = tpu.sem_alloc : memref<!tpu.dma_semaphore, #tpu.memory_space<semaphore_mem>>
      %dma_start3A_38 = arith.constant 0 : i32
      %dma_start3A_39 = tpu.memref_slice %arg5[%run_scoped3A_19, %dma_start3A_38] : memref<2x128xi32, #tpu.memory_space<vmem>> -> memref<1x128xi32, #tpu.memory_space<vmem>>
      %dma_start3A_40 = tpu.memref_squeeze %dma_start3A_39 : memref<1x128xi32, #tpu.memory_space<vmem>> -> memref<128xi32, #tpu.memory_space<vmem>>
      %dma_start3A_41 = tpu.memref_slice %arg2[%multiple_of3A_18] : memref<65536xi32, #tpu.memory_space<hbm>> -> memref<128xi32, #tpu.memory_space<hbm>>
      %dma_start3A_42 = arith.constant 0 : i32
      %dma_start3A_43 = tpu.memref_slice %arg5[%run_scoped3A_19, %dma_start3A_42] : memref<2x128xi32, #tpu.memory_space<vmem>> -> memref<1x128xi32, #tpu.memory_space<vmem>>
      %dma_start3A_44 = tpu.memref_squeeze %dma_start3A_43 : memref<1x128xi32, #tpu.memory_space<vmem>> -> memref<128xi32, #tpu.memory_space<vmem>>
      %dma_start3A_45 = tpu.memref_slice %arg2[%multiple_of3A_18] : memref<65536xi32, #tpu.memory_space<hbm>> -> memref<128xi32, #tpu.memory_space<hbm>>
      tpu.enqueue_dma source(%dma_start3A_45 : memref<128xi32, #tpu.memory_space<hbm>>) target(%dma_start3A_44 : memref<128xi32, #tpu.memory_space<vmem>>) target_semaphore(%run_scoped3A_37 : memref<!tpu.dma_semaphore, #tpu.memory_space<semaphore_mem>>)
      %dma_wait3A = arith.constant 0 : i32
      %dma_wait3A_46 = tpu.memref_slice %arg5[%run_scoped3A_19, %dma_wait3A] : memref<2x128xi32, #tpu.memory_space<vmem>> -> memref<1x128xi32, #tpu.memory_space<vmem>>
      %dma_wait3A_47 = tpu.memref_squeeze %dma_wait3A_46 : memref<1x128xi32, #tpu.memory_space<vmem>> -> memref<128xi32, #tpu.memory_space<vmem>>
      %dma_wait3A_48 = tpu.memref_slice %arg2[%multiple_of3A_18] : memref<65536xi32, #tpu.memory_space<hbm>> -> memref<128xi32, #tpu.memory_space<hbm>>
      %dma_wait3A_49 = arith.constant 0 : i32
      %dma_wait3A_50 = tpu.memref_slice %arg5[%run_scoped3A_19, %dma_wait3A_49] : memref<2x128xi32, #tpu.memory_space<vmem>> -> memref<1x128xi32, #tpu.memory_space<vmem>>
      %dma_wait3A_51 = tpu.memref_squeeze %dma_wait3A_50 : memref<1x128xi32, #tpu.memory_space<vmem>> -> memref<128xi32, #tpu.memory_space<vmem>>
      %dma_wait3A_52 = tpu.memref_slice %arg2[%multiple_of3A_18] : memref<65536xi32, #tpu.memory_space<hbm>> -> memref<128xi32, #tpu.memory_space<hbm>>
      tpu.wait_dma2 semaphore(%run_scoped3A_37 : memref<!tpu.dma_semaphore, #tpu.memory_space<semaphore_mem>>) src(%dma_wait3A_52 : memref<128xi32, #tpu.memory_space<hbm>>) dst(%dma_wait3A_51 : memref<128xi32, #tpu.memory_space<vmem>>)
      tpu.yield
    }) : () -> ()
    %dma_start3A_20 = arith.constant 1 : i32
    %dma_start3A_21 = arith.constant 1 : i32
    %dma_start3A_22 = arith.constant 0 : i32
    %dma_start3A_23 = arith.constant 0 : i32
    %dma_start3A_24 = tpu.memref_slice %arg6[%dma_start3A_21, %dma_start3A_22, %dma_start3A_23] : memref<2x128x256xf32, #tpu.memory_space<vmem>> -> memref<1x128x256xf32, #tpu.memory_space<vmem>>
    %dma_start3A_25 = tpu.memref_squeeze %dma_start3A_24 : memref<1x128x256xf32, #tpu.memory_space<vmem>> -> memref<128x256xf32, #tpu.memory_space<vmem>>
    %dma_start3A_26 = arith.constant 0 : i32
    %dma_start3A_27 = tpu.memref_slice %arg5[%dma_start3A_20, %dma_start3A_26] : memref<2x128xi32, #tpu.memory_space<vmem>> -> memref<1x128xi32, #tpu.memory_space<vmem>>
    %dma_start3A_28 = tpu.memref_squeeze %dma_start3A_27 : memref<1x128xi32, #tpu.memory_space<vmem>> -> memref<128xi32, #tpu.memory_space<vmem>>
    %dma_start3A_29 = arith.constant 0 : i32
    %dma_start3A_30 = arith.constant 0 : i32
    %dma_start3A_31 = tpu.memref_slice %arg3[%dma_start3A_29, %dma_start3A_30] : memref<2048x256xf32, #tpu.memory_space<hbm>> -> memref<2048x256xf32, #tpu.memory_space<hbm>>
    tpu.enqueue_indirect_dma source(%dma_start3A_31 : memref<2048x256xf32, #tpu.memory_space<hbm>>) target(%dma_start3A_25 : memref<128x256xf32, #tpu.memory_space<vmem>>) offsets(%dma_start3A_28 : memref<128xi32, #tpu.memory_space<vmem>>) semaphore(%arg8 : memref<!tpu.dma_semaphore, #tpu.memory_space<semaphore_mem>>)
    %scan3A = arith.constant 0 : i32
    %scan3A_32 = arith.constant 0 : i32
    %scan3A_33 = arith.constant 8 : i32
    %scan3A_34 = arith.addi %scan3A_32, %scan3A_33 : i32
    %scan3A_35 = arith.constant 1 : i32
    scf.for %scan3A_37 = %scan3A_32 to %scan3A_34 step %scan3A_35  : i32 {
      %mul3A_38 = arith.constant 2 : i32
      %mul3A_39 = arith.muli %scan3A_37, %mul3A_38 : i32
      %add3A_40 = arith.constant 0 : i32
      %add3A_41 = arith.addi %mul3A_39, %add3A_40 : i32
      %mul3A_42 = arith.constant 128 : i32
      %mul3A_43 = arith.muli %add3A_41, %mul3A_42 : i32
      %add3A_44 = arith.addi %mul3A_2, %mul3A_43 : i32
      %multiple_of3A_45 = tpu.assume_multiple %add3A_44, 128 : i32
      %dma_wait3A = arith.constant 0 : i32
      %dma_wait3A_46 = arith.constant 0 : i32
      %dma_wait3A_47 = arith.constant 0 : i32
      %dma_wait3A_48 = arith.constant 0 : i32
      %dma_wait3A_49 = tpu.memref_slice %arg6[%dma_wait3A_46, %dma_wait3A_47, %dma_wait3A_48] : memref<2x128x256xf32, #tpu.memory_space<vmem>> -> memref<1x128x256xf32, #tpu.memory_space<vmem>>
      %dma_wait3A_50 = tpu.memref_squeeze %dma_wait3A_49 : memref<1x128x256xf32, #tpu.memory_space<vmem>> -> memref<128x256xf32, #tpu.memory_space<vmem>>
      %dma_wait3A_51 = arith.constant 0 : i32
      %dma_wait3A_52 = tpu.memref_slice %arg5[%dma_wait3A, %dma_wait3A_51] : memref<2x128xi32, #tpu.memory_space<vmem>> -> memref<1x128xi32, #tpu.memory_space<vmem>>
      %dma_wait3A_53 = tpu.memref_squeeze %dma_wait3A_52 : memref<1x128xi32, #tpu.memory_space<vmem>> -> memref<128xi32, #tpu.memory_space<vmem>>
      %dma_wait3A_54 = arith.constant 0 : i32
      %dma_wait3A_55 = arith.constant 0 : i32
      %dma_wait3A_56 = tpu.memref_slice %arg3[%dma_wait3A_54, %dma_wait3A_55] : memref<2048x256xf32, #tpu.memory_space<hbm>> -> memref<2048x256xf32, #tpu.memory_space<hbm>>
      tpu.wait_indirect_dma semaphore(%arg7 : memref<!tpu.dma_semaphore, #tpu.memory_space<semaphore_mem>>) src(%dma_wait3A_56 : memref<2048x256xf32, #tpu.memory_space<hbm>>) dst(%dma_wait3A_50 : memref<128x256xf32, #tpu.memory_space<vmem>>)
      %run_scoped3A_57 = arith.constant 0 : i32
      "tpu.region"() ({
        %run_scoped3A_90 = tpu.sem_alloc : memref<!tpu.dma_semaphore, #tpu.memory_space<semaphore_mem>>
        %dma_start3A_91 = arith.constant 0 : i32
        %dma_start3A_92 = arith.constant 0 : i32
        %dma_start3A_93 = tpu.memref_slice %arg6[%run_scoped3A_57, %dma_start3A_91, %dma_start3A_92] : memref<2x128x256xf32, #tpu.memory_space<vmem>> -> memref<1x128x256xf32, #tpu.memory_space<vmem>>
        %dma_start3A_94 = tpu.memref_squeeze %dma_start3A_93 : memref<1x128x256xf32, #tpu.memory_space<vmem>> -> memref<128x256xf32, #tpu.memory_space<vmem>>
        %dma_start3A_95 = arith.constant 0 : i32
        %dma_start3A_96 = tpu.memref_slice %arg4[%multiple_of3A_45, %dma_start3A_95] : memref<65536x256xf32, #tpu.memory_space<hbm>> -> memref<128x256xf32, #tpu.memory_space<hbm>>
        %dma_start3A_97 = arith.constant 0 : i32
        %dma_start3A_98 = tpu.memref_slice %arg4[%multiple_of3A_45, %dma_start3A_97] : memref<65536x256xf32, #tpu.memory_space<hbm>> -> memref<128x256xf32, #tpu.memory_space<hbm>>
        %dma_start3A_99 = arith.constant 0 : i32
        %dma_start3A_100 = arith.constant 0 : i32
        %dma_start3A_101 = tpu.memref_slice %arg6[%run_scoped3A_57, %dma_start3A_99, %dma_start3A_100] : memref<2x128x256xf32, #tpu.memory_space<vmem>> -> memref<1x128x256xf32, #tpu.memory_space<vmem>>
        %dma_start3A_102 = tpu.memref_squeeze %dma_start3A_101 : memref<1x128x256xf32, #tpu.memory_space<vmem>> -> memref<128x256xf32, #tpu.memory_space<vmem>>
        tpu.enqueue_dma source(%dma_start3A_102 : memref<128x256xf32, #tpu.memory_space<vmem>>) target(%dma_start3A_98 : memref<128x256xf32, #tpu.memory_space<hbm>>) target_semaphore(%run_scoped3A_90 : memref<!tpu.dma_semaphore, #tpu.memory_space<semaphore_mem>>)
        %dma_wait3A_103 = arith.constant 0 : i32
        %dma_wait3A_104 = arith.constant 0 : i32
        %dma_wait3A_105 = tpu.memref_slice %arg6[%run_scoped3A_57, %dma_wait3A_103, %dma_wait3A_104] : memref<2x128x256xf32, #tpu.memory_space<vmem>> -> memref<1x128x256xf32, #tpu.memory_space<vmem>>
        %dma_wait3A_106 = tpu.memref_squeeze %dma_wait3A_105 : memref<1x128x256xf32, #tpu.memory_space<vmem>> -> memref<128x256xf32, #tpu.memory_space<vmem>>
        %dma_wait3A_107 = arith.constant 0 : i32
        %dma_wait3A_108 = tpu.memref_slice %arg4[%multiple_of3A_45, %dma_wait3A_107] : memref<65536x256xf32, #tpu.memory_space<hbm>> -> memref<128x256xf32, #tpu.memory_space<hbm>>
        %dma_wait3A_109 = arith.constant 0 : i32
        %dma_wait3A_110 = tpu.memref_slice %arg4[%multiple_of3A_45, %dma_wait3A_109] : memref<65536x256xf32, #tpu.memory_space<hbm>> -> memref<128x256xf32, #tpu.memory_space<hbm>>
        %dma_wait3A_111 = arith.constant 0 : i32
        %dma_wait3A_112 = arith.constant 0 : i32
        %dma_wait3A_113 = tpu.memref_slice %arg6[%run_scoped3A_57, %dma_wait3A_111, %dma_wait3A_112] : memref<2x128x256xf32, #tpu.memory_space<vmem>> -> memref<1x128x256xf32, #tpu.memory_space<vmem>>
        %dma_wait3A_114 = tpu.memref_squeeze %dma_wait3A_113 : memref<1x128x256xf32, #tpu.memory_space<vmem>> -> memref<128x256xf32, #tpu.memory_space<vmem>>
        tpu.wait_dma2 semaphore(%run_scoped3A_90 : memref<!tpu.dma_semaphore, #tpu.memory_space<semaphore_mem>>) src(%dma_wait3A_114 : memref<128x256xf32, #tpu.memory_space<vmem>>) dst(%dma_wait3A_110 : memref<128x256xf32, #tpu.memory_space<hbm>>)
        tpu.yield
      }) : () -> ()
      %add3A_58 = arith.constant 2 : i32
      %add3A_59 = arith.addi %add3A_41, %add3A_58 : i32
      %lt3A = arith.constant 16 : i32
      %lt3A_60 = arith.cmpi slt, %add3A_59, %lt3A : i32
      %convert_element_type3A = arith.extui %lt3A_60 : i1 to i32
      %cond3A = arith.constant 0 : i32
      %cond3A_61 = arith.cmpi ne, %convert_element_type3A, %cond3A : i32
      scf.if %cond3A_61 {
        %add3A_90 = arith.constant 2 : i32
        %add3A_91 = arith.addi %add3A_41, %add3A_90 : i32
        %mul3A_92 = arith.constant 128 : i32
        %mul3A_93 = arith.muli %add3A_91, %mul3A_92 : i32
        %add3A_94 = arith.addi %mul3A_2, %mul3A_93 : i32
        %multiple_of3A_95 = tpu.assume_multiple %add3A_94, 128 : i32
        %run_scoped3A_96 = arith.constant 0 : i32
        "tpu.region"() ({
          %run_scoped3A_109 = tpu.sem_alloc : memref<!tpu.dma_semaphore, #tpu.memory_space<semaphore_mem>>
          %dma_start3A_110 = arith.constant 0 : i32
          %dma_start3A_111 = tpu.memref_slice %arg5[%run_scoped3A_96, %dma_start3A_110] : memref<2x128xi32, #tpu.memory_space<vmem>> -> memref<1x128xi32, #tpu.memory_space<vmem>>
          %dma_start3A_112 = tpu.memref_squeeze %dma_start3A_111 : memref<1x128xi32, #tpu.memory_space<vmem>> -> memref<128xi32, #tpu.memory_space<vmem>>
          %dma_start3A_113 = tpu.memref_slice %arg2[%multiple_of3A_95] : memref<65536xi32, #tpu.memory_space<hbm>> -> memref<128xi32, #tpu.memory_space<hbm>>
          %dma_start3A_114 = arith.constant 0 : i32
          %dma_start3A_115 = tpu.memref_slice %arg5[%run_scoped3A_96, %dma_start3A_114] : memref<2x128xi32, #tpu.memory_space<vmem>> -> memref<1x128xi32, #tpu.memory_space<vmem>>
          %dma_start3A_116 = tpu.memref_squeeze %dma_start3A_115 : memref<1x128xi32, #tpu.memory_space<vmem>> -> memref<128xi32, #tpu.memory_space<vmem>>
          %dma_start3A_117 = tpu.memref_slice %arg2[%multiple_of3A_95] : memref<65536xi32, #tpu.memory_space<hbm>> -> memref<128xi32, #tpu.memory_space<hbm>>
          tpu.enqueue_dma source(%dma_start3A_117 : memref<128xi32, #tpu.memory_space<hbm>>) target(%dma_start3A_116 : memref<128xi32, #tpu.memory_space<vmem>>) target_semaphore(%run_scoped3A_109 : memref<!tpu.dma_semaphore, #tpu.memory_space<semaphore_mem>>)
          %dma_wait3A_118 = arith.constant 0 : i32
          %dma_wait3A_119 = tpu.memref_slice %arg5[%run_scoped3A_96, %dma_wait3A_118] : memref<2x128xi32, #tpu.memory_space<vmem>> -> memref<1x128xi32, #tpu.memory_space<vmem>>
          %dma_wait3A_120 = tpu.memref_squeeze %dma_wait3A_119 : memref<1x128xi32, #tpu.memory_space<vmem>> -> memref<128xi32, #tpu.memory_space<vmem>>
          %dma_wait3A_121 = tpu.memref_slice %arg2[%multiple_of3A_95] : memref<65536xi32, #tpu.memory_space<hbm>> -> memref<128xi32, #tpu.memory_space<hbm>>
          %dma_wait3A_122 = arith.constant 0 : i32
          %dma_wait3A_123 = tpu.memref_slice %arg5[%run_scoped3A_96, %dma_wait3A_122] : memref<2x128xi32, #tpu.memory_space<vmem>> -> memref<1x128xi32, #tpu.memory_space<vmem>>
          %dma_wait3A_124 = tpu.memref_squeeze %dma_wait3A_123 : memref<1x128xi32, #tpu.memory_space<vmem>> -> memref<128xi32, #tpu.memory_space<vmem>>
          %dma_wait3A_125 = tpu.memref_slice %arg2[%multiple_of3A_95] : memref<65536xi32, #tpu.memory_space<hbm>> -> memref<128xi32, #tpu.memory_space<hbm>>
          tpu.wait_dma2 semaphore(%run_scoped3A_109 : memref<!tpu.dma_semaphore, #tpu.memory_space<semaphore_mem>>) src(%dma_wait3A_125 : memref<128xi32, #tpu.memory_space<hbm>>) dst(%dma_wait3A_124 : memref<128xi32, #tpu.memory_space<vmem>>)
          tpu.yield
        }) : () -> ()
        %dma_start3A_97 = arith.constant 0 : i32
        %dma_start3A_98 = arith.constant 0 : i32
        %dma_start3A_99 = arith.constant 0 : i32
        %dma_start3A_100 = arith.constant 0 : i32
        %dma_start3A_101 = tpu.memref_slice %arg6[%dma_start3A_98, %dma_start3A_99, %dma_start3A_100] : memref<2x128x256xf32, #tpu.memory_space<vmem>> -> memref<1x128x256xf32, #tpu.memory_space<vmem>>
        %dma_start3A_102 = tpu.memref_squeeze %dma_start3A_101 : memref<1x128x256xf32, #tpu.memory_space<vmem>> -> memref<128x256xf32, #tpu.memory_space<vmem>>
        %dma_start3A_103 = arith.constant 0 : i32
        %dma_start3A_104 = tpu.memref_slice %arg5[%dma_start3A_97, %dma_start3A_103] : memref<2x128xi32, #tpu.memory_space<vmem>> -> memref<1x128xi32, #tpu.memory_space<vmem>>
        %dma_start3A_105 = tpu.memref_squeeze %dma_start3A_104 : memref<1x128xi32, #tpu.memory_space<vmem>> -> memref<128xi32, #tpu.memory_space<vmem>>
        %dma_start3A_106 = arith.constant 0 : i32
        %dma_start3A_107 = arith.constant 0 : i32
        %dma_start3A_108 = tpu.memref_slice %arg3[%dma_start3A_106, %dma_start3A_107] : memref<2048x256xf32, #tpu.memory_space<hbm>> -> memref<2048x256xf32, #tpu.memory_space<hbm>>
        tpu.enqueue_indirect_dma source(%dma_start3A_108 : memref<2048x256xf32, #tpu.memory_space<hbm>>) target(%dma_start3A_102 : memref<128x256xf32, #tpu.memory_space<vmem>>) offsets(%dma_start3A_105 : memref<128xi32, #tpu.memory_space<vmem>>) semaphore(%arg7 : memref<!tpu.dma_semaphore, #tpu.memory_space<semaphore_mem>>)
      } else {
      }
      %mul3A_62 = arith.constant 2 : i32
      %mul3A_63 = arith.muli %scan3A_37, %mul3A_62 : i32
      %add3A_64 = arith.constant 1 : i32
      %add3A_65 = arith.addi %mul3A_63, %add3A_64 : i32
      %mul3A_66 = arith.constant 128 : i32
      %mul3A_67 = arith.muli %add3A_65, %mul3A_66 : i32
      %add3A_68 = arith.addi %mul3A_2, %mul3A_67 : i32
      %multiple_of3A_69 = tpu.assume_multiple %add3A_68, 128 : i32
      %dma_wait3A_70 = arith.constant 1 : i32
      %dma_wait3A_71 = arith.constant 1 : i32
      %dma_wait3A_72 = arith.constant 0 : i32
      %dma_wait3A_73 = arith.constant 0 : i32
      %dma_wait3A_74 = tpu.memref_slice %arg6[%dma_wait3A_71, %dma_wait3A_72, %dma_wait3A_73] : memref<2x128x256xf32, #tpu.memory_space<vmem>> -> memref<1x128x256xf32, #tpu.memory_space<vmem>>
      %dma_wait3A_75 = tpu.memref_squeeze %dma_wait3A_74 : memref<1x128x256xf32, #tpu.memory_space<vmem>> -> memref<128x256xf32, #tpu.memory_space<vmem>>
      %dma_wait3A_76 = arith.constant 0 : i32
      %dma_wait3A_77 = tpu.memref_slice %arg5[%dma_wait3A_70, %dma_wait3A_76] : memref<2x128xi32, #tpu.memory_space<vmem>> -> memref<1x128xi32, #tpu.memory_space<vmem>>
      %dma_wait3A_78 = tpu.memref_squeeze %dma_wait3A_77 : memref<1x128xi32, #tpu.memory_space<vmem>> -> memref<128xi32, #tpu.memory_space<vmem>>
      %dma_wait3A_79 = arith.constant 0 : i32
      %dma_wait3A_80 = arith.constant 0 : i32
      %dma_wait3A_81 = tpu.memref_slice %arg3[%dma_wait3A_79, %dma_wait3A_80] : memref<2048x256xf32, #tpu.memory_space<hbm>> -> memref<2048x256xf32, #tpu.memory_space<hbm>>
      tpu.wait_indirect_dma semaphore(%arg8 : memref<!tpu.dma_semaphore, #tpu.memory_space<semaphore_mem>>) src(%dma_wait3A_81 : memref<2048x256xf32, #tpu.memory_space<hbm>>) dst(%dma_wait3A_75 : memref<128x256xf32, #tpu.memory_space<vmem>>)
      %run_scoped3A_82 = arith.constant 1 : i32
      "tpu.region"() ({
        %run_scoped3A_90 = tpu.sem_alloc : memref<!tpu.dma_semaphore, #tpu.memory_space<semaphore_mem>>
        %dma_start3A_91 = arith.constant 0 : i32
        %dma_start3A_92 = arith.constant 0 : i32
        %dma_start3A_93 = tpu.memref_slice %arg6[%run_scoped3A_82, %dma_start3A_91, %dma_start3A_92] : memref<2x128x256xf32, #tpu.memory_space<vmem>> -> memref<1x128x256xf32, #tpu.memory_space<vmem>>
        %dma_start3A_94 = tpu.memref_squeeze %dma_start3A_93 : memref<1x128x256xf32, #tpu.memory_space<vmem>> -> memref<128x256xf32, #tpu.memory_space<vmem>>
        %dma_start3A_95 = arith.constant 0 : i32
        %dma_start3A_96 = tpu.memref_slice %arg4[%multiple_of3A_69, %dma_start3A_95] : memref<65536x256xf32, #tpu.memory_space<hbm>> -> memref<128x256xf32, #tpu.memory_space<hbm>>
        %dma_start3A_97 = arith.constant 0 : i32
        %dma_start3A_98 = tpu.memref_slice %arg4[%multiple_of3A_69, %dma_start3A_97] : memref<65536x256xf32, #tpu.memory_space<hbm>> -> memref<128x256xf32, #tpu.memory_space<hbm>>
        %dma_start3A_99 = arith.constant 0 : i32
        %dma_start3A_100 = arith.constant 0 : i32
        %dma_start3A_101 = tpu.memref_slice %arg6[%run_scoped3A_82, %dma_start3A_99, %dma_start3A_100] : memref<2x128x256xf32, #tpu.memory_space<vmem>> -> memref<1x128x256xf32, #tpu.memory_space<vmem>>
        %dma_start3A_102 = tpu.memref_squeeze %dma_start3A_101 : memref<1x128x256xf32, #tpu.memory_space<vmem>> -> memref<128x256xf32, #tpu.memory_space<vmem>>
        tpu.enqueue_dma source(%dma_start3A_102 : memref<128x256xf32, #tpu.memory_space<vmem>>) target(%dma_start3A_98 : memref<128x256xf32, #tpu.memory_space<hbm>>) target_semaphore(%run_scoped3A_90 : memref<!tpu.dma_semaphore, #tpu.memory_space<semaphore_mem>>)
        %dma_wait3A_103 = arith.constant 0 : i32
        %dma_wait3A_104 = arith.constant 0 : i32
        %dma_wait3A_105 = tpu.memref_slice %arg6[%run_scoped3A_82, %dma_wait3A_103, %dma_wait3A_104] : memref<2x128x256xf32, #tpu.memory_space<vmem>> -> memref<1x128x256xf32, #tpu.memory_space<vmem>>
        %dma_wait3A_106 = tpu.memref_squeeze %dma_wait3A_105 : memref<1x128x256xf32, #tpu.memory_space<vmem>> -> memref<128x256xf32, #tpu.memory_space<vmem>>
        %dma_wait3A_107 = arith.constant 0 : i32
        %dma_wait3A_108 = tpu.memref_slice %arg4[%multiple_of3A_69, %dma_wait3A_107] : memref<65536x256xf32, #tpu.memory_space<hbm>> -> memref<128x256xf32, #tpu.memory_space<hbm>>
        %dma_wait3A_109 = arith.constant 0 : i32
        %dma_wait3A_110 = tpu.memref_slice %arg4[%multiple_of3A_69, %dma_wait3A_109] : memref<65536x256xf32, #tpu.memory_space<hbm>> -> memref<128x256xf32, #tpu.memory_space<hbm>>
        %dma_wait3A_111 = arith.constant 0 : i32
        %dma_wait3A_112 = arith.constant 0 : i32
        %dma_wait3A_113 = tpu.memref_slice %arg6[%run_scoped3A_82, %dma_wait3A_111, %dma_wait3A_112] : memref<2x128x256xf32, #tpu.memory_space<vmem>> -> memref<1x128x256xf32, #tpu.memory_space<vmem>>
        %dma_wait3A_114 = tpu.memref_squeeze %dma_wait3A_113 : memref<1x128x256xf32, #tpu.memory_space<vmem>> -> memref<128x256xf32, #tpu.memory_space<vmem>>
        tpu.wait_dma2 semaphore(%run_scoped3A_90 : memref<!tpu.dma_semaphore, #tpu.memory_space<semaphore_mem>>) src(%dma_wait3A_114 : memref<128x256xf32, #tpu.memory_space<vmem>>) dst(%dma_wait3A_110 : memref<128x256xf32, #tpu.memory_space<hbm>>)
        tpu.yield
      }) : () -> ()
      %add3A_83 = arith.constant 2 : i32
      %add3A_84 = arith.addi %add3A_65, %add3A_83 : i32
      %lt3A_85 = arith.constant 16 : i32
      %lt3A_86 = arith.cmpi slt, %add3A_84, %lt3A_85 : i32
      %convert_element_type3A_87 = arith.extui %lt3A_86 : i1 to i32
      %cond3A_88 = arith.constant 0 : i32
      %cond3A_89 = arith.cmpi ne, %convert_element_type3A_87, %cond3A_88 : i32
      scf.if %cond3A_89 {
        %add3A_90 = arith.constant 2 : i32
        %add3A_91 = arith.addi %add3A_65, %add3A_90 : i32
        %mul3A_92 = arith.constant 128 : i32
        %mul3A_93 = arith.muli %add3A_91, %mul3A_92 : i32
        %add3A_94 = arith.addi %mul3A_2, %mul3A_93 : i32
        %multiple_of3A_95 = tpu.assume_multiple %add3A_94, 128 : i32
        %run_scoped3A_96 = arith.constant 1 : i32
        "tpu.region"() ({
          %run_scoped3A_109 = tpu.sem_alloc : memref<!tpu.dma_semaphore, #tpu.memory_space<semaphore_mem>>
          %dma_start3A_110 = arith.constant 0 : i32
          %dma_start3A_111 = tpu.memref_slice %arg5[%run_scoped3A_96, %dma_start3A_110] : memref<2x128xi32, #tpu.memory_space<vmem>> -> memref<1x128xi32, #tpu.memory_space<vmem>>
          %dma_start3A_112 = tpu.memref_squeeze %dma_start3A_111 : memref<1x128xi32, #tpu.memory_space<vmem>> -> memref<128xi32, #tpu.memory_space<vmem>>
          %dma_start3A_113 = tpu.memref_slice %arg2[%multiple_of3A_95] : memref<65536xi32, #tpu.memory_space<hbm>> -> memref<128xi32, #tpu.memory_space<hbm>>
          %dma_start3A_114 = arith.constant 0 : i32
          %dma_start3A_115 = tpu.memref_slice %arg5[%run_scoped3A_96, %dma_start3A_114] : memref<2x128xi32, #tpu.memory_space<vmem>> -> memref<1x128xi32, #tpu.memory_space<vmem>>
          %dma_start3A_116 = tpu.memref_squeeze %dma_start3A_115 : memref<1x128xi32, #tpu.memory_space<vmem>> -> memref<128xi32, #tpu.memory_space<vmem>>
          %dma_start3A_117 = tpu.memref_slice %arg2[%multiple_of3A_95] : memref<65536xi32, #tpu.memory_space<hbm>> -> memref<128xi32, #tpu.memory_space<hbm>>
          tpu.enqueue_dma source(%dma_start3A_117 : memref<128xi32, #tpu.memory_space<hbm>>) target(%dma_start3A_116 : memref<128xi32, #tpu.memory_space<vmem>>) target_semaphore(%run_scoped3A_109 : memref<!tpu.dma_semaphore, #tpu.memory_space<semaphore_mem>>)
          %dma_wait3A_118 = arith.constant 0 : i32
          %dma_wait3A_119 = tpu.memref_slice %arg5[%run_scoped3A_96, %dma_wait3A_118] : memref<2x128xi32, #tpu.memory_space<vmem>> -> memref<1x128xi32, #tpu.memory_space<vmem>>
          %dma_wait3A_120 = tpu.memref_squeeze %dma_wait3A_119 : memref<1x128xi32, #tpu.memory_space<vmem>> -> memref<128xi32, #tpu.memory_space<vmem>>
          %dma_wait3A_121 = tpu.memref_slice %arg2[%multiple_of3A_95] : memref<65536xi32, #tpu.memory_space<hbm>> -> memref<128xi32, #tpu.memory_space<hbm>>
          %dma_wait3A_122 = arith.constant 0 : i32
          %dma_wait3A_123 = tpu.memref_slice %arg5[%run_scoped3A_96, %dma_wait3A_122] : memref<2x128xi32, #tpu.memory_space<vmem>> -> memref<1x128xi32, #tpu.memory_space<vmem>>
          %dma_wait3A_124 = tpu.memref_squeeze %dma_wait3A_123 : memref<1x128xi32, #tpu.memory_space<vmem>> -> memref<128xi32, #tpu.memory_space<vmem>>
          %dma_wait3A_125 = tpu.memref_slice %arg2[%multiple_of3A_95] : memref<65536xi32, #tpu.memory_space<hbm>> -> memref<128xi32, #tpu.memory_space<hbm>>
          tpu.wait_dma2 semaphore(%run_scoped3A_109 : memref<!tpu.dma_semaphore, #tpu.memory_space<semaphore_mem>>) src(%dma_wait3A_125 : memref<128xi32, #tpu.memory_space<hbm>>) dst(%dma_wait3A_124 : memref<128xi32, #tpu.memory_space<vmem>>)
          tpu.yield
        }) : () -> ()
        %dma_start3A_97 = arith.constant 1 : i32
        %dma_start3A_98 = arith.constant 1 : i32
        %dma_start3A_99 = arith.constant 0 : i32
        %dma_start3A_100 = arith.constant 0 : i32
        %dma_start3A_101 = tpu.memref_slice %arg6[%dma_start3A_98, %dma_start3A_99, %dma_start3A_100] : memref<2x128x256xf32, #tpu.memory_space<vmem>> -> memref<1x128x256xf32, #tpu.memory_space<vmem>>
        %dma_start3A_102 = tpu.memref_squeeze %dma_start3A_101 : memref<1x128x256xf32, #tpu.memory_space<vmem>> -> memref<128x256xf32, #tpu.memory_space<vmem>>
        %dma_start3A_103 = arith.constant 0 : i32
        %dma_start3A_104 = tpu.memref_slice %arg5[%dma_start3A_97, %dma_start3A_103] : memref<2x128xi32, #tpu.memory_space<vmem>> -> memref<1x128xi32, #tpu.memory_space<vmem>>
        %dma_start3A_105 = tpu.memref_squeeze %dma_start3A_104 : memref<1x128xi32, #tpu.memory_space<vmem>> -> memref<128xi32, #tpu.memory_space<vmem>>
        %dma_start3A_106 = arith.constant 0 : i32
        %dma_start3A_107 = arith.constant 0 : i32
        %dma_start3A_108 = tpu.memref_slice %arg3[%dma_start3A_106, %dma_start3A_107] : memref<2048x256xf32, #tpu.memory_space<hbm>> -> memref<2048x256xf32, #tpu.memory_space<hbm>>
        tpu.enqueue_indirect_dma source(%dma_start3A_108 : memref<2048x256xf32, #tpu.memory_space<hbm>>) target(%dma_start3A_102 : memref<128x256xf32, #tpu.memory_space<vmem>>) offsets(%dma_start3A_105 : memref<128xi32, #tpu.memory_space<vmem>>) semaphore(%arg8 : memref<!tpu.dma_semaphore, #tpu.memory_space<semaphore_mem>>)
      } else {
      }
    }
    %scan3A_36 = arith.constant 8 : i32
    return
  }
}

#map = affine_map<(d0, d1) -> (0)>
#map1 = affine_map<(d0, d1) -> (0, 0)>
module attributes {stable_mosaic.version = 14 : i64} {
  func.func @_sc_gather_body(%arg0: i32, %arg1: i32, %arg2: memref<65536xi32, #tpu.memory_space<hbm>>, %arg3: memref<2048x256xf32, #tpu.memory_space<hbm>>, %arg4: memref<65536x256xf32, #tpu.memory_space<hbm>>, %arg5: memref<2x128xi32, #tpu.memory_space<vmem>>, %arg6: memref<2x128x256xf32, #tpu.memory_space<vmem>>, %arg7: memref<!tpu.dma_semaphore, #tpu.memory_space<semaphore_mem>>, %arg8: memref<!tpu.dma_semaphore, #tpu.memory_space<semaphore_mem>>) attributes {dimension_semantics = [#tpu.dimension_semantics<core_parallel>, #tpu.dimension_semantics<subcore_parallel>], iteration_bounds = array<i64: 2, 16>, scalar_prefetch = 0 : i64, scratch_operands = 4 : i64, tpu.core_type = #tpu.core_type<sc_vector_subcore>, window_params = [{transform_indices = #map}, {transform_indices = #map1}, {transform_indices = #map1}]} {
    %mul3A = arith.constant 2 : i32
    %mul3A_0 = arith.muli %arg1, %mul3A : i32
    %add3A = arith.addi %mul3A_0, %arg0 : i32
    %mul3A_1 = arith.constant 2048 : i32
    %mul3A_2 = arith.muli %add3A, %mul3A_1 : i32
    %add3A_3 = arith.constant 0 : i32
    %add3A_4 = arith.addi %mul3A_2, %add3A_3 : i32
    %multiple_of3A = tpu.assume_multiple %add3A_4, 128 : i32
    %run_scoped3A = arith.constant 0 : i32
    "tpu.region"() ({
      %run_scoped3A_37 = tpu.sem_alloc : memref<!tpu.dma_semaphore, #tpu.memory_space<semaphore_mem>>
      %dma_start3A_38 = arith.constant 0 : i32
      %dma_start3A_39 = tpu.memref_slice %arg5[%run_scoped3A, %dma_start3A_38] : memref<2x128xi32, #tpu.memory_space<vmem>> -> memref<1x128xi32, #tpu.memory_space<vmem>>
      %dma_start3A_40 = tpu.memref_squeeze %dma_start3A_39 : memref<1x128xi32, #tpu.memory_space<vmem>> -> memref<128xi32, #tpu.memory_space<vmem>>
      %dma_start3A_41 = tpu.memref_slice %arg2[%multiple_of3A] : memref<65536xi32, #tpu.memory_space<hbm>> -> memref<128xi32, #tpu.memory_space<hbm>>
      %dma_start3A_42 = arith.constant 0 : i32
      %dma_start3A_43 = tpu.memref_slice %arg5[%run_scoped3A, %dma_start3A_42] : memref<2x128xi32, #tpu.memory_space<vmem>> -> memref<1x128xi32, #tpu.memory_space<vmem>>
      %dma_start3A_44 = tpu.memref_squeeze %dma_start3A_43 : memref<1x128xi32, #tpu.memory_space<vmem>> -> memref<128xi32, #tpu.memory_space<vmem>>
      %dma_start3A_45 = tpu.memref_slice %arg2[%multiple_of3A] : memref<65536xi32, #tpu.memory_space<hbm>> -> memref<128xi32, #tpu.memory_space<hbm>>
      tpu.enqueue_dma source(%dma_start3A_45 : memref<128xi32, #tpu.memory_space<hbm>>) target(%dma_start3A_44 : memref<128xi32, #tpu.memory_space<vmem>>) target_semaphore(%run_scoped3A_37 : memref<!tpu.dma_semaphore, #tpu.memory_space<semaphore_mem>>)
      %dma_wait3A = arith.constant 0 : i32
      %dma_wait3A_46 = tpu.memref_slice %arg5[%run_scoped3A, %dma_wait3A] : memref<2x128xi32, #tpu.memory_space<vmem>> -> memref<1x128xi32, #tpu.memory_space<vmem>>
      %dma_wait3A_47 = tpu.memref_squeeze %dma_wait3A_46 : memref<1x128xi32, #tpu.memory_space<vmem>> -> memref<128xi32, #tpu.memory_space<vmem>>
      %dma_wait3A_48 = tpu.memref_slice %arg2[%multiple_of3A] : memref<65536xi32, #tpu.memory_space<hbm>> -> memref<128xi32, #tpu.memory_space<hbm>>
      %dma_wait3A_49 = arith.constant 0 : i32
      %dma_wait3A_50 = tpu.memref_slice %arg5[%run_scoped3A, %dma_wait3A_49] : memref<2x128xi32, #tpu.memory_space<vmem>> -> memref<1x128xi32, #tpu.memory_space<vmem>>
      %dma_wait3A_51 = tpu.memref_squeeze %dma_wait3A_50 : memref<1x128xi32, #tpu.memory_space<vmem>> -> memref<128xi32, #tpu.memory_space<vmem>>
      %dma_wait3A_52 = tpu.memref_slice %arg2[%multiple_of3A] : memref<65536xi32, #tpu.memory_space<hbm>> -> memref<128xi32, #tpu.memory_space<hbm>>
      tpu.wait_dma2 semaphore(%run_scoped3A_37 : memref<!tpu.dma_semaphore, #tpu.memory_space<semaphore_mem>>) src(%dma_wait3A_52 : memref<128xi32, #tpu.memory_space<hbm>>) dst(%dma_wait3A_51 : memref<128xi32, #tpu.memory_space<vmem>>)
      tpu.yield
    }) : () -> ()
    %dma_start3A = arith.constant 0 : i32
    %dma_start3A_5 = arith.constant 0 : i32
    %dma_start3A_6 = arith.constant 0 : i32
    %dma_start3A_7 = arith.constant 0 : i32
    %dma_start3A_8 = tpu.memref_slice %arg6[%dma_start3A_5, %dma_start3A_6, %dma_start3A_7] : memref<2x128x256xf32, #tpu.memory_space<vmem>> -> memref<1x128x256xf32, #tpu.memory_space<vmem>>
    %dma_start3A_9 = tpu.memref_squeeze %dma_start3A_8 : memref<1x128x256xf32, #tpu.memory_space<vmem>> -> memref<128x256xf32, #tpu.memory_space<vmem>>
    %dma_start3A_10 = arith.constant 0 : i32
    %dma_start3A_11 = tpu.memref_slice %arg5[%dma_start3A, %dma_start3A_10] : memref<2x128xi32, #tpu.memory_space<vmem>> -> memref<1x128xi32, #tpu.memory_space<vmem>>
    %dma_start3A_12 = tpu.memref_squeeze %dma_start3A_11 : memref<1x128xi32, #tpu.memory_space<vmem>> -> memref<128xi32, #tpu.memory_space<vmem>>
    %dma_start3A_13 = arith.constant 0 : i32
    %dma_start3A_14 = arith.constant 0 : i32
    %dma_start3A_15 = tpu.memref_slice %arg3[%dma_start3A_13, %dma_start3A_14] : memref<2048x256xf32, #tpu.memory_space<hbm>> -> memref<2048x256xf32, #tpu.memory_space<hbm>>
    tpu.enqueue_indirect_dma source(%dma_start3A_15 : memref<2048x256xf32, #tpu.memory_space<hbm>>) target(%dma_start3A_9 : memref<128x256xf32, #tpu.memory_space<vmem>>) offsets(%dma_start3A_12 : memref<128xi32, #tpu.memory_space<vmem>>) semaphore(%arg7 : memref<!tpu.dma_semaphore, #tpu.memory_space<semaphore_mem>>)
    %add3A_16 = arith.constant 128 : i32
    %add3A_17 = arith.addi %mul3A_2, %add3A_16 : i32
    %multiple_of3A_18 = tpu.assume_multiple %add3A_17, 128 : i32
    %run_scoped3A_19 = arith.constant 1 : i32
    "tpu.region"() ({
      %run_scoped3A_37 = tpu.sem_alloc : memref<!tpu.dma_semaphore, #tpu.memory_space<semaphore_mem>>
      %dma_start3A_38 = arith.constant 0 : i32
      %dma_start3A_39 = tpu.memref_slice %arg5[%run_scoped3A_19, %dma_start3A_38] : memref<2x128xi32, #tpu.memory_space<vmem>> -> memref<1x128xi32, #tpu.memory_space<vmem>>
      %dma_start3A_40 = tpu.memref_squeeze %dma_start3A_39 : memref<1x128xi32, #tpu.memory_space<vmem>> -> memref<128xi32, #tpu.memory_space<vmem>>
      %dma_start3A_41 = tpu.memref_slice %arg2[%multiple_of3A_18] : memref<65536xi32, #tpu.memory_space<hbm>> -> memref<128xi32, #tpu.memory_space<hbm>>
      %dma_start3A_42 = arith.constant 0 : i32
      %dma_start3A_43 = tpu.memref_slice %arg5[%run_scoped3A_19, %dma_start3A_42] : memref<2x128xi32, #tpu.memory_space<vmem>> -> memref<1x128xi32, #tpu.memory_space<vmem>>
      %dma_start3A_44 = tpu.memref_squeeze %dma_start3A_43 : memref<1x128xi32, #tpu.memory_space<vmem>> -> memref<128xi32, #tpu.memory_space<vmem>>
      %dma_start3A_45 = tpu.memref_slice %arg2[%multiple_of3A_18] : memref<65536xi32, #tpu.memory_space<hbm>> -> memref<128xi32, #tpu.memory_space<hbm>>
      tpu.enqueue_dma source(%dma_start3A_45 : memref<128xi32, #tpu.memory_space<hbm>>) target(%dma_start3A_44 : memref<128xi32, #tpu.memory_space<vmem>>) target_semaphore(%run_scoped3A_37 : memref<!tpu.dma_semaphore, #tpu.memory_space<semaphore_mem>>)
      %dma_wait3A = arith.constant 0 : i32
      %dma_wait3A_46 = tpu.memref_slice %arg5[%run_scoped3A_19, %dma_wait3A] : memref<2x128xi32, #tpu.memory_space<vmem>> -> memref<1x128xi32, #tpu.memory_space<vmem>>
      %dma_wait3A_47 = tpu.memref_squeeze %dma_wait3A_46 : memref<1x128xi32, #tpu.memory_space<vmem>> -> memref<128xi32, #tpu.memory_space<vmem>>
      %dma_wait3A_48 = tpu.memref_slice %arg2[%multiple_of3A_18] : memref<65536xi32, #tpu.memory_space<hbm>> -> memref<128xi32, #tpu.memory_space<hbm>>
      %dma_wait3A_49 = arith.constant 0 : i32
      %dma_wait3A_50 = tpu.memref_slice %arg5[%run_scoped3A_19, %dma_wait3A_49] : memref<2x128xi32, #tpu.memory_space<vmem>> -> memref<1x128xi32, #tpu.memory_space<vmem>>
      %dma_wait3A_51 = tpu.memref_squeeze %dma_wait3A_50 : memref<1x128xi32, #tpu.memory_space<vmem>> -> memref<128xi32, #tpu.memory_space<vmem>>
      %dma_wait3A_52 = tpu.memref_slice %arg2[%multiple_of3A_18] : memref<65536xi32, #tpu.memory_space<hbm>> -> memref<128xi32, #tpu.memory_space<hbm>>
      tpu.wait_dma2 semaphore(%run_scoped3A_37 : memref<!tpu.dma_semaphore, #tpu.memory_space<semaphore_mem>>) src(%dma_wait3A_52 : memref<128xi32, #tpu.memory_space<hbm>>) dst(%dma_wait3A_51 : memref<128xi32, #tpu.memory_space<vmem>>)
      tpu.yield
    }) : () -> ()
    %dma_start3A_20 = arith.constant 1 : i32
    %dma_start3A_21 = arith.constant 1 : i32
    %dma_start3A_22 = arith.constant 0 : i32
    %dma_start3A_23 = arith.constant 0 : i32
    %dma_start3A_24 = tpu.memref_slice %arg6[%dma_start3A_21, %dma_start3A_22, %dma_start3A_23] : memref<2x128x256xf32, #tpu.memory_space<vmem>> -> memref<1x128x256xf32, #tpu.memory_space<vmem>>
    %dma_start3A_25 = tpu.memref_squeeze %dma_start3A_24 : memref<1x128x256xf32, #tpu.memory_space<vmem>> -> memref<128x256xf32, #tpu.memory_space<vmem>>
    %dma_start3A_26 = arith.constant 0 : i32
    %dma_start3A_27 = tpu.memref_slice %arg5[%dma_start3A_20, %dma_start3A_26] : memref<2x128xi32, #tpu.memory_space<vmem>> -> memref<1x128xi32, #tpu.memory_space<vmem>>
    %dma_start3A_28 = tpu.memref_squeeze %dma_start3A_27 : memref<1x128xi32, #tpu.memory_space<vmem>> -> memref<128xi32, #tpu.memory_space<vmem>>
    %dma_start3A_29 = arith.constant 0 : i32
    %dma_start3A_30 = arith.constant 0 : i32
    %dma_start3A_31 = tpu.memref_slice %arg3[%dma_start3A_29, %dma_start3A_30] : memref<2048x256xf32, #tpu.memory_space<hbm>> -> memref<2048x256xf32, #tpu.memory_space<hbm>>
    tpu.enqueue_indirect_dma source(%dma_start3A_31 : memref<2048x256xf32, #tpu.memory_space<hbm>>) target(%dma_start3A_25 : memref<128x256xf32, #tpu.memory_space<vmem>>) offsets(%dma_start3A_28 : memref<128xi32, #tpu.memory_space<vmem>>) semaphore(%arg8 : memref<!tpu.dma_semaphore, #tpu.memory_space<semaphore_mem>>)
    %scan3A = arith.constant 0 : i32
    %scan3A_32 = arith.constant 0 : i32
    %scan3A_33 = arith.constant 8 : i32
    %scan3A_34 = arith.addi %scan3A_32, %scan3A_33 : i32
    %scan3A_35 = arith.constant 1 : i32
    scf.for %scan3A_37 = %scan3A_32 to %scan3A_34 step %scan3A_35  : i32 {
      %mul3A_38 = arith.constant 2 : i32
      %mul3A_39 = arith.muli %scan3A_37, %mul3A_38 : i32
      %add3A_40 = arith.constant 0 : i32
      %add3A_41 = arith.addi %mul3A_39, %add3A_40 : i32
      %mul3A_42 = arith.constant 128 : i32
      %mul3A_43 = arith.muli %add3A_41, %mul3A_42 : i32
      %add3A_44 = arith.addi %mul3A_2, %mul3A_43 : i32
      %multiple_of3A_45 = tpu.assume_multiple %add3A_44, 128 : i32
      %dma_wait3A = arith.constant 0 : i32
      %dma_wait3A_46 = arith.constant 0 : i32
      %dma_wait3A_47 = arith.constant 0 : i32
      %dma_wait3A_48 = arith.constant 0 : i32
      %dma_wait3A_49 = tpu.memref_slice %arg6[%dma_wait3A_46, %dma_wait3A_47, %dma_wait3A_48] : memref<2x128x256xf32, #tpu.memory_space<vmem>> -> memref<1x128x256xf32, #tpu.memory_space<vmem>>
      %dma_wait3A_50 = tpu.memref_squeeze %dma_wait3A_49 : memref<1x128x256xf32, #tpu.memory_space<vmem>> -> memref<128x256xf32, #tpu.memory_space<vmem>>
      %dma_wait3A_51 = arith.constant 0 : i32
      %dma_wait3A_52 = tpu.memref_slice %arg5[%dma_wait3A, %dma_wait3A_51] : memref<2x128xi32, #tpu.memory_space<vmem>> -> memref<1x128xi32, #tpu.memory_space<vmem>>
      %dma_wait3A_53 = tpu.memref_squeeze %dma_wait3A_52 : memref<1x128xi32, #tpu.memory_space<vmem>> -> memref<128xi32, #tpu.memory_space<vmem>>
      %dma_wait3A_54 = arith.constant 0 : i32
      %dma_wait3A_55 = arith.constant 0 : i32
      %dma_wait3A_56 = tpu.memref_slice %arg3[%dma_wait3A_54, %dma_wait3A_55] : memref<2048x256xf32, #tpu.memory_space<hbm>> -> memref<2048x256xf32, #tpu.memory_space<hbm>>
      tpu.wait_indirect_dma semaphore(%arg7 : memref<!tpu.dma_semaphore, #tpu.memory_space<semaphore_mem>>) src(%dma_wait3A_56 : memref<2048x256xf32, #tpu.memory_space<hbm>>) dst(%dma_wait3A_50 : memref<128x256xf32, #tpu.memory_space<vmem>>)
      %run_scoped3A_57 = arith.constant 0 : i32
      "tpu.region"() ({
        %run_scoped3A_90 = tpu.sem_alloc : memref<!tpu.dma_semaphore, #tpu.memory_space<semaphore_mem>>
        %dma_start3A_91 = arith.constant 0 : i32
        %dma_start3A_92 = arith.constant 0 : i32
        %dma_start3A_93 = tpu.memref_slice %arg6[%run_scoped3A_57, %dma_start3A_91, %dma_start3A_92] : memref<2x128x256xf32, #tpu.memory_space<vmem>> -> memref<1x128x256xf32, #tpu.memory_space<vmem>>
        %dma_start3A_94 = tpu.memref_squeeze %dma_start3A_93 : memref<1x128x256xf32, #tpu.memory_space<vmem>> -> memref<128x256xf32, #tpu.memory_space<vmem>>
        %dma_start3A_95 = arith.constant 0 : i32
        %dma_start3A_96 = tpu.memref_slice %arg4[%multiple_of3A_45, %dma_start3A_95] : memref<65536x256xf32, #tpu.memory_space<hbm>> -> memref<128x256xf32, #tpu.memory_space<hbm>>
        %dma_start3A_97 = arith.constant 0 : i32
        %dma_start3A_98 = tpu.memref_slice %arg4[%multiple_of3A_45, %dma_start3A_97] : memref<65536x256xf32, #tpu.memory_space<hbm>> -> memref<128x256xf32, #tpu.memory_space<hbm>>
        %dma_start3A_99 = arith.constant 0 : i32
        %dma_start3A_100 = arith.constant 0 : i32
        %dma_start3A_101 = tpu.memref_slice %arg6[%run_scoped3A_57, %dma_start3A_99, %dma_start3A_100] : memref<2x128x256xf32, #tpu.memory_space<vmem>> -> memref<1x128x256xf32, #tpu.memory_space<vmem>>
        %dma_start3A_102 = tpu.memref_squeeze %dma_start3A_101 : memref<1x128x256xf32, #tpu.memory_space<vmem>> -> memref<128x256xf32, #tpu.memory_space<vmem>>
        tpu.enqueue_dma source(%dma_start3A_102 : memref<128x256xf32, #tpu.memory_space<vmem>>) target(%dma_start3A_98 : memref<128x256xf32, #tpu.memory_space<hbm>>) target_semaphore(%run_scoped3A_90 : memref<!tpu.dma_semaphore, #tpu.memory_space<semaphore_mem>>)
        %dma_wait3A_103 = arith.constant 0 : i32
        %dma_wait3A_104 = arith.constant 0 : i32
        %dma_wait3A_105 = tpu.memref_slice %arg6[%run_scoped3A_57, %dma_wait3A_103, %dma_wait3A_104] : memref<2x128x256xf32, #tpu.memory_space<vmem>> -> memref<1x128x256xf32, #tpu.memory_space<vmem>>
        %dma_wait3A_106 = tpu.memref_squeeze %dma_wait3A_105 : memref<1x128x256xf32, #tpu.memory_space<vmem>> -> memref<128x256xf32, #tpu.memory_space<vmem>>
        %dma_wait3A_107 = arith.constant 0 : i32
        %dma_wait3A_108 = tpu.memref_slice %arg4[%multiple_of3A_45, %dma_wait3A_107] : memref<65536x256xf32, #tpu.memory_space<hbm>> -> memref<128x256xf32, #tpu.memory_space<hbm>>
        %dma_wait3A_109 = arith.constant 0 : i32
        %dma_wait3A_110 = tpu.memref_slice %arg4[%multiple_of3A_45, %dma_wait3A_109] : memref<65536x256xf32, #tpu.memory_space<hbm>> -> memref<128x256xf32, #tpu.memory_space<hbm>>
        %dma_wait3A_111 = arith.constant 0 : i32
        %dma_wait3A_112 = arith.constant 0 : i32
        %dma_wait3A_113 = tpu.memref_slice %arg6[%run_scoped3A_57, %dma_wait3A_111, %dma_wait3A_112] : memref<2x128x256xf32, #tpu.memory_space<vmem>> -> memref<1x128x256xf32, #tpu.memory_space<vmem>>
        %dma_wait3A_114 = tpu.memref_squeeze %dma_wait3A_113 : memref<1x128x256xf32, #tpu.memory_space<vmem>> -> memref<128x256xf32, #tpu.memory_space<vmem>>
        tpu.wait_dma2 semaphore(%run_scoped3A_90 : memref<!tpu.dma_semaphore, #tpu.memory_space<semaphore_mem>>) src(%dma_wait3A_114 : memref<128x256xf32, #tpu.memory_space<vmem>>) dst(%dma_wait3A_110 : memref<128x256xf32, #tpu.memory_space<hbm>>)
        tpu.yield
      }) : () -> ()
      %add3A_58 = arith.constant 2 : i32
      %add3A_59 = arith.addi %add3A_41, %add3A_58 : i32
      %lt3A = arith.constant 16 : i32
      %lt3A_60 = arith.cmpi slt, %add3A_59, %lt3A : i32
      %convert_element_type3A = arith.extui %lt3A_60 : i1 to i32
      %cond3A = arith.constant 0 : i32
      %cond3A_61 = arith.cmpi ne, %convert_element_type3A, %cond3A : i32
      scf.if %cond3A_61 {
        %add3A_90 = arith.constant 2 : i32
        %add3A_91 = arith.addi %add3A_41, %add3A_90 : i32
        %mul3A_92 = arith.constant 128 : i32
        %mul3A_93 = arith.muli %add3A_91, %mul3A_92 : i32
        %add3A_94 = arith.addi %mul3A_2, %mul3A_93 : i32
        %multiple_of3A_95 = tpu.assume_multiple %add3A_94, 128 : i32
        %run_scoped3A_96 = arith.constant 0 : i32
        "tpu.region"() ({
          %run_scoped3A_109 = tpu.sem_alloc : memref<!tpu.dma_semaphore, #tpu.memory_space<semaphore_mem>>
          %dma_start3A_110 = arith.constant 0 : i32
          %dma_start3A_111 = tpu.memref_slice %arg5[%run_scoped3A_96, %dma_start3A_110] : memref<2x128xi32, #tpu.memory_space<vmem>> -> memref<1x128xi32, #tpu.memory_space<vmem>>
          %dma_start3A_112 = tpu.memref_squeeze %dma_start3A_111 : memref<1x128xi32, #tpu.memory_space<vmem>> -> memref<128xi32, #tpu.memory_space<vmem>>
          %dma_start3A_113 = tpu.memref_slice %arg2[%multiple_of3A_95] : memref<65536xi32, #tpu.memory_space<hbm>> -> memref<128xi32, #tpu.memory_space<hbm>>
          %dma_start3A_114 = arith.constant 0 : i32
          %dma_start3A_115 = tpu.memref_slice %arg5[%run_scoped3A_96, %dma_start3A_114] : memref<2x128xi32, #tpu.memory_space<vmem>> -> memref<1x128xi32, #tpu.memory_space<vmem>>
          %dma_start3A_116 = tpu.memref_squeeze %dma_start3A_115 : memref<1x128xi32, #tpu.memory_space<vmem>> -> memref<128xi32, #tpu.memory_space<vmem>>
          %dma_start3A_117 = tpu.memref_slice %arg2[%multiple_of3A_95] : memref<65536xi32, #tpu.memory_space<hbm>> -> memref<128xi32, #tpu.memory_space<hbm>>
          tpu.enqueue_dma source(%dma_start3A_117 : memref<128xi32, #tpu.memory_space<hbm>>) target(%dma_start3A_116 : memref<128xi32, #tpu.memory_space<vmem>>) target_semaphore(%run_scoped3A_109 : memref<!tpu.dma_semaphore, #tpu.memory_space<semaphore_mem>>)
          %dma_wait3A_118 = arith.constant 0 : i32
          %dma_wait3A_119 = tpu.memref_slice %arg5[%run_scoped3A_96, %dma_wait3A_118] : memref<2x128xi32, #tpu.memory_space<vmem>> -> memref<1x128xi32, #tpu.memory_space<vmem>>
          %dma_wait3A_120 = tpu.memref_squeeze %dma_wait3A_119 : memref<1x128xi32, #tpu.memory_space<vmem>> -> memref<128xi32, #tpu.memory_space<vmem>>
          %dma_wait3A_121 = tpu.memref_slice %arg2[%multiple_of3A_95] : memref<65536xi32, #tpu.memory_space<hbm>> -> memref<128xi32, #tpu.memory_space<hbm>>
          %dma_wait3A_122 = arith.constant 0 : i32
          %dma_wait3A_123 = tpu.memref_slice %arg5[%run_scoped3A_96, %dma_wait3A_122] : memref<2x128xi32, #tpu.memory_space<vmem>> -> memref<1x128xi32, #tpu.memory_space<vmem>>
          %dma_wait3A_124 = tpu.memref_squeeze %dma_wait3A_123 : memref<1x128xi32, #tpu.memory_space<vmem>> -> memref<128xi32, #tpu.memory_space<vmem>>
          %dma_wait3A_125 = tpu.memref_slice %arg2[%multiple_of3A_95] : memref<65536xi32, #tpu.memory_space<hbm>> -> memref<128xi32, #tpu.memory_space<hbm>>
          tpu.wait_dma2 semaphore(%run_scoped3A_109 : memref<!tpu.dma_semaphore, #tpu.memory_space<semaphore_mem>>) src(%dma_wait3A_125 : memref<128xi32, #tpu.memory_space<hbm>>) dst(%dma_wait3A_124 : memref<128xi32, #tpu.memory_space<vmem>>)
          tpu.yield
        }) : () -> ()
        %dma_start3A_97 = arith.constant 0 : i32
        %dma_start3A_98 = arith.constant 0 : i32
        %dma_start3A_99 = arith.constant 0 : i32
        %dma_start3A_100 = arith.constant 0 : i32
        %dma_start3A_101 = tpu.memref_slice %arg6[%dma_start3A_98, %dma_start3A_99, %dma_start3A_100] : memref<2x128x256xf32, #tpu.memory_space<vmem>> -> memref<1x128x256xf32, #tpu.memory_space<vmem>>
        %dma_start3A_102 = tpu.memref_squeeze %dma_start3A_101 : memref<1x128x256xf32, #tpu.memory_space<vmem>> -> memref<128x256xf32, #tpu.memory_space<vmem>>
        %dma_start3A_103 = arith.constant 0 : i32
        %dma_start3A_104 = tpu.memref_slice %arg5[%dma_start3A_97, %dma_start3A_103] : memref<2x128xi32, #tpu.memory_space<vmem>> -> memref<1x128xi32, #tpu.memory_space<vmem>>
        %dma_start3A_105 = tpu.memref_squeeze %dma_start3A_104 : memref<1x128xi32, #tpu.memory_space<vmem>> -> memref<128xi32, #tpu.memory_space<vmem>>
        %dma_start3A_106 = arith.constant 0 : i32
        %dma_start3A_107 = arith.constant 0 : i32
        %dma_start3A_108 = tpu.memref_slice %arg3[%dma_start3A_106, %dma_start3A_107] : memref<2048x256xf32, #tpu.memory_space<hbm>> -> memref<2048x256xf32, #tpu.memory_space<hbm>>
        tpu.enqueue_indirect_dma source(%dma_start3A_108 : memref<2048x256xf32, #tpu.memory_space<hbm>>) target(%dma_start3A_102 : memref<128x256xf32, #tpu.memory_space<vmem>>) offsets(%dma_start3A_105 : memref<128xi32, #tpu.memory_space<vmem>>) semaphore(%arg7 : memref<!tpu.dma_semaphore, #tpu.memory_space<semaphore_mem>>)
      } else {
      }
      %mul3A_62 = arith.constant 2 : i32
      %mul3A_63 = arith.muli %scan3A_37, %mul3A_62 : i32
      %add3A_64 = arith.constant 1 : i32
      %add3A_65 = arith.addi %mul3A_63, %add3A_64 : i32
      %mul3A_66 = arith.constant 128 : i32
      %mul3A_67 = arith.muli %add3A_65, %mul3A_66 : i32
      %add3A_68 = arith.addi %mul3A_2, %mul3A_67 : i32
      %multiple_of3A_69 = tpu.assume_multiple %add3A_68, 128 : i32
      %dma_wait3A_70 = arith.constant 1 : i32
      %dma_wait3A_71 = arith.constant 1 : i32
      %dma_wait3A_72 = arith.constant 0 : i32
      %dma_wait3A_73 = arith.constant 0 : i32
      %dma_wait3A_74 = tpu.memref_slice %arg6[%dma_wait3A_71, %dma_wait3A_72, %dma_wait3A_73] : memref<2x128x256xf32, #tpu.memory_space<vmem>> -> memref<1x128x256xf32, #tpu.memory_space<vmem>>
      %dma_wait3A_75 = tpu.memref_squeeze %dma_wait3A_74 : memref<1x128x256xf32, #tpu.memory_space<vmem>> -> memref<128x256xf32, #tpu.memory_space<vmem>>
      %dma_wait3A_76 = arith.constant 0 : i32
      %dma_wait3A_77 = tpu.memref_slice %arg5[%dma_wait3A_70, %dma_wait3A_76] : memref<2x128xi32, #tpu.memory_space<vmem>> -> memref<1x128xi32, #tpu.memory_space<vmem>>
      %dma_wait3A_78 = tpu.memref_squeeze %dma_wait3A_77 : memref<1x128xi32, #tpu.memory_space<vmem>> -> memref<128xi32, #tpu.memory_space<vmem>>
      %dma_wait3A_79 = arith.constant 0 : i32
      %dma_wait3A_80 = arith.constant 0 : i32
      %dma_wait3A_81 = tpu.memref_slice %arg3[%dma_wait3A_79, %dma_wait3A_80] : memref<2048x256xf32, #tpu.memory_space<hbm>> -> memref<2048x256xf32, #tpu.memory_space<hbm>>
      tpu.wait_indirect_dma semaphore(%arg8 : memref<!tpu.dma_semaphore, #tpu.memory_space<semaphore_mem>>) src(%dma_wait3A_81 : memref<2048x256xf32, #tpu.memory_space<hbm>>) dst(%dma_wait3A_75 : memref<128x256xf32, #tpu.memory_space<vmem>>)
      %run_scoped3A_82 = arith.constant 1 : i32
      "tpu.region"() ({
        %run_scoped3A_90 = tpu.sem_alloc : memref<!tpu.dma_semaphore, #tpu.memory_space<semaphore_mem>>
        %dma_start3A_91 = arith.constant 0 : i32
        %dma_start3A_92 = arith.constant 0 : i32
        %dma_start3A_93 = tpu.memref_slice %arg6[%run_scoped3A_82, %dma_start3A_91, %dma_start3A_92] : memref<2x128x256xf32, #tpu.memory_space<vmem>> -> memref<1x128x256xf32, #tpu.memory_space<vmem>>
        %dma_start3A_94 = tpu.memref_squeeze %dma_start3A_93 : memref<1x128x256xf32, #tpu.memory_space<vmem>> -> memref<128x256xf32, #tpu.memory_space<vmem>>
        %dma_start3A_95 = arith.constant 0 : i32
        %dma_start3A_96 = tpu.memref_slice %arg4[%multiple_of3A_69, %dma_start3A_95] : memref<65536x256xf32, #tpu.memory_space<hbm>> -> memref<128x256xf32, #tpu.memory_space<hbm>>
        %dma_start3A_97 = arith.constant 0 : i32
        %dma_start3A_98 = tpu.memref_slice %arg4[%multiple_of3A_69, %dma_start3A_97] : memref<65536x256xf32, #tpu.memory_space<hbm>> -> memref<128x256xf32, #tpu.memory_space<hbm>>
        %dma_start3A_99 = arith.constant 0 : i32
        %dma_start3A_100 = arith.constant 0 : i32
        %dma_start3A_101 = tpu.memref_slice %arg6[%run_scoped3A_82, %dma_start3A_99, %dma_start3A_100] : memref<2x128x256xf32, #tpu.memory_space<vmem>> -> memref<1x128x256xf32, #tpu.memory_space<vmem>>
        %dma_start3A_102 = tpu.memref_squeeze %dma_start3A_101 : memref<1x128x256xf32, #tpu.memory_space<vmem>> -> memref<128x256xf32, #tpu.memory_space<vmem>>
        tpu.enqueue_dma source(%dma_start3A_102 : memref<128x256xf32, #tpu.memory_space<vmem>>) target(%dma_start3A_98 : memref<128x256xf32, #tpu.memory_space<hbm>>) target_semaphore(%run_scoped3A_90 : memref<!tpu.dma_semaphore, #tpu.memory_space<semaphore_mem>>)
        %dma_wait3A_103 = arith.constant 0 : i32
        %dma_wait3A_104 = arith.constant 0 : i32
        %dma_wait3A_105 = tpu.memref_slice %arg6[%run_scoped3A_82, %dma_wait3A_103, %dma_wait3A_104] : memref<2x128x256xf32, #tpu.memory_space<vmem>> -> memref<1x128x256xf32, #tpu.memory_space<vmem>>
        %dma_wait3A_106 = tpu.memref_squeeze %dma_wait3A_105 : memref<1x128x256xf32, #tpu.memory_space<vmem>> -> memref<128x256xf32, #tpu.memory_space<vmem>>
        %dma_wait3A_107 = arith.constant 0 : i32
        %dma_wait3A_108 = tpu.memref_slice %arg4[%multiple_of3A_69, %dma_wait3A_107] : memref<65536x256xf32, #tpu.memory_space<hbm>> -> memref<128x256xf32, #tpu.memory_space<hbm>>
        %dma_wait3A_109 = arith.constant 0 : i32
        %dma_wait3A_110 = tpu.memref_slice %arg4[%multiple_of3A_69, %dma_wait3A_109] : memref<65536x256xf32, #tpu.memory_space<hbm>> -> memref<128x256xf32, #tpu.memory_space<hbm>>
        %dma_wait3A_111 = arith.constant 0 : i32
        %dma_wait3A_112 = arith.constant 0 : i32
        %dma_wait3A_113 = tpu.memref_slice %arg6[%run_scoped3A_82, %dma_wait3A_111, %dma_wait3A_112] : memref<2x128x256xf32, #tpu.memory_space<vmem>> -> memref<1x128x256xf32, #tpu.memory_space<vmem>>
        %dma_wait3A_114 = tpu.memref_squeeze %dma_wait3A_113 : memref<1x128x256xf32, #tpu.memory_space<vmem>> -> memref<128x256xf32, #tpu.memory_space<vmem>>
        tpu.wait_dma2 semaphore(%run_scoped3A_90 : memref<!tpu.dma_semaphore, #tpu.memory_space<semaphore_mem>>) src(%dma_wait3A_114 : memref<128x256xf32, #tpu.memory_space<vmem>>) dst(%dma_wait3A_110 : memref<128x256xf32, #tpu.memory_space<hbm>>)
        tpu.yield
      }) : () -> ()
      %add3A_83 = arith.constant 2 : i32
      %add3A_84 = arith.addi %add3A_65, %add3A_83 : i32
      %lt3A_85 = arith.constant 16 : i32
      %lt3A_86 = arith.cmpi slt, %add3A_84, %lt3A_85 : i32
      %convert_element_type3A_87 = arith.extui %lt3A_86 : i1 to i32
      %cond3A_88 = arith.constant 0 : i32
      %cond3A_89 = arith.cmpi ne, %convert_element_type3A_87, %cond3A_88 : i32
      scf.if %cond3A_89 {
        %add3A_90 = arith.constant 2 : i32
        %add3A_91 = arith.addi %add3A_65, %add3A_90 : i32
        %mul3A_92 = arith.constant 128 : i32
        %mul3A_93 = arith.muli %add3A_91, %mul3A_92 : i32
        %add3A_94 = arith.addi %mul3A_2, %mul3A_93 : i32
        %multiple_of3A_95 = tpu.assume_multiple %add3A_94, 128 : i32
        %run_scoped3A_96 = arith.constant 1 : i32
        "tpu.region"() ({
          %run_scoped3A_109 = tpu.sem_alloc : memref<!tpu.dma_semaphore, #tpu.memory_space<semaphore_mem>>
          %dma_start3A_110 = arith.constant 0 : i32
          %dma_start3A_111 = tpu.memref_slice %arg5[%run_scoped3A_96, %dma_start3A_110] : memref<2x128xi32, #tpu.memory_space<vmem>> -> memref<1x128xi32, #tpu.memory_space<vmem>>
          %dma_start3A_112 = tpu.memref_squeeze %dma_start3A_111 : memref<1x128xi32, #tpu.memory_space<vmem>> -> memref<128xi32, #tpu.memory_space<vmem>>
          %dma_start3A_113 = tpu.memref_slice %arg2[%multiple_of3A_95] : memref<65536xi32, #tpu.memory_space<hbm>> -> memref<128xi32, #tpu.memory_space<hbm>>
          %dma_start3A_114 = arith.constant 0 : i32
          %dma_start3A_115 = tpu.memref_slice %arg5[%run_scoped3A_96, %dma_start3A_114] : memref<2x128xi32, #tpu.memory_space<vmem>> -> memref<1x128xi32, #tpu.memory_space<vmem>>
          %dma_start3A_116 = tpu.memref_squeeze %dma_start3A_115 : memref<1x128xi32, #tpu.memory_space<vmem>> -> memref<128xi32, #tpu.memory_space<vmem>>
          %dma_start3A_117 = tpu.memref_slice %arg2[%multiple_of3A_95] : memref<65536xi32, #tpu.memory_space<hbm>> -> memref<128xi32, #tpu.memory_space<hbm>>
          tpu.enqueue_dma source(%dma_start3A_117 : memref<128xi32, #tpu.memory_space<hbm>>) target(%dma_start3A_116 : memref<128xi32, #tpu.memory_space<vmem>>) target_semaphore(%run_scoped3A_109 : memref<!tpu.dma_semaphore, #tpu.memory_space<semaphore_mem>>)
          %dma_wait3A_118 = arith.constant 0 : i32
          %dma_wait3A_119 = tpu.memref_slice %arg5[%run_scoped3A_96, %dma_wait3A_118] : memref<2x128xi32, #tpu.memory_space<vmem>> -> memref<1x128xi32, #tpu.memory_space<vmem>>
          %dma_wait3A_120 = tpu.memref_squeeze %dma_wait3A_119 : memref<1x128xi32, #tpu.memory_space<vmem>> -> memref<128xi32, #tpu.memory_space<vmem>>
          %dma_wait3A_121 = tpu.memref_slice %arg2[%multiple_of3A_95] : memref<65536xi32, #tpu.memory_space<hbm>> -> memref<128xi32, #tpu.memory_space<hbm>>
          %dma_wait3A_122 = arith.constant 0 : i32
          %dma_wait3A_123 = tpu.memref_slice %arg5[%run_scoped3A_96, %dma_wait3A_122] : memref<2x128xi32, #tpu.memory_space<vmem>> -> memref<1x128xi32, #tpu.memory_space<vmem>>
          %dma_wait3A_124 = tpu.memref_squeeze %dma_wait3A_123 : memref<1x128xi32, #tpu.memory_space<vmem>> -> memref<128xi32, #tpu.memory_space<vmem>>
          %dma_wait3A_125 = tpu.memref_slice %arg2[%multiple_of3A_95] : memref<65536xi32, #tpu.memory_space<hbm>> -> memref<128xi32, #tpu.memory_space<hbm>>
          tpu.wait_dma2 semaphore(%run_scoped3A_109 : memref<!tpu.dma_semaphore, #tpu.memory_space<semaphore_mem>>) src(%dma_wait3A_125 : memref<128xi32, #tpu.memory_space<hbm>>) dst(%dma_wait3A_124 : memref<128xi32, #tpu.memory_space<vmem>>)
          tpu.yield
        }) : () -> ()
        %dma_start3A_97 = arith.constant 1 : i32
        %dma_start3A_98 = arith.constant 1 : i32
        %dma_start3A_99 = arith.constant 0 : i32
        %dma_start3A_100 = arith.constant 0 : i32
        %dma_start3A_101 = tpu.memref_slice %arg6[%dma_start3A_98, %dma_start3A_99, %dma_start3A_100] : memref<2x128x256xf32, #tpu.memory_space<vmem>> -> memref<1x128x256xf32, #tpu.memory_space<vmem>>
        %dma_start3A_102 = tpu.memref_squeeze %dma_start3A_101 : memref<1x128x256xf32, #tpu.memory_space<vmem>> -> memref<128x256xf32, #tpu.memory_space<vmem>>
        %dma_start3A_103 = arith.constant 0 : i32
        %dma_start3A_104 = tpu.memref_slice %arg5[%dma_start3A_97, %dma_start3A_103] : memref<2x128xi32, #tpu.memory_space<vmem>> -> memref<1x128xi32, #tpu.memory_space<vmem>>
        %dma_start3A_105 = tpu.memref_squeeze %dma_start3A_104 : memref<1x128xi32, #tpu.memory_space<vmem>> -> memref<128xi32, #tpu.memory_space<vmem>>
        %dma_start3A_106 = arith.constant 0 : i32
        %dma_start3A_107 = arith.constant 0 : i32
        %dma_start3A_108 = tpu.memref_slice %arg3[%dma_start3A_106, %dma_start3A_107] : memref<2048x256xf32, #tpu.memory_space<hbm>> -> memref<2048x256xf32, #tpu.memory_space<hbm>>
        tpu.enqueue_indirect_dma source(%dma_start3A_108 : memref<2048x256xf32, #tpu.memory_space<hbm>>) target(%dma_start3A_102 : memref<128x256xf32, #tpu.memory_space<vmem>>) offsets(%dma_start3A_105 : memref<128xi32, #tpu.memory_space<vmem>>) semaphore(%arg8 : memref<!tpu.dma_semaphore, #tpu.memory_space<semaphore_mem>>)
      } else {
      }
    }
    %scan3A_36 = arith.constant 8 : i32
    return
  }
}

#map = affine_map<(d0, d1) -> (0)>
#map1 = affine_map<(d0, d1) -> (0, 0)>
module attributes {stable_mosaic.version = 14 : i64} {
  func.func @_sc_gather_body(%arg0: i32, %arg1: i32, %arg2: memref<65536xi32, #tpu.memory_space<hbm>>, %arg3: memref<2048x256xf32, #tpu.memory_space<hbm>>, %arg4: memref<65536x256xf32, #tpu.memory_space<hbm>>, %arg5: memref<2x128xi32, #tpu.memory_space<vmem>>, %arg6: memref<2x128x256xf32, #tpu.memory_space<vmem>>, %arg7: memref<!tpu.dma_semaphore, #tpu.memory_space<semaphore_mem>>, %arg8: memref<!tpu.dma_semaphore, #tpu.memory_space<semaphore_mem>>) attributes {dimension_semantics = [#tpu.dimension_semantics<core_parallel>, #tpu.dimension_semantics<subcore_parallel>], iteration_bounds = array<i64: 2, 16>, scalar_prefetch = 0 : i64, scratch_operands = 4 : i64, tpu.core_type = #tpu.core_type<sc_vector_subcore>, window_params = [{transform_indices = #map}, {transform_indices = #map1}, {transform_indices = #map1}]} {
    %mul3A = arith.constant 2 : i32
    %mul3A_0 = arith.muli %arg1, %mul3A : i32
    %add3A = arith.addi %mul3A_0, %arg0 : i32
    %mul3A_1 = arith.constant 2048 : i32
    %mul3A_2 = arith.muli %add3A, %mul3A_1 : i32
    %add3A_3 = arith.constant 0 : i32
    %add3A_4 = arith.addi %mul3A_2, %add3A_3 : i32
    %multiple_of3A = tpu.assume_multiple %add3A_4, 128 : i32
    %run_scoped3A = arith.constant 0 : i32
    "tpu.region"() ({
      %run_scoped3A_37 = tpu.sem_alloc : memref<!tpu.dma_semaphore, #tpu.memory_space<semaphore_mem>>
      %dma_start3A_38 = arith.constant 0 : i32
      %dma_start3A_39 = tpu.memref_slice %arg5[%run_scoped3A, %dma_start3A_38] : memref<2x128xi32, #tpu.memory_space<vmem>> -> memref<1x128xi32, #tpu.memory_space<vmem>>
      %dma_start3A_40 = tpu.memref_squeeze %dma_start3A_39 : memref<1x128xi32, #tpu.memory_space<vmem>> -> memref<128xi32, #tpu.memory_space<vmem>>
      %dma_start3A_41 = tpu.memref_slice %arg2[%multiple_of3A] : memref<65536xi32, #tpu.memory_space<hbm>> -> memref<128xi32, #tpu.memory_space<hbm>>
      %dma_start3A_42 = arith.constant 0 : i32
      %dma_start3A_43 = tpu.memref_slice %arg5[%run_scoped3A, %dma_start3A_42] : memref<2x128xi32, #tpu.memory_space<vmem>> -> memref<1x128xi32, #tpu.memory_space<vmem>>
      %dma_start3A_44 = tpu.memref_squeeze %dma_start3A_43 : memref<1x128xi32, #tpu.memory_space<vmem>> -> memref<128xi32, #tpu.memory_space<vmem>>
      %dma_start3A_45 = tpu.memref_slice %arg2[%multiple_of3A] : memref<65536xi32, #tpu.memory_space<hbm>> -> memref<128xi32, #tpu.memory_space<hbm>>
      tpu.enqueue_dma source(%dma_start3A_45 : memref<128xi32, #tpu.memory_space<hbm>>) target(%dma_start3A_44 : memref<128xi32, #tpu.memory_space<vmem>>) target_semaphore(%run_scoped3A_37 : memref<!tpu.dma_semaphore, #tpu.memory_space<semaphore_mem>>)
      %dma_wait3A = arith.constant 0 : i32
      %dma_wait3A_46 = tpu.memref_slice %arg5[%run_scoped3A, %dma_wait3A] : memref<2x128xi32, #tpu.memory_space<vmem>> -> memref<1x128xi32, #tpu.memory_space<vmem>>
      %dma_wait3A_47 = tpu.memref_squeeze %dma_wait3A_46 : memref<1x128xi32, #tpu.memory_space<vmem>> -> memref<128xi32, #tpu.memory_space<vmem>>
      %dma_wait3A_48 = tpu.memref_slice %arg2[%multiple_of3A] : memref<65536xi32, #tpu.memory_space<hbm>> -> memref<128xi32, #tpu.memory_space<hbm>>
      %dma_wait3A_49 = arith.constant 0 : i32
      %dma_wait3A_50 = tpu.memref_slice %arg5[%run_scoped3A, %dma_wait3A_49] : memref<2x128xi32, #tpu.memory_space<vmem>> -> memref<1x128xi32, #tpu.memory_space<vmem>>
      %dma_wait3A_51 = tpu.memref_squeeze %dma_wait3A_50 : memref<1x128xi32, #tpu.memory_space<vmem>> -> memref<128xi32, #tpu.memory_space<vmem>>
      %dma_wait3A_52 = tpu.memref_slice %arg2[%multiple_of3A] : memref<65536xi32, #tpu.memory_space<hbm>> -> memref<128xi32, #tpu.memory_space<hbm>>
      tpu.wait_dma2 semaphore(%run_scoped3A_37 : memref<!tpu.dma_semaphore, #tpu.memory_space<semaphore_mem>>) src(%dma_wait3A_52 : memref<128xi32, #tpu.memory_space<hbm>>) dst(%dma_wait3A_51 : memref<128xi32, #tpu.memory_space<vmem>>)
      tpu.yield
    }) : () -> ()
    %dma_start3A = arith.constant 0 : i32
    %dma_start3A_5 = arith.constant 0 : i32
    %dma_start3A_6 = arith.constant 0 : i32
    %dma_start3A_7 = arith.constant 0 : i32
    %dma_start3A_8 = tpu.memref_slice %arg6[%dma_start3A_5, %dma_start3A_6, %dma_start3A_7] : memref<2x128x256xf32, #tpu.memory_space<vmem>> -> memref<1x128x256xf32, #tpu.memory_space<vmem>>
    %dma_start3A_9 = tpu.memref_squeeze %dma_start3A_8 : memref<1x128x256xf32, #tpu.memory_space<vmem>> -> memref<128x256xf32, #tpu.memory_space<vmem>>
    %dma_start3A_10 = arith.constant 0 : i32
    %dma_start3A_11 = tpu.memref_slice %arg5[%dma_start3A, %dma_start3A_10] : memref<2x128xi32, #tpu.memory_space<vmem>> -> memref<1x128xi32, #tpu.memory_space<vmem>>
    %dma_start3A_12 = tpu.memref_squeeze %dma_start3A_11 : memref<1x128xi32, #tpu.memory_space<vmem>> -> memref<128xi32, #tpu.memory_space<vmem>>
    %dma_start3A_13 = arith.constant 0 : i32
    %dma_start3A_14 = arith.constant 0 : i32
    %dma_start3A_15 = tpu.memref_slice %arg3[%dma_start3A_13, %dma_start3A_14] : memref<2048x256xf32, #tpu.memory_space<hbm>> -> memref<2048x256xf32, #tpu.memory_space<hbm>>
    tpu.enqueue_indirect_dma source(%dma_start3A_15 : memref<2048x256xf32, #tpu.memory_space<hbm>>) target(%dma_start3A_9 : memref<128x256xf32, #tpu.memory_space<vmem>>) offsets(%dma_start3A_12 : memref<128xi32, #tpu.memory_space<vmem>>) semaphore(%arg7 : memref<!tpu.dma_semaphore, #tpu.memory_space<semaphore_mem>>)
    %add3A_16 = arith.constant 128 : i32
    %add3A_17 = arith.addi %mul3A_2, %add3A_16 : i32
    %multiple_of3A_18 = tpu.assume_multiple %add3A_17, 128 : i32
    %run_scoped3A_19 = arith.constant 1 : i32
    "tpu.region"() ({
      %run_scoped3A_37 = tpu.sem_alloc : memref<!tpu.dma_semaphore, #tpu.memory_space<semaphore_mem>>
      %dma_start3A_38 = arith.constant 0 : i32
      %dma_start3A_39 = tpu.memref_slice %arg5[%run_scoped3A_19, %dma_start3A_38] : memref<2x128xi32, #tpu.memory_space<vmem>> -> memref<1x128xi32, #tpu.memory_space<vmem>>
      %dma_start3A_40 = tpu.memref_squeeze %dma_start3A_39 : memref<1x128xi32, #tpu.memory_space<vmem>> -> memref<128xi32, #tpu.memory_space<vmem>>
      %dma_start3A_41 = tpu.memref_slice %arg2[%multiple_of3A_18] : memref<65536xi32, #tpu.memory_space<hbm>> -> memref<128xi32, #tpu.memory_space<hbm>>
      %dma_start3A_42 = arith.constant 0 : i32
      %dma_start3A_43 = tpu.memref_slice %arg5[%run_scoped3A_19, %dma_start3A_42] : memref<2x128xi32, #tpu.memory_space<vmem>> -> memref<1x128xi32, #tpu.memory_space<vmem>>
      %dma_start3A_44 = tpu.memref_squeeze %dma_start3A_43 : memref<1x128xi32, #tpu.memory_space<vmem>> -> memref<128xi32, #tpu.memory_space<vmem>>
      %dma_start3A_45 = tpu.memref_slice %arg2[%multiple_of3A_18] : memref<65536xi32, #tpu.memory_space<hbm>> -> memref<128xi32, #tpu.memory_space<hbm>>
      tpu.enqueue_dma source(%dma_start3A_45 : memref<128xi32, #tpu.memory_space<hbm>>) target(%dma_start3A_44 : memref<128xi32, #tpu.memory_space<vmem>>) target_semaphore(%run_scoped3A_37 : memref<!tpu.dma_semaphore, #tpu.memory_space<semaphore_mem>>)
      %dma_wait3A = arith.constant 0 : i32
      %dma_wait3A_46 = tpu.memref_slice %arg5[%run_scoped3A_19, %dma_wait3A] : memref<2x128xi32, #tpu.memory_space<vmem>> -> memref<1x128xi32, #tpu.memory_space<vmem>>
      %dma_wait3A_47 = tpu.memref_squeeze %dma_wait3A_46 : memref<1x128xi32, #tpu.memory_space<vmem>> -> memref<128xi32, #tpu.memory_space<vmem>>
      %dma_wait3A_48 = tpu.memref_slice %arg2[%multiple_of3A_18] : memref<65536xi32, #tpu.memory_space<hbm>> -> memref<128xi32, #tpu.memory_space<hbm>>
      %dma_wait3A_49 = arith.constant 0 : i32
      %dma_wait3A_50 = tpu.memref_slice %arg5[%run_scoped3A_19, %dma_wait3A_49] : memref<2x128xi32, #tpu.memory_space<vmem>> -> memref<1x128xi32, #tpu.memory_space<vmem>>
      %dma_wait3A_51 = tpu.memref_squeeze %dma_wait3A_50 : memref<1x128xi32, #tpu.memory_space<vmem>> -> memref<128xi32, #tpu.memory_space<vmem>>
      %dma_wait3A_52 = tpu.memref_slice %arg2[%multiple_of3A_18] : memref<65536xi32, #tpu.memory_space<hbm>> -> memref<128xi32, #tpu.memory_space<hbm>>
      tpu.wait_dma2 semaphore(%run_scoped3A_37 : memref<!tpu.dma_semaphore, #tpu.memory_space<semaphore_mem>>) src(%dma_wait3A_52 : memref<128xi32, #tpu.memory_space<hbm>>) dst(%dma_wait3A_51 : memref<128xi32, #tpu.memory_space<vmem>>)
      tpu.yield
    }) : () -> ()
    %dma_start3A_20 = arith.constant 1 : i32
    %dma_start3A_21 = arith.constant 1 : i32
    %dma_start3A_22 = arith.constant 0 : i32
    %dma_start3A_23 = arith.constant 0 : i32
    %dma_start3A_24 = tpu.memref_slice %arg6[%dma_start3A_21, %dma_start3A_22, %dma_start3A_23] : memref<2x128x256xf32, #tpu.memory_space<vmem>> -> memref<1x128x256xf32, #tpu.memory_space<vmem>>
    %dma_start3A_25 = tpu.memref_squeeze %dma_start3A_24 : memref<1x128x256xf32, #tpu.memory_space<vmem>> -> memref<128x256xf32, #tpu.memory_space<vmem>>
    %dma_start3A_26 = arith.constant 0 : i32
    %dma_start3A_27 = tpu.memref_slice %arg5[%dma_start3A_20, %dma_start3A_26] : memref<2x128xi32, #tpu.memory_space<vmem>> -> memref<1x128xi32, #tpu.memory_space<vmem>>
    %dma_start3A_28 = tpu.memref_squeeze %dma_start3A_27 : memref<1x128xi32, #tpu.memory_space<vmem>> -> memref<128xi32, #tpu.memory_space<vmem>>
    %dma_start3A_29 = arith.constant 0 : i32
    %dma_start3A_30 = arith.constant 0 : i32
    %dma_start3A_31 = tpu.memref_slice %arg3[%dma_start3A_29, %dma_start3A_30] : memref<2048x256xf32, #tpu.memory_space<hbm>> -> memref<2048x256xf32, #tpu.memory_space<hbm>>
    tpu.enqueue_indirect_dma source(%dma_start3A_31 : memref<2048x256xf32, #tpu.memory_space<hbm>>) target(%dma_start3A_25 : memref<128x256xf32, #tpu.memory_space<vmem>>) offsets(%dma_start3A_28 : memref<128xi32, #tpu.memory_space<vmem>>) semaphore(%arg8 : memref<!tpu.dma_semaphore, #tpu.memory_space<semaphore_mem>>)
    %scan3A = arith.constant 0 : i32
    %scan3A_32 = arith.constant 0 : i32
    %scan3A_33 = arith.constant 8 : i32
    %scan3A_34 = arith.addi %scan3A_32, %scan3A_33 : i32
    %scan3A_35 = arith.constant 1 : i32
    scf.for %scan3A_37 = %scan3A_32 to %scan3A_34 step %scan3A_35  : i32 {
      %mul3A_38 = arith.constant 2 : i32
      %mul3A_39 = arith.muli %scan3A_37, %mul3A_38 : i32
      %add3A_40 = arith.constant 0 : i32
      %add3A_41 = arith.addi %mul3A_39, %add3A_40 : i32
      %mul3A_42 = arith.constant 128 : i32
      %mul3A_43 = arith.muli %add3A_41, %mul3A_42 : i32
      %add3A_44 = arith.addi %mul3A_2, %mul3A_43 : i32
      %multiple_of3A_45 = tpu.assume_multiple %add3A_44, 128 : i32
      %dma_wait3A = arith.constant 0 : i32
      %dma_wait3A_46 = arith.constant 0 : i32
      %dma_wait3A_47 = arith.constant 0 : i32
      %dma_wait3A_48 = arith.constant 0 : i32
      %dma_wait3A_49 = tpu.memref_slice %arg6[%dma_wait3A_46, %dma_wait3A_47, %dma_wait3A_48] : memref<2x128x256xf32, #tpu.memory_space<vmem>> -> memref<1x128x256xf32, #tpu.memory_space<vmem>>
      %dma_wait3A_50 = tpu.memref_squeeze %dma_wait3A_49 : memref<1x128x256xf32, #tpu.memory_space<vmem>> -> memref<128x256xf32, #tpu.memory_space<vmem>>
      %dma_wait3A_51 = arith.constant 0 : i32
      %dma_wait3A_52 = tpu.memref_slice %arg5[%dma_wait3A, %dma_wait3A_51] : memref<2x128xi32, #tpu.memory_space<vmem>> -> memref<1x128xi32, #tpu.memory_space<vmem>>
      %dma_wait3A_53 = tpu.memref_squeeze %dma_wait3A_52 : memref<1x128xi32, #tpu.memory_space<vmem>> -> memref<128xi32, #tpu.memory_space<vmem>>
      %dma_wait3A_54 = arith.constant 0 : i32
      %dma_wait3A_55 = arith.constant 0 : i32
      %dma_wait3A_56 = tpu.memref_slice %arg3[%dma_wait3A_54, %dma_wait3A_55] : memref<2048x256xf32, #tpu.memory_space<hbm>> -> memref<2048x256xf32, #tpu.memory_space<hbm>>
      tpu.wait_indirect_dma semaphore(%arg7 : memref<!tpu.dma_semaphore, #tpu.memory_space<semaphore_mem>>) src(%dma_wait3A_56 : memref<2048x256xf32, #tpu.memory_space<hbm>>) dst(%dma_wait3A_50 : memref<128x256xf32, #tpu.memory_space<vmem>>)
      %run_scoped3A_57 = arith.constant 0 : i32
      "tpu.region"() ({
        %run_scoped3A_90 = tpu.sem_alloc : memref<!tpu.dma_semaphore, #tpu.memory_space<semaphore_mem>>
        %dma_start3A_91 = arith.constant 0 : i32
        %dma_start3A_92 = arith.constant 0 : i32
        %dma_start3A_93 = tpu.memref_slice %arg6[%run_scoped3A_57, %dma_start3A_91, %dma_start3A_92] : memref<2x128x256xf32, #tpu.memory_space<vmem>> -> memref<1x128x256xf32, #tpu.memory_space<vmem>>
        %dma_start3A_94 = tpu.memref_squeeze %dma_start3A_93 : memref<1x128x256xf32, #tpu.memory_space<vmem>> -> memref<128x256xf32, #tpu.memory_space<vmem>>
        %dma_start3A_95 = arith.constant 0 : i32
        %dma_start3A_96 = tpu.memref_slice %arg4[%multiple_of3A_45, %dma_start3A_95] : memref<65536x256xf32, #tpu.memory_space<hbm>> -> memref<128x256xf32, #tpu.memory_space<hbm>>
        %dma_start3A_97 = arith.constant 0 : i32
        %dma_start3A_98 = tpu.memref_slice %arg4[%multiple_of3A_45, %dma_start3A_97] : memref<65536x256xf32, #tpu.memory_space<hbm>> -> memref<128x256xf32, #tpu.memory_space<hbm>>
        %dma_start3A_99 = arith.constant 0 : i32
        %dma_start3A_100 = arith.constant 0 : i32
        %dma_start3A_101 = tpu.memref_slice %arg6[%run_scoped3A_57, %dma_start3A_99, %dma_start3A_100] : memref<2x128x256xf32, #tpu.memory_space<vmem>> -> memref<1x128x256xf32, #tpu.memory_space<vmem>>
        %dma_start3A_102 = tpu.memref_squeeze %dma_start3A_101 : memref<1x128x256xf32, #tpu.memory_space<vmem>> -> memref<128x256xf32, #tpu.memory_space<vmem>>
        tpu.enqueue_dma source(%dma_start3A_102 : memref<128x256xf32, #tpu.memory_space<vmem>>) target(%dma_start3A_98 : memref<128x256xf32, #tpu.memory_space<hbm>>) target_semaphore(%run_scoped3A_90 : memref<!tpu.dma_semaphore, #tpu.memory_space<semaphore_mem>>)
        %dma_wait3A_103 = arith.constant 0 : i32
        %dma_wait3A_104 = arith.constant 0 : i32
        %dma_wait3A_105 = tpu.memref_slice %arg6[%run_scoped3A_57, %dma_wait3A_103, %dma_wait3A_104] : memref<2x128x256xf32, #tpu.memory_space<vmem>> -> memref<1x128x256xf32, #tpu.memory_space<vmem>>
        %dma_wait3A_106 = tpu.memref_squeeze %dma_wait3A_105 : memref<1x128x256xf32, #tpu.memory_space<vmem>> -> memref<128x256xf32, #tpu.memory_space<vmem>>
        %dma_wait3A_107 = arith.constant 0 : i32
        %dma_wait3A_108 = tpu.memref_slice %arg4[%multiple_of3A_45, %dma_wait3A_107] : memref<65536x256xf32, #tpu.memory_space<hbm>> -> memref<128x256xf32, #tpu.memory_space<hbm>>
        %dma_wait3A_109 = arith.constant 0 : i32
        %dma_wait3A_110 = tpu.memref_slice %arg4[%multiple_of3A_45, %dma_wait3A_109] : memref<65536x256xf32, #tpu.memory_space<hbm>> -> memref<128x256xf32, #tpu.memory_space<hbm>>
        %dma_wait3A_111 = arith.constant 0 : i32
        %dma_wait3A_112 = arith.constant 0 : i32
        %dma_wait3A_113 = tpu.memref_slice %arg6[%run_scoped3A_57, %dma_wait3A_111, %dma_wait3A_112] : memref<2x128x256xf32, #tpu.memory_space<vmem>> -> memref<1x128x256xf32, #tpu.memory_space<vmem>>
        %dma_wait3A_114 = tpu.memref_squeeze %dma_wait3A_113 : memref<1x128x256xf32, #tpu.memory_space<vmem>> -> memref<128x256xf32, #tpu.memory_space<vmem>>
        tpu.wait_dma2 semaphore(%run_scoped3A_90 : memref<!tpu.dma_semaphore, #tpu.memory_space<semaphore_mem>>) src(%dma_wait3A_114 : memref<128x256xf32, #tpu.memory_space<vmem>>) dst(%dma_wait3A_110 : memref<128x256xf32, #tpu.memory_space<hbm>>)
        tpu.yield
      }) : () -> ()
      %add3A_58 = arith.constant 2 : i32
      %add3A_59 = arith.addi %add3A_41, %add3A_58 : i32
      %lt3A = arith.constant 16 : i32
      %lt3A_60 = arith.cmpi slt, %add3A_59, %lt3A : i32
      %convert_element_type3A = arith.extui %lt3A_60 : i1 to i32
      %cond3A = arith.constant 0 : i32
      %cond3A_61 = arith.cmpi ne, %convert_element_type3A, %cond3A : i32
      scf.if %cond3A_61 {
        %add3A_90 = arith.constant 2 : i32
        %add3A_91 = arith.addi %add3A_41, %add3A_90 : i32
        %mul3A_92 = arith.constant 128 : i32
        %mul3A_93 = arith.muli %add3A_91, %mul3A_92 : i32
        %add3A_94 = arith.addi %mul3A_2, %mul3A_93 : i32
        %multiple_of3A_95 = tpu.assume_multiple %add3A_94, 128 : i32
        %run_scoped3A_96 = arith.constant 0 : i32
        "tpu.region"() ({
          %run_scoped3A_109 = tpu.sem_alloc : memref<!tpu.dma_semaphore, #tpu.memory_space<semaphore_mem>>
          %dma_start3A_110 = arith.constant 0 : i32
          %dma_start3A_111 = tpu.memref_slice %arg5[%run_scoped3A_96, %dma_start3A_110] : memref<2x128xi32, #tpu.memory_space<vmem>> -> memref<1x128xi32, #tpu.memory_space<vmem>>
          %dma_start3A_112 = tpu.memref_squeeze %dma_start3A_111 : memref<1x128xi32, #tpu.memory_space<vmem>> -> memref<128xi32, #tpu.memory_space<vmem>>
          %dma_start3A_113 = tpu.memref_slice %arg2[%multiple_of3A_95] : memref<65536xi32, #tpu.memory_space<hbm>> -> memref<128xi32, #tpu.memory_space<hbm>>
          %dma_start3A_114 = arith.constant 0 : i32
          %dma_start3A_115 = tpu.memref_slice %arg5[%run_scoped3A_96, %dma_start3A_114] : memref<2x128xi32, #tpu.memory_space<vmem>> -> memref<1x128xi32, #tpu.memory_space<vmem>>
          %dma_start3A_116 = tpu.memref_squeeze %dma_start3A_115 : memref<1x128xi32, #tpu.memory_space<vmem>> -> memref<128xi32, #tpu.memory_space<vmem>>
          %dma_start3A_117 = tpu.memref_slice %arg2[%multiple_of3A_95] : memref<65536xi32, #tpu.memory_space<hbm>> -> memref<128xi32, #tpu.memory_space<hbm>>
          tpu.enqueue_dma source(%dma_start3A_117 : memref<128xi32, #tpu.memory_space<hbm>>) target(%dma_start3A_116 : memref<128xi32, #tpu.memory_space<vmem>>) target_semaphore(%run_scoped3A_109 : memref<!tpu.dma_semaphore, #tpu.memory_space<semaphore_mem>>)
          %dma_wait3A_118 = arith.constant 0 : i32
          %dma_wait3A_119 = tpu.memref_slice %arg5[%run_scoped3A_96, %dma_wait3A_118] : memref<2x128xi32, #tpu.memory_space<vmem>> -> memref<1x128xi32, #tpu.memory_space<vmem>>
          %dma_wait3A_120 = tpu.memref_squeeze %dma_wait3A_119 : memref<1x128xi32, #tpu.memory_space<vmem>> -> memref<128xi32, #tpu.memory_space<vmem>>
          %dma_wait3A_121 = tpu.memref_slice %arg2[%multiple_of3A_95] : memref<65536xi32, #tpu.memory_space<hbm>> -> memref<128xi32, #tpu.memory_space<hbm>>
          %dma_wait3A_122 = arith.constant 0 : i32
          %dma_wait3A_123 = tpu.memref_slice %arg5[%run_scoped3A_96, %dma_wait3A_122] : memref<2x128xi32, #tpu.memory_space<vmem>> -> memref<1x128xi32, #tpu.memory_space<vmem>>
          %dma_wait3A_124 = tpu.memref_squeeze %dma_wait3A_123 : memref<1x128xi32, #tpu.memory_space<vmem>> -> memref<128xi32, #tpu.memory_space<vmem>>
          %dma_wait3A_125 = tpu.memref_slice %arg2[%multiple_of3A_95] : memref<65536xi32, #tpu.memory_space<hbm>> -> memref<128xi32, #tpu.memory_space<hbm>>
          tpu.wait_dma2 semaphore(%run_scoped3A_109 : memref<!tpu.dma_semaphore, #tpu.memory_space<semaphore_mem>>) src(%dma_wait3A_125 : memref<128xi32, #tpu.memory_space<hbm>>) dst(%dma_wait3A_124 : memref<128xi32, #tpu.memory_space<vmem>>)
          tpu.yield
        }) : () -> ()
        %dma_start3A_97 = arith.constant 0 : i32
        %dma_start3A_98 = arith.constant 0 : i32
        %dma_start3A_99 = arith.constant 0 : i32
        %dma_start3A_100 = arith.constant 0 : i32
        %dma_start3A_101 = tpu.memref_slice %arg6[%dma_start3A_98, %dma_start3A_99, %dma_start3A_100] : memref<2x128x256xf32, #tpu.memory_space<vmem>> -> memref<1x128x256xf32, #tpu.memory_space<vmem>>
        %dma_start3A_102 = tpu.memref_squeeze %dma_start3A_101 : memref<1x128x256xf32, #tpu.memory_space<vmem>> -> memref<128x256xf32, #tpu.memory_space<vmem>>
        %dma_start3A_103 = arith.constant 0 : i32
        %dma_start3A_104 = tpu.memref_slice %arg5[%dma_start3A_97, %dma_start3A_103] : memref<2x128xi32, #tpu.memory_space<vmem>> -> memref<1x128xi32, #tpu.memory_space<vmem>>
        %dma_start3A_105 = tpu.memref_squeeze %dma_start3A_104 : memref<1x128xi32, #tpu.memory_space<vmem>> -> memref<128xi32, #tpu.memory_space<vmem>>
        %dma_start3A_106 = arith.constant 0 : i32
        %dma_start3A_107 = arith.constant 0 : i32
        %dma_start3A_108 = tpu.memref_slice %arg3[%dma_start3A_106, %dma_start3A_107] : memref<2048x256xf32, #tpu.memory_space<hbm>> -> memref<2048x256xf32, #tpu.memory_space<hbm>>
        tpu.enqueue_indirect_dma source(%dma_start3A_108 : memref<2048x256xf32, #tpu.memory_space<hbm>>) target(%dma_start3A_102 : memref<128x256xf32, #tpu.memory_space<vmem>>) offsets(%dma_start3A_105 : memref<128xi32, #tpu.memory_space<vmem>>) semaphore(%arg7 : memref<!tpu.dma_semaphore, #tpu.memory_space<semaphore_mem>>)
      } else {
      }
      %mul3A_62 = arith.constant 2 : i32
      %mul3A_63 = arith.muli %scan3A_37, %mul3A_62 : i32
      %add3A_64 = arith.constant 1 : i32
      %add3A_65 = arith.addi %mul3A_63, %add3A_64 : i32
      %mul3A_66 = arith.constant 128 : i32
      %mul3A_67 = arith.muli %add3A_65, %mul3A_66 : i32
      %add3A_68 = arith.addi %mul3A_2, %mul3A_67 : i32
      %multiple_of3A_69 = tpu.assume_multiple %add3A_68, 128 : i32
      %dma_wait3A_70 = arith.constant 1 : i32
      %dma_wait3A_71 = arith.constant 1 : i32
      %dma_wait3A_72 = arith.constant 0 : i32
      %dma_wait3A_73 = arith.constant 0 : i32
      %dma_wait3A_74 = tpu.memref_slice %arg6[%dma_wait3A_71, %dma_wait3A_72, %dma_wait3A_73] : memref<2x128x256xf32, #tpu.memory_space<vmem>> -> memref<1x128x256xf32, #tpu.memory_space<vmem>>
      %dma_wait3A_75 = tpu.memref_squeeze %dma_wait3A_74 : memref<1x128x256xf32, #tpu.memory_space<vmem>> -> memref<128x256xf32, #tpu.memory_space<vmem>>
      %dma_wait3A_76 = arith.constant 0 : i32
      %dma_wait3A_77 = tpu.memref_slice %arg5[%dma_wait3A_70, %dma_wait3A_76] : memref<2x128xi32, #tpu.memory_space<vmem>> -> memref<1x128xi32, #tpu.memory_space<vmem>>
      %dma_wait3A_78 = tpu.memref_squeeze %dma_wait3A_77 : memref<1x128xi32, #tpu.memory_space<vmem>> -> memref<128xi32, #tpu.memory_space<vmem>>
      %dma_wait3A_79 = arith.constant 0 : i32
      %dma_wait3A_80 = arith.constant 0 : i32
      %dma_wait3A_81 = tpu.memref_slice %arg3[%dma_wait3A_79, %dma_wait3A_80] : memref<2048x256xf32, #tpu.memory_space<hbm>> -> memref<2048x256xf32, #tpu.memory_space<hbm>>
      tpu.wait_indirect_dma semaphore(%arg8 : memref<!tpu.dma_semaphore, #tpu.memory_space<semaphore_mem>>) src(%dma_wait3A_81 : memref<2048x256xf32, #tpu.memory_space<hbm>>) dst(%dma_wait3A_75 : memref<128x256xf32, #tpu.memory_space<vmem>>)
      %run_scoped3A_82 = arith.constant 1 : i32
      "tpu.region"() ({
        %run_scoped3A_90 = tpu.sem_alloc : memref<!tpu.dma_semaphore, #tpu.memory_space<semaphore_mem>>
        %dma_start3A_91 = arith.constant 0 : i32
        %dma_start3A_92 = arith.constant 0 : i32
        %dma_start3A_93 = tpu.memref_slice %arg6[%run_scoped3A_82, %dma_start3A_91, %dma_start3A_92] : memref<2x128x256xf32, #tpu.memory_space<vmem>> -> memref<1x128x256xf32, #tpu.memory_space<vmem>>
        %dma_start3A_94 = tpu.memref_squeeze %dma_start3A_93 : memref<1x128x256xf32, #tpu.memory_space<vmem>> -> memref<128x256xf32, #tpu.memory_space<vmem>>
        %dma_start3A_95 = arith.constant 0 : i32
        %dma_start3A_96 = tpu.memref_slice %arg4[%multiple_of3A_69, %dma_start3A_95] : memref<65536x256xf32, #tpu.memory_space<hbm>> -> memref<128x256xf32, #tpu.memory_space<hbm>>
        %dma_start3A_97 = arith.constant 0 : i32
        %dma_start3A_98 = tpu.memref_slice %arg4[%multiple_of3A_69, %dma_start3A_97] : memref<65536x256xf32, #tpu.memory_space<hbm>> -> memref<128x256xf32, #tpu.memory_space<hbm>>
        %dma_start3A_99 = arith.constant 0 : i32
        %dma_start3A_100 = arith.constant 0 : i32
        %dma_start3A_101 = tpu.memref_slice %arg6[%run_scoped3A_82, %dma_start3A_99, %dma_start3A_100] : memref<2x128x256xf32, #tpu.memory_space<vmem>> -> memref<1x128x256xf32, #tpu.memory_space<vmem>>
        %dma_start3A_102 = tpu.memref_squeeze %dma_start3A_101 : memref<1x128x256xf32, #tpu.memory_space<vmem>> -> memref<128x256xf32, #tpu.memory_space<vmem>>
        tpu.enqueue_dma source(%dma_start3A_102 : memref<128x256xf32, #tpu.memory_space<vmem>>) target(%dma_start3A_98 : memref<128x256xf32, #tpu.memory_space<hbm>>) target_semaphore(%run_scoped3A_90 : memref<!tpu.dma_semaphore, #tpu.memory_space<semaphore_mem>>)
        %dma_wait3A_103 = arith.constant 0 : i32
        %dma_wait3A_104 = arith.constant 0 : i32
        %dma_wait3A_105 = tpu.memref_slice %arg6[%run_scoped3A_82, %dma_wait3A_103, %dma_wait3A_104] : memref<2x128x256xf32, #tpu.memory_space<vmem>> -> memref<1x128x256xf32, #tpu.memory_space<vmem>>
        %dma_wait3A_106 = tpu.memref_squeeze %dma_wait3A_105 : memref<1x128x256xf32, #tpu.memory_space<vmem>> -> memref<128x256xf32, #tpu.memory_space<vmem>>
        %dma_wait3A_107 = arith.constant 0 : i32
        %dma_wait3A_108 = tpu.memref_slice %arg4[%multiple_of3A_69, %dma_wait3A_107] : memref<65536x256xf32, #tpu.memory_space<hbm>> -> memref<128x256xf32, #tpu.memory_space<hbm>>
        %dma_wait3A_109 = arith.constant 0 : i32
        %dma_wait3A_110 = tpu.memref_slice %arg4[%multiple_of3A_69, %dma_wait3A_109] : memref<65536x256xf32, #tpu.memory_space<hbm>> -> memref<128x256xf32, #tpu.memory_space<hbm>>
        %dma_wait3A_111 = arith.constant 0 : i32
        %dma_wait3A_112 = arith.constant 0 : i32
        %dma_wait3A_113 = tpu.memref_slice %arg6[%run_scoped3A_82, %dma_wait3A_111, %dma_wait3A_112] : memref<2x128x256xf32, #tpu.memory_space<vmem>> -> memref<1x128x256xf32, #tpu.memory_space<vmem>>
        %dma_wait3A_114 = tpu.memref_squeeze %dma_wait3A_113 : memref<1x128x256xf32, #tpu.memory_space<vmem>> -> memref<128x256xf32, #tpu.memory_space<vmem>>
        tpu.wait_dma2 semaphore(%run_scoped3A_90 : memref<!tpu.dma_semaphore, #tpu.memory_space<semaphore_mem>>) src(%dma_wait3A_114 : memref<128x256xf32, #tpu.memory_space<vmem>>) dst(%dma_wait3A_110 : memref<128x256xf32, #tpu.memory_space<hbm>>)
        tpu.yield
      }) : () -> ()
      %add3A_83 = arith.constant 2 : i32
      %add3A_84 = arith.addi %add3A_65, %add3A_83 : i32
      %lt3A_85 = arith.constant 16 : i32
      %lt3A_86 = arith.cmpi slt, %add3A_84, %lt3A_85 : i32
      %convert_element_type3A_87 = arith.extui %lt3A_86 : i1 to i32
      %cond3A_88 = arith.constant 0 : i32
      %cond3A_89 = arith.cmpi ne, %convert_element_type3A_87, %cond3A_88 : i32
      scf.if %cond3A_89 {
        %add3A_90 = arith.constant 2 : i32
        %add3A_91 = arith.addi %add3A_65, %add3A_90 : i32
        %mul3A_92 = arith.constant 128 : i32
        %mul3A_93 = arith.muli %add3A_91, %mul3A_92 : i32
        %add3A_94 = arith.addi %mul3A_2, %mul3A_93 : i32
        %multiple_of3A_95 = tpu.assume_multiple %add3A_94, 128 : i32
        %run_scoped3A_96 = arith.constant 1 : i32
        "tpu.region"() ({
          %run_scoped3A_109 = tpu.sem_alloc : memref<!tpu.dma_semaphore, #tpu.memory_space<semaphore_mem>>
          %dma_start3A_110 = arith.constant 0 : i32
          %dma_start3A_111 = tpu.memref_slice %arg5[%run_scoped3A_96, %dma_start3A_110] : memref<2x128xi32, #tpu.memory_space<vmem>> -> memref<1x128xi32, #tpu.memory_space<vmem>>
          %dma_start3A_112 = tpu.memref_squeeze %dma_start3A_111 : memref<1x128xi32, #tpu.memory_space<vmem>> -> memref<128xi32, #tpu.memory_space<vmem>>
          %dma_start3A_113 = tpu.memref_slice %arg2[%multiple_of3A_95] : memref<65536xi32, #tpu.memory_space<hbm>> -> memref<128xi32, #tpu.memory_space<hbm>>
          %dma_start3A_114 = arith.constant 0 : i32
          %dma_start3A_115 = tpu.memref_slice %arg5[%run_scoped3A_96, %dma_start3A_114] : memref<2x128xi32, #tpu.memory_space<vmem>> -> memref<1x128xi32, #tpu.memory_space<vmem>>
          %dma_start3A_116 = tpu.memref_squeeze %dma_start3A_115 : memref<1x128xi32, #tpu.memory_space<vmem>> -> memref<128xi32, #tpu.memory_space<vmem>>
          %dma_start3A_117 = tpu.memref_slice %arg2[%multiple_of3A_95] : memref<65536xi32, #tpu.memory_space<hbm>> -> memref<128xi32, #tpu.memory_space<hbm>>
          tpu.enqueue_dma source(%dma_start3A_117 : memref<128xi32, #tpu.memory_space<hbm>>) target(%dma_start3A_116 : memref<128xi32, #tpu.memory_space<vmem>>) target_semaphore(%run_scoped3A_109 : memref<!tpu.dma_semaphore, #tpu.memory_space<semaphore_mem>>)
          %dma_wait3A_118 = arith.constant 0 : i32
          %dma_wait3A_119 = tpu.memref_slice %arg5[%run_scoped3A_96, %dma_wait3A_118] : memref<2x128xi32, #tpu.memory_space<vmem>> -> memref<1x128xi32, #tpu.memory_space<vmem>>
          %dma_wait3A_120 = tpu.memref_squeeze %dma_wait3A_119 : memref<1x128xi32, #tpu.memory_space<vmem>> -> memref<128xi32, #tpu.memory_space<vmem>>
          %dma_wait3A_121 = tpu.memref_slice %arg2[%multiple_of3A_95] : memref<65536xi32, #tpu.memory_space<hbm>> -> memref<128xi32, #tpu.memory_space<hbm>>
          %dma_wait3A_122 = arith.constant 0 : i32
          %dma_wait3A_123 = tpu.memref_slice %arg5[%run_scoped3A_96, %dma_wait3A_122] : memref<2x128xi32, #tpu.memory_space<vmem>> -> memref<1x128xi32, #tpu.memory_space<vmem>>
          %dma_wait3A_124 = tpu.memref_squeeze %dma_wait3A_123 : memref<1x128xi32, #tpu.memory_space<vmem>> -> memref<128xi32, #tpu.memory_space<vmem>>
          %dma_wait3A_125 = tpu.memref_slice %arg2[%multiple_of3A_95] : memref<65536xi32, #tpu.memory_space<hbm>> -> memref<128xi32, #tpu.memory_space<hbm>>
          tpu.wait_dma2 semaphore(%run_scoped3A_109 : memref<!tpu.dma_semaphore, #tpu.memory_space<semaphore_mem>>) src(%dma_wait3A_125 : memref<128xi32, #tpu.memory_space<hbm>>) dst(%dma_wait3A_124 : memref<128xi32, #tpu.memory_space<vmem>>)
          tpu.yield
        }) : () -> ()
        %dma_start3A_97 = arith.constant 1 : i32
        %dma_start3A_98 = arith.constant 1 : i32
        %dma_start3A_99 = arith.constant 0 : i32
        %dma_start3A_100 = arith.constant 0 : i32
        %dma_start3A_101 = tpu.memref_slice %arg6[%dma_start3A_98, %dma_start3A_99, %dma_start3A_100] : memref<2x128x256xf32, #tpu.memory_space<vmem>> -> memref<1x128x256xf32, #tpu.memory_space<vmem>>
        %dma_start3A_102 = tpu.memref_squeeze %dma_start3A_101 : memref<1x128x256xf32, #tpu.memory_space<vmem>> -> memref<128x256xf32, #tpu.memory_space<vmem>>
        %dma_start3A_103 = arith.constant 0 : i32
        %dma_start3A_104 = tpu.memref_slice %arg5[%dma_start3A_97, %dma_start3A_103] : memref<2x128xi32, #tpu.memory_space<vmem>> -> memref<1x128xi32, #tpu.memory_space<vmem>>
        %dma_start3A_105 = tpu.memref_squeeze %dma_start3A_104 : memref<1x128xi32, #tpu.memory_space<vmem>> -> memref<128xi32, #tpu.memory_space<vmem>>
        %dma_start3A_106 = arith.constant 0 : i32
        %dma_start3A_107 = arith.constant 0 : i32
        %dma_start3A_108 = tpu.memref_slice %arg3[%dma_start3A_106, %dma_start3A_107] : memref<2048x256xf32, #tpu.memory_space<hbm>> -> memref<2048x256xf32, #tpu.memory_space<hbm>>
        tpu.enqueue_indirect_dma source(%dma_start3A_108 : memref<2048x256xf32, #tpu.memory_space<hbm>>) target(%dma_start3A_102 : memref<128x256xf32, #tpu.memory_space<vmem>>) offsets(%dma_start3A_105 : memref<128xi32, #tpu.memory_space<vmem>>) semaphore(%arg8 : memref<!tpu.dma_semaphore, #tpu.memory_space<semaphore_mem>>)
      } else {
      }
    }
    %scan3A_36 = arith.constant 8 : i32
    return
  }
}

module attributes {stable_mosaic.version = 14 : i64} {
  func.func @_fold_body(%arg0: memref<64x64xf32, #tpu.memory_space<vmem>>, %arg1: memref<64x128xf32, #tpu.memory_space<vmem>>, %arg2: memref<1x128xf32, #tpu.memory_space<vmem>>, %arg3: memref<1x64xf32, #tpu.memory_space<vmem>>, %arg4: memref<64x128xf32, #tpu.memory_space<vmem>>, %arg5: memref<1x128xf32, #tpu.memory_space<vmem>>) attributes {dimension_semantics = [], scalar_prefetch = 0 : i64, scratch_operands = 0 : i64, tpu.core_type = #tpu.core_type<tc>} {
    %get3A = arith.constant 0 : index
    %get3A_0 = arith.constant 0 : index
    %get3A_1 = vector.load %arg1[%get3A, %get3A_0] : memref<64x128xf32, #tpu.memory_space<vmem>>, vector<64x128xf32>
    %get3A_2 = arith.constant 0 : index
    %get3A_3 = arith.constant 0 : index
    %get3A_4 = vector.load %arg0[%get3A_2, %get3A_3] : memref<64x64xf32, #tpu.memory_space<vmem>>, vector<64x64xf32>
    %dot_general3A = arith.constant dense<0.000000e+00> : vector<64x128xf32>
    %dot_general3A_5 = tpu.matmul %get3A_4, %get3A_1, %dot_general3A {dimension_numbers = #tpu.dot_dimension_numbers<[1], [0], [0], [1], [0, 0, 1, 1], [], []>, precision = #tpu.contract_precision<fp32>, transpose_lhs_hint = false} : vector<64x64xf32>, vector<64x128xf32>, vector<64x128xf32> -> vector<64x128xf32>
    %swap3A = arith.constant 0 : index
    %swap3A_6 = arith.constant 0 : index
    %swap3A_7 = vector.load %arg4[%swap3A, %swap3A_6] : memref<64x128xf32, #tpu.memory_space<vmem>>, vector<64x128xf32>
    tpu.vector_store %arg4[%swap3A, %swap3A_6], %dot_general3A_5 {strides = array<i32>} : memref<64x128xf32, #tpu.memory_space<vmem>>, vector<64x128xf32>,
    %get3A_8 = arith.constant 0 : index
    %get3A_9 = arith.constant 0 : index
    %get3A_10 = vector.load %arg2[%get3A_8, %get3A_9] : memref<1x128xf32, #tpu.memory_space<vmem>>, vector<1x128xf32>
    %get3A_11 = arith.constant 0 : index
    %get3A_12 = arith.constant 0 : index
    %get3A_13 = vector.load %arg3[%get3A_11, %get3A_12] : memref<1x64xf32, #tpu.memory_space<vmem>>, vector<1x64xf32>
    %dot_general3A_14 = arith.constant dense<0.000000e+00> : vector<1x128xf32>
    %dot_general3A_15 = tpu.matmul %get3A_13, %get3A_1, %dot_general3A_14 {dimension_numbers = #tpu.dot_dimension_numbers<[1], [0], [0], [1], [0, 0, 1, 1], [], []>, precision = #tpu.contract_precision<fp32>, transpose_lhs_hint = false} : vector<1x64xf32>, vector<64x128xf32>, vector<1x128xf32> -> vector<1x128xf32>
    %add3A = arith.addf %get3A_10, %dot_general3A_15 : vector<1x128xf32>
    %swap3A_16 = arith.constant 0 : index
    %swap3A_17 = arith.constant 0 : index
    %swap3A_18 = vector.load %arg5[%swap3A_16, %swap3A_17] : memref<1x128xf32, #tpu.memory_space<vmem>>, vector<1x128xf32>
    tpu.vector_store %arg5[%swap3A_16, %swap3A_17], %add3A {strides = array<i32>} : memref<1x128xf32, #tpu.memory_space<vmem>>, vector<1x128xf32>,
    return
  }
}

module attributes {stable_mosaic.version = 14 : i64} {
  func.func @_prep_body(%arg0: i32, %arg1: i32, %arg2: memref<256x3xf32, #tpu.memory_space<vmem>>, %arg3: memref<2048x3xf32, #tpu.memory_space<vmem>>, %arg4: memref<3x256xf32, #tpu.memory_space<vmem>>, %arg5: memref<256x128xf32, #tpu.memory_space<vmem>>, %arg6: memref<3x64xf32, #tpu.memory_space<vmem>>, %arg7: memref<128x128xf32, #tpu.memory_space<vmem>>, %arg8: memref<1x128xf32, #tpu.memory_space<vmem>>, %arg9: memref<256x256xf32, #tpu.memory_space<vmem>>, %arg10: memref<1x8x256xi32, #tpu.memory_space<vmem>>, %arg11: memref<2048x256xf32, #tpu.memory_space<vmem>>, %arg12: memref<1x256xf32, #tpu.memory_space<vmem>>) attributes {dimension_semantics = [#tpu.dimension_semantics<arbitrary>, #tpu.dimension_semantics<arbitrary>], iteration_bounds = array<i64: 8, 4>, scalar_prefetch = 0 : i64, scratch_operands = 2 : i64, tpu.core_type = #tpu.core_type<tc>, window_params = [{transform_indices = @transform_0, window_bounds = array<i64: 256, 3>}, {pipeline_mode = #tpu.pipeline_mode<synchronous>, transform_indices = @transform_1, window_bounds = array<i64: 2048, 3>}, {transform_indices = @transform_2, window_bounds = array<i64: 3, 256>}, {transform_indices = @transform_3, window_bounds = array<i64: 256, 128>}, {pipeline_mode = #tpu.pipeline_mode<synchronous>, transform_indices = @transform_4, window_bounds = array<i64: 3, 64>}, {pipeline_mode = #tpu.pipeline_mode<synchronous>, transform_indices = @transform_5, window_bounds = array<i64: 128, 128>}, {pipeline_mode = #tpu.pipeline_mode<synchronous>, transform_indices = @transform_6, window_bounds = array<i64: 1, 128>}, {transform_indices = @transform_7, window_bounds = array<i64: 256, 256>}, {transform_indices = @transform_8, window_bounds = array<i64: 1, 8, 256>}]} {
    %eq3A = arith.constant 0 : i32
    %eq3A_0 = arith.cmpi eq, %arg1, %eq3A : i32
    %convert_element_type3A = arith.extui %eq3A_0 : i1 to i32
    %cond3A = arith.constant 0 : i32
    %cond3A_1 = arith.cmpi ne, %convert_element_type3A, %cond3A : i32
    scf.if %cond3A_1 {
      %get3A_196 = arith.constant 0 : index
      %get3A_197 = arith.constant 0 : index
      %get3A_198 = vector.load %arg2[%get3A_196, %get3A_197] : memref<256x3xf32, #tpu.memory_space<vmem>>, vector<256x3xf32>
      %get3A_199 = arith.constant 0 : index
      %get3A_200 = arith.constant 0 : index
      %get3A_201 = vector.load %arg6[%get3A_199, %get3A_200] : memref<3x64xf32, #tpu.memory_space<vmem>>, vector<3x64xf32>
      %dot_general3A = arith.constant dense<0.000000e+00> : vector<256x64xf32>
      %dot_general3A_202 = tpu.matmul %get3A_198, %get3A_201, %dot_general3A {dimension_numbers = #tpu.dot_dimension_numbers<[1], [0], [0], [1], [0, 0, 1, 1], [], []>, precision = #tpu.contract_precision<fp32>, transpose_lhs_hint = false} : vector<256x3xf32>, vector<3x64xf32>, vector<256x64xf32> -> vector<256x64xf32>
      %swap3A_203 = arith.constant 0 : index
      %swap3A_204 = arith.constant 0 : index
      %swap3A_205 = vector.load %arg9[%swap3A_203, %swap3A_204] : memref<256x256xf32, #tpu.memory_space<vmem>>, vector<256x64xf32>
      tpu.vector_store %arg9[%swap3A_203, %swap3A_204], %dot_general3A_202 {strides = array<i32>} : memref<256x256xf32, #tpu.memory_space<vmem>>, vector<256x64xf32>,
      %broadcast_in_dim3A_206 = arith.constant 0.000000e+00 : f32
      %broadcast_in_dim3A_207 = vector.broadcast %broadcast_in_dim3A_206 : f32 to vector<256x64xf32>
      %swap3A_208 = arith.constant 0 : index
      %swap3A_209 = arith.constant 64 : index
      %swap3A_210 = vector.load %arg9[%swap3A_208, %swap3A_209] : memref<256x256xf32, #tpu.memory_space<vmem>>, vector<256x64xf32>
      tpu.vector_store %arg9[%swap3A_208, %swap3A_209], %broadcast_in_dim3A_207 {strides = array<i32>} : memref<256x256xf32, #tpu.memory_space<vmem>>, vector<256x64xf32>,
      %get3A_211 = arith.constant 0 : index
      %get3A_212 = arith.constant 0 : index
      %get3A_213 = vector.load %arg5[%get3A_211, %get3A_212] : memref<256x128xf32, #tpu.memory_space<vmem>>, vector<256x128xf32>
      %get3A_214 = arith.constant 0 : index
      %get3A_215 = arith.constant 0 : index
      %get3A_216 = vector.load %arg7[%get3A_214, %get3A_215] : memref<128x128xf32, #tpu.memory_space<vmem>>, vector<128x128xf32>
      %dot_general3A_217 = arith.constant dense<0.000000e+00> : vector<256x128xf32>
      %dot_general3A_218 = tpu.matmul %get3A_213, %get3A_216, %dot_general3A_217 {dimension_numbers = #tpu.dot_dimension_numbers<[1], [0], [0], [1], [0, 0, 1, 1], [], []>, precision = #tpu.contract_precision<fp32>, transpose_lhs_hint = false} : vector<256x128xf32>, vector<128x128xf32>, vector<256x128xf32> -> vector<256x128xf32>
      %get3A_219 = arith.constant 0 : index
      %get3A_220 = arith.constant 0 : index
      %get3A_221 = vector.load %arg8[%get3A_219, %get3A_220] : memref<1x128xf32, #tpu.memory_space<vmem>>, vector<1x128xf32>
      %add3A = vector.broadcast %get3A_221 : vector<1x128xf32> to vector<256x128xf32>
      %add3A_222 = arith.addf %dot_general3A_218, %add3A : vector<256x128xf32>
      %swap3A_223 = arith.constant 0 : index
      %swap3A_224 = arith.constant 128 : index
      %swap3A_225 = vector.load %arg9[%swap3A_223, %swap3A_224] : memref<256x256xf32, #tpu.memory_space<vmem>>, vector<256x128xf32>
      tpu.vector_store %arg9[%swap3A_223, %swap3A_224], %add3A_222 {strides = array<i32>} : memref<256x256xf32, #tpu.memory_space<vmem>>, vector<256x128xf32>,
      %get3A_226 = arith.constant 0 : index
      %get3A_227 = arith.constant 0 : index
      %get3A_228 = vector.load %arg3[%get3A_226, %get3A_227] : memref<2048x3xf32, #tpu.memory_space<vmem>>, vector<2048x3xf32>
      %mul3A = arith.mulf %get3A_228, %get3A_228 : vector<2048x3xf32>
      %reduce_sum3A = arith.constant dense<0.000000e+00> : vector<2048xf32>
      %reduce_sum3A_229 = vector.multi_reduction <add>, %mul3A, %reduce_sum3A [1] : vector<2048x3xf32> to vector<2048xf32>
      %broadcast_in_dim3A_230 = vector.shape_cast %reduce_sum3A_229 : vector<2048xf32> to vector<2048x1xf32>
      %get3A_231 = arith.constant 0 : index
      %get3A_232 = arith.constant 0 : index
      %get3A_233 = vector.load %arg4[%get3A_231, %get3A_232] : memref<3x256xf32, #tpu.memory_space<vmem>>, vector<3x256xf32>
      %dot_general3A_234 = arith.constant dense<0.000000e+00> : vector<2048x256xf32>
      %dot_general3A_235 = tpu.matmul %get3A_228, %get3A_233, %dot_general3A_234 {dimension_numbers = #tpu.dot_dimension_numbers<[1], [0], [0], [1], [0, 0, 1, 1], [], []>, precision = #tpu.contract_precision<fp32>, transpose_lhs_hint = false} : vector<2048x3xf32>, vector<3x256xf32>, vector<2048x256xf32> -> vector<2048x256xf32>
      %mul3A_236 = arith.constant 2.000000e+00 : f32
      %mul3A_237 = vector.broadcast %mul3A_236 : f32 to vector<2048x256xf32>
      %mul3A_238 = arith.mulf %mul3A_237, %dot_general3A_235 : vector<2048x256xf32>
      %sub3A = vector.broadcast %broadcast_in_dim3A_230 : vector<2048x1xf32> to vector<2048x256xf32>
      %sub3A_239 = arith.subf %sub3A, %mul3A_238 : vector<2048x256xf32>
      %swap3A_240 = arith.constant 0 : index
      %swap3A_241 = arith.constant 0 : index
      %swap3A_242 = vector.load %arg11[%swap3A_240, %swap3A_241] : memref<2048x256xf32, #tpu.memory_space<vmem>>, vector<2048x256xf32>
      tpu.vector_store %arg11[%swap3A_240, %swap3A_241], %sub3A_239 {strides = array<i32>} : memref<2048x256xf32, #tpu.memory_space<vmem>>, vector<2048x256xf32>,
      %reduce_min3A_243 = arith.constant dense<0x7F800000> : vector<256xf32>
      %reduce_min3A_244 = vector.multi_reduction <minimumf>, %sub3A_239, %reduce_min3A_243 [0] : vector<2048x256xf32> to vector<256xf32>
      %broadcast_in_dim3A_245 = vector.shape_cast %reduce_min3A_244 : vector<256xf32> to vector<1x256xf32>
      %swap3A_246 = arith.constant 0 : index
      %swap3A_247 = arith.constant 0 : index
      %swap3A_248 = vector.load %arg12[%swap3A_246, %swap3A_247] : memref<1x256xf32, #tpu.memory_space<vmem>>, vector<1x256xf32>
      tpu.vector_store %arg12[%swap3A_246, %swap3A_247], %broadcast_in_dim3A_245 {strides = array<i32>} : memref<1x256xf32, #tpu.memory_space<vmem>>, vector<1x256xf32>,
    } else {
    }
    %get3A = arith.constant 0 : index
    %get3A_2 = arith.constant 0 : index
    %get3A_3 = vector.load %arg11[%get3A, %get3A_2] : memref<2048x256xf32, #tpu.memory_space<vmem>>, vector<2048x256xf32>
    %iota3A = tpu.iota {dimensions = array<i32: 0>} : vector<2048x256xi32>
    %convert_element_type3A_4 = arith.sitofp %iota3A : vector<2048x256xi32> to vector<2048x256xf32>
    %get3A_5 = arith.constant 0 : index
    %get3A_6 = arith.constant 0 : index
    %get3A_7 = vector.load %arg12[%get3A_5, %get3A_6] : memref<1x256xf32, #tpu.memory_space<vmem>>, vector<1x256xf32>
    %eq3A_8 = vector.broadcast %get3A_7 : vector<1x256xf32> to vector<2048x256xf32>
    %eq3A_9 = arith.cmpf oeq, %get3A_3, %eq3A_8 : vector<2048x256xf32>
    %jit3A = arith.constant 3.000000e+38 : f32
    %broadcast_in_dim3A = vector.broadcast %jit3A : f32 to vector<2048x256xf32>
    %select_n3A = arith.select %eq3A_9, %convert_element_type3A_4, %broadcast_in_dim3A : vector<2048x256xi1>, vector<2048x256xf32>
    %reduce_min3A = arith.constant dense<0x7F800000> : vector<256xf32>
    %reduce_min3A_10 = vector.multi_reduction <minimumf>, %select_n3A, %reduce_min3A [0] : vector<2048x256xf32> to vector<256xf32>
    %broadcast_in_dim3A_11 = vector.shape_cast %reduce_min3A_10 : vector<256xf32> to vector<1x256xf32>
    %reshape3A = vector.shape_cast %broadcast_in_dim3A_11 : vector<1x256xf32> to vector<256xf32>
    %convert_element_type3A_12 = arith.fptosi %reshape3A : vector<256xf32> to vector<256xi32>
    %swap3A = arith.constant 0 : index
    %swap3A_13 = arith.constant 0 : index
    %swap3A_14 = arith.constant 0 : index
    %swap3A_15 = vector.load %arg10[%swap3A, %swap3A_13, %swap3A_14] : memref<1x8x256xi32, #tpu.memory_space<vmem>>, vector<1x1x256xi32>
    %swap3A_16 = vector.shape_cast %swap3A_15 : vector<1x1x256xi32> to vector<256xi32>
    %swap3A_17 = vector.shape_cast %convert_element_type3A_12 : vector<256xi32> to vector<1x1x256xi32>
    tpu.vector_store %arg10[%swap3A, %swap3A_13, %swap3A_14], %swap3A_17 {strides = array<i32>} : memref<1x8x256xi32, #tpu.memory_space<vmem>>, vector<1x1x256xi32>,
    %gt3A = vector.broadcast %get3A_7 : vector<1x256xf32> to vector<2048x256xf32>
    %gt3A_18 = arith.cmpf ogt, %get3A_3, %gt3A : vector<2048x256xf32>
    %jit3A_19 = arith.constant 3.000000e+38 : f32
    %broadcast_in_dim3A_20 = vector.broadcast %jit3A_19 : f32 to vector<2048x256xf32>
    %select_n3A_21 = arith.select %gt3A_18, %get3A_3, %broadcast_in_dim3A_20 : vector<2048x256xi1>, vector<2048x256xf32>
    %reduce_min3A_22 = arith.constant dense<0x7F800000> : vector<256xf32>
    %reduce_min3A_23 = vector.multi_reduction <minimumf>, %select_n3A_21, %reduce_min3A_22 [0] : vector<2048x256xf32> to vector<256xf32>
    %broadcast_in_dim3A_24 = vector.shape_cast %reduce_min3A_23 : vector<256xf32> to vector<1x256xf32>
    %eq3A_25 = vector.broadcast %broadcast_in_dim3A_24 : vector<1x256xf32> to vector<2048x256xf32>
    %eq3A_26 = arith.cmpf oeq, %get3A_3, %eq3A_25 : vector<2048x256xf32>
    %jit3A_27 = arith.constant 3.000000e+38 : f32
    %broadcast_in_dim3A_28 = vector.broadcast %jit3A_27 : f32 to vector<2048x256xf32>
    %select_n3A_29 = arith.select %eq3A_26, %convert_element_type3A_4, %broadcast_in_dim3A_28 : vector<2048x256xi1>, vector<2048x256xf32>
    %reduce_min3A_30 = arith.constant dense<0x7F800000> : vector<256xf32>
    %reduce_min3A_31 = vector.multi_reduction <minimumf>, %select_n3A_29, %reduce_min3A_30 [0] : vector<2048x256xf32> to vector<256xf32>
    %broadcast_in_dim3A_32 = vector.shape_cast %reduce_min3A_31 : vector<256xf32> to vector<1x256xf32>
    %reshape3A_33 = vector.shape_cast %broadcast_in_dim3A_32 : vector<1x256xf32> to vector<256xf32>
    %convert_element_type3A_34 = arith.fptosi %reshape3A_33 : vector<256xf32> to vector<256xi32>
    %swap3A_35 = arith.constant 0 : index
    %swap3A_36 = arith.constant 1 : index
    %swap3A_37 = arith.constant 0 : index
    %swap3A_38 = vector.load %arg10[%swap3A_35, %swap3A_36, %swap3A_37] : memref<1x8x256xi32, #tpu.memory_space<vmem>>, vector<1x1x256xi32>
    %swap3A_39 = vector.shape_cast %swap3A_38 : vector<1x1x256xi32> to vector<256xi32>
    %swap3A_40 = vector.shape_cast %convert_element_type3A_34 : vector<256xi32> to vector<1x1x256xi32>
    tpu.vector_store %arg10[%swap3A_35, %swap3A_36, %swap3A_37], %swap3A_40 {strides = array<i32>} : memref<1x8x256xi32, #tpu.memory_space<vmem>>, vector<1x1x256xi32>,
    %gt3A_41 = vector.broadcast %broadcast_in_dim3A_24 : vector<1x256xf32> to vector<2048x256xf32>
    %gt3A_42 = arith.cmpf ogt, %get3A_3, %gt3A_41 : vector<2048x256xf32>
    %jit3A_43 = arith.constant 3.000000e+38 : f32
    %broadcast_in_dim3A_44 = vector.broadcast %jit3A_43 : f32 to vector<2048x256xf32>
    %select_n3A_45 = arith.select %gt3A_42, %get3A_3, %broadcast_in_dim3A_44 : vector<2048x256xi1>, vector<2048x256xf32>
    %reduce_min3A_46 = arith.constant dense<0x7F800000> : vector<256xf32>
    %reduce_min3A_47 = vector.multi_reduction <minimumf>, %select_n3A_45, %reduce_min3A_46 [0] : vector<2048x256xf32> to vector<256xf32>
    %broadcast_in_dim3A_48 = vector.shape_cast %reduce_min3A_47 : vector<256xf32> to vector<1x256xf32>
    %eq3A_49 = vector.broadcast %broadcast_in_dim3A_48 : vector<1x256xf32> to vector<2048x256xf32>
    %eq3A_50 = arith.cmpf oeq, %get3A_3, %eq3A_49 : vector<2048x256xf32>
    %jit3A_51 = arith.constant 3.000000e+38 : f32
    %broadcast_in_dim3A_52 = vector.broadcast %jit3A_51 : f32 to vector<2048x256xf32>
    %select_n3A_53 = arith.select %eq3A_50, %convert_element_type3A_4, %broadcast_in_dim3A_52 : vector<2048x256xi1>, vector<2048x256xf32>
    %reduce_min3A_54 = arith.constant dense<0x7F800000> : vector<256xf32>
    %reduce_min3A_55 = vector.multi_reduction <minimumf>, %select_n3A_53, %reduce_min3A_54 [0] : vector<2048x256xf32> to vector<256xf32>
    %broadcast_in_dim3A_56 = vector.shape_cast %reduce_min3A_55 : vector<256xf32> to vector<1x256xf32>
    %reshape3A_57 = vector.shape_cast %broadcast_in_dim3A_56 : vector<1x256xf32> to vector<256xf32>
    %convert_element_type3A_58 = arith.fptosi %reshape3A_57 : vector<256xf32> to vector<256xi32>
    %swap3A_59 = arith.constant 0 : index
    %swap3A_60 = arith.constant 2 : index
    %swap3A_61 = arith.constant 0 : index
    %swap3A_62 = vector.load %arg10[%swap3A_59, %swap3A_60, %swap3A_61] : memref<1x8x256xi32, #tpu.memory_space<vmem>>, vector<1x1x256xi32>
    %swap3A_63 = vector.shape_cast %swap3A_62 : vector<1x1x256xi32> to vector<256xi32>
    %swap3A_64 = vector.shape_cast %convert_element_type3A_58 : vector<256xi32> to vector<1x1x256xi32>
    tpu.vector_store %arg10[%swap3A_59, %swap3A_60, %swap3A_61], %swap3A_64 {strides = array<i32>} : memref<1x8x256xi32, #tpu.memory_space<vmem>>, vector<1x1x256xi32>,
    %gt3A_65 = vector.broadcast %broadcast_in_dim3A_48 : vector<1x256xf32> to vector<2048x256xf32>
    %gt3A_66 = arith.cmpf ogt, %get3A_3, %gt3A_65 : vector<2048x256xf32>
    %jit3A_67 = arith.constant 3.000000e+38 : f32
    %broadcast_in_dim3A_68 = vector.broadcast %jit3A_67 : f32 to vector<2048x256xf32>
    %select_n3A_69 = arith.select %gt3A_66, %get3A_3, %broadcast_in_dim3A_68 : vector<2048x256xi1>, vector<2048x256xf32>
    %reduce_min3A_70 = arith.constant dense<0x7F800000> : vector<256xf32>
    %reduce_min3A_71 = vector.multi_reduction <minimumf>, %select_n3A_69, %reduce_min3A_70 [0] : vector<2048x256xf32> to vector<256xf32>
    %broadcast_in_dim3A_72 = vector.shape_cast %reduce_min3A_71 : vector<256xf32> to vector<1x256xf32>
    %eq3A_73 = vector.broadcast %broadcast_in_dim3A_72 : vector<1x256xf32> to vector<2048x256xf32>
    %eq3A_74 = arith.cmpf oeq, %get3A_3, %eq3A_73 : vector<2048x256xf32>
    %jit3A_75 = arith.constant 3.000000e+38 : f32
    %broadcast_in_dim3A_76 = vector.broadcast %jit3A_75 : f32 to vector<2048x256xf32>
    %select_n3A_77 = arith.select %eq3A_74, %convert_element_type3A_4, %broadcast_in_dim3A_76 : vector<2048x256xi1>, vector<2048x256xf32>
    %reduce_min3A_78 = arith.constant dense<0x7F800000> : vector<256xf32>
    %reduce_min3A_79 = vector.multi_reduction <minimumf>, %select_n3A_77, %reduce_min3A_78 [0] : vector<2048x256xf32> to vector<256xf32>
    %broadcast_in_dim3A_80 = vector.shape_cast %reduce_min3A_79 : vector<256xf32> to vector<1x256xf32>
    %reshape3A_81 = vector.shape_cast %broadcast_in_dim3A_80 : vector<1x256xf32> to vector<256xf32>
    %convert_element_type3A_82 = arith.fptosi %reshape3A_81 : vector<256xf32> to vector<256xi32>
    %swap3A_83 = arith.constant 0 : index
    %swap3A_84 = arith.constant 3 : index
    %swap3A_85 = arith.constant 0 : index
    %swap3A_86 = vector.load %arg10[%swap3A_83, %swap3A_84, %swap3A_85] : memref<1x8x256xi32, #tpu.memory_space<vmem>>, vector<1x1x256xi32>
    %swap3A_87 = vector.shape_cast %swap3A_86 : vector<1x1x256xi32> to vector<256xi32>
    %swap3A_88 = vector.shape_cast %convert_element_type3A_82 : vector<256xi32> to vector<1x1x256xi32>
    tpu.vector_store %arg10[%swap3A_83, %swap3A_84, %swap3A_85], %swap3A_88 {strides = array<i32>} : memref<1x8x256xi32, #tpu.memory_space<vmem>>, vector<1x1x256xi32>,
    %gt3A_89 = vector.broadcast %broadcast_in_dim3A_72 : vector<1x256xf32> to vector<2048x256xf32>
    %gt3A_90 = arith.cmpf ogt, %get3A_3, %gt3A_89 : vector<2048x256xf32>
    %jit3A_91 = arith.constant 3.000000e+38 : f32
    %broadcast_in_dim3A_92 = vector.broadcast %jit3A_91 : f32 to vector<2048x256xf32>
    %select_n3A_93 = arith.select %gt3A_90, %get3A_3, %broadcast_in_dim3A_92 : vector<2048x256xi1>, vector<2048x256xf32>
    %reduce_min3A_94 = arith.constant dense<0x7F800000> : vector<256xf32>
    %reduce_min3A_95 = vector.multi_reduction <minimumf>, %select_n3A_93, %reduce_min3A_94 [0] : vector<2048x256xf32> to vector<256xf32>
    %broadcast_in_dim3A_96 = vector.shape_cast %reduce_min3A_95 : vector<256xf32> to vector<1x256xf32>
    %eq3A_97 = vector.broadcast %broadcast_in_dim3A_96 : vector<1x256xf32> to vector<2048x256xf32>
    %eq3A_98 = arith.cmpf oeq, %get3A_3, %eq3A_97 : vector<2048x256xf32>
    %jit3A_99 = arith.constant 3.000000e+38 : f32
    %broadcast_in_dim3A_100 = vector.broadcast %jit3A_99 : f32 to vector<2048x256xf32>
    %select_n3A_101 = arith.select %eq3A_98, %convert_element_type3A_4, %broadcast_in_dim3A_100 : vector<2048x256xi1>, vector<2048x256xf32>
    %reduce_min3A_102 = arith.constant dense<0x7F800000> : vector<256xf32>
    %reduce_min3A_103 = vector.multi_reduction <minimumf>, %select_n3A_101, %reduce_min3A_102 [0] : vector<2048x256xf32> to vector<256xf32>
    %broadcast_in_dim3A_104 = vector.shape_cast %reduce_min3A_103 : vector<256xf32> to vector<1x256xf32>
    %reshape3A_105 = vector.shape_cast %broadcast_in_dim3A_104 : vector<1x256xf32> to vector<256xf32>
    %convert_element_type3A_106 = arith.fptosi %reshape3A_105 : vector<256xf32> to vector<256xi32>
    %swap3A_107 = arith.constant 0 : index
    %swap3A_108 = arith.constant 4 : index
    %swap3A_109 = arith.constant 0 : index
    %swap3A_110 = vector.load %arg10[%swap3A_107, %swap3A_108, %swap3A_109] : memref<1x8x256xi32, #tpu.memory_space<vmem>>, vector<1x1x256xi32>
    %swap3A_111 = vector.shape_cast %swap3A_110 : vector<1x1x256xi32> to vector<256xi32>
    %swap3A_112 = vector.shape_cast %convert_element_type3A_106 : vector<256xi32> to vector<1x1x256xi32>
    tpu.vector_store %arg10[%swap3A_107, %swap3A_108, %swap3A_109], %swap3A_112 {strides = array<i32>} : memref<1x8x256xi32, #tpu.memory_space<vmem>>, vector<1x1x256xi32>,
    %gt3A_113 = vector.broadcast %broadcast_in_dim3A_96 : vector<1x256xf32> to vector<2048x256xf32>
    %gt3A_114 = arith.cmpf ogt, %get3A_3, %gt3A_113 : vector<2048x256xf32>
    %jit3A_115 = arith.constant 3.000000e+38 : f32
    %broadcast_in_dim3A_116 = vector.broadcast %jit3A_115 : f32 to vector<2048x256xf32>
    %select_n3A_117 = arith.select %gt3A_114, %get3A_3, %broadcast_in_dim3A_116 : vector<2048x256xi1>, vector<2048x256xf32>
    %reduce_min3A_118 = arith.constant dense<0x7F800000> : vector<256xf32>
    %reduce_min3A_119 = vector.multi_reduction <minimumf>, %select_n3A_117, %reduce_min3A_118 [0] : vector<2048x256xf32> to vector<256xf32>
    %broadcast_in_dim3A_120 = vector.shape_cast %reduce_min3A_119 : vector<256xf32> to vector<1x256xf32>
    %eq3A_121 = vector.broadcast %broadcast_in_dim3A_120 : vector<1x256xf32> to vector<2048x256xf32>
    %eq3A_122 = arith.cmpf oeq, %get3A_3, %eq3A_121 : vector<2048x256xf32>
    %jit3A_123 = arith.constant 3.000000e+38 : f32
    %broadcast_in_dim3A_124 = vector.broadcast %jit3A_123 : f32 to vector<2048x256xf32>
    %select_n3A_125 = arith.select %eq3A_122, %convert_element_type3A_4, %broadcast_in_dim3A_124 : vector<2048x256xi1>, vector<2048x256xf32>
    %reduce_min3A_126 = arith.constant dense<0x7F800000> : vector<256xf32>
    %reduce_min3A_127 = vector.multi_reduction <minimumf>, %select_n3A_125, %reduce_min3A_126 [0] : vector<2048x256xf32> to vector<256xf32>
    %broadcast_in_dim3A_128 = vector.shape_cast %reduce_min3A_127 : vector<256xf32> to vector<1x256xf32>
    %reshape3A_129 = vector.shape_cast %broadcast_in_dim3A_128 : vector<1x256xf32> to vector<256xf32>
    %convert_element_type3A_130 = arith.fptosi %reshape3A_129 : vector<256xf32> to vector<256xi32>
    %swap3A_131 = arith.constant 0 : index
    %swap3A_132 = arith.constant 5 : index
    %swap3A_133 = arith.constant 0 : index
    %swap3A_134 = vector.load %arg10[%swap3A_131, %swap3A_132, %swap3A_133] : memref<1x8x256xi32, #tpu.memory_space<vmem>>, vector<1x1x256xi32>
    %swap3A_135 = vector.shape_cast %swap3A_134 : vector<1x1x256xi32> to vector<256xi32>
    %swap3A_136 = vector.shape_cast %convert_element_type3A_130 : vector<256xi32> to vector<1x1x256xi32>
    tpu.vector_store %arg10[%swap3A_131, %swap3A_132, %swap3A_133], %swap3A_136 {strides = array<i32>} : memref<1x8x256xi32, #tpu.memory_space<vmem>>, vector<1x1x256xi32>,
    %gt3A_137 = vector.broadcast %broadcast_in_dim3A_120 : vector<1x256xf32> to vector<2048x256xf32>
    %gt3A_138 = arith.cmpf ogt, %get3A_3, %gt3A_137 : vector<2048x256xf32>
    %jit3A_139 = arith.constant 3.000000e+38 : f32
    %broadcast_in_dim3A_140 = vector.broadcast %jit3A_139 : f32 to vector<2048x256xf32>
    %select_n3A_141 = arith.select %gt3A_138, %get3A_3, %broadcast_in_dim3A_140 : vector<2048x256xi1>, vector<2048x256xf32>
    %reduce_min3A_142 = arith.constant dense<0x7F800000> : vector<256xf32>
    %reduce_min3A_143 = vector.multi_reduction <minimumf>, %select_n3A_141, %reduce_min3A_142 [0] : vector<2048x256xf32> to vector<256xf32>
    %broadcast_in_dim3A_144 = vector.shape_cast %reduce_min3A_143 : vector<256xf32> to vector<1x256xf32>
    %eq3A_145 = vector.broadcast %broadcast_in_dim3A_144 : vector<1x256xf32> to vector<2048x256xf32>
    %eq3A_146 = arith.cmpf oeq, %get3A_3, %eq3A_145 : vector<2048x256xf32>
    %jit3A_147 = arith.constant 3.000000e+38 : f32
    %broadcast_in_dim3A_148 = vector.broadcast %jit3A_147 : f32 to vector<2048x256xf32>
    %select_n3A_149 = arith.select %eq3A_146, %convert_element_type3A_4, %broadcast_in_dim3A_148 : vector<2048x256xi1>, vector<2048x256xf32>
    %reduce_min3A_150 = arith.constant dense<0x7F800000> : vector<256xf32>
    %reduce_min3A_151 = vector.multi_reduction <minimumf>, %select_n3A_149, %reduce_min3A_150 [0] : vector<2048x256xf32> to vector<256xf32>
    %broadcast_in_dim3A_152 = vector.shape_cast %reduce_min3A_151 : vector<256xf32> to vector<1x256xf32>
    %reshape3A_153 = vector.shape_cast %broadcast_in_dim3A_152 : vector<1x256xf32> to vector<256xf32>
    %convert_element_type3A_154 = arith.fptosi %reshape3A_153 : vector<256xf32> to vector<256xi32>
    %swap3A_155 = arith.constant 0 : index
    %swap3A_156 = arith.constant 6 : index
    %swap3A_157 = arith.constant 0 : index
    %swap3A_158 = vector.load %arg10[%swap3A_155, %swap3A_156, %swap3A_157] : memref<1x8x256xi32, #tpu.memory_space<vmem>>, vector<1x1x256xi32>
    %swap3A_159 = vector.shape_cast %swap3A_158 : vector<1x1x256xi32> to vector<256xi32>
    %swap3A_160 = vector.shape_cast %convert_element_type3A_154 : vector<256xi32> to vector<1x1x256xi32>
    tpu.vector_store %arg10[%swap3A_155, %swap3A_156, %swap3A_157], %swap3A_160 {strides = array<i32>} : memref<1x8x256xi32, #tpu.memory_space<vmem>>, vector<1x1x256xi32>,
    %gt3A_161 = vector.broadcast %broadcast_in_dim3A_144 : vector<1x256xf32> to vector<2048x256xf32>
    %gt3A_162 = arith.cmpf ogt, %get3A_3, %gt3A_161 : vector<2048x256xf32>
    %jit3A_163 = arith.constant 3.000000e+38 : f32
    %broadcast_in_dim3A_164 = vector.broadcast %jit3A_163 : f32 to vector<2048x256xf32>
    %select_n3A_165 = arith.select %gt3A_162, %get3A_3, %broadcast_in_dim3A_164 : vector<2048x256xi1>, vector<2048x256xf32>
    %reduce_min3A_166 = arith.constant dense<0x7F800000> : vector<256xf32>
    %reduce_min3A_167 = vector.multi_reduction <minimumf>, %select_n3A_165, %reduce_min3A_166 [0] : vector<2048x256xf32> to vector<256xf32>
    %broadcast_in_dim3A_168 = vector.shape_cast %reduce_min3A_167 : vector<256xf32> to vector<1x256xf32>
    %eq3A_169 = vector.broadcast %broadcast_in_dim3A_168 : vector<1x256xf32> to vector<2048x256xf32>
    %eq3A_170 = arith.cmpf oeq, %get3A_3, %eq3A_169 : vector<2048x256xf32>
    %jit3A_171 = arith.constant 3.000000e+38 : f32
    %broadcast_in_dim3A_172 = vector.broadcast %jit3A_171 : f32 to vector<2048x256xf32>
    %select_n3A_173 = arith.select %eq3A_170, %convert_element_type3A_4, %broadcast_in_dim3A_172 : vector<2048x256xi1>, vector<2048x256xf32>
    %reduce_min3A_174 = arith.constant dense<0x7F800000> : vector<256xf32>
    %reduce_min3A_175 = vector.multi_reduction <minimumf>, %select_n3A_173, %reduce_min3A_174 [0] : vector<2048x256xf32> to vector<256xf32>
    %broadcast_in_dim3A_176 = vector.shape_cast %reduce_min3A_175 : vector<256xf32> to vector<1x256xf32>
    %reshape3A_177 = vector.shape_cast %broadcast_in_dim3A_176 : vector<1x256xf32> to vector<256xf32>
    %convert_element_type3A_178 = arith.fptosi %reshape3A_177 : vector<256xf32> to vector<256xi32>
    %swap3A_179 = arith.constant 0 : index
    %swap3A_180 = arith.constant 7 : index
    %swap3A_181 = arith.constant 0 : index
    %swap3A_182 = vector.load %arg10[%swap3A_179, %swap3A_180, %swap3A_181] : memref<1x8x256xi32, #tpu.memory_space<vmem>>, vector<1x1x256xi32>
    %swap3A_183 = vector.shape_cast %swap3A_182 : vector<1x1x256xi32> to vector<256xi32>
    %swap3A_184 = vector.shape_cast %convert_element_type3A_178 : vector<256xi32> to vector<1x1x256xi32>
    tpu.vector_store %arg10[%swap3A_179, %swap3A_180, %swap3A_181], %swap3A_184 {strides = array<i32>} : memref<1x8x256xi32, #tpu.memory_space<vmem>>, vector<1x1x256xi32>,
    %gt3A_185 = vector.broadcast %broadcast_in_dim3A_168 : vector<1x256xf32> to vector<2048x256xf32>
    %gt3A_186 = arith.cmpf ogt, %get3A_3, %gt3A_185 : vector<2048x256xf32>
    %jit3A_187 = arith.constant 3.000000e+38 : f32
    %broadcast_in_dim3A_188 = vector.broadcast %jit3A_187 : f32 to vector<2048x256xf32>
    %select_n3A_189 = arith.select %gt3A_186, %get3A_3, %broadcast_in_dim3A_188 : vector<2048x256xi1>, vector<2048x256xf32>
    %reduce_min3A_190 = arith.constant dense<0x7F800000> : vector<256xf32>
    %reduce_min3A_191 = vector.multi_reduction <minimumf>, %select_n3A_189, %reduce_min3A_190 [0] : vector<2048x256xf32> to vector<256xf32>
    %broadcast_in_dim3A_192 = vector.shape_cast %reduce_min3A_191 : vector<256xf32> to vector<1x256xf32>
    %swap3A_193 = arith.constant 0 : index
    %swap3A_194 = arith.constant 0 : index
    %swap3A_195 = vector.load %arg12[%swap3A_193, %swap3A_194] : memref<1x256xf32, #tpu.memory_space<vmem>>, vector<1x256xf32>
    tpu.vector_store %arg12[%swap3A_193, %swap3A_194], %broadcast_in_dim3A_192 {strides = array<i32>} : memref<1x256xf32, #tpu.memory_space<vmem>>, vector<1x256xf32>,
    return
  }
  func.func @transform_0(%arg0: i32, %arg1: i32) -> (i32, i32) {
    %c0_i32 = arith.constant 0 : i32
    %c0_i32_0 = arith.constant 0 : i32
    return %arg0, %c0_i32 : i32, i32
  }
  func.func @transform_1(%arg0: i32, %arg1: i32) -> (i32, i32) {
    %c0_i32 = arith.constant 0 : i32
    %c0_i32_0 = arith.constant 0 : i32
    %c0_i32_1 = arith.constant 0 : i32
    return %c0_i32, %c0_i32_0 : i32, i32
  }
  func.func @transform_2(%arg0: i32, %arg1: i32) -> (i32, i32) {
    %c0_i32 = arith.constant 0 : i32
    %c0_i32_0 = arith.constant 0 : i32
    return %c0_i32, %arg0 : i32, i32
  }
  func.func @transform_3(%arg0: i32, %arg1: i32) -> (i32, i32) {
    %c0_i32 = arith.constant 0 : i32
    %c0_i32_0 = arith.constant 0 : i32
    return %arg0, %c0_i32 : i32, i32
  }
  func.func @transform_4(%arg0: i32, %arg1: i32) -> (i32, i32) {
    %c0_i32 = arith.constant 0 : i32
    %c0_i32_0 = arith.constant 0 : i32
    %c0_i32_1 = arith.constant 0 : i32
    return %c0_i32, %c0_i32_0 : i32, i32
  }
  func.func @transform_5(%arg0: i32, %arg1: i32) -> (i32, i32) {
    %c0_i32 = arith.constant 0 : i32
    %c0_i32_0 = arith.constant 0 : i32
    %c0_i32_1 = arith.constant 0 : i32
    return %c0_i32, %c0_i32_0 : i32, i32
  }
  func.func @transform_6(%arg0: i32, %arg1: i32) -> (i32, i32) {
    %c0_i32 = arith.constant 0 : i32
    %c0_i32_0 = arith.constant 0 : i32
    %c0_i32_1 = arith.constant 0 : i32
    return %c0_i32, %c0_i32_0 : i32, i32
  }
  func.func @transform_7(%arg0: i32, %arg1: i32) -> (i32, i32) {
    %c0_i32 = arith.constant 0 : i32
    %c0_i32_0 = arith.constant 0 : i32
    return %arg0, %c0_i32 : i32, i32
  }
  func.func @transform_8(%arg0: i32, %arg1: i32) -> (i32, i32, i32) {
    %c0_i32 = arith.constant 0 : i32
    %c0_i32_0 = arith.constant 0 : i32
    return %arg1, %c0_i32, %arg0 : i32, i32, i32
  }
}

module attributes {stable_mosaic.version = 14 : i64} {
  func.func @_agg_body(%arg0: i32, %arg1: memref<32x128x256xf32, #tpu.memory_space<vmem>>, %arg2: memref<128x256xf32, #tpu.memory_space<vmem>>, %arg3: memref<64x128xf32, #tpu.memory_space<vmem>>, %arg4: memref<1x64xf32, #tpu.memory_space<vmem>>, %arg5: memref<128x128xf32, #tpu.memory_space<vmem>>, %arg6: memref<1x128xf32, #tpu.memory_space<vmem>>, %arg7: memref<128x128xf32, #tpu.memory_space<vmem>>) attributes {dimension_semantics = [#tpu.dimension_semantics<arbitrary>], iteration_bounds = array<i64: 16>, scalar_prefetch = 0 : i64, scratch_operands = 0 : i64, tpu.core_type = #tpu.core_type<tc>, window_params = [{transform_indices = @transform_0, window_bounds = array<i64: 32, 128, 256>}, {transform_indices = @transform_1, window_bounds = array<i64: 128, 256>}, {pipeline_mode = #tpu.pipeline_mode<synchronous>, transform_indices = @transform_2, window_bounds = array<i64: 64, 128>}, {pipeline_mode = #tpu.pipeline_mode<synchronous>, transform_indices = @transform_3, window_bounds = array<i64: 1, 64>}, {pipeline_mode = #tpu.pipeline_mode<synchronous>, transform_indices = @transform_4, window_bounds = array<i64: 128, 128>}, {pipeline_mode = #tpu.pipeline_mode<synchronous>, transform_indices = @transform_5, window_bounds = array<i64: 1, 128>}, {transform_indices = @transform_6, window_bounds = array<i64: 128, 128>}]} {
    %get3A = arith.constant 0 : index
    %get3A_0 = arith.constant 0 : index
    %get3A_1 = arith.constant 0 : index
    %get3A_2 = vector.load %arg1[%get3A, %get3A_0, %get3A_1] : memref<32x128x256xf32, #tpu.memory_space<vmem>>, vector<32x128x256xf32>
    %get3A_3 = arith.constant 0 : index
    %get3A_4 = arith.constant 0 : index
    %get3A_5 = vector.load %arg2[%get3A_3, %get3A_4] : memref<128x256xf32, #tpu.memory_space<vmem>>, vector<128x64xf32>
    %slice3A = vector.extract_strided_slice %get3A_2 {offsets = [0, 0, 0], sizes = [32, 128, 64], strides = [1, 1, 1]} : vector<32x128x256xf32> to vector<32x128x64xf32>
    %broadcast_in_dim3A = vector.shape_cast %get3A_5 : vector<128x64xf32> to vector<1x128x64xf32>
    %sub3A = vector.broadcast %broadcast_in_dim3A : vector<1x128x64xf32> to vector<32x128x64xf32>
    %sub3A_6 = arith.subf %slice3A, %sub3A : vector<32x128x64xf32>
    %get3A_7 = arith.constant 0 : index
    %get3A_8 = arith.constant 0 : index
    %get3A_9 = vector.load %arg4[%get3A_7, %get3A_8] : memref<1x64xf32, #tpu.memory_space<vmem>>, vector<1x64xf32>
    %broadcast_in_dim3A_10 = vector.shape_cast %get3A_9 : vector<1x64xf32> to vector<1x1x64xf32>
    %add3A = vector.broadcast %broadcast_in_dim3A_10 : vector<1x1x64xf32> to vector<32x128x64xf32>
    %add3A_11 = arith.addf %sub3A_6, %add3A : vector<32x128x64xf32>
    %max3A = arith.constant 0.000000e+00 : f32
    %max3A_12 = vector.broadcast %max3A : f32 to vector<32x128x64xf32>
    %max3A_13 = arith.maximumf %add3A_11, %max3A_12 : vector<32x128x64xf32>
    %reshape3A = vector.shape_cast %max3A_13 : vector<32x128x64xf32> to vector<4096x64xf32>
    %get3A_14 = arith.constant 0 : index
    %get3A_15 = arith.constant 0 : index
    %get3A_16 = vector.load %arg3[%get3A_14, %get3A_15] : memref<64x128xf32, #tpu.memory_space<vmem>>, vector<64x128xf32>
    %dot_general3A = arith.constant dense<0.000000e+00> : vector<4096x128xf32>
    %dot_general3A_17 = tpu.matmul %reshape3A, %get3A_16, %dot_general3A {dimension_numbers = #tpu.dot_dimension_numbers<[1], [0], [0], [1], [0, 0, 1, 1], [], []>, precision = #tpu.contract_precision<fp32>, transpose_lhs_hint = false} : vector<4096x64xf32>, vector<64x128xf32>, vector<4096x128xf32> -> vector<4096x128xf32>
    %slice3A_18 = vector.extract_strided_slice %get3A_2 {offsets = [0, 0, 128], sizes = [32, 128, 128], strides = [1, 1, 1]} : vector<32x128x256xf32> to vector<32x128x128xf32>
    %reshape3A_19 = vector.shape_cast %dot_general3A_17 : vector<4096x128xf32> to vector<32x128x128xf32>
    %add3A_20 = arith.addf %slice3A_18, %reshape3A_19 : vector<32x128x128xf32>
    %max3A_21 = arith.constant 0.000000e+00 : f32
    %max3A_22 = vector.broadcast %max3A_21 : f32 to vector<32x128x128xf32>
    %max3A_23 = arith.maximumf %add3A_20, %max3A_22 : vector<32x128x128xf32>
    %reduce_sum3A = arith.constant dense<0.000000e+00> : vector<128x128xf32>
    %reduce_sum3A_24 = vector.multi_reduction <add>, %max3A_23, %reduce_sum3A [0] : vector<32x128x128xf32> to vector<128x128xf32>
    %mul3A = arith.constant 3.125000e-02 : f32
    %mul3A_25 = vector.broadcast %mul3A : f32 to vector<128x128xf32>
    %mul3A_26 = arith.mulf %reduce_sum3A_24, %mul3A_25 : vector<128x128xf32>
    %get3A_27 = arith.constant 0 : index
    %get3A_28 = arith.constant 0 : index
    %get3A_29 = vector.load %arg5[%get3A_27, %get3A_28] : memref<128x128xf32, #tpu.memory_space<vmem>>, vector<128x128xf32>
    %dot_general3A_30 = arith.constant dense<0.000000e+00> : vector<128x128xf32>
    %dot_general3A_31 = tpu.matmul %mul3A_26, %get3A_29, %dot_general3A_30 {dimension_numbers = #tpu.dot_dimension_numbers<[1], [0], [0], [1], [0, 0, 1, 1], [], []>, precision = #tpu.contract_precision<fp32>, transpose_lhs_hint = false} : vector<128x128xf32>, vector<128x128xf32>, vector<128x128xf32> -> vector<128x128xf32>
    %get3A_32 = arith.constant 0 : index
    %get3A_33 = arith.constant 0 : index
    %get3A_34 = vector.load %arg6[%get3A_32, %get3A_33] : memref<1x128xf32, #tpu.memory_space<vmem>>, vector<1x128xf32>
    %add3A_35 = vector.broadcast %get3A_34 : vector<1x128xf32> to vector<128x128xf32>
    %add3A_36 = arith.addf %dot_general3A_31, %add3A_35 : vector<128x128xf32>
    %swap3A = arith.constant 0 : index
    %swap3A_37 = arith.constant 0 : index
    %swap3A_38 = vector.load %arg7[%swap3A, %swap3A_37] : memref<128x128xf32, #tpu.memory_space<vmem>>, vector<128x128xf32>
    tpu.vector_store %arg7[%swap3A, %swap3A_37], %add3A_36 {strides = array<i32>} : memref<128x128xf32, #tpu.memory_space<vmem>>, vector<128x128xf32>,
    return
  }
  func.func @transform_0(%arg0: i32) -> (i32, i32, i32) {
    %c0_i32 = arith.constant 0 : i32
    %c0_i32_0 = arith.constant 0 : i32
    %c0_i32_1 = arith.constant 0 : i32
    return %c0_i32, %arg0, %c0_i32_0 : i32, i32, i32
  }
  func.func @transform_1(%arg0: i32) -> (i32, i32) {
    %c0_i32 = arith.constant 0 : i32
    %c0_i32_0 = arith.constant 0 : i32
    return %arg0, %c0_i32 : i32, i32
  }
  func.func @transform_2(%arg0: i32) -> (i32, i32) {
    %c0_i32 = arith.constant 0 : i32
    %c0_i32_0 = arith.constant 0 : i32
    %c0_i32_1 = arith.constant 0 : i32
    return %c0_i32, %c0_i32_0 : i32, i32
  }
  func.func @transform_3(%arg0: i32) -> (i32, i32) {
    %c0_i32 = arith.constant 0 : i32
    %c0_i32_0 = arith.constant 0 : i32
    %c0_i32_1 = arith.constant 0 : i32
    return %c0_i32, %c0_i32_0 : i32, i32
  }
  func.func @transform_4(%arg0: i32) -> (i32, i32) {
    %c0_i32 = arith.constant 0 : i32
    %c0_i32_0 = arith.constant 0 : i32
    %c0_i32_1 = arith.constant 0 : i32
    return %c0_i32, %c0_i32_0 : i32, i32
  }
  func.func @transform_5(%arg0: i32) -> (i32, i32) {
    %c0_i32 = arith.constant 0 : i32
    %c0_i32_0 = arith.constant 0 : i32
    %c0_i32_1 = arith.constant 0 : i32
    return %c0_i32, %c0_i32_0 : i32, i32
  }
  func.func @transform_6(%arg0: i32) -> (i32, i32) {
    %c0_i32 = arith.constant 0 : i32
    %c0_i32_0 = arith.constant 0 : i32
    return %arg0, %c0_i32 : i32, i32
  }
}

</mosaic_0001>

<sc_bundles>
// kernel: kernel.15.cloned.1.call-start
scs
__scs_entry_jumppad:
0x0: {  	(pc) =	sbr.rel $0x88, $3  }
0x1: {  	(tag) =	ssettag $0x0;
	lr =	simm.s32 $0x1  }
0x2: {  	[smem:$0x3F97] =	sst lr;
	_ =	strace $0xD0000000  }
0x3: {  	_ = 	snop  }
0x4: {  	_ = 	snop  }
0x5: {  	_ = 	snop  }
0x6: {  	_ = 	snop  }
0x7: {  	_ = 	snop  }
__scs_overlays_trampoline_lowered:
0x8: {  	[smem:$0x3FA6] =	sst s0  }
0x9: {  	[smem:$0x3FA7] =	sst s1  }
0xa: {  	[smem:$0x3FA8] =	sst s2  }
0xb: {  	[smem:$0x3FA9] =	sst s3  }
0xc: {  	[smem:$0x3FAA] =	sst s4  }
0xd: {  	[smem:$0x3FAB] =	sst s5  }
0xe: {  	[smem:$0x3FAC] =	sst s6  }
0xf: {  	[smem:$0x3FAD] =	sst s7  }
0x10: {  	[smem:$0x3FAE] =	sst s8  }
0x11: {  	[smem:$0x3FAF] =	sst s9;
	s0 =	simm.s32 @!p0 $0x0  }
0x12: {  	s1 =	sld [smem:$0x3F95];
	s0 =	simm.s32 @p0 $0x1  }
0x13: {  	[smem:$0x3FB0] =	sst s0;
	s0 =	simm.s32 @!p1 $0x0  }
0x14: {  	s2 =	sld [smem:$0x3F94];
	s0 =	simm.s32 @p1 $0x1  }
0x15: {  	[smem:$0x3FB1] =	sst s0;
	s0 =	simm.s32 @!p2 $0x0  }
0x16: {  	s3 =	sld [smem:$0x3FDB];
	s0 =	simm.s32 @p2 $0x1  }
0x17: {  	s4 =	simm.s32 $0x1BF5;
	[smem:$0x3FB3] =	sst s0  }
0x18: {  	s0 =	sld [smem:$0x3F96];
	_ =	swait.ge [sflag:s4], $0x0  }
0x19: {  	s7 =	sld [smem:$0x3F97]  }
0x1a: {  	s8 =	sadd.s32 $0xFFFFE003, lr  }
0x1b: {  	s9 =	sadd.s32 $0xFFFFFEF7, lr;
	s5 =	simm.s32 $0xFFFFFFFF;
	p2 =	slt.u32 s8, $0xFFFFF086  }
0x1c: {  	p1 =	slt.u32 s9, $0xF7A;
	s5 =	simm.s32 @!p2 $0x0  }
0x1d: {  	s5 =	simm.s32 @p1 $0x1;
	p0 =	seq.s32 s7, s2  }
0x1e: {  	s7 =	smul.u32 @!p0 $0xF7A, s2;
	p2 =	seq.s32 @!p0 s5, $0x0  }
0x1f: {  	s9 =	smul.u32 $0xF7A, s1;
	s8 =	simm.s32 @!p0 $0x1BF5;
	p2 =	por !p2, p0  }
0x20: {  	[sflag:s8] =	ssyncset.s32 @!p0 $0xFFFFF086;
	s6 =	sadd.s32 @!p0 s3, s7;
	s7 =	simm.s32 @!p0 $0x108  }
0x21: {  	s3 =	sadd.s32 s3, s9;
	s6 =	sadd.s32 @!p0 $0x88, s6;
	s7 =	simm.s32 @p2 $0x1082  }
0x22: {  	[simem:s7], [sflag:s8] =	dma.local @!p0 [hbm:s6], $0xF7A  }
0x23: {  	s9 =	sor.u32 $0xD0000000, s2;
	s6 =	simm.s32 $0x108;
	_ =	swait.ge @!p0 [sflag:s8], $0x0  }
0x24: {  	s3 =	sadd.s32 $0x88, s3;
	s6 =	simm.s32 @!p1 $0x1082;
	[sflag:s4] =	ssyncset.s32 $0xFFFFF086  }
0x25: {  	[simem:s6], [sflag:s4] =	dma.local [hbm:s3], $0xF7A  }
0x26: {  	[smem:$0x3F97] =	sst s1;
	(tag) =	ssettag s2;
	_ =	strace s9  }
0x27: {  	s1 =	sld [smem:$0x3FA7]  }
0x28: {  	s2 =	sld [smem:$0x3FA8]  }
0x29: {  	s4 =	sld [smem:$0x3FAA]  }
0x2a: {  	p0 =	seq.s32 s5, $0x0;
	s5 =	sld [smem:$0x3FAB]  }
0x2b: {  	s6 =	sld [smem:$0x3FAC]  }
0x2c: {  	s7 =	sld [smem:$0x3FAD]  }
0x2d: {  	s3 =	simm.s32 $0x108;
	s8 =	sld [smem:$0x3FAE]  }
0x2e: {  	s3 =	simm.s32 @!p0 $0x1082;
	s9 =	sld [smem:$0x3FAF]  }
0x2f: {  	lr =	sadd.s32 s0, s3;
	s0 =	sld [smem:$0x3FA6]  }
0x30: {  	s3 =	sld [smem:$0x3FA9]  }
0x31: {  	[smem:$0x3FB2] =	sst s10  }
0x32: {  	s10 =	sld [smem:$0x3FB0];
	_ =	sdelay $0x3  }
0x33: {  	p0 =	seq.s32 s10, $0x1;
	s10 =	sld [smem:$0x3FB2];
	_ =	sdelay $0x3  }
0x34: {  	[smem:$0x3FB2] =	sst s10  }
0x35: {  	s10 =	sld [smem:$0x3FB1];
	_ =	sdelay $0x3  }
0x36: {  	p1 =	seq.s32 s10, $0x1;
	s10 =	sld [smem:$0x3FB2];
	_ =	sdelay $0x3  }
0x37: {  	[smem:$0x3FB2] =	sst s10  }
0x38: {  	s10 =	sld [smem:$0x3FB3]  }
0x39: {  	_ = 	snop;
	(pc) =	sbr.ind lr, $3  }
0x3a: {  	_ = 	snop  }
0x3b: {  	_ = 	snop  }
0x3c: {  	p2 =	seq.s32 s10, $0x1;
	s10 =	sld [smem:$0x3FB2]  }
0x3d: {  	_ =	shalt  }
0x3e: {  	_ =	shalt  }
0x3f: {  	_ =	shalt  }
0x40: {  	_ =	shalt  }
0x41: {  	_ =	shalt  }
0x42: {  	_ =	shalt  }
0x43: {  	_ =	shalt  }
0x44: {  	_ =	shalt  }
0x45: {  	_ =	shalt  }
0x46: {  	_ =	shalt  }
0x47: {  	_ =	shalt  }
0x48: {  	_ =	shalt  }
0x49: {  	_ =	shalt  }
0x4a: {  	_ =	shalt  }
0x4b: {  	_ =	shalt  }
0x4c: {  	_ =	shalt  }
0x4d: {  	_ =	shalt  }
0x4e: {  	_ =	shalt  }
0x4f: {  	_ =	shalt  }
0x50: {  	_ =	shalt  }
0x51: {  	_ =	shalt  }
0x52: {  	_ =	shalt  }
0x53: {  	_ =	shalt  }
0x54: {  	_ =	shalt  }
0x55: {  	_ =	shalt  }
0x56: {  	_ =	shalt  }
0x57: {  	_ =	shalt  }
0x58: {  	_ =	shalt  }
0x59: {  	_ =	shalt  }
0x5a: {  	_ =	shalt  }
0x5b: {  	_ =	shalt  }
0x5c: {  	_ =	shalt  }
0x5d: {  	_ =	shalt  }
0x5e: {  	_ =	shalt  }
0x5f: {  	_ =	shalt  }
0x60: {  	_ =	shalt  }
0x61: {  	_ =	shalt  }
0x62: {  	_ =	shalt  }
0x63: {  	_ =	shalt  }
0x64: {  	_ =	shalt  }
0x65: {  	_ =	shalt  }
0x66: {  	_ =	shalt  }
0x67: {  	_ =	shalt  }
0x68: {  	_ =	shalt  }
0x69: {  	_ =	shalt  }
0x6a: {  	_ =	shalt  }
0x6b: {  	_ =	shalt  }
0x6c: {  	_ =	shalt  }
0x6d: {  	_ =	shalt  }
0x6e: {  	_ =	shalt  }
0x6f: {  	_ =	shalt  }
0x70: {  	_ =	shalt  }
0x71: {  	_ =	shalt  }
0x72: {  	_ =	shalt  }
0x73: {  	_ =	shalt  }
0x74: {  	_ =	shalt  }
0x75: {  	_ =	shalt  }
0x76: {  	_ =	shalt  }
0x77: {  	_ =	shalt  }
0x78: {  	_ =	shalt  }
0x79: {  	_ =	shalt  }
0x7a: {  	_ =	shalt  }
0x7b: {  	_ =	shalt  }
0x7c: {  	_ =	shalt  }
0x7d: {  	_ =	shalt  }
0x7e: {  	_ =	shalt  }
0x7f: {  	_ =	shalt  }
0x80: {  	_ =	shalt  }
0x81: {  	_ =	shalt  }
0x82: {  	_ =	shalt  }
0x83: {  	_ =	shalt  }
0x84: {  	_ =	shalt  }
0x85: {  	_ =	shalt  }
0x86: {  	_ =	shalt  }
0x87: {  	_ =	shalt  }
.Lfunc_end0:
.L_simem_size_0:
called_computation_lowered:
.L_overlay_start_0:
0x88: {  	s2 =	sld [smem:$0x3FD9]  }
0x89: {  	s3 =	sld [smem:$0x3FFE];
	_ =	sdelay $0x1  }
0x8a: {  	s1 =	srdreg.scid  }
0x8b: {  	s0 =	sand.u32 $0x1, s1  }
0x8c: {  	s16 =	sshll.u32 s0, $0xA;
	s2 =	sadd.s32 s3, s2  }
0x8d: {  	s2 =	sadd.s32 s2, s16  }
0x8e: {  	[smem:$0x3FBE] =	sst s2  }
0x8f: {  	_ = 	snop  }
0x90: {  	(tm) =	ssettm $0x1  }
0x91: {  	s17 =	sld [smem:$0x3FFB];
	_ =	sdelay $0x3  }
0x92: {  	_ =	strace s17  }
0x93: {  	s2 =	sld [smem:$0x3FFC];
	_ =	sdelay $0x3  }
0x94: {  	_ =	strace s2  }
0x95: {  	s2 =	sld [smem:$0x3FFD];
	_ =	sdelay $0x3  }
0x96: {  	_ =	strace s2  }
0x97: {  	_ =	strace $0x8FFFFFFF  }
0x98: {  	s18 =	sld [smem:$0x3FDB];
	_ =	sdelay $0x1  }
0x99: {  	s19 =	simm.s32 $_scs_section_size  }
0x9a: {  	s4 =	simm.s32 $_size__tile_overlayer_lowered;
	s5 =	simm.s32 $_tile_overlayer_lowered  }
0x9b: {  	s22 =	simm.s32 $0x1BFF;
	s21 =	sshll.u32 s5, $0x1;
	s2 =	sadd.s32 s19, s18  }
0x9c: {  	s6 =	simm.s32 $0x0;
	s20 =	sshll.u32 s4, $0x1;
	s4 =	sadd.s32 s21, s2  }
0x9d: {  	[timem:s6], [sflag:s22] =	dma.local [hbm:s4], s20  }
0x9e: {  	_ =	swait.ge [sflag:s22], s20  }
0x9f: {  	s3 =	ssub.s32 $0x0, s20;
	[sflag:s22] =	ssyncset.done $0x0  }
0xa0: {  	[sflag:s22] =	ssyncadd.s32 s3;
	_ =	sdelay $0x1  }
0xa1: {  	s23 =	simm.s32 $0x1B8B  }
0xa2: {  	_ =	swait.ge [sflag:s23], $0x1  }
0xa3: {  	[sflag:s23] =	ssyncset.done $0x0  }
0xa4: {  	s25 =	simm.s32 $0x1B8E;
	s24 =	sld [smem:$0x3FFE];
	[sflag:s23] =	ssyncadd.s32 $0xFFFFFFFF  }
0xa5: {  	s26 =	simm.s32 $execute0_lowered;
	[smem:$0x3FD2] =	sst s25  }
0xa6: {  	s4 =	sshll.u32 s26, $0x1;
	_ =	strace $0x80000046;
	[dreg:$0x1] =	wrdreg $0xFFFFFFFF  }
0xa7: {  	s28 =	simm.s32 $_size_execute0_lowered;
	s2 =	sadd.s32 s2, s4;
	[dreg:$0x0] =	wrdreg $0x0  }
0xa8: {  	s4 =	sshll.u32 s28, $0x1;
	[dreg:$0x2] =	wrdreg s2  }
0xa9: {  	[dreg:$0x3] =	wrdreg s4  }
0xaa: {  	[dreg:$0x4] =	wrdreg $0xC0  }
0xab: {  	_ =	task [dreg:s6], $0x5FFFF  }
0xac: {  	[dreg:$0x1] =	wrdreg $0xFFFFFFFF  }
0xad: {  	[dreg:$0x0] =	wrdreg $0x60  }
0xae: {  	[dreg:$0x2] =	wrdreg s24  }
0xaf: {  	[dreg:$0x3] =	wrdreg $0x9  }
0xb0: {  	_ =	task.clear_ibuf [dreg:s6], $0x4FFFF;
	_ =	strace $0x90000046  }
0xb1: {  	s29 =	simm.s32 $0x9;
	_ =	strace $0x80000048  }
0xb2: {  	_ =	swait.ge [sflag:s29], $0x1  }
0xb3: {  	[sflag:s29] =	ssyncadd.s32 $0xFFFFFFFF  }
0xb4: {  	_ =	strace $0x90000048  }
0xb5: {  	_ =	sfence  }
0xb6: {  	s30 =	sld [smem:$0x0];
	_ =	sdelay $0x2  }
0xb7: {  	s31 =	sshll.u32 s1, $0xD;
	s1 =	sshrl.u32 s1, $0x2  }
0xb8: {  	s3 =	sand.u32 $0x4000, s31;
	s1 =	sadd.s32 s1, s30  }
0xb9: {  	s0 =	sor.u32 s3, s0;
	s1 =	sshll.u32 s1, $0x11  }
0xba: {  	s0 =	sor.u32 s1, s0  }
0xbb: {  	s0 =	sadd.s32 $0x8F2B, s0  }
0xbc: {  	[sflag:s0] =	ssyncadd.remote.s32 $0x1  }
0xbd: {  	_ =	sfence.sel $0xFFFF  }
0xbe: {  	[dreg:$0x0] =	wrdreg $0xFFFFFFFF;
	(pc) =	sbr.abs _section_cstart, $3  }
0xbf: {  	[dreg:$0x1] =	wrdreg $0xFFFFFFFF  }
0xc0: {  	_ =	task.clear_ibuf [dreg:s6], $0x2FFFF;
	_ =	strace $0x9FFFFFFF  }
0xc1: {  	(tm) =	ssettm $0x7FFFFFFF  }
tec
execute0_lowered:
.L_overlay_start_1:
0x0: {  	(tag) =	ssettag $0x1  }
0x1: {  	s0 =	rddreg [dreg:$0x0];
	s2 =	simm.s32 $0x0;
	s1 =	srdreg.scid  }
0x2: {  	s8 =	stileid.u32;
	s10 =	simm.s32 $0x3;
	s11 =	simm.s32 $0x100  }
0x3: {  	s28 =	simm.s32 $0x80;
	s29 =	simm.s32 $0x8100;
	s30 =	simm.s32 $0x8900  }
0x4: {  	s31 =	simm.s32 $0x9100;
	s12 =	simm.s32 $0xC900;
	s13 =	simm.s32 $0xD100  }
0x5: {  	s14 =	simm.s32 $0xD900;
	s15 =	simm.s32 $0xE100;
	s16 =	simm.s32 $0xE900  }
0x6: {  	s17 =	simm.s32 $0xF100;
	s18 =	simm.s32 $0xF900;
	s19 =	simm.s32 $0x1  }
0x7: {  	[smem:$0x7FF] =	sst s2;
	s1 =	sand.u32 $0x1, s1;
	s4 =	sadd.s32 $0x1E200, s0  }
0x8: {  	s5 =	sshll.u32 s8, $0xC;
	s3 =	sadd.s32 $0xE200, s0;
	s20 =	sshll.u32 s8, $0x11  }
0x9: {  	_ =	strace $0x80000047;
	s6 =	sshll.u32 s1, $0xB;
	s7 =	ssub.s32 $0x2, s1  }
0xa: {  	s0 =	sadd.s32 s20, s0;
	s1 =	sshll.u32 s1, $0x10;
	s20 =	simm.s32 $0x2  }
0xb: {  	s5 =	sor.u32 s6, s5;
	s21 =	sshrl.u32 s7, $0x1;
	s0 =	sadd.s32 s1, s0  }
0xc: {  	s1 =	simm.s32 $0xA100;
	s9 =	sshrl.u32 s5, $0x3;
	s22 =	ssub.s32 s7, s21  }
0xd: {  	s24 =	sor.u32 $0x180, s5;
	s5 =	sor.u32 $0x100, s5;
	s0 =	sadd.s32 $0x20200, s0  }
0xe: {  	s23 =	sadd.s32 s4, s9;
	s6 =	smax.u32 s22, $0x1;
	[dreg:$0x5] =	wrdreg s0  }
0xf: {  	s25 =	sshrl.u32 s24, $0x3;
	s26 =	sshrl.u32 s5, $0x3;
	s24 =	simm.s32 $0x6900  }
.Ltmp0:
0x10: {  	s0 =	simm.s32 $0x9900;
	s5 =	simm.s32 $0xA900;
	(pc) =	sbr.rel .LBB2_1-.Ltmp0, $4  }
0x11: {  	s22 =	simm.s32 $0x0;
	[dreg:$0x2] =	wrdreg s23;
	s7 =	sadd.s32 $0x10, s23  }
0x12: {  	v2 =	vlaneseq.u32;
	[dreg:$0x4] =	wrdreg s6;
	s8 =	sadd.s32 s25, s4;
	s9 =	sadd.s32 s26, s4  }
0x13: {  	vm0 =	vmmov $0xffff;
	v1 =	vshrl.u32 v2, $0x3;
	s25 =	simm.s32 $0x7100;
	s26 =	simm.s32 $0x7900;
	s6 =	simm.s32 $0xB100  }
0x14: {  	v0 =	vand.u32 $0x7, v2;
	v2 =	vor.u32 $0x8, v2;
	v1 =	vmul.u32 $0x8, v1;
	s4 =	simm.s32 $0xC100;
	[dreg:$0x3] =	wrdreg s7;
	s7 =	simm.s32 $0xB900  }
.LBB2_6:
0x15: {  	s22 =	rddreg [dreg:$0x6]  }
0x16: {  	s21 =	rddreg [dreg:$0x4];
	s22 =	sadd.s32 $0x1, s22  }
0x17: {  	p0 =	sne.s32 s22, s21  }
.Ltmp1:
0x18: {  	_ = 	snop;
	(pc) =	sbr.rel @!p0 .LBB2_7-.Ltmp1, $1  }
0x19: {  	_ =	sdelay $0x3  }
.LBB2_1:
0x1a: {  	[dreg:$0x6] =	wrdreg s22  }
0x1b: {  	s21 =	rddreg [dreg:$0x2]  }
0x1c: {  	[tilespmem:s2], [sflag:$0x3] =	stream.linear.gather [hbm4b:s21+s2], $0x80, $0x38;
	[tilespmem:$0x10100] =	vst v63  }
0x1d: {  	_ =	swait.ge [sflag:s10], $0x80  }
0x1e: {  	[sflag:s10] =	ssyncset.done $0x0  }
0x1f: {  	[sflag:s10] =	ssyncadd.s32 $0xFFFFFF80  }
0x20: {  	v3 =	vld [tilespmem:$0x0];
	_ =	sdelay $0x4  }
0x21: {  	v4 =	vshll.u32 v3, $0x1  }
0x22: {  	v3 =	vand.u32 $0x7, v3;
	v4 =	vand.u32 $0xFFFFFFF0, v4  }
0x23: {  	v3 =	vor.u32 v3, v4  }
0x24: {  	v4 =	vperm.xlane v3, v0;
	_ =	sdelay $0x1  }
0x25: {  	v3 =	vperm.xlane v3, v2;
	v4 =	vadd.s32 v1, v4;
	_ =	sdelay $0x1  }
0x26: {  	v3 =	vadd.s32 v1, v3;
	_ =	sdelay $0x2  }
0x27: {  	[tilespmem:s11], [sflag:$0x1] =	stream.indirect_vreg.gather [hbm4b:s3+s2], $0x80, v4, vm0, $0xb8;
	[tilespmem:$0x10100] =	vst v63  }
0x28: {  	s23 =	simm.s32 $0x900  }
0x29: {  	[tilespmem:s23], [sflag:$0x1] =	stream.indirect_vreg.gather [hbm4b:s3+s2], $0x80, v3, vm0, $0xb8;
	[tilespmem:$0x10100] =	vst v63  }
0x2a: {  	v3 =	vld [tilespmem:$0x10];
	_ =	sdelay $0x4  }
0x2b: {  	v49 =	vshll.u32 v3, $0x1  }
0x2c: {  	v3 =	vand.u32 $0x7, v3;
	v4 =	vand.u32 $0xFFFFFFF0, v49  }
0x2d: {  	v3 =	vor.u32 v3, v4  }
0x2e: {  	v4 =	vperm.xlane v3, v0;
	_ =	sdelay $0x1  }
0x2f: {  	v3 =	vperm.xlane v3, v2;
	v4 =	vadd.s32 v1, v4;
	_ =	sdelay $0x1  }
0x30: {  	v3 =	vadd.s32 v1, v3;
	_ =	sdelay $0x1  }
0x31: {  	s22 =	simm.s32 $0x1100  }
0x32: {  	[tilespmem:s22], [sflag:$0x1] =	stream.indirect_vreg.gather [hbm4b:s3+s2], $0x80, v4, vm0, $0xb8;
	[tilespmem:$0x10100] =	vst v63  }
0x33: {  	s23 =	simm.s32 $0x1900  }
0x34: {  	[tilespmem:s23], [sflag:$0x1] =	stream.indirect_vreg.gather [hbm4b:s3+s2], $0x80, v3, vm0, $0xb8;
	[tilespmem:$0x10100] =	vst v63  }
0x35: {  	v3 =	vld [tilespmem:$0x20];
	_ =	sdelay $0x4  }
0x36: {  	v50 =	vshll.u32 v3, $0x1  }
0x37: {  	v3 =	vand.u32 $0x7, v3;
	v4 =	vand.u32 $0xFFFFFFF0, v50  }
0x38: {  	v3 =	vor.u32 v3, v4  }
0x39: {  	v4 =	vperm.xlane v3, v0;
	_ =	sdelay $0x1  }
0x3a: {  	v3 =	vperm.xlane v3, v2;
	v4 =	vadd.s32 v1, v4;
	_ =	sdelay $0x1  }
0x3b: {  	v3 =	vadd.s32 v1, v3;
	_ =	sdelay $0x1  }
0x3c: {  	s22 =	simm.s32 $0x2100  }
0x3d: {  	[tilespmem:s22], [sflag:$0x1] =	stream.indirect_vreg.gather [hbm4b:s3+s2], $0x80, v4, vm0, $0xb8;
	[tilespmem:$0x10100] =	vst v63  }
0x3e: {  	s23 =	simm.s32 $0x2900  }
0x3f: {  	[tilespmem:s23], [sflag:$0x1] =	stream.indirect_vreg.gather [hbm4b:s3+s2], $0x80, v3, vm0, $0xb8;
	[tilespmem:$0x10100] =	vst v63  }
0x40: {  	v3 =	vld [tilespmem:$0x30];
	_ =	sdelay $0x4  }
0x41: {  	v51 =	vshll.u32 v3, $0x1  }
0x42: {  	v3 =	vand.u32 $0x7, v3;
	v4 =	vand.u32 $0xFFFFFFF0, v51  }
0x43: {  	v3 =	vor.u32 v3, v4  }
0x44: {  	v4 =	vperm.xlane v3, v0;
	_ =	sdelay $0x1  }
0x45: {  	v3 =	vperm.xlane v3, v2;
	v4 =	vadd.s32 v1, v4;
	_ =	sdelay $0x1  }
0x46: {  	v3 =	vadd.s32 v1, v3;
	_ =	sdelay $0x1  }
0x47: {  	s22 =	simm.s32 $0x3100  }
0x48: {  	[tilespmem:s22], [sflag:$0x1] =	stream.indirect_vreg.gather [hbm4b:s3+s2], $0x80, v4, vm0, $0xb8;
	[tilespmem:$0x10100] =	vst v63  }
0x49: {  	s23 =	simm.s32 $0x3900  }
0x4a: {  	[tilespmem:s23], [sflag:$0x1] =	stream.indirect_vreg.gather [hbm4b:s3+s2], $0x80, v3, vm0, $0xb8;
	[tilespmem:$0x10100] =	vst v63  }
0x4b: {  	v3 =	vld [tilespmem:$0x40];
	_ =	sdelay $0x4  }
0x4c: {  	v52 =	vshll.u32 v3, $0x1  }
0x4d: {  	v3 =	vand.u32 $0x7, v3;
	v4 =	vand.u32 $0xFFFFFFF0, v52  }
0x4e: {  	v3 =	vor.u32 v3, v4  }
0x4f: {  	v4 =	vperm.xlane v3, v0;
	_ =	sdelay $0x1  }
0x50: {  	v3 =	vperm.xlane v3, v2;
	v4 =	vadd.s32 v1, v4;
	_ =	sdelay $0x1  }
0x51: {  	v3 =	vadd.s32 v1, v3;
	_ =	sdelay $0x1  }
0x52: {  	s22 =	simm.s32 $0x4100  }
0x53: {  	[tilespmem:s22], [sflag:$0x1] =	stream.indirect_vreg.gather [hbm4b:s3+s2], $0x80, v4, vm0, $0xb8;
	[tilespmem:$0x10100] =	vst v63  }
0x54: {  	s23 =	simm.s32 $0x4900  }
0x55: {  	[tilespmem:s23], [sflag:$0x1] =	stream.indirect_vreg.gather [hbm4b:s3+s2], $0x80, v3, vm0, $0xb8;
	[tilespmem:$0x10100] =	vst v63  }
0x56: {  	v3 =	vld [tilespmem:$0x50];
	_ =	sdelay $0x4  }
0x57: {  	v53 =	vshll.u32 v3, $0x1  }
0x58: {  	v3 =	vand.u32 $0x7, v3;
	v4 =	vand.u32 $0xFFFFFFF0, v53  }
0x59: {  	v3 =	vor.u32 v3, v4  }
0x5a: {  	v4 =	vperm.xlane v3, v0;
	_ =	sdelay $0x1  }
0x5b: {  	v3 =	vperm.xlane v3, v2;
	v4 =	vadd.s32 v1, v4;
	_ =	sdelay $0x1  }
0x5c: {  	v3 =	vadd.s32 v1, v3;
	_ =	sdelay $0x1  }
0x5d: {  	s22 =	simm.s32 $0x5100  }
0x5e: {  	[tilespmem:s22], [sflag:$0x1] =	stream.indirect_vreg.gather [hbm4b:s3+s2], $0x80, v4, vm0, $0xb8;
	[tilespmem:$0x10100] =	vst v63  }
0x5f: {  	s23 =	simm.s32 $0x5900  }
0x60: {  	[tilespmem:s23], [sflag:$0x1] =	stream.indirect_vreg.gather [hbm4b:s3+s2], $0x80, v3, vm0, $0xb8;
	[tilespmem:$0x10100] =	vst v63  }
0x61: {  	v3 =	vld [tilespmem:$0x60];
	_ =	sdelay $0x4  }
0x62: {  	v54 =	vshll.u32 v3, $0x1  }
0x63: {  	v3 =	vand.u32 $0x7, v3;
	v4 =	vand.u32 $0xFFFFFFF0, v54  }
0x64: {  	v3 =	vor.u32 v3, v4  }
0x65: {  	v4 =	vperm.xlane v3, v0;
	_ =	sdelay $0x1  }
0x66: {  	v3 =	vperm.xlane v3, v2;
	v4 =	vadd.s32 v1, v4;
	_ =	sdelay $0x1  }
0x67: {  	v3 =	vadd.s32 v1, v3;
	_ =	sdelay $0x1  }
0x68: {  	s22 =	simm.s32 $0x6100  }
0x69: {  	[tilespmem:s22], [sflag:$0x1] =	stream.indirect_vreg.gather [hbm4b:s3+s2], $0x80, v4, vm0, $0xb8;
	[tilespmem:$0x10100] =	vst v63  }
0x6a: {  	_ = 	snop  }
0x6b: {  	[tilespmem:s24], [sflag:$0x1] =	stream.indirect_vreg.gather [hbm4b:s3+s2], $0x80, v3, vm0, $0xb8;
	[tilespmem:$0x10100] =	vst v63  }
0x6c: {  	v3 =	vld [tilespmem:$0x70];
	_ =	sdelay $0x4  }
0x6d: {  	v55 =	vshll.u32 v3, $0x1  }
0x6e: {  	v3 =	vand.u32 $0x7, v3;
	v4 =	vand.u32 $0xFFFFFFF0, v55  }
0x6f: {  	v3 =	vor.u32 v3, v4  }
0x70: {  	v4 =	vperm.xlane v3, v0;
	_ =	sdelay $0x1  }
0x71: {  	v3 =	vperm.xlane v3, v2;
	v4 =	vadd.s32 v1, v4;
	_ =	sdelay $0x1  }
0x72: {  	v3 =	vadd.s32 v1, v3;
	_ =	sdelay $0x2  }
0x73: {  	[tilespmem:s25], [sflag:$0x1] =	stream.indirect_vreg.gather [hbm4b:s3+s2], $0x80, v4, vm0, $0xb8;
	[tilespmem:$0x10100] =	vst v63  }
0x74: {  	_ = 	snop  }
0x75: {  	[tilespmem:s26], [sflag:$0x1] =	stream.indirect_vreg.gather [hbm4b:s3+s2], $0x80, v3, vm0, $0xb8;
	[tilespmem:$0x10100] =	vst v63  }
0x76: {  	s23 =	rddreg [dreg:$0x3]  }
0x77: {  	[tilespmem:s28], [sflag:$0x3] =	stream.linear.gather [hbm4b:s23+s2], $0x80, $0x38;
	[tilespmem:$0x10100] =	vst v63  }
0x78: {  	_ =	swait.ge [sflag:s10], $0x80  }
0x79: {  	[sflag:s10] =	ssyncset.done $0x0  }
0x7a: {  	[sflag:s10] =	ssyncadd.s32 $0xFFFFFF80  }
0x7b: {  	v3 =	vld [tilespmem:$0x80];
	_ =	sdelay $0x4  }
0x7c: {  	v56 =	vshll.u32 v3, $0x1  }
0x7d: {  	v3 =	vand.u32 $0x7, v3;
	v4 =	vand.u32 $0xFFFFFFF0, v56  }
0x7e: {  	v3 =	vor.u32 v3, v4  }
0x7f: {  	v4 =	vperm.xlane v3, v0;
	_ =	sdelay $0x1  }
0x80: {  	v3 =	vperm.xlane v3, v2;
	v4 =	vadd.s32 v1, v4;
	_ =	sdelay $0x1  }
0x81: {  	v3 =	vadd.s32 v1, v3;
	_ =	sdelay $0x2  }
0x82: {  	[tilespmem:s29], [sflag:$0x2] =	stream.indirect_vreg.gather [hbm4b:s3+s2], $0x80, v4, vm0, $0xb8;
	[tilespmem:$0x10100] =	vst v63  }
0x83: {  	_ = 	snop  }
0x84: {  	[tilespmem:s30], [sflag:$0x2] =	stream.indirect_vreg.gather [hbm4b:s3+s2], $0x80, v3, vm0, $0xb8;
	[tilespmem:$0x10100] =	vst v63  }
0x85: {  	v3 =	vld [tilespmem:$0x90];
	_ =	sdelay $0x4  }
0x86: {  	v57 =	vshll.u32 v3, $0x1  }
0x87: {  	v3 =	vand.u32 $0x7, v3;
	v4 =	vand.u32 $0xFFFFFFF0, v57  }
0x88: {  	v3 =	vor.u32 v3, v4  }
0x89: {  	v4 =	vperm.xlane v3, v0;
	_ =	sdelay $0x1  }
0x8a: {  	v3 =	vperm.xlane v3, v2;
	v4 =	vadd.s32 v1, v4;
	_ =	sdelay $0x1  }
0x8b: {  	v3 =	vadd.s32 v1, v3;
	_ =	sdelay $0x2  }
0x8c: {  	[tilespmem:s31], [sflag:$0x2] =	stream.indirect_vreg.gather [hbm4b:s3+s2], $0x80, v4, vm0, $0xb8;
	[tilespmem:$0x10100] =	vst v63  }
0x8d: {  	_ = 	snop  }
0x8e: {  	[tilespmem:s0], [sflag:$0x2] =	stream.indirect_vreg.gather [hbm4b:s3+s2], $0x80, v3, vm0, $0xb8;
	[tilespmem:$0x10100] =	vst v63  }
0x8f: {  	v3 =	vld [tilespmem:$0xA0];
	_ =	sdelay $0x4  }
0x90: {  	v58 =	vshll.u32 v3, $0x1  }
0x91: {  	v3 =	vand.u32 $0x7, v3;
	v4 =	vand.u32 $0xFFFFFFF0, v58  }
0x92: {  	v3 =	vor.u32 v3, v4  }
0x93: {  	v4 =	vperm.xlane v3, v0;
	_ =	sdelay $0x1  }
0x94: {  	v3 =	vperm.xlane v3, v2;
	v4 =	vadd.s32 v1, v4;
	_ =	sdelay $0x1  }
0x95: {  	v3 =	vadd.s32 v1, v3;
	_ =	sdelay $0x2  }
0x96: {  	[tilespmem:s1], [sflag:$0x2] =	stream.indirect_vreg.gather [hbm4b:s3+s2], $0x80, v4, vm0, $0xb8;
	[tilespmem:$0x10100] =	vst v63  }
0x97: {  	_ = 	snop  }
0x98: {  	[tilespmem:s5], [sflag:$0x2] =	stream.indirect_vreg.gather [hbm4b:s3+s2], $0x80, v3, vm0, $0xb8;
	[tilespmem:$0x10100] =	vst v63  }
0x99: {  	v3 =	vld [tilespmem:$0xB0];
	_ =	sdelay $0x4  }
0x9a: {  	v59 =	vshll.u32 v3, $0x1  }
0x9b: {  	v3 =	vand.u32 $0x7, v3;
	v4 =	vand.u32 $0xFFFFFFF0, v59  }
0x9c: {  	v3 =	vor.u32 v3, v4  }
0x9d: {  	v4 =	vperm.xlane v3, v0;
	_ =	sdelay $0x1  }
0x9e: {  	v3 =	vperm.xlane v3, v2;
	v4 =	vadd.s32 v1, v4;
	_ =	sdelay $0x1  }
0x9f: {  	v3 =	vadd.s32 v1, v3;
	_ =	sdelay $0x2  }
0xa0: {  	[tilespmem:s6], [sflag:$0x2] =	stream.indirect_vreg.gather [hbm4b:s3+s2], $0x80, v4, vm0, $0xb8;
	[tilespmem:$0x10100] =	vst v63  }
0xa1: {  	_ = 	snop  }
0xa2: {  	[tilespmem:s7], [sflag:$0x2] =	stream.indirect_vreg.gather [hbm4b:s3+s2], $0x80, v3, vm0, $0xb8;
	[tilespmem:$0x10100] =	vst v63  }
0xa3: {  	v3 =	vld [tilespmem:$0xC0];
	_ =	sdelay $0x4  }
0xa4: {  	v60 =	vshll.u32 v3, $0x1  }
0xa5: {  	v3 =	vand.u32 $0x7, v3;
	v4 =	vand.u32 $0xFFFFFFF0, v60  }
0xa6: {  	v3 =	vor.u32 v3, v4  }
0xa7: {  	v4 =	vperm.xlane v3, v0;
	_ =	sdelay $0x1  }
0xa8: {  	v3 =	vperm.xlane v3, v2;
	v4 =	vadd.s32 v1, v4;
	_ =	sdelay $0x1  }
0xa9: {  	v3 =	vadd.s32 v1, v3;
	_ =	sdelay $0x2  }
0xaa: {  	[tilespmem:s4], [sflag:$0x2] =	stream.indirect_vreg.gather [hbm4b:s3+s2], $0x80, v4, vm0, $0xb8;
	[tilespmem:$0x10100] =	vst v63  }
0xab: {  	_ = 	snop  }
0xac: {  	[tilespmem:s12], [sflag:$0x2] =	stream.indirect_vreg.gather [hbm4b:s3+s2], $0x80, v3, vm0, $0xb8;
	[tilespmem:$0x10100] =	vst v63  }
0xad: {  	v3 =	vld [tilespmem:$0xD0];
	_ =	sdelay $0x4  }
0xae: {  	v61 =	vshll.u32 v3, $0x1  }
0xaf: {  	v3 =	vand.u32 $0x7, v3;
	v4 =	vand.u32 $0xFFFFFFF0, v61  }
0xb0: {  	v3 =	vor.u32 v3, v4  }
0xb1: {  	v4 =	vperm.xlane v3, v0;
	_ =	sdelay $0x1  }
0xb2: {  	v3 =	vperm.xlane v3, v2;
	v4 =	vadd.s32 v1, v4;
	_ =	sdelay $0x1  }
0xb3: {  	v3 =	vadd.s32 v1, v3;
	_ =	sdelay $0x2  }
0xb4: {  	[tilespmem:s13], [sflag:$0x2] =	stream.indirect_vreg.gather [hbm4b:s3+s2], $0x80, v4, vm0, $0xb8;
	[tilespmem:$0x10100] =	vst v63  }
0xb5: {  	_ = 	snop  }
0xb6: {  	[tilespmem:s14], [sflag:$0x2] =	stream.indirect_vreg.gather [hbm4b:s3+s2], $0x80, v3, vm0, $0xb8;
	[tilespmem:$0x10100] =	vst v63  }
0xb7: {  	v3 =	vld [tilespmem:$0xE0];
	_ =	sdelay $0x4  }
0xb8: {  	v62 =	vshll.u32 v3, $0x1  }
0xb9: {  	v3 =	vand.u32 $0x7, v3;
	v4 =	vand.u32 $0xFFFFFFF0, v62  }
0xba: {  	v3 =	vor.u32 v3, v4  }
0xbb: {  	v4 =	vperm.xlane v3, v0;
	_ =	sdelay $0x1  }
0xbc: {  	v3 =	vperm.xlane v3, v2;
	v4 =	vadd.s32 v1, v4;
	_ =	sdelay $0x1  }
0xbd: {  	v3 =	vadd.s32 v1, v3;
	_ =	sdelay $0x2  }
0xbe: {  	[tilespmem:s15], [sflag:$0x2] =	stream.indirect_vreg.gather [hbm4b:s3+s2], $0x80, v4, vm0, $0xb8;
	[tilespmem:$0x10100] =	vst v63  }
0xbf: {  	_ = 	snop  }
0xc0: {  	[tilespmem:s16], [sflag:$0x2] =	stream.indirect_vreg.gather [hbm4b:s3+s2], $0x80, v3, vm0, $0xb8;
	[tilespmem:$0x10100] =	vst v63  }
0xc1: {  	v3 =	vld [tilespmem:$0xF0];
	_ =	sdelay $0x4  }
0xc2: {  	v63 =	vshll.u32 v3, $0x1  }
0xc3: {  	v3 =	vand.u32 $0x7, v3;
	v4 =	vand.u32 $0xFFFFFFF0, v63  }
0xc4: {  	v3 =	vor.u32 v3, v4  }
0xc5: {  	v4 =	vperm.xlane v3, v0;
	_ =	sdelay $0x1  }
0xc6: {  	v3 =	vperm.xlane v3, v2;
	v4 =	vadd.s32 v1, v4;
	_ =	sdelay $0x1  }
0xc7: {  	v3 =	vadd.s32 v1, v3;
	_ =	sdelay $0x2  }
0xc8: {  	[tilespmem:s17], [sflag:$0x2] =	stream.indirect_vreg.gather [hbm4b:s3+s2], $0x80, v4, vm0, $0xb8;
	[tilespmem:$0x10100] =	vst v63  }
0xc9: {  	s21 =	simm.s32 $0x0;
	s22 =	rddreg [dreg:$0x5]  }
0xca: {  	[tilespmem:s18], [sflag:$0x2] =	stream.indirect_vreg.gather [hbm4b:s3+s2], $0x80, v3, vm0, $0xb8;
	[tilespmem:$0x10100] =	vst v63  }
.LBB2_2:
0xcb: {  	_ =	swait.ge [sflag:s19], $0x8000  }
0xcc: {  	p0 =	seq.s32 s21, $0xE0;
	[sflag:s19] =	ssyncset.done $0x0  }
.Ltmp2:
0xcd: {  	[sflag:s19] =	ssyncadd.s32 $0xFFFF8000;
	(pc) =	sbr.rel @p0 .LBB2_4-.Ltmp2, $4  }
0xce: {  	[hbm4b:s22+s2] =	stream.linear.scatter [tilespmem:s11], [sflag:$0x3], $0x8000, $0x38;
	[tilespmem:$0x10100] =	vst v63  }
0xcf: {  	_ =	swait.ge [sflag:s10], $0x8000  }
0xd0: {  	[sflag:s10] =	ssyncset.done $0x0  }
0xd1: {  	[sflag:s10] =	ssyncadd.s32 $0xFFFF8000  }
0xd2: {  	s23 =	sadd.s32 s21, s9  }
0xd3: {  	[tilespmem:s2], [sflag:$0x3] =	stream.linear.gather [hbm4b:s23+s2], $0x80, $0x38;
	[tilespmem:$0x10100] =	vst v63  }
0xd4: {  	_ =	swait.ge [sflag:s10], $0x80  }
0xd5: {  	[sflag:s10] =	ssyncset.done $0x0  }
0xd6: {  	[sflag:s10] =	ssyncadd.s32 $0xFFFFFF80  }
0xd7: {  	v3 =	vld [tilespmem:$0x0];
	_ =	sdelay $0x4  }
0xd8: {  	v4 =	vshll.u32 v3, $0x1  }
0xd9: {  	v3 =	vand.u32 $0x7, v3;
	v4 =	vand.u32 $0xFFFFFFF0, v4  }
0xda: {  	v3 =	vor.u32 v3, v4  }
0xdb: {  	v4 =	vperm.xlane v3, v0;
	_ =	sdelay $0x1  }
0xdc: {  	v3 =	vperm.xlane v3, v2;
	v4 =	vadd.s32 v1, v4;
	_ =	sdelay $0x1  }
0xdd: {  	v3 =	vadd.s32 v1, v3;
	_ =	sdelay $0x2  }
0xde: {  	[tilespmem:s11], [sflag:$0x1] =	stream.indirect_vreg.gather [hbm4b:s3+s2], $0x80, v4, vm0, $0xb8;
	[tilespmem:$0x10100] =	vst v63  }
0xdf: {  	s23 =	simm.s32 $0x900  }
0xe0: {  	[tilespmem:s23], [sflag:$0x1] =	stream.indirect_vreg.gather [hbm4b:s3+s2], $0x80, v3, vm0, $0xb8;
	[tilespmem:$0x10100] =	vst v63  }
0xe1: {  	v3 =	vld [tilespmem:$0x10];
	_ =	sdelay $0x4  }
0xe2: {  	v57 =	vshll.u32 v3, $0x1  }
0xe3: {  	v3 =	vand.u32 $0x7, v3;
	v4 =	vand.u32 $0xFFFFFFF0, v57  }
0xe4: {  	v3 =	vor.u32 v3, v4  }
0xe5: {  	v4 =	vperm.xlane v3, v0;
	_ =	sdelay $0x1  }
0xe6: {  	v3 =	vperm.xlane v3, v2;
	v4 =	vadd.s32 v1, v4;
	_ =	sdelay $0x1  }
0xe7: {  	v3 =	vadd.s32 v1, v3;
	_ =	sdelay $0x1  }
0xe8: {  	s23 =	simm.s32 $0x1100  }
0xe9: {  	[tilespmem:s23], [sflag:$0x1] =	stream.indirect_vreg.gather [hbm4b:s3+s2], $0x80, v4, vm0, $0xb8;
	[tilespmem:$0x10100] =	vst v63  }
0xea: {  	s23 =	simm.s32 $0x1900  }
0xeb: {  	[tilespmem:s23], [sflag:$0x1] =	stream.indirect_vreg.gather [hbm4b:s3+s2], $0x80, v3, vm0, $0xb8;
	[tilespmem:$0x10100] =	vst v63  }
0xec: {  	v3 =	vld [tilespmem:$0x20];
	_ =	sdelay $0x4  }
0xed: {  	v58 =	vshll.u32 v3, $0x1  }
0xee: {  	v3 =	vand.u32 $0x7, v3;
	v4 =	vand.u32 $0xFFFFFFF0, v58  }
0xef: {  	v3 =	vor.u32 v3, v4  }
0xf0: {  	v4 =	vperm.xlane v3, v0;
	_ =	sdelay $0x1  }
0xf1: {  	v3 =	vperm.xlane v3, v2;
	v4 =	vadd.s32 v1, v4;
	_ =	sdelay $0x1  }
0xf2: {  	v3 =	vadd.s32 v1, v3;
	_ =	sdelay $0x1  }
0xf3: {  	s23 =	simm.s32 $0x2100  }
0xf4: {  	[tilespmem:s23], [sflag:$0x1] =	stream.indirect_vreg.gather [hbm4b:s3+s2], $0x80, v4, vm0, $0xb8;
	[tilespmem:$0x10100] =	vst v63  }
0xf5: {  	s23 =	simm.s32 $0x2900  }
0xf6: {  	[tilespmem:s23], [sflag:$0x1] =	stream.indirect_vreg.gather [hbm4b:s3+s2], $0x80, v3, vm0, $0xb8;
	[tilespmem:$0x10100] =	vst v63  }
0xf7: {  	v3 =	vld [tilespmem:$0x30];
	_ =	sdelay $0x4  }
0xf8: {  	v59 =	vshll.u32 v3, $0x1  }
0xf9: {  	v3 =	vand.u32 $0x7, v3;
	v4 =	vand.u32 $0xFFFFFFF0, v59  }
0xfa: {  	v3 =	vor.u32 v3, v4  }
0xfb: {  	v4 =	vperm.xlane v3, v0;
	_ =	sdelay $0x1  }
0xfc: {  	v3 =	vperm.xlane v3, v2;
	v4 =	vadd.s32 v1, v4;
	_ =	sdelay $0x1  }
0xfd: {  	v3 =	vadd.s32 v1, v3;
	_ =	sdelay $0x1  }
0xfe: {  	s23 =	simm.s32 $0x3100  }
0xff: {  	[tilespmem:s23], [sflag:$0x1] =	stream.indirect_vreg.gather [hbm4b:s3+s2], $0x80, v4, vm0, $0xb8;
	[tilespmem:$0x10100] =	vst v63  }
0x100: {  	s23 =	simm.s32 $0x3900  }
0x101: {  	[tilespmem:s23], [sflag:$0x1] =	stream.indirect_vreg.gather [hbm4b:s3+s2], $0x80, v3, vm0, $0xb8;
	[tilespmem:$0x10100] =	vst v63  }
0x102: {  	v3 =	vld [tilespmem:$0x40];
	_ =	sdelay $0x4  }
0x103: {  	v60 =	vshll.u32 v3, $0x1  }
0x104: {  	v3 =	vand.u32 $0x7, v3;
	v4 =	vand.u32 $0xFFFFFFF0, v60  }
0x105: {  	v3 =	vor.u32 v3, v4  }
0x106: {  	v4 =	vperm.xlane v3, v0;
	_ =	sdelay $0x1  }
0x107: {  	v3 =	vperm.xlane v3, v2;
	v4 =	vadd.s32 v1, v4;
	_ =	sdelay $0x1  }
0x108: {  	v3 =	vadd.s32 v1, v3;
	_ =	sdelay $0x1  }
0x109: {  	s23 =	simm.s32 $0x4100  }
0x10a: {  	[tilespmem:s23], [sflag:$0x1] =	stream.indirect_vreg.gather [hbm4b:s3+s2], $0x80, v4, vm0, $0xb8;
	[tilespmem:$0x10100] =	vst v63  }
0x10b: {  	s23 =	simm.s32 $0x4900  }
0x10c: {  	[tilespmem:s23], [sflag:$0x1] =	stream.indirect_vreg.gather [hbm4b:s3+s2], $0x80, v3, vm0, $0xb8;
	[tilespmem:$0x10100] =	vst v63  }
0x10d: {  	v3 =	vld [tilespmem:$0x50];
	_ =	sdelay $0x4  }
0x10e: {  	v61 =	vshll.u32 v3, $0x1  }
0x10f: {  	v3 =	vand.u32 $0x7, v3;
	v4 =	vand.u32 $0xFFFFFFF0, v61  }
0x110: {  	v3 =	vor.u32 v3, v4  }
0x111: {  	v4 =	vperm.xlane v3, v0;
	_ =	sdelay $0x1  }
0x112: {  	v3 =	vperm.xlane v3, v2;
	v4 =	vadd.s32 v1, v4;
	_ =	sdelay $0x1  }
0x113: {  	v3 =	vadd.s32 v1, v3;
	_ =	sdelay $0x1  }
0x114: {  	s23 =	simm.s32 $0x5100  }
0x115: {  	[tilespmem:s23], [sflag:$0x1] =	stream.indirect_vreg.gather [hbm4b:s3+s2], $0x80, v4, vm0, $0xb8;
	[tilespmem:$0x10100] =	vst v63  }
0x116: {  	s23 =	simm.s32 $0x5900  }
0x117: {  	[tilespmem:s23], [sflag:$0x1] =	stream.indirect_vreg.gather [hbm4b:s3+s2], $0x80, v3, vm0, $0xb8;
	[tilespmem:$0x10100] =	vst v63  }
0x118: {  	v3 =	vld [tilespmem:$0x60];
	_ =	sdelay $0x4  }
0x119: {  	v62 =	vshll.u32 v3, $0x1  }
0x11a: {  	v3 =	vand.u32 $0x7, v3;
	v4 =	vand.u32 $0xFFFFFFF0, v62  }
0x11b: {  	v3 =	vor.u32 v3, v4  }
0x11c: {  	v4 =	vperm.xlane v3, v0;
	_ =	sdelay $0x1  }
0x11d: {  	v3 =	vperm.xlane v3, v2;
	v4 =	vadd.s32 v1, v4;
	_ =	sdelay $0x1  }
0x11e: {  	v3 =	vadd.s32 v1, v3;
	_ =	sdelay $0x1  }
0x11f: {  	s23 =	simm.s32 $0x6100  }
0x120: {  	[tilespmem:s23], [sflag:$0x1] =	stream.indirect_vreg.gather [hbm4b:s3+s2], $0x80, v4, vm0, $0xb8;
	[tilespmem:$0x10100] =	vst v63  }
0x121: {  	_ = 	snop  }
0x122: {  	[tilespmem:s24], [sflag:$0x1] =	stream.indirect_vreg.gather [hbm4b:s3+s2], $0x80, v3, vm0, $0xb8;
	[tilespmem:$0x10100] =	vst v63  }
0x123: {  	v3 =	vld [tilespmem:$0x70];
	_ =	sdelay $0x4  }
0x124: {  	v63 =	vshll.u32 v3, $0x1  }
0x125: {  	v3 =	vand.u32 $0x7, v3;
	v4 =	vand.u32 $0xFFFFFFF0, v63  }
0x126: {  	v3 =	vor.u32 v3, v4  }
0x127: {  	v4 =	vperm.xlane v3, v0;
	_ =	sdelay $0x1  }
0x128: {  	v3 =	vperm.xlane v3, v2;
	v4 =	vadd.s32 v1, v4;
	_ =	sdelay $0x1  }
0x129: {  	v3 =	vadd.s32 v1, v3;
	_ =	sdelay $0x2  }
0x12a: {  	[tilespmem:s25], [sflag:$0x1] =	stream.indirect_vreg.gather [hbm4b:s3+s2], $0x80, v4, vm0, $0xb8;
	[tilespmem:$0x10100] =	vst v63  }
0x12b: {  	_ = 	snop  }
0x12c: {  	[tilespmem:s26], [sflag:$0x1] =	stream.indirect_vreg.gather [hbm4b:s3+s2], $0x80, v3, vm0, $0xb8;
	[tilespmem:$0x10100] =	vst v63  }
.LBB2_4:
0x12d: {  	_ =	swait.ge [sflag:s20], $0x8000  }
0x12e: {  	[sflag:s20] =	ssyncset.done $0x0  }
.Ltmp3:
0x12f: {  	s23 =	sadd.s32 $0x1000, s22;
	[sflag:s20] =	ssyncadd.s32 $0xFFFF8000;
	(pc) =	sbr.rel @p0 .LBB2_6-.Ltmp3, $4  }
0x130: {  	[hbm4b:s23+s2] =	stream.linear.scatter [tilespmem:s29], [sflag:$0x3], $0x8000, $0x38;
	[tilespmem:$0x10100] =	vst v63  }
0x131: {  	_ =	swait.ge [sflag:s10], $0x8000  }
0x132: {  	[sflag:s10] =	ssyncset.done $0x0  }
0x133: {  	[sflag:s10] =	ssyncadd.s32 $0xFFFF8000  }
0x134: {  	s23 =	sadd.s32 s21, s8  }
0x135: {  	[tilespmem:s28], [sflag:$0x3] =	stream.linear.gather [hbm4b:s23+s2], $0x80, $0x38;
	[tilespmem:$0x10100] =	vst v63  }
0x136: {  	_ =	swait.ge [sflag:s10], $0x80  }
0x137: {  	[sflag:s10] =	ssyncset.done $0x0  }
0x138: {  	[sflag:s10] =	ssyncadd.s32 $0xFFFFFF80  }
0x139: {  	v3 =	vld [tilespmem:$0x80];
	_ =	sdelay $0x4  }
0x13a: {  	v4 =	vshll.u32 v3, $0x1  }
0x13b: {  	v3 =	vand.u32 $0x7, v3;
	v4 =	vand.u32 $0xFFFFFFF0, v4  }
0x13c: {  	v3 =	vor.u32 v3, v4  }
0x13d: {  	v4 =	vperm.xlane v3, v0;
	_ =	sdelay $0x1  }
0x13e: {  	v3 =	vperm.xlane v3, v2;
	v4 =	vadd.s32 v1, v4;
	_ =	sdelay $0x1  }
0x13f: {  	v3 =	vadd.s32 v1, v3;
	_ =	sdelay $0x2  }
0x140: {  	[tilespmem:s29], [sflag:$0x2] =	stream.indirect_vreg.gather [hbm4b:s3+s2], $0x80, v4, vm0, $0xb8;
	[tilespmem:$0x10100] =	vst v63  }
0x141: {  	_ = 	snop  }
0x142: {  	[tilespmem:s30], [sflag:$0x2] =	stream.indirect_vreg.gather [hbm4b:s3+s2], $0x80, v3, vm0, $0xb8;
	[tilespmem:$0x10100] =	vst v63  }
0x143: {  	v3 =	vld [tilespmem:$0x90];
	_ =	sdelay $0x4  }
0x144: {  	v57 =	vshll.u32 v3, $0x1  }
0x145: {  	v3 =	vand.u32 $0x7, v3;
	v4 =	vand.u32 $0xFFFFFFF0, v57  }
0x146: {  	v3 =	vor.u32 v3, v4  }
0x147: {  	v4 =	vperm.xlane v3, v0;
	_ =	sdelay $0x1  }
0x148: {  	v3 =	vperm.xlane v3, v2;
	v4 =	vadd.s32 v1, v4;
	_ =	sdelay $0x1  }
0x149: {  	v3 =	vadd.s32 v1, v3;
	_ =	sdelay $0x2  }
0x14a: {  	[tilespmem:s31], [sflag:$0x2] =	stream.indirect_vreg.gather [hbm4b:s3+s2], $0x80, v4, vm0, $0xb8;
	[tilespmem:$0x10100] =	vst v63  }
0x14b: {  	_ = 	snop  }
0x14c: {  	[tilespmem:s0], [sflag:$0x2] =	stream.indirect_vreg.gather [hbm4b:s3+s2], $0x80, v3, vm0, $0xb8;
	[tilespmem:$0x10100] =	vst v63  }
0x14d: {  	v3 =	vld [tilespmem:$0xA0];
	_ =	sdelay $0x4  }
0x14e: {  	v58 =	vshll.u32 v3, $0x1  }
0x14f: {  	v3 =	vand.u32 $0x7, v3;
	v4 =	vand.u32 $0xFFFFFFF0, v58  }
0x150: {  	v3 =	vor.u32 v3, v4  }
0x151: {  	v4 =	vperm.xlane v3, v0;
	_ =	sdelay $0x1  }
0x152: {  	v3 =	vperm.xlane v3, v2;
	v4 =	vadd.s32 v1, v4;
	_ =	sdelay $0x1  }
0x153: {  	v3 =	vadd.s32 v1, v3;
	_ =	sdelay $0x2  }
0x154: {  	[tilespmem:s1], [sflag:$0x2] =	stream.indirect_vreg.gather [hbm4b:s3+s2], $0x80, v4, vm0, $0xb8;
	[tilespmem:$0x10100] =	vst v63  }
0x155: {  	_ = 	snop  }
0x156: {  	[tilespmem:s5], [sflag:$0x2] =	stream.indirect_vreg.gather [hbm4b:s3+s2], $0x80, v3, vm0, $0xb8;
	[tilespmem:$0x10100] =	vst v63  }
0x157: {  	v3 =	vld [tilespmem:$0xB0];
	_ =	sdelay $0x4  }
0x158: {  	v59 =	vshll.u32 v3, $0x1  }
0x159: {  	v3 =	vand.u32 $0x7, v3;
	v4 =	vand.u32 $0xFFFFFFF0, v59  }
0x15a: {  	v3 =	vor.u32 v3, v4  }
0x15b: {  	v4 =	vperm.xlane v3, v0;
	_ =	sdelay $0x1  }
0x15c: {  	v3 =	vperm.xlane v3, v2;
	v4 =	vadd.s32 v1, v4;
	_ =	sdelay $0x1  }
0x15d: {  	v3 =	vadd.s32 v1, v3;
	_ =	sdelay $0x2  }
0x15e: {  	[tilespmem:s6], [sflag:$0x2] =	stream.indirect_vreg.gather [hbm4b:s3+s2], $0x80, v4, vm0, $0xb8;
	[tilespmem:$0x10100] =	vst v63  }
0x15f: {  	_ = 	snop  }
0x160: {  	[tilespmem:s7], [sflag:$0x2] =	stream.indirect_vreg.gather [hbm4b:s3+s2], $0x80, v3, vm0, $0xb8;
	[tilespmem:$0x10100] =	vst v63  }
0x161: {  	v3 =	vld [tilespmem:$0xC0];
	_ =	sdelay $0x4  }
0x162: {  	v60 =	vshll.u32 v3, $0x1  }
0x163: {  	v3 =	vand.u32 $0x7, v3;
	v4 =	vand.u32 $0xFFFFFFF0, v60  }
0x164: {  	v3 =	vor.u32 v3, v4  }
0x165: {  	v4 =	vperm.xlane v3, v0;
	_ =	sdelay $0x1  }
0x166: {  	v3 =	vperm.xlane v3, v2;
	v4 =	vadd.s32 v1, v4;
	_ =	sdelay $0x1  }
0x167: {  	v3 =	vadd.s32 v1, v3;
	_ =	sdelay $0x2  }
0x168: {  	[tilespmem:s4], [sflag:$0x2] =	stream.indirect_vreg.gather [hbm4b:s3+s2], $0x80, v4, vm0, $0xb8;
	[tilespmem:$0x10100] =	vst v63  }
0x169: {  	_ = 	snop  }
0x16a: {  	[tilespmem:s12], [sflag:$0x2] =	stream.indirect_vreg.gather [hbm4b:s3+s2], $0x80, v3, vm0, $0xb8;
	[tilespmem:$0x10100] =	vst v63  }
0x16b: {  	v3 =	vld [tilespmem:$0xD0];
	_ =	sdelay $0x4  }
0x16c: {  	v61 =	vshll.u32 v3, $0x1  }
0x16d: {  	v3 =	vand.u32 $0x7, v3;
	v4 =	vand.u32 $0xFFFFFFF0, v61  }
0x16e: {  	v3 =	vor.u32 v3, v4  }
0x16f: {  	v4 =	vperm.xlane v3, v0;
	_ =	sdelay $0x1  }
0x170: {  	v3 =	vperm.xlane v3, v2;
	v4 =	vadd.s32 v1, v4;
	_ =	sdelay $0x1  }
0x171: {  	v3 =	vadd.s32 v1, v3;
	_ =	sdelay $0x2  }
0x172: {  	[tilespmem:s13], [sflag:$0x2] =	stream.indirect_vreg.gather [hbm4b:s3+s2], $0x80, v4, vm0, $0xb8;
	[tilespmem:$0x10100] =	vst v63  }
0x173: {  	_ = 	snop  }
0x174: {  	[tilespmem:s14], [sflag:$0x2] =	stream.indirect_vreg.gather [hbm4b:s3+s2], $0x80, v3, vm0, $0xb8;
	[tilespmem:$0x10100] =	vst v63  }
0x175: {  	v3 =	vld [tilespmem:$0xE0];
	_ =	sdelay $0x4  }
0x176: {  	v62 =	vshll.u32 v3, $0x1  }
0x177: {  	v3 =	vand.u32 $0x7, v3;
	v4 =	vand.u32 $0xFFFFFFF0, v62  }
0x178: {  	v3 =	vor.u32 v3, v4  }
0x179: {  	v4 =	vperm.xlane v3, v0;
	_ =	sdelay $0x1  }
0x17a: {  	v3 =	vperm.xlane v3, v2;
	v4 =	vadd.s32 v1, v4;
	_ =	sdelay $0x1  }
0x17b: {  	v3 =	vadd.s32 v1, v3;
	_ =	sdelay $0x2  }
0x17c: {  	[tilespmem:s15], [sflag:$0x2] =	stream.indirect_vreg.gather [hbm4b:s3+s2], $0x80, v4, vm0, $0xb8;
	[tilespmem:$0x10100] =	vst v63  }
0x17d: {  	_ = 	snop  }
0x17e: {  	[tilespmem:s16], [sflag:$0x2] =	stream.indirect_vreg.gather [hbm4b:s3+s2], $0x80, v3, vm0, $0xb8;
	[tilespmem:$0x10100] =	vst v63  }
0x17f: {  	v3 =	vld [tilespmem:$0xF0];
	_ =	sdelay $0x4  }
0x180: {  	v63 =	vshll.u32 v3, $0x1  }
0x181: {  	v3 =	vand.u32 $0x7, v3;
	v4 =	vand.u32 $0xFFFFFFF0, v63  }
0x182: {  	v3 =	vor.u32 v3, v4  }
0x183: {  	v4 =	vperm.xlane v3, v0;
	_ =	sdelay $0x1  }
0x184: {  	v3 =	vperm.xlane v3, v2;
	v4 =	vadd.s32 v1, v4;
	_ =	sdelay $0x1  }
0x185: {  	v3 =	vadd.s32 v1, v3  }
.Ltmp4:
0x186: {  	_ = 	snop;
	(pc) =	sbr.rel .LBB2_2-.Ltmp4, $4  }
0x187: {  	_ = 	snop  }
0x188: {  	[tilespmem:s17], [sflag:$0x2] =	stream.indirect_vreg.gather [hbm4b:s3+s2], $0x80, v4, vm0, $0xb8;
	[tilespmem:$0x10100] =	vst v63  }
0x189: {  	s22 =	sadd.s32 $0x2000, s22;
	s21 =	sadd.s32 $0x20, s21  }
0x18a: {  	[tilespmem:s18], [sflag:$0x2] =	stream.indirect_vreg.gather [hbm4b:s3+s2], $0x80, v3, vm0, $0xb8;
	[tilespmem:$0x10100] =	vst v63  }
.LBB2_7:
0x18b: {  	_ =	sfence.sel $0x180000  }
0x18c: {  	[bflag:$0x0] =	sbarrier.arrive $0xFFFF  }
0x18d: {  	_ =	strace $0x90000047  }
0x18e: {  	s0 =	stileid.u32;
	[bflag:$0x2] =	sbarrier.arrive $0xFFFF  }
0x18f: {  	p0 =	sne.s32 s0, $0x0;
	s0 =	rddreg [dreg:$0x1]  }
0x190: {  	s0 =	sadd.s32 @!p0 $0x100000, s0  }
0x191: {  	[sflag:s0] =	ssyncadd.tile.s32 @!p0 $0x1;
	_ =	shalt  }
.Lfunc_end2:
_tile_overlayer_lowered:
.L_overlay_start_2:
0x192: {  	(tag) =	ssettag $0x2  }
0x193: {  	s0 =	rddreg [dreg:$0x0];
	s2 =	stileid.u32  }
0x194: {  	s1 =	rddreg [dreg:$0x1];
	p0 =	sne.s32 s2, $0x0  }
0x195: {  	s3 =	rddreg [dreg:$0x2];
	[bflag:$0x3] =	sbarrier.arrive $0xFFFF;
	s2 =	simm.s32 @!p0 $0x1C03  }
0x196: {  	[timem:s3], [sflag:s2] =	dma.local @!p0 [hbm:s0], s1  }
0x197: {  	s0 =	simm.s32 @!p0 $0x3  }
0x198: {  	_ =	swait.ge @!p0 [sflag:s0], s1  }
0x199: {  	s1 =	ssub.s32 @!p0 $0x0, s1;
	[sflag:s0] =	ssyncset.done @!p0 $0x0  }
0x19a: {  	[sflag:s0] =	ssyncadd.s32 @!p0 s1  }
0x19b: {  	[bflag:$0x3] =	sbarrier.arrive $0xFFFF  }
0x19c: {  	_ =	shalt  }

// kernel: kernel.18.cloned.1.call-start
scs
__scs_entry_jumppad:
0x0: {  	(pc) =	sbr.rel $0x88, $3  }
0x1: {  	(tag) =	ssettag $0x0;
	lr =	simm.s32 $0x1  }
0x2: {  	[smem:$0x3F97] =	sst lr;
	_ =	strace $0xD0000000  }
0x3: {  	_ = 	snop  }
0x4: {  	_ = 	snop  }
0x5: {  	_ = 	snop  }
0x6: {  	_ = 	snop  }
0x7: {  	_ = 	snop  }
__scs_overlays_trampoline_lowered:
0x8: {  	[smem:$0x3FA6] =	sst s0  }
0x9: {  	[smem:$0x3FA7] =	sst s1  }
0xa: {  	[smem:$0x3FA8] =	sst s2  }
0xb: {  	[smem:$0x3FA9] =	sst s3  }
0xc: {  	[smem:$0x3FAA] =	sst s4  }
0xd: {  	[smem:$0x3FAB] =	sst s5  }
0xe: {  	[smem:$0x3FAC] =	sst s6  }
0xf: {  	[smem:$0x3FAD] =	sst s7  }
0x10: {  	[smem:$0x3FAE] =	sst s8  }
0x11: {  	[smem:$0x3FAF] =	sst s9;
	s0 =	simm.s32 @!p0 $0x0  }
0x12: {  	s1 =	sld [smem:$0x3F95];
	s0 =	simm.s32 @p0 $0x1  }
0x13: {  	[smem:$0x3FB0] =	sst s0;
	s0 =	simm.s32 @!p1 $0x0  }
0x14: {  	s2 =	sld [smem:$0x3F94];
	s0 =	simm.s32 @p1 $0x1  }
0x15: {  	[smem:$0x3FB1] =	sst s0;
	s0 =	simm.s32 @!p2 $0x0  }
0x16: {  	s3 =	sld [smem:$0x3FDB];
	s0 =	simm.s32 @p2 $0x1  }
0x17: {  	s4 =	simm.s32 $0x1BF5;
	[smem:$0x3FB3] =	sst s0  }
0x18: {  	s0 =	sld [smem:$0x3F96];
	_ =	swait.ge [sflag:s4], $0x0  }
0x19: {  	s7 =	sld [smem:$0x3F97]  }
0x1a: {  	s8 =	sadd.s32 $0xFFFFE003, lr  }
0x1b: {  	s9 =	sadd.s32 $0xFFFFFEF7, lr;
	s5 =	simm.s32 $0xFFFFFFFF;
	p2 =	slt.u32 s8, $0xFFFFF086  }
0x1c: {  	p1 =	slt.u32 s9, $0xF7A;
	s5 =	simm.s32 @!p2 $0x0  }
0x1d: {  	s5 =	simm.s32 @p1 $0x1;
	p0 =	seq.s32 s7, s2  }
0x1e: {  	s7 =	smul.u32 @!p0 $0xF7A, s2;
	p2 =	seq.s32 @!p0 s5, $0x0  }
0x1f: {  	s9 =	smul.u32 $0xF7A, s1;
	s8 =	simm.s32 @!p0 $0x1BF5;
	p2 =	por !p2, p0  }
0x20: {  	[sflag:s8] =	ssyncset.s32 @!p0 $0xFFFFF086;
	s6 =	sadd.s32 @!p0 s3, s7;
	s7 =	simm.s32 @!p0 $0x108  }
0x21: {  	s3 =	sadd.s32 s3, s9;
	s6 =	sadd.s32 @!p0 $0x88, s6;
	s7 =	simm.s32 @p2 $0x1082  }
0x22: {  	[simem:s7], [sflag:s8] =	dma.local @!p0 [hbm:s6], $0xF7A  }
0x23: {  	s9 =	sor.u32 $0xD0000000, s2;
	s6 =	simm.s32 $0x108;
	_ =	swait.ge @!p0 [sflag:s8], $0x0  }
0x24: {  	s3 =	sadd.s32 $0x88, s3;
	s6 =	simm.s32 @!p1 $0x1082;
	[sflag:s4] =	ssyncset.s32 $0xFFFFF086  }
0x25: {  	[simem:s6], [sflag:s4] =	dma.local [hbm:s3], $0xF7A  }
0x26: {  	[smem:$0x3F97] =	sst s1;
	(tag) =	ssettag s2;
	_ =	strace s9  }
0x27: {  	s1 =	sld [smem:$0x3FA7]  }
0x28: {  	s2 =	sld [smem:$0x3FA8]  }
0x29: {  	s4 =	sld [smem:$0x3FAA]  }
0x2a: {  	p0 =	seq.s32 s5, $0x0;
	s5 =	sld [smem:$0x3FAB]  }
0x2b: {  	s6 =	sld [smem:$0x3FAC]  }
0x2c: {  	s7 =	sld [smem:$0x3FAD]  }
0x2d: {  	s3 =	simm.s32 $0x108;
	s8 =	sld [smem:$0x3FAE]  }
0x2e: {  	s3 =	simm.s32 @!p0 $0x1082;
	s9 =	sld [smem:$0x3FAF]  }
0x2f: {  	lr =	sadd.s32 s0, s3;
	s0 =	sld [smem:$0x3FA6]  }
0x30: {  	s3 =	sld [smem:$0x3FA9]  }
0x31: {  	[smem:$0x3FB2] =	sst s10  }
0x32: {  	s10 =	sld [smem:$0x3FB0];
	_ =	sdelay $0x3  }
0x33: {  	p0 =	seq.s32 s10, $0x1;
	s10 =	sld [smem:$0x3FB2];
	_ =	sdelay $0x3  }
0x34: {  	[smem:$0x3FB2] =	sst s10  }
0x35: {  	s10 =	sld [smem:$0x3FB1];
	_ =	sdelay $0x3  }
0x36: {  	p1 =	seq.s32 s10, $0x1;
	s10 =	sld [smem:$0x3FB2];
	_ =	sdelay $0x3  }
0x37: {  	[smem:$0x3FB2] =	sst s10  }
0x38: {  	s10 =	sld [smem:$0x3FB3]  }
0x39: {  	_ = 	snop;
	(pc) =	sbr.ind lr, $3  }
0x3a: {  	_ = 	snop  }
0x3b: {  	_ = 	snop  }
0x3c: {  	p2 =	seq.s32 s10, $0x1;
	s10 =	sld [smem:$0x3FB2]  }
0x3d: {  	_ =	shalt  }
0x3e: {  	_ =	shalt  }
0x3f: {  	_ =	shalt  }
0x40: {  	_ =	shalt  }
0x41: {  	_ =	shalt  }
0x42: {  	_ =	shalt  }
0x43: {  	_ =	shalt  }
0x44: {  	_ =	shalt  }
0x45: {  	_ =	shalt  }
0x46: {  	_ =	shalt  }
0x47: {  	_ =	shalt  }
0x48: {  	_ =	shalt  }
0x49: {  	_ =	shalt  }
0x4a: {  	_ =	shalt  }
0x4b: {  	_ =	shalt  }
0x4c: {  	_ =	shalt  }
0x4d: {  	_ =	shalt  }
0x4e: {  	_ =	shalt  }
0x4f: {  	_ =	shalt  }
0x50: {  	_ =	shalt  }
0x51: {  	_ =	shalt  }
0x52: {  	_ =	shalt  }
0x53: {  	_ =	shalt  }
0x54: {  	_ =	shalt  }
0x55: {  	_ =	shalt  }
0x56: {  	_ =	shalt  }
0x57: {  	_ =	shalt  }
0x58: {  	_ =	shalt  }
0x59: {  	_ =	shalt  }
0x5a: {  	_ =	shalt  }
0x5b: {  	_ =	shalt  }
0x5c: {  	_ =	shalt  }
0x5d: {  	_ =	shalt  }
0x5e: {  	_ =	shalt  }
0x5f: {  	_ =	shalt  }
0x60: {  	_ =	shalt  }
0x61: {  	_ =	shalt  }
0x62: {  	_ =	shalt  }
0x63: {  	_ =	shalt  }
0x64: {  	_ =	shalt  }
0x65: {  	_ =	shalt  }
0x66: {  	_ =	shalt  }
0x67: {  	_ =	shalt  }
0x68: {  	_ =	shalt  }
0x69: {  	_ =	shalt  }
0x6a: {  	_ =	shalt  }
0x6b: {  	_ =	shalt  }
0x6c: {  	_ =	shalt  }
0x6d: {  	_ =	shalt  }
0x6e: {  	_ =	shalt  }
0x6f: {  	_ =	shalt  }
0x70: {  	_ =	shalt  }
0x71: {  	_ =	shalt  }
0x72: {  	_ =	shalt  }
0x73: {  	_ =	shalt  }
0x74: {  	_ =	shalt  }
0x75: {  	_ =	shalt  }
0x76: {  	_ =	shalt  }
0x77: {  	_ =	shalt  }
0x78: {  	_ =	shalt  }
0x79: {  	_ =	shalt  }
0x7a: {  	_ =	shalt  }
0x7b: {  	_ =	shalt  }
0x7c: {  	_ =	shalt  }
0x7d: {  	_ =	shalt  }
0x7e: {  	_ =	shalt  }
0x7f: {  	_ =	shalt  }
0x80: {  	_ =	shalt  }
0x81: {  	_ =	shalt  }
0x82: {  	_ =	shalt  }
0x83: {  	_ =	shalt  }
0x84: {  	_ =	shalt  }
0x85: {  	_ =	shalt  }
0x86: {  	_ =	shalt  }
0x87: {  	_ =	shalt  }
.Lfunc_end0:
.L_simem_size_0:
called_computation.1_lowered:
.L_overlay_start_0:
0x88: {  	s2 =	sld [smem:$0x3FD9]  }
0x89: {  	s3 =	sld [smem:$0x3FFE];
	_ =	sdelay $0x1  }
0x8a: {  	s1 =	srdreg.scid  }
0x8b: {  	s0 =	sand.u32 $0x1, s1  }
0x8c: {  	s17 =	sshll.u32 s0, $0xA;
	s2 =	sadd.s32 s3, s2  }
0x8d: {  	s2 =	sadd.s32 s2, s17  }
0x8e: {  	[smem:$0x3FBE] =	sst s2  }
0x8f: {  	_ = 	snop  }
0x90: {  	(tm) =	ssettm $0x1  }
0x91: {  	s18 =	sld [smem:$0x3FFB];
	_ =	sdelay $0x3  }
0x92: {  	_ =	strace s18  }
0x93: {  	s2 =	sld [smem:$0x3FFC];
	_ =	sdelay $0x3  }
0x94: {  	_ =	strace s2  }
0x95: {  	s2 =	sld [smem:$0x3FFD];
	_ =	sdelay $0x3  }
0x96: {  	_ =	strace s2  }
0x97: {  	_ =	strace $0x8FFFFFFF  }
0x98: {  	s19 =	sld [smem:$0x3FDB];
	_ =	sdelay $0x1  }
0x99: {  	s20 =	simm.s32 $_scs_section_size  }
0x9a: {  	s4 =	simm.s32 $_size__tile_overlayer_lowered;
	s5 =	simm.s32 $_tile_overlayer_lowered  }
0x9b: {  	s6 =	simm.s32 $0x1BFF;
	s21 =	sshll.u32 s5, $0x1;
	s3 =	sadd.s32 s20, s19  }
0x9c: {  	s22 =	simm.s32 $0x0;
	s4 =	sshll.u32 s4, $0x1;
	s5 =	sadd.s32 s21, s3  }
0x9d: {  	[timem:s22], [sflag:s6] =	dma.local [hbm:s5], s4  }
0x9e: {  	_ =	swait.ge [sflag:s6], s4  }
0x9f: {  	s4 =	ssub.s32 $0x0, s4;
	[sflag:s6] =	ssyncset.done $0x0  }
0xa0: {  	[sflag:s6] =	ssyncadd.s32 s4;
	_ =	sdelay $0x1  }
0xa1: {  	s23 =	simm.s32 $0x1B8B  }
0xa2: {  	_ =	swait.ge [sflag:s23], $0x1  }
0xa3: {  	[sflag:s23] =	ssyncset.done $0x0  }
0xa4: {  	[sflag:s23] =	ssyncadd.s32 $0xFFFFFFFF  }
0xa5: {  	s4 =	sld [smem:$0x0]  }
0xa6: {  	s5 =	sand.u32 $0xFFFFFFFE, s1  }
0xa7: {  	p0 =	sne.s32 s1, s5  }
0xa8: {  	s5 =	sshll.u32 @p0 s5, $0xE  }
0xa9: {  	s5 =	sadd.s32 @p0 $0x11B8D, s5;
	s6 =	sshll.u32 @p0 s4, $0x11  }
0xaa: {  	s5 =	sor.u32 @p0 s6, s5  }
0xab: {  	[sflag:s5] =	ssyncadd.remote.s32 @p0 $0x1;
	_ =	sdelay $0x1  }
0xac: {  	s5 =	simm.s32 @p0 $0x1B8D  }
0xad: {  	_ =	swait.eq @p0 [sflag:s5], $0x1  }
0xae: {  	[sflag:s5] =	ssyncadd.s32 @p0 $0xFFFFFFFF  }
0xaf: {  	s6 =	sshll.u32 @!p0 s1, $0xE  }
0xb0: {  	s6 =	sor.u32 @!p0 $0x4000, s6;
	s5 =	simm.s32 @!p0 $0x1B8D  }
0xb1: {  	s4 =	sshll.u32 @!p0 s4, $0x11;
	s6 =	sadd.s32 @!p0 $0x11B8D, s6;
	_ =	swait.eq @!p0 [sflag:s5], $0x1  }
0xb2: {  	s4 =	sor.u32 @!p0 s4, s6;
	[sflag:s5] =	ssyncadd.s32 @!p0 $0xFFFFFFFF  }
0xb3: {  	s25 =	simm.s32 $0x1B8E;
	s24 =	sld [smem:$0x3FFE];
	[sflag:s4] =	ssyncadd.remote.s32 @!p0 $0x1  }
0xb4: {  	s26 =	simm.s32 $execute0_lowered;
	[smem:$0x3FD2] =	sst s25  }
0xb5: {  	s5 =	sshll.u32 s26, $0x1;
	_ =	strace $0x80000049;
	[dreg:$0x1] =	wrdreg $0xFFFFFFFF  }
0xb6: {  	s28 =	simm.s32 $_size_execute0_lowered;
	s3 =	sadd.s32 s3, s5;
	[dreg:$0x0] =	wrdreg $0x0  }
0xb7: {  	s5 =	sshll.u32 s28, $0x1;
	[dreg:$0x2] =	wrdreg s3  }
0xb8: {  	[dreg:$0x3] =	wrdreg s5  }
0xb9: {  	[dreg:$0x4] =	wrdreg $0xC0  }
0xba: {  	_ =	task [dreg:s22], $0x5FFFF  }
0xbb: {  	[dreg:$0x1] =	wrdreg $0xFFFFFFFF  }
0xbc: {  	[dreg:$0x0] =	wrdreg $0x60  }
0xbd: {  	[dreg:$0x2] =	wrdreg s24  }
0xbe: {  	[dreg:$0x3] =	wrdreg $0xA  }
0xbf: {  	_ =	task.clear_ibuf [dreg:s22], $0x4FFFF;
	_ =	strace $0x90000049  }
0xc0: {  	s29 =	simm.s32 $0xA;
	_ =	strace $0x8000004B  }
0xc1: {  	_ =	swait.ge [sflag:s29], $0x1  }
0xc2: {  	[sflag:s29] =	ssyncadd.s32 $0xFFFFFFFF  }
0xc3: {  	_ =	strace $0x9000004B  }
0xc4: {  	_ =	sfence  }
0xc5: {  	s30 =	sld [smem:$0x0];
	_ =	sdelay $0x2  }
0xc6: {  	s31 =	sshll.u32 s1, $0xD;
	s1 =	sshrl.u32 s1, $0x2  }
0xc7: {  	s4 =	sand.u32 $0x4000, s31;
	s1 =	sadd.s32 s1, s30  }
0xc8: {  	s0 =	sor.u32 s4, s0;
	s1 =	sshll.u32 s1, $0x11  }
0xc9: {  	s0 =	sor.u32 s1, s0  }
0xca: {  	s0 =	sadd.s32 $0x8F2B, s0  }
0xcb: {  	[sflag:s0] =	ssyncadd.remote.s32 $0x1  }
0xcc: {  	_ =	sfence.sel $0xFFFF  }
0xcd: {  	[dreg:$0x0] =	wrdreg $0xFFFFFFFF;
	(pc) =	sbr.abs _section_cstart, $3  }
0xce: {  	[dreg:$0x1] =	wrdreg $0xFFFFFFFF  }
0xcf: {  	_ =	task.clear_ibuf [dreg:s22], $0x2FFFF;
	_ =	strace $0x9FFFFFFF  }
0xd0: {  	(tm) =	ssettm $0x7FFFFFFF  }
0xd1: {  	_ =	shalt  }
tec
execute0_lowered:
.L_overlay_start_1:
0x0: {  	(tag) =	ssettag $0x1  }
0x1: {  	s0 =	rddreg [dreg:$0x0];
	s2 =	simm.s32 $0x0;
	s1 =	srdreg.scid  }
0x2: {  	s8 =	stileid.u32;
	s10 =	simm.s32 $0x3;
	s11 =	simm.s32 $0x100  }
0x3: {  	s28 =	simm.s32 $0x80;
	s29 =	simm.s32 $0x8100;
	s30 =	simm.s32 $0x8900  }
0x4: {  	s31 =	simm.s32 $0x9100;
	s12 =	simm.s32 $0xC900;
	s13 =	simm.s32 $0xD100  }
0x5: {  	s14 =	simm.s32 $0xD900;
	s15 =	simm.s32 $0xE100;
	s16 =	simm.s32 $0xE900  }
0x6: {  	s17 =	simm.s32 $0xF100;
	s18 =	simm.s32 $0xF900;
	s19 =	simm.s32 $0x1  }
0x7: {  	[smem:$0x7FF] =	sst s2;
	s1 =	sand.u32 $0x1, s1;
	s4 =	sadd.s32 $0x230200, s0  }
0x8: {  	s5 =	sshll.u32 s8, $0xC;
	s3 =	sadd.s32 $0x220200, s0;
	s20 =	sshll.u32 s8, $0x11  }
0x9: {  	_ =	strace $0x8000004A;
	s6 =	sshll.u32 s1, $0xB;
	s7 =	ssub.s32 $0x2, s1  }
0xa: {  	s0 =	sadd.s32 s20, s0;
	s1 =	sshll.u32 s1, $0x10;
	s20 =	simm.s32 $0x2  }
0xb: {  	s5 =	sor.u32 s6, s5;
	s21 =	sshrl.u32 s7, $0x1;
	s0 =	sadd.s32 s1, s0  }
0xc: {  	s1 =	simm.s32 $0xA100;
	s9 =	sshrl.u32 s5, $0x3;
	s22 =	ssub.s32 s7, s21  }
0xd: {  	s24 =	sor.u32 $0x180, s5;
	s5 =	sor.u32 $0x100, s5;
	s0 =	sadd.s32 $0x232200, s0  }
0xe: {  	s23 =	sadd.s32 s4, s9;
	s6 =	smax.u32 s22, $0x1;
	[dreg:$0x5] =	wrdreg s0  }
0xf: {  	s25 =	sshrl.u32 s24, $0x3;
	s26 =	sshrl.u32 s5, $0x3;
	s24 =	simm.s32 $0x6900  }
.Ltmp0:
0x10: {  	s0 =	simm.s32 $0x9900;
	s5 =	simm.s32 $0xA900;
	(pc) =	sbr.rel .LBB2_1-.Ltmp0, $4  }
0x11: {  	s22 =	simm.s32 $0x0;
	[dreg:$0x2] =	wrdreg s23;
	s7 =	sadd.s32 $0x10, s23  }
0x12: {  	v2 =	vlaneseq.u32;
	[dreg:$0x4] =	wrdreg s6;
	s8 =	sadd.s32 s25, s4;
	s9 =	sadd.s32 s26, s4  }
0x13: {  	vm0 =	vmmov $0xffff;
	v1 =	vshrl.u32 v2, $0x3;
	s25 =	simm.s32 $0x7100;
	s26 =	simm.s32 $0x7900;
	s6 =	simm.s32 $0xB100  }
0x14: {  	v0 =	vand.u32 $0x7, v2;
	v2 =	vor.u32 $0x8, v2;
	v1 =	vmul.u32 $0x8, v1;
	s4 =	simm.s32 $0xC100;
	[dreg:$0x3] =	wrdreg s7;
	s7 =	simm.s32 $0xB900  }
.LBB2_6:
0x15: {  	s22 =	rddreg [dreg:$0x6]  }
0x16: {  	s21 =	rddreg [dreg:$0x4];
	s22 =	sadd.s32 $0x1, s22  }
0x17: {  	p0 =	sne.s32 s22, s21  }
.Ltmp1:
0x18: {  	_ = 	snop;
	(pc) =	sbr.rel @!p0 .LBB2_7-.Ltmp1, $1  }
0x19: {  	_ =	sdelay $0x3  }
.LBB2_1:
0x1a: {  	[dreg:$0x6] =	wrdreg s22  }
0x1b: {  	s21 =	rddreg [dreg:$0x2]  }
0x1c: {  	[tilespmem:s2], [sflag:$0x3] =	stream.linear.gather [hbm4b:s21+s2], $0x80, $0x38;
	[tilespmem:$0x10100] =	vst v63  }
0x1d: {  	_ =	swait.ge [sflag:s10], $0x80  }
0x1e: {  	[sflag:s10] =	ssyncset.done $0x0  }
0x1f: {  	[sflag:s10] =	ssyncadd.s32 $0xFFFFFF80  }
0x20: {  	v3 =	vld [tilespmem:$0x0];
	_ =	sdelay $0x4  }
0x21: {  	v4 =	vshll.u32 v3, $0x1  }
0x22: {  	v3 =	vand.u32 $0x7, v3;
	v4 =	vand.u32 $0xFFFFFFF0, v4  }
0x23: {  	v3 =	vor.u32 v3, v4  }
0x24: {  	v4 =	vperm.xlane v3, v0;
	_ =	sdelay $0x1  }
0x25: {  	v3 =	vperm.xlane v3, v2;
	v4 =	vadd.s32 v1, v4;
	_ =	sdelay $0x1  }
0x26: {  	v3 =	vadd.s32 v1, v3;
	_ =	sdelay $0x2  }
0x27: {  	[tilespmem:s11], [sflag:$0x1] =	stream.indirect_vreg.gather [hbm4b:s3+s2], $0x80, v4, vm0, $0xb8;
	[tilespmem:$0x10100] =	vst v63  }
0x28: {  	s23 =	simm.s32 $0x900  }
0x29: {  	[tilespmem:s23], [sflag:$0x1] =	stream.indirect_vreg.gather [hbm4b:s3+s2], $0x80, v3, vm0, $0xb8;
	[tilespmem:$0x10100] =	vst v63  }
0x2a: {  	v3 =	vld [tilespmem:$0x10];
	_ =	sdelay $0x4  }
0x2b: {  	v49 =	vshll.u32 v3, $0x1  }
0x2c: {  	v3 =	vand.u32 $0x7, v3;
	v4 =	vand.u32 $0xFFFFFFF0, v49  }
0x2d: {  	v3 =	vor.u32 v3, v4  }
0x2e: {  	v4 =	vperm.xlane v3, v0;
	_ =	sdelay $0x1  }
0x2f: {  	v3 =	vperm.xlane v3, v2;
	v4 =	vadd.s32 v1, v4;
	_ =	sdelay $0x1  }
0x30: {  	v3 =	vadd.s32 v1, v3;
	_ =	sdelay $0x1  }
0x31: {  	s22 =	simm.s32 $0x1100  }
0x32: {  	[tilespmem:s22], [sflag:$0x1] =	stream.indirect_vreg.gather [hbm4b:s3+s2], $0x80, v4, vm0, $0xb8;
	[tilespmem:$0x10100] =	vst v63  }
0x33: {  	s23 =	simm.s32 $0x1900  }
0x34: {  	[tilespmem:s23], [sflag:$0x1] =	stream.indirect_vreg.gather [hbm4b:s3+s2], $0x80, v3, vm0, $0xb8;
	[tilespmem:$0x10100] =	vst v63  }
0x35: {  	v3 =	vld [tilespmem:$0x20];
	_ =	sdelay $0x4  }
0x36: {  	v50 =	vshll.u32 v3, $0x1  }
0x37: {  	v3 =	vand.u32 $0x7, v3;
	v4 =	vand.u32 $0xFFFFFFF0, v50  }
0x38: {  	v3 =	vor.u32 v3, v4  }
0x39: {  	v4 =	vperm.xlane v3, v0;
	_ =	sdelay $0x1  }
0x3a: {  	v3 =	vperm.xlane v3, v2;
	v4 =	vadd.s32 v1, v4;
	_ =	sdelay $0x1  }
0x3b: {  	v3 =	vadd.s32 v1, v3;
	_ =	sdelay $0x1  }
0x3c: {  	s22 =	simm.s32 $0x2100  }
0x3d: {  	[tilespmem:s22], [sflag:$0x1] =	stream.indirect_vreg.gather [hbm4b:s3+s2], $0x80, v4, vm0, $0xb8;
	[tilespmem:$0x10100] =	vst v63  }
0x3e: {  	s23 =	simm.s32 $0x2900  }
0x3f: {  	[tilespmem:s23], [sflag:$0x1] =	stream.indirect_vreg.gather [hbm4b:s3+s2], $0x80, v3, vm0, $0xb8;
	[tilespmem:$0x10100] =	vst v63  }
0x40: {  	v3 =	vld [tilespmem:$0x30];
	_ =	sdelay $0x4  }
0x41: {  	v51 =	vshll.u32 v3, $0x1  }
0x42: {  	v3 =	vand.u32 $0x7, v3;
	v4 =	vand.u32 $0xFFFFFFF0, v51  }
0x43: {  	v3 =	vor.u32 v3, v4  }
0x44: {  	v4 =	vperm.xlane v3, v0;
	_ =	sdelay $0x1  }
0x45: {  	v3 =	vperm.xlane v3, v2;
	v4 =	vadd.s32 v1, v4;
	_ =	sdelay $0x1  }
0x46: {  	v3 =	vadd.s32 v1, v3;
	_ =	sdelay $0x1  }
0x47: {  	s22 =	simm.s32 $0x3100  }
0x48: {  	[tilespmem:s22], [sflag:$0x1] =	stream.indirect_vreg.gather [hbm4b:s3+s2], $0x80, v4, vm0, $0xb8;
	[tilespmem:$0x10100] =	vst v63  }
0x49: {  	s23 =	simm.s32 $0x3900  }
0x4a: {  	[tilespmem:s23], [sflag:$0x1] =	stream.indirect_vreg.gather [hbm4b:s3+s2], $0x80, v3, vm0, $0xb8;
	[tilespmem:$0x10100] =	vst v63  }
0x4b: {  	v3 =	vld [tilespmem:$0x40];
	_ =	sdelay $0x4  }
0x4c: {  	v52 =	vshll.u32 v3, $0x1  }
0x4d: {  	v3 =	vand.u32 $0x7, v3;
	v4 =	vand.u32 $0xFFFFFFF0, v52  }
0x4e: {  	v3 =	vor.u32 v3, v4  }
0x4f: {  	v4 =	vperm.xlane v3, v0;
	_ =	sdelay $0x1  }
0x50: {  	v3 =	vperm.xlane v3, v2;
	v4 =	vadd.s32 v1, v4;
	_ =	sdelay $0x1  }
0x51: {  	v3 =	vadd.s32 v1, v3;
	_ =	sdelay $0x1  }
0x52: {  	s22 =	simm.s32 $0x4100  }
0x53: {  	[tilespmem:s22], [sflag:$0x1] =	stream.indirect_vreg.gather [hbm4b:s3+s2], $0x80, v4, vm0, $0xb8;
	[tilespmem:$0x10100] =	vst v63  }
0x54: {  	s23 =	simm.s32 $0x4900  }
0x55: {  	[tilespmem:s23], [sflag:$0x1] =	stream.indirect_vreg.gather [hbm4b:s3+s2], $0x80, v3, vm0, $0xb8;
	[tilespmem:$0x10100] =	vst v63  }
0x56: {  	v3 =	vld [tilespmem:$0x50];
	_ =	sdelay $0x4  }
0x57: {  	v53 =	vshll.u32 v3, $0x1  }
0x58: {  	v3 =	vand.u32 $0x7, v3;
	v4 =	vand.u32 $0xFFFFFFF0, v53  }
0x59: {  	v3 =	vor.u32 v3, v4  }
0x5a: {  	v4 =	vperm.xlane v3, v0;
	_ =	sdelay $0x1  }
0x5b: {  	v3 =	vperm.xlane v3, v2;
	v4 =	vadd.s32 v1, v4;
	_ =	sdelay $0x1  }
0x5c: {  	v3 =	vadd.s32 v1, v3;
	_ =	sdelay $0x1  }
0x5d: {  	s22 =	simm.s32 $0x5100  }
0x5e: {  	[tilespmem:s22], [sflag:$0x1] =	stream.indirect_vreg.gather [hbm4b:s3+s2], $0x80, v4, vm0, $0xb8;
	[tilespmem:$0x10100] =	vst v63  }
0x5f: {  	s23 =	simm.s32 $0x5900  }
0x60: {  	[tilespmem:s23], [sflag:$0x1] =	stream.indirect_vreg.gather [hbm4b:s3+s2], $0x80, v3, vm0, $0xb8;
	[tilespmem:$0x10100] =	vst v63  }
0x61: {  	v3 =	vld [tilespmem:$0x60];
	_ =	sdelay $0x4  }
0x62: {  	v54 =	vshll.u32 v3, $0x1  }
0x63: {  	v3 =	vand.u32 $0x7, v3;
	v4 =	vand.u32 $0xFFFFFFF0, v54  }
0x64: {  	v3 =	vor.u32 v3, v4  }
0x65: {  	v4 =	vperm.xlane v3, v0;
	_ =	sdelay $0x1  }
0x66: {  	v3 =	vperm.xlane v3, v2;
	v4 =	vadd.s32 v1, v4;
	_ =	sdelay $0x1  }
0x67: {  	v3 =	vadd.s32 v1, v3;
	_ =	sdelay $0x1  }
0x68: {  	s22 =	simm.s32 $0x6100  }
0x69: {  	[tilespmem:s22], [sflag:$0x1] =	stream.indirect_vreg.gather [hbm4b:s3+s2], $0x80, v4, vm0, $0xb8;
	[tilespmem:$0x10100] =	vst v63  }
0x6a: {  	_ = 	snop  }
0x6b: {  	[tilespmem:s24], [sflag:$0x1] =	stream.indirect_vreg.gather [hbm4b:s3+s2], $0x80, v3, vm0, $0xb8;
	[tilespmem:$0x10100] =	vst v63  }
0x6c: {  	v3 =	vld [tilespmem:$0x70];
	_ =	sdelay $0x4  }
0x6d: {  	v55 =	vshll.u32 v3, $0x1  }
0x6e: {  	v3 =	vand.u32 $0x7, v3;
	v4 =	vand.u32 $0xFFFFFFF0, v55  }
0x6f: {  	v3 =	vor.u32 v3, v4  }
0x70: {  	v4 =	vperm.xlane v3, v0;
	_ =	sdelay $0x1  }
0x71: {  	v3 =	vperm.xlane v3, v2;
	v4 =	vadd.s32 v1, v4;
	_ =	sdelay $0x1  }
0x72: {  	v3 =	vadd.s32 v1, v3;
	_ =	sdelay $0x2  }
0x73: {  	[tilespmem:s25], [sflag:$0x1] =	stream.indirect_vreg.gather [hbm4b:s3+s2], $0x80, v4, vm0, $0xb8;
	[tilespmem:$0x10100] =	vst v63  }
0x74: {  	_ = 	snop  }
0x75: {  	[tilespmem:s26], [sflag:$0x1] =	stream.indirect_vreg.gather [hbm4b:s3+s2], $0x80, v3, vm0, $0xb8;
	[tilespmem:$0x10100] =	vst v63  }
0x76: {  	s23 =	rddreg [dreg:$0x3]  }
0x77: {  	[tilespmem:s28], [sflag:$0x3] =	stream.linear.gather [hbm4b:s23+s2], $0x80, $0x38;
	[tilespmem:$0x10100] =	vst v63  }
0x78: {  	_ =	swait.ge [sflag:s10], $0x80  }
0x79: {  	[sflag:s10] =	ssyncset.done $0x0  }
0x7a: {  	[sflag:s10] =	ssyncadd.s32 $0xFFFFFF80  }
0x7b: {  	v3 =	vld [tilespmem:$0x80];
	_ =	sdelay $0x4  }
0x7c: {  	v56 =	vshll.u32 v3, $0x1  }
0x7d: {  	v3 =	vand.u32 $0x7, v3;
	v4 =	vand.u32 $0xFFFFFFF0, v56  }
0x7e: {  	v3 =	vor.u32 v3, v4  }
0x7f: {  	v4 =	vperm.xlane v3, v0;
	_ =	sdelay $0x1  }
0x80: {  	v3 =	vperm.xlane v3, v2;
	v4 =	vadd.s32 v1, v4;
	_ =	sdelay $0x1  }
0x81: {  	v3 =	vadd.s32 v1, v3;
	_ =	sdelay $0x2  }
0x82: {  	[tilespmem:s29], [sflag:$0x2] =	stream.indirect_vreg.gather [hbm4b:s3+s2], $0x80, v4, vm0, $0xb8;
	[tilespmem:$0x10100] =	vst v63  }
0x83: {  	_ = 	snop  }
0x84: {  	[tilespmem:s30], [sflag:$0x2] =	stream.indirect_vreg.gather [hbm4b:s3+s2], $0x80, v3, vm0, $0xb8;
	[tilespmem:$0x10100] =	vst v63  }
0x85: {  	v3 =	vld [tilespmem:$0x90];
	_ =	sdelay $0x4  }
0x86: {  	v57 =	vshll.u32 v3, $0x1  }
0x87: {  	v3 =	vand.u32 $0x7, v3;
	v4 =	vand.u32 $0xFFFFFFF0, v57  }
0x88: {  	v3 =	vor.u32 v3, v4  }
0x89: {  	v4 =	vperm.xlane v3, v0;
	_ =	sdelay $0x1  }
0x8a: {  	v3 =	vperm.xlane v3, v2;
	v4 =	vadd.s32 v1, v4;
	_ =	sdelay $0x1  }
0x8b: {  	v3 =	vadd.s32 v1, v3;
	_ =	sdelay $0x2  }
0x8c: {  	[tilespmem:s31], [sflag:$0x2] =	stream.indirect_vreg.gather [hbm4b:s3+s2], $0x80, v4, vm0, $0xb8;
	[tilespmem:$0x10100] =	vst v63  }
0x8d: {  	_ = 	snop  }
0x8e: {  	[tilespmem:s0], [sflag:$0x2] =	stream.indirect_vreg.gather [hbm4b:s3+s2], $0x80, v3, vm0, $0xb8;
	[tilespmem:$0x10100] =	vst v63  }
0x8f: {  	v3 =	vld [tilespmem:$0xA0];
	_ =	sdelay $0x4  }
0x90: {  	v58 =	vshll.u32 v3, $0x1  }
0x91: {  	v3 =	vand.u32 $0x7, v3;
	v4 =	vand.u32 $0xFFFFFFF0, v58  }
0x92: {  	v3 =	vor.u32 v3, v4  }
0x93: {  	v4 =	vperm.xlane v3, v0;
	_ =	sdelay $0x1  }
0x94: {  	v3 =	vperm.xlane v3, v2;
	v4 =	vadd.s32 v1, v4;
	_ =	sdelay $0x1  }
0x95: {  	v3 =	vadd.s32 v1, v3;
	_ =	sdelay $0x2  }
0x96: {  	[tilespmem:s1], [sflag:$0x2] =	stream.indirect_vreg.gather [hbm4b:s3+s2], $0x80, v4, vm0, $0xb8;
	[tilespmem:$0x10100] =	vst v63  }
0x97: {  	_ = 	snop  }
0x98: {  	[tilespmem:s5], [sflag:$0x2] =	stream.indirect_vreg.gather [hbm4b:s3+s2], $0x80, v3, vm0, $0xb8;
	[tilespmem:$0x10100] =	vst v63  }
0x99: {  	v3 =	vld [tilespmem:$0xB0];
	_ =	sdelay $0x4  }
0x9a: {  	v59 =	vshll.u32 v3, $0x1  }
0x9b: {  	v3 =	vand.u32 $0x7, v3;
	v4 =	vand.u32 $0xFFFFFFF0, v59  }
0x9c: {  	v3 =	vor.u32 v3, v4  }
0x9d: {  	v4 =	vperm.xlane v3, v0;
	_ =	sdelay $0x1  }
0x9e: {  	v3 =	vperm.xlane v3, v2;
	v4 =	vadd.s32 v1, v4;
	_ =	sdelay $0x1  }
0x9f: {  	v3 =	vadd.s32 v1, v3;
	_ =	sdelay $0x2  }
0xa0: {  	[tilespmem:s6], [sflag:$0x2] =	stream.indirect_vreg.gather [hbm4b:s3+s2], $0x80, v4, vm0, $0xb8;
	[tilespmem:$0x10100] =	vst v63  }
0xa1: {  	_ = 	snop  }
0xa2: {  	[tilespmem:s7], [sflag:$0x2] =	stream.indirect_vreg.gather [hbm4b:s3+s2], $0x80, v3, vm0, $0xb8;
	[tilespmem:$0x10100] =	vst v63  }
0xa3: {  	v3 =	vld [tilespmem:$0xC0];
	_ =	sdelay $0x4  }
0xa4: {  	v60 =	vshll.u32 v3, $0x1  }
0xa5: {  	v3 =	vand.u32 $0x7, v3;
	v4 =	vand.u32 $0xFFFFFFF0, v60  }
0xa6: {  	v3 =	vor.u32 v3, v4  }
0xa7: {  	v4 =	vperm.xlane v3, v0;
	_ =	sdelay $0x1  }
0xa8: {  	v3 =	vperm.xlane v3, v2;
	v4 =	vadd.s32 v1, v4;
	_ =	sdelay $0x1  }
0xa9: {  	v3 =	vadd.s32 v1, v3;
	_ =	sdelay $0x2  }
0xaa: {  	[tilespmem:s4], [sflag:$0x2] =	stream.indirect_vreg.gather [hbm4b:s3+s2], $0x80, v4, vm0, $0xb8;
	[tilespmem:$0x10100] =	vst v63  }
0xab: {  	_ = 	snop  }
0xac: {  	[tilespmem:s12], [sflag:$0x2] =	stream.indirect_vreg.gather [hbm4b:s3+s2], $0x80, v3, vm0, $0xb8;
	[tilespmem:$0x10100] =	vst v63  }
0xad: {  	v3 =	vld [tilespmem:$0xD0];
	_ =	sdelay $0x4  }
0xae: {  	v61 =	vshll.u32 v3, $0x1  }
0xaf: {  	v3 =	vand.u32 $0x7, v3;
	v4 =	vand.u32 $0xFFFFFFF0, v61  }
0xb0: {  	v3 =	vor.u32 v3, v4  }
0xb1: {  	v4 =	vperm.xlane v3, v0;
	_ =	sdelay $0x1  }
0xb2: {  	v3 =	vperm.xlane v3, v2;
	v4 =	vadd.s32 v1, v4;
	_ =	sdelay $0x1  }
0xb3: {  	v3 =	vadd.s32 v1, v3;
	_ =	sdelay $0x2  }
0xb4: {  	[tilespmem:s13], [sflag:$0x2] =	stream.indirect_vreg.gather [hbm4b:s3+s2], $0x80, v4, vm0, $0xb8;
	[tilespmem:$0x10100] =	vst v63  }
0xb5: {  	_ = 	snop  }
0xb6: {  	[tilespmem:s14], [sflag:$0x2] =	stream.indirect_vreg.gather [hbm4b:s3+s2], $0x80, v3, vm0, $0xb8;
	[tilespmem:$0x10100] =	vst v63  }
0xb7: {  	v3 =	vld [tilespmem:$0xE0];
	_ =	sdelay $0x4  }
0xb8: {  	v62 =	vshll.u32 v3, $0x1  }
0xb9: {  	v3 =	vand.u32 $0x7, v3;
	v4 =	vand.u32 $0xFFFFFFF0, v62  }
0xba: {  	v3 =	vor.u32 v3, v4  }
0xbb: {  	v4 =	vperm.xlane v3, v0;
	_ =	sdelay $0x1  }
0xbc: {  	v3 =	vperm.xlane v3, v2;
	v4 =	vadd.s32 v1, v4;
	_ =	sdelay $0x1  }
0xbd: {  	v3 =	vadd.s32 v1, v3;
	_ =	sdelay $0x2  }
0xbe: {  	[tilespmem:s15], [sflag:$0x2] =	stream.indirect_vreg.gather [hbm4b:s3+s2], $0x80, v4, vm0, $0xb8;
	[tilespmem:$0x10100] =	vst v63  }
0xbf: {  	_ = 	snop  }
0xc0: {  	[tilespmem:s16], [sflag:$0x2] =	stream.indirect_vreg.gather [hbm4b:s3+s2], $0x80, v3, vm0, $0xb8;
	[tilespmem:$0x10100] =	vst v63  }
0xc1: {  	v3 =	vld [tilespmem:$0xF0];
	_ =	sdelay $0x4  }
0xc2: {  	v63 =	vshll.u32 v3, $0x1  }
0xc3: {  	v3 =	vand.u32 $0x7, v3;
	v4 =	vand.u32 $0xFFFFFFF0, v63  }
0xc4: {  	v3 =	vor.u32 v3, v4  }
0xc5: {  	v4 =	vperm.xlane v3, v0;
	_ =	sdelay $0x1  }
0xc6: {  	v3 =	vperm.xlane v3, v2;
	v4 =	vadd.s32 v1, v4;
	_ =	sdelay $0x1  }
0xc7: {  	v3 =	vadd.s32 v1, v3;
	_ =	sdelay $0x2  }
0xc8: {  	[tilespmem:s17], [sflag:$0x2] =	stream.indirect_vreg.gather [hbm4b:s3+s2], $0x80, v4, vm0, $0xb8;
	[tilespmem:$0x10100] =	vst v63  }
0xc9: {  	s21 =	simm.s32 $0x0;
	s22 =	rddreg [dreg:$0x5]  }
0xca: {  	[tilespmem:s18], [sflag:$0x2] =	stream.indirect_vreg.gather [hbm4b:s3+s2], $0x80, v3, vm0, $0xb8;
	[tilespmem:$0x10100] =	vst v63  }
.LBB2_2:
0xcb: {  	_ =	swait.ge [sflag:s19], $0x8000  }
0xcc: {  	p0 =	seq.s32 s21, $0xE0;
	[sflag:s19] =	ssyncset.done $0x0  }
.Ltmp2:
0xcd: {  	[sflag:s19] =	ssyncadd.s32 $0xFFFF8000;
	(pc) =	sbr.rel @p0 .LBB2_4-.Ltmp2, $4  }
0xce: {  	[hbm4b:s22+s2] =	stream.linear.scatter [tilespmem:s11], [sflag:$0x3], $0x8000, $0x38;
	[tilespmem:$0x10100] =	vst v63  }
0xcf: {  	_ =	swait.ge [sflag:s10], $0x8000  }
0xd0: {  	[sflag:s10] =	ssyncset.done $0x0  }
0xd1: {  	[sflag:s10] =	ssyncadd.s32 $0xFFFF8000  }
0xd2: {  	s23 =	sadd.s32 s21, s9  }
0xd3: {  	[tilespmem:s2], [sflag:$0x3] =	stream.linear.gather [hbm4b:s23+s2], $0x80, $0x38;
	[tilespmem:$0x10100] =	vst v63  }
0xd4: {  	_ =	swait.ge [sflag:s10], $0x80  }
0xd5: {  	[sflag:s10] =	ssyncset.done $0x0  }
0xd6: {  	[sflag:s10] =	ssyncadd.s32 $0xFFFFFF80  }
0xd7: {  	v3 =	vld [tilespmem:$0x0];
	_ =	sdelay $0x4  }
0xd8: {  	v4 =	vshll.u32 v3, $0x1  }
0xd9: {  	v3 =	vand.u32 $0x7, v3;
	v4 =	vand.u32 $0xFFFFFFF0, v4  }
0xda: {  	v3 =	vor.u32 v3, v4  }
0xdb: {  	v4 =	vperm.xlane v3, v0;
	_ =	sdelay $0x1  }
0xdc: {  	v3 =	vperm.xlane v3, v2;
	v4 =	vadd.s32 v1, v4;
	_ =	sdelay $0x1  }
0xdd: {  	v3 =	vadd.s32 v1, v3;
	_ =	sdelay $0x2  }
0xde: {  	[tilespmem:s11], [sflag:$0x1] =	stream.indirect_vreg.gather [hbm4b:s3+s2], $0x80, v4, vm0, $0xb8;
	[tilespmem:$0x10100] =	vst v63  }
0xdf: {  	s23 =	simm.s32 $0x900  }
0xe0: {  	[tilespmem:s23], [sflag:$0x1] =	stream.indirect_vreg.gather [hbm4b:s3+s2], $0x80, v3, vm0, $0xb8;
	[tilespmem:$0x10100] =	vst v63  }
0xe1: {  	v3 =	vld [tilespmem:$0x10];
	_ =	sdelay $0x4  }
0xe2: {  	v57 =	vshll.u32 v3, $0x1  }
0xe3: {  	v3 =	vand.u32 $0x7, v3;
	v4 =	vand.u32 $0xFFFFFFF0, v57  }
0xe4: {  	v3 =	vor.u32 v3, v4  }
0xe5: {  	v4 =	vperm.xlane v3, v0;
	_ =	sdelay $0x1  }
0xe6: {  	v3 =	vperm.xlane v3, v2;
	v4 =	vadd.s32 v1, v4;
	_ =	sdelay $0x1  }
0xe7: {  	v3 =	vadd.s32 v1, v3;
	_ =	sdelay $0x1  }
0xe8: {  	s23 =	simm.s32 $0x1100  }
0xe9: {  	[tilespmem:s23], [sflag:$0x1] =	stream.indirect_vreg.gather [hbm4b:s3+s2], $0x80, v4, vm0, $0xb8;
	[tilespmem:$0x10100] =	vst v63  }
0xea: {  	s23 =	simm.s32 $0x1900  }
0xeb: {  	[tilespmem:s23], [sflag:$0x1] =	stream.indirect_vreg.gather [hbm4b:s3+s2], $0x80, v3, vm0, $0xb8;
	[tilespmem:$0x10100] =	vst v63  }
0xec: {  	v3 =	vld [tilespmem:$0x20];
	_ =	sdelay $0x4  }
0xed: {  	v58 =	vshll.u32 v3, $0x1  }
0xee: {  	v3 =	vand.u32 $0x7, v3;
	v4 =	vand.u32 $0xFFFFFFF0, v58  }
0xef: {  	v3 =	vor.u32 v3, v4  }
0xf0: {  	v4 =	vperm.xlane v3, v0;
	_ =	sdelay $0x1  }
0xf1: {  	v3 =	vperm.xlane v3, v2;
	v4 =	vadd.s32 v1, v4;
	_ =	sdelay $0x1  }
0xf2: {  	v3 =	vadd.s32 v1, v3;
	_ =	sdelay $0x1  }
0xf3: {  	s23 =	simm.s32 $0x2100  }
0xf4: {  	[tilespmem:s23], [sflag:$0x1] =	stream.indirect_vreg.gather [hbm4b:s3+s2], $0x80, v4, vm0, $0xb8;
	[tilespmem:$0x10100] =	vst v63  }
0xf5: {  	s23 =	simm.s32 $0x2900  }
0xf6: {  	[tilespmem:s23], [sflag:$0x1] =	stream.indirect_vreg.gather [hbm4b:s3+s2], $0x80, v3, vm0, $0xb8;
	[tilespmem:$0x10100] =	vst v63  }
0xf7: {  	v3 =	vld [tilespmem:$0x30];
	_ =	sdelay $0x4  }
0xf8: {  	v59 =	vshll.u32 v3, $0x1  }
0xf9: {  	v3 =	vand.u32 $0x7, v3;
	v4 =	vand.u32 $0xFFFFFFF0, v59  }
0xfa: {  	v3 =	vor.u32 v3, v4  }
0xfb: {  	v4 =	vperm.xlane v3, v0;
	_ =	sdelay $0x1  }
0xfc: {  	v3 =	vperm.xlane v3, v2;
	v4 =	vadd.s32 v1, v4;
	_ =	sdelay $0x1  }
0xfd: {  	v3 =	vadd.s32 v1, v3;
	_ =	sdelay $0x1  }
0xfe: {  	s23 =	simm.s32 $0x3100  }
0xff: {  	[tilespmem:s23], [sflag:$0x1] =	stream.indirect_vreg.gather [hbm4b:s3+s2], $0x80, v4, vm0, $0xb8;
	[tilespmem:$0x10100] =	vst v63  }
0x100: {  	s23 =	simm.s32 $0x3900  }
0x101: {  	[tilespmem:s23], [sflag:$0x1] =	stream.indirect_vreg.gather [hbm4b:s3+s2], $0x80, v3, vm0, $0xb8;
	[tilespmem:$0x10100] =	vst v63  }
0x102: {  	v3 =	vld [tilespmem:$0x40];
	_ =	sdelay $0x4  }
0x103: {  	v60 =	vshll.u32 v3, $0x1  }
0x104: {  	v3 =	vand.u32 $0x7, v3;
	v4 =	vand.u32 $0xFFFFFFF0, v60  }
0x105: {  	v3 =	vor.u32 v3, v4  }
0x106: {  	v4 =	vperm.xlane v3, v0;
	_ =	sdelay $0x1  }
0x107: {  	v3 =	vperm.xlane v3, v2;
	v4 =	vadd.s32 v1, v4;
	_ =	sdelay $0x1  }
0x108: {  	v3 =	vadd.s32 v1, v3;
	_ =	sdelay $0x1  }
0x109: {  	s23 =	simm.s32 $0x4100  }
0x10a: {  	[tilespmem:s23], [sflag:$0x1] =	stream.indirect_vreg.gather [hbm4b:s3+s2], $0x80, v4, vm0, $0xb8;
	[tilespmem:$0x10100] =	vst v63  }
0x10b: {  	s23 =	simm.s32 $0x4900  }
0x10c: {  	[tilespmem:s23], [sflag:$0x1] =	stream.indirect_vreg.gather [hbm4b:s3+s2], $0x80, v3, vm0, $0xb8;
	[tilespmem:$0x10100] =	vst v63  }
0x10d: {  	v3 =	vld [tilespmem:$0x50];
	_ =	sdelay $0x4  }
0x10e: {  	v61 =	vshll.u32 v3, $0x1  }
0x10f: {  	v3 =	vand.u32 $0x7, v3;
	v4 =	vand.u32 $0xFFFFFFF0, v61  }
0x110: {  	v3 =	vor.u32 v3, v4  }
0x111: {  	v4 =	vperm.xlane v3, v0;
	_ =	sdelay $0x1  }
0x112: {  	v3 =	vperm.xlane v3, v2;
	v4 =	vadd.s32 v1, v4;
	_ =	sdelay $0x1  }
0x113: {  	v3 =	vadd.s32 v1, v3;
	_ =	sdelay $0x1  }
0x114: {  	s23 =	simm.s32 $0x5100  }
0x115: {  	[tilespmem:s23], [sflag:$0x1] =	stream.indirect_vreg.gather [hbm4b:s3+s2], $0x80, v4, vm0, $0xb8;
	[tilespmem:$0x10100] =	vst v63  }
0x116: {  	s23 =	simm.s32 $0x5900  }
0x117: {  	[tilespmem:s23], [sflag:$0x1] =	stream.indirect_vreg.gather [hbm4b:s3+s2], $0x80, v3, vm0, $0xb8;
	[tilespmem:$0x10100] =	vst v63  }
0x118: {  	v3 =	vld [tilespmem:$0x60];
	_ =	sdelay $0x4  }
0x119: {  	v62 =	vshll.u32 v3, $0x1  }
0x11a: {  	v3 =	vand.u32 $0x7, v3;
	v4 =	vand.u32 $0xFFFFFFF0, v62  }
0x11b: {  	v3 =	vor.u32 v3, v4  }
0x11c: {  	v4 =	vperm.xlane v3, v0;
	_ =	sdelay $0x1  }
0x11d: {  	v3 =	vperm.xlane v3, v2;
	v4 =	vadd.s32 v1, v4;
	_ =	sdelay $0x1  }
0x11e: {  	v3 =	vadd.s32 v1, v3;
	_ =	sdelay $0x1  }
0x11f: {  	s23 =	simm.s32 $0x6100  }
0x120: {  	[tilespmem:s23], [sflag:$0x1] =	stream.indirect_vreg.gather [hbm4b:s3+s2], $0x80, v4, vm0, $0xb8;
	[tilespmem:$0x10100] =	vst v63  }
0x121: {  	_ = 	snop  }
0x122: {  	[tilespmem:s24], [sflag:$0x1] =	stream.indirect_vreg.gather [hbm4b:s3+s2], $0x80, v3, vm0, $0xb8;
	[tilespmem:$0x10100] =	vst v63  }
0x123: {  	v3 =	vld [tilespmem:$0x70];
	_ =	sdelay $0x4  }
0x124: {  	v63 =	vshll.u32 v3, $0x1  }
0x125: {  	v3 =	vand.u32 $0x7, v3;
	v4 =	vand.u32 $0xFFFFFFF0, v63  }
0x126: {  	v3 =	vor.u32 v3, v4  }
0x127: {  	v4 =	vperm.xlane v3, v0;
	_ =	sdelay $0x1  }
0x128: {  	v3 =	vperm.xlane v3, v2;
	v4 =	vadd.s32 v1, v4;
	_ =	sdelay $0x1  }
0x129: {  	v3 =	vadd.s32 v1, v3;
	_ =	sdelay $0x2  }
0x12a: {  	[tilespmem:s25], [sflag:$0x1] =	stream.indirect_vreg.gather [hbm4b:s3+s2], $0x80, v4, vm0, $0xb8;
	[tilespmem:$0x10100] =	vst v63  }
0x12b: {  	_ = 	snop  }
0x12c: {  	[tilespmem:s26], [sflag:$0x1] =	stream.indirect_vreg.gather [hbm4b:s3+s2], $0x80, v3, vm0, $0xb8;
	[tilespmem:$0x10100] =	vst v63  }
.LBB2_4:
0x12d: {  	_ =	swait.ge [sflag:s20], $0x8000  }
0x12e: {  	[sflag:s20] =	ssyncset.done $0x0  }
.Ltmp3:
0x12f: {  	s23 =	sadd.s32 $0x1000, s22;
	[sflag:s20] =	ssyncadd.s32 $0xFFFF8000;
	(pc) =	sbr.rel @p0 .LBB2_6-.Ltmp3, $4  }
0x130: {  	[hbm4b:s23+s2] =	stream.linear.scatter [tilespmem:s29], [sflag:$0x3], $0x8000, $0x38;
	[tilespmem:$0x10100] =	vst v63  }
0x131: {  	_ =	swait.ge [sflag:s10], $0x8000  }
0x132: {  	[sflag:s10] =	ssyncset.done $0x0  }
0x133: {  	[sflag:s10] =	ssyncadd.s32 $0xFFFF8000  }
0x134: {  	s23 =	sadd.s32 s21, s8  }
0x135: {  	[tilespmem:s28], [sflag:$0x3] =	stream.linear.gather [hbm4b:s23+s2], $0x80, $0x38;
	[tilespmem:$0x10100] =	vst v63  }
0x136: {  	_ =	swait.ge [sflag:s10], $0x80  }
0x137: {  	[sflag:s10] =	ssyncset.done $0x0  }
0x138: {  	[sflag:s10] =	ssyncadd.s32 $0xFFFFFF80  }
0x139: {  	v3 =	vld [tilespmem:$0x80];
	_ =	sdelay $0x4  }
0x13a: {  	v4 =	vshll.u32 v3, $0x1  }
0x13b: {  	v3 =	vand.u32 $0x7, v3;
	v4 =	vand.u32 $0xFFFFFFF0, v4  }
0x13c: {  	v3 =	vor.u32 v3, v4  }
0x13d: {  	v4 =	vperm.xlane v3, v0;
	_ =	sdelay $0x1  }
0x13e: {  	v3 =	vperm.xlane v3, v2;
	v4 =	vadd.s32 v1, v4;
	_ =	sdelay $0x1  }
0x13f: {  	v3 =	vadd.s32 v1, v3;
	_ =	sdelay $0x2  }
0x140: {  	[tilespmem:s29], [sflag:$0x2] =	stream.indirect_vreg.gather [hbm4b:s3+s2], $0x80, v4, vm0, $0xb8;
	[tilespmem:$0x10100] =	vst v63  }
0x141: {  	_ = 	snop  }
0x142: {  	[tilespmem:s30], [sflag:$0x2] =	stream.indirect_vreg.gather [hbm4b:s3+s2], $0x80, v3, vm0, $0xb8;
	[tilespmem:$0x10100] =	vst v63  }
0x143: {  	v3 =	vld [tilespmem:$0x90];
	_ =	sdelay $0x4  }
0x144: {  	v57 =	vshll.u32 v3, $0x1  }
0x145: {  	v3 =	vand.u32 $0x7, v3;
	v4 =	vand.u32 $0xFFFFFFF0, v57  }
0x146: {  	v3 =	vor.u32 v3, v4  }
0x147: {  	v4 =	vperm.xlane v3, v0;
	_ =	sdelay $0x1  }
0x148: {  	v3 =	vperm.xlane v3, v2;
	v4 =	vadd.s32 v1, v4;
	_ =	sdelay $0x1  }
0x149: {  	v3 =	vadd.s32 v1, v3;
	_ =	sdelay $0x2  }
0x14a: {  	[tilespmem:s31], [sflag:$0x2] =	stream.indirect_vreg.gather [hbm4b:s3+s2], $0x80, v4, vm0, $0xb8;
	[tilespmem:$0x10100] =	vst v63  }
0x14b: {  	_ = 	snop  }
0x14c: {  	[tilespmem:s0], [sflag:$0x2] =	stream.indirect_vreg.gather [hbm4b:s3+s2], $0x80, v3, vm0, $0xb8;
	[tilespmem:$0x10100] =	vst v63  }
0x14d: {  	v3 =	vld [tilespmem:$0xA0];
	_ =	sdelay $0x4  }
0x14e: {  	v58 =	vshll.u32 v3, $0x1  }
0x14f: {  	v3 =	vand.u32 $0x7, v3;
	v4 =	vand.u32 $0xFFFFFFF0, v58  }
0x150: {  	v3 =	vor.u32 v3, v4  }
0x151: {  	v4 =	vperm.xlane v3, v0;
	_ =	sdelay $0x1  }
0x152: {  	v3 =	vperm.xlane v3, v2;
	v4 =	vadd.s32 v1, v4;
	_ =	sdelay $0x1  }
0x153: {  	v3 =	vadd.s32 v1, v3;
	_ =	sdelay $0x2  }
0x154: {  	[tilespmem:s1], [sflag:$0x2] =	stream.indirect_vreg.gather [hbm4b:s3+s2], $0x80, v4, vm0, $0xb8;
	[tilespmem:$0x10100] =	vst v63  }
0x155: {  	_ = 	snop  }
0x156: {  	[tilespmem:s5], [sflag:$0x2] =	stream.indirect_vreg.gather [hbm4b:s3+s2], $0x80, v3, vm0, $0xb8;
	[tilespmem:$0x10100] =	vst v63  }
0x157: {  	v3 =	vld [tilespmem:$0xB0];
	_ =	sdelay $0x4  }
0x158: {  	v59 =	vshll.u32 v3, $0x1  }
0x159: {  	v3 =	vand.u32 $0x7, v3;
	v4 =	vand.u32 $0xFFFFFFF0, v59  }
0x15a: {  	v3 =	vor.u32 v3, v4  }
0x15b: {  	v4 =	vperm.xlane v3, v0;
	_ =	sdelay $0x1  }
0x15c: {  	v3 =	vperm.xlane v3, v2;
	v4 =	vadd.s32 v1, v4;
	_ =	sdelay $0x1  }
0x15d: {  	v3 =	vadd.s32 v1, v3;
	_ =	sdelay $0x2  }
0x15e: {  	[tilespmem:s6], [sflag:$0x2] =	stream.indirect_vreg.gather [hbm4b:s3+s2], $0x80, v4, vm0, $0xb8;
	[tilespmem:$0x10100] =	vst v63  }
0x15f: {  	_ = 	snop  }
0x160: {  	[tilespmem:s7], [sflag:$0x2] =	stream.indirect_vreg.gather [hbm4b:s3+s2], $0x80, v3, vm0, $0xb8;
	[tilespmem:$0x10100] =	vst v63  }
0x161: {  	v3 =	vld [tilespmem:$0xC0];
	_ =	sdelay $0x4  }
0x162: {  	v60 =	vshll.u32 v3, $0x1  }
0x163: {  	v3 =	vand.u32 $0x7, v3;
	v4 =	vand.u32 $0xFFFFFFF0, v60  }
0x164: {  	v3 =	vor.u32 v3, v4  }
0x165: {  	v4 =	vperm.xlane v3, v0;
	_ =	sdelay $0x1  }
0x166: {  	v3 =	vperm.xlane v3, v2;
	v4 =	vadd.s32 v1, v4;
	_ =	sdelay $0x1  }
0x167: {  	v3 =	vadd.s32 v1, v3;
	_ =	sdelay $0x2  }
0x168: {  	[tilespmem:s4], [sflag:$0x2] =	stream.indirect_vreg.gather [hbm4b:s3+s2], $0x80, v4, vm0, $0xb8;
	[tilespmem:$0x10100] =	vst v63  }
0x169: {  	_ = 	snop  }
0x16a: {  	[tilespmem:s12], [sflag:$0x2] =	stream.indirect_vreg.gather [hbm4b:s3+s2], $0x80, v3, vm0, $0xb8;
	[tilespmem:$0x10100] =	vst v63  }
0x16b: {  	v3 =	vld [tilespmem:$0xD0];
	_ =	sdelay $0x4  }
0x16c: {  	v61 =	vshll.u32 v3, $0x1  }
0x16d: {  	v3 =	vand.u32 $0x7, v3;
	v4 =	vand.u32 $0xFFFFFFF0, v61  }
0x16e: {  	v3 =	vor.u32 v3, v4  }
0x16f: {  	v4 =	vperm.xlane v3, v0;
	_ =	sdelay $0x1  }
0x170: {  	v3 =	vperm.xlane v3, v2;
	v4 =	vadd.s32 v1, v4;
	_ =	sdelay $0x1  }
0x171: {  	v3 =	vadd.s32 v1, v3;
	_ =	sdelay $0x2  }
0x172: {  	[tilespmem:s13], [sflag:$0x2] =	stream.indirect_vreg.gather [hbm4b:s3+s2], $0x80, v4, vm0, $0xb8;
	[tilespmem:$0x10100] =	vst v63  }
0x173: {  	_ = 	snop  }
0x174: {  	[tilespmem:s14], [sflag:$0x2] =	stream.indirect_vreg.gather [hbm4b:s3+s2], $0x80, v3, vm0, $0xb8;
	[tilespmem:$0x10100] =	vst v63  }
0x175: {  	v3 =	vld [tilespmem:$0xE0];
	_ =	sdelay $0x4  }
0x176: {  	v62 =	vshll.u32 v3, $0x1  }
0x177: {  	v3 =	vand.u32 $0x7, v3;
	v4 =	vand.u32 $0xFFFFFFF0, v62  }
0x178: {  	v3 =	vor.u32 v3, v4  }
0x179: {  	v4 =	vperm.xlane v3, v0;
	_ =	sdelay $0x1  }
0x17a: {  	v3 =	vperm.xlane v3, v2;
	v4 =	vadd.s32 v1, v4;
	_ =	sdelay $0x1  }
0x17b: {  	v3 =	vadd.s32 v1, v3;
	_ =	sdelay $0x2  }
0x17c: {  	[tilespmem:s15], [sflag:$0x2] =	stream.indirect_vreg.gather [hbm4b:s3+s2], $0x80, v4, vm0, $0xb8;
	[tilespmem:$0x10100] =	vst v63  }
0x17d: {  	_ = 	snop  }
0x17e: {  	[tilespmem:s16], [sflag:$0x2] =	stream.indirect_vreg.gather [hbm4b:s3+s2], $0x80, v3, vm0, $0xb8;
	[tilespmem:$0x10100] =	vst v63  }
0x17f: {  	v3 =	vld [tilespmem:$0xF0];
	_ =	sdelay $0x4  }
0x180: {  	v63 =	vshll.u32 v3, $0x1  }
0x181: {  	v3 =	vand.u32 $0x7, v3;
	v4 =	vand.u32 $0xFFFFFFF0, v63  }
0x182: {  	v3 =	vor.u32 v3, v4  }
0x183: {  	v4 =	vperm.xlane v3, v0;
	_ =	sdelay $0x1  }
0x184: {  	v3 =	vperm.xlane v3, v2;
	v4 =	vadd.s32 v1, v4;
	_ =	sdelay $0x1  }
0x185: {  	v3 =	vadd.s32 v1, v3  }
.Ltmp4:
0x186: {  	_ = 	snop;
	(pc) =	sbr.rel .LBB2_2-.Ltmp4, $4  }
0x187: {  	_ = 	snop  }
0x188: {  	[tilespmem:s17], [sflag:$0x2] =	stream.indirect_vreg.gather [hbm4b:s3+s2], $0x80, v4, vm0, $0xb8;
	[tilespmem:$0x10100] =	vst v63  }
0x189: {  	s22 =	sadd.s32 $0x2000, s22;
	s21 =	sadd.s32 $0x20, s21  }
0x18a: {  	[tilespmem:s18], [sflag:$0x2] =	stream.indirect_vreg.gather [hbm4b:s3+s2], $0x80, v3, vm0, $0xb8;
	[tilespmem:$0x10100] =	vst v63  }
.LBB2_7:
0x18b: {  	_ =	sfence.sel $0x180000  }
0x18c: {  	[bflag:$0x0] =	sbarrier.arrive $0xFFFF  }
0x18d: {  	_ =	strace $0x9000004A  }
0x18e: {  	s0 =	stileid.u32;
	[bflag:$0x2] =	sbarrier.arrive $0xFFFF  }
0x18f: {  	p0 =	sne.s32 s0, $0x0;
	s0 =	rddreg [dreg:$0x1]  }
0x190: {  	s0 =	sadd.s32 @!p0 $0x100000, s0  }
0x191: {  	[sflag:s0] =	ssyncadd.tile.s32 @!p0 $0x1;
	_ =	shalt  }
.Lfunc_end2:
_tile_overlayer_lowered:
.L_overlay_start_2:
0x192: {  	(tag) =	ssettag $0x2  }
0x193: {  	s0 =	rddreg [dreg:$0x0];
	s2 =	stileid.u32  }
0x194: {  	s1 =	rddreg [dreg:$0x1];
	p0 =	sne.s32 s2, $0x0  }
0x195: {  	s3 =	rddreg [dreg:$0x2];
	[bflag:$0x3] =	sbarrier.arrive $0xFFFF;
	s2 =	simm.s32 @!p0 $0x1C03  }
0x196: {  	[timem:s3], [sflag:s2] =	dma.local @!p0 [hbm:s0], s1  }
0x197: {  	s0 =	simm.s32 @!p0 $0x3  }
0x198: {  	_ =	swait.ge @!p0 [sflag:s0], s1  }
0x199: {  	s1 =	ssub.s32 @!p0 $0x0, s1;
	[sflag:s0] =	ssyncset.done @!p0 $0x0  }
0x19a: {  	[sflag:s0] =	ssyncadd.s32 @!p0 s1  }
0x19b: {  	[bflag:$0x3] =	sbarrier.arrive $0xFFFF  }
0x19c: {  	_ =	shalt  }

// kernel: kernel.21.cloned.1.call-start
scs
__scs_entry_jumppad:
0x0: {  	(pc) =	sbr.rel $0x88, $3  }
0x1: {  	(tag) =	ssettag $0x0;
	lr =	simm.s32 $0x1  }
0x2: {  	[smem:$0x3F97] =	sst lr;
	_ =	strace $0xD0000000  }
0x3: {  	_ = 	snop  }
0x4: {  	_ = 	snop  }
0x5: {  	_ = 	snop  }
0x6: {  	_ = 	snop  }
0x7: {  	_ = 	snop  }
__scs_overlays_trampoline_lowered:
0x8: {  	[smem:$0x3FA6] =	sst s0  }
0x9: {  	[smem:$0x3FA7] =	sst s1  }
0xa: {  	[smem:$0x3FA8] =	sst s2  }
0xb: {  	[smem:$0x3FA9] =	sst s3  }
0xc: {  	[smem:$0x3FAA] =	sst s4  }
0xd: {  	[smem:$0x3FAB] =	sst s5  }
0xe: {  	[smem:$0x3FAC] =	sst s6  }
0xf: {  	[smem:$0x3FAD] =	sst s7  }
0x10: {  	[smem:$0x3FAE] =	sst s8  }
0x11: {  	[smem:$0x3FAF] =	sst s9;
	s0 =	simm.s32 @!p0 $0x0  }
0x12: {  	s1 =	sld [smem:$0x3F95];
	s0 =	simm.s32 @p0 $0x1  }
0x13: {  	[smem:$0x3FB0] =	sst s0;
	s0 =	simm.s32 @!p1 $0x0  }
0x14: {  	s2 =	sld [smem:$0x3F94];
	s0 =	simm.s32 @p1 $0x1  }
0x15: {  	[smem:$0x3FB1] =	sst s0;
	s0 =	simm.s32 @!p2 $0x0  }
0x16: {  	s3 =	sld [smem:$0x3FDB];
	s0 =	simm.s32 @p2 $0x1  }
0x17: {  	s4 =	simm.s32 $0x1BF5;
	[smem:$0x3FB3] =	sst s0  }
0x18: {  	s0 =	sld [smem:$0x3F96];
	_ =	swait.ge [sflag:s4], $0x0  }
0x19: {  	s7 =	sld [smem:$0x3F97]  }
0x1a: {  	s8 =	sadd.s32 $0xFFFFE003, lr  }
0x1b: {  	s9 =	sadd.s32 $0xFFFFFEF7, lr;
	s5 =	simm.s32 $0xFFFFFFFF;
	p2 =	slt.u32 s8, $0xFFFFF086  }
0x1c: {  	p1 =	slt.u32 s9, $0xF7A;
	s5 =	simm.s32 @!p2 $0x0  }
0x1d: {  	s5 =	simm.s32 @p1 $0x1;
	p0 =	seq.s32 s7, s2  }
0x1e: {  	s7 =	smul.u32 @!p0 $0xF7A, s2;
	p2 =	seq.s32 @!p0 s5, $0x0  }
0x1f: {  	s9 =	smul.u32 $0xF7A, s1;
	s8 =	simm.s32 @!p0 $0x1BF5;
	p2 =	por !p2, p0  }
0x20: {  	[sflag:s8] =	ssyncset.s32 @!p0 $0xFFFFF086;
	s6 =	sadd.s32 @!p0 s3, s7;
	s7 =	simm.s32 @!p0 $0x108  }
0x21: {  	s3 =	sadd.s32 s3, s9;
	s6 =	sadd.s32 @!p0 $0x88, s6;
	s7 =	simm.s32 @p2 $0x1082  }
0x22: {  	[simem:s7], [sflag:s8] =	dma.local @!p0 [hbm:s6], $0xF7A  }
0x23: {  	s9 =	sor.u32 $0xD0000000, s2;
	s6 =	simm.s32 $0x108;
	_ =	swait.ge @!p0 [sflag:s8], $0x0  }
0x24: {  	s3 =	sadd.s32 $0x88, s3;
	s6 =	simm.s32 @!p1 $0x1082;
	[sflag:s4] =	ssyncset.s32 $0xFFFFF086  }
0x25: {  	[simem:s6], [sflag:s4] =	dma.local [hbm:s3], $0xF7A  }
0x26: {  	[smem:$0x3F97] =	sst s1;
	(tag) =	ssettag s2;
	_ =	strace s9  }
0x27: {  	s1 =	sld [smem:$0x3FA7]  }
0x28: {  	s2 =	sld [smem:$0x3FA8]  }
0x29: {  	s4 =	sld [smem:$0x3FAA]  }
0x2a: {  	p0 =	seq.s32 s5, $0x0;
	s5 =	sld [smem:$0x3FAB]  }
0x2b: {  	s6 =	sld [smem:$0x3FAC]  }
0x2c: {  	s7 =	sld [smem:$0x3FAD]  }
0x2d: {  	s3 =	simm.s32 $0x108;
	s8 =	sld [smem:$0x3FAE]  }
0x2e: {  	s3 =	simm.s32 @!p0 $0x1082;
	s9 =	sld [smem:$0x3FAF]  }
0x2f: {  	lr =	sadd.s32 s0, s3;
	s0 =	sld [smem:$0x3FA6]  }
0x30: {  	s3 =	sld [smem:$0x3FA9]  }
0x31: {  	[smem:$0x3FB2] =	sst s10  }
0x32: {  	s10 =	sld [smem:$0x3FB0];
	_ =	sdelay $0x3  }
0x33: {  	p0 =	seq.s32 s10, $0x1;
	s10 =	sld [smem:$0x3FB2];
	_ =	sdelay $0x3  }
0x34: {  	[smem:$0x3FB2] =	sst s10  }
0x35: {  	s10 =	sld [smem:$0x3FB1];
	_ =	sdelay $0x3  }
0x36: {  	p1 =	seq.s32 s10, $0x1;
	s10 =	sld [smem:$0x3FB2];
	_ =	sdelay $0x3  }
0x37: {  	[smem:$0x3FB2] =	sst s10  }
0x38: {  	s10 =	sld [smem:$0x3FB3]  }
0x39: {  	_ = 	snop;
	(pc) =	sbr.ind lr, $3  }
0x3a: {  	_ = 	snop  }
0x3b: {  	_ = 	snop  }
0x3c: {  	p2 =	seq.s32 s10, $0x1;
	s10 =	sld [smem:$0x3FB2]  }
0x3d: {  	_ =	shalt  }
0x3e: {  	_ =	shalt  }
0x3f: {  	_ =	shalt  }
0x40: {  	_ =	shalt  }
0x41: {  	_ =	shalt  }
0x42: {  	_ =	shalt  }
0x43: {  	_ =	shalt  }
0x44: {  	_ =	shalt  }
0x45: {  	_ =	shalt  }
0x46: {  	_ =	shalt  }
0x47: {  	_ =	shalt  }
0x48: {  	_ =	shalt  }
0x49: {  	_ =	shalt  }
0x4a: {  	_ =	shalt  }
0x4b: {  	_ =	shalt  }
0x4c: {  	_ =	shalt  }
0x4d: {  	_ =	shalt  }
0x4e: {  	_ =	shalt  }
0x4f: {  	_ =	shalt  }
0x50: {  	_ =	shalt  }
0x51: {  	_ =	shalt  }
0x52: {  	_ =	shalt  }
0x53: {  	_ =	shalt  }
0x54: {  	_ =	shalt  }
0x55: {  	_ =	shalt  }
0x56: {  	_ =	shalt  }
0x57: {  	_ =	shalt  }
0x58: {  	_ =	shalt  }
0x59: {  	_ =	shalt  }
0x5a: {  	_ =	shalt  }
0x5b: {  	_ =	shalt  }
0x5c: {  	_ =	shalt  }
0x5d: {  	_ =	shalt  }
0x5e: {  	_ =	shalt  }
0x5f: {  	_ =	shalt  }
0x60: {  	_ =	shalt  }
0x61: {  	_ =	shalt  }
0x62: {  	_ =	shalt  }
0x63: {  	_ =	shalt  }
0x64: {  	_ =	shalt  }
0x65: {  	_ =	shalt  }
0x66: {  	_ =	shalt  }
0x67: {  	_ =	shalt  }
0x68: {  	_ =	shalt  }
0x69: {  	_ =	shalt  }
0x6a: {  	_ =	shalt  }
0x6b: {  	_ =	shalt  }
0x6c: {  	_ =	shalt  }
0x6d: {  	_ =	shalt  }
0x6e: {  	_ =	shalt  }
0x6f: {  	_ =	shalt  }
0x70: {  	_ =	shalt  }
0x71: {  	_ =	shalt  }
0x72: {  	_ =	shalt  }
0x73: {  	_ =	shalt  }
0x74: {  	_ =	shalt  }
0x75: {  	_ =	shalt  }
0x76: {  	_ =	shalt  }
0x77: {  	_ =	shalt  }
0x78: {  	_ =	shalt  }
0x79: {  	_ =	shalt  }
0x7a: {  	_ =	shalt  }
0x7b: {  	_ =	shalt  }
0x7c: {  	_ =	shalt  }
0x7d: {  	_ =	shalt  }
0x7e: {  	_ =	shalt  }
0x7f: {  	_ =	shalt  }
0x80: {  	_ =	shalt  }
0x81: {  	_ =	shalt  }
0x82: {  	_ =	shalt  }
0x83: {  	_ =	shalt  }
0x84: {  	_ =	shalt  }
0x85: {  	_ =	shalt  }
0x86: {  	_ =	shalt  }
0x87: {  	_ =	shalt  }
.Lfunc_end0:
.L_simem_size_0:
called_computation.2_lowered:
.L_overlay_start_0:
0x88: {  	s2 =	sld [smem:$0x3FD9]  }
0x89: {  	s3 =	sld [smem:$0x3FFE];
	_ =	sdelay $0x1  }
0x8a: {  	s1 =	srdreg.scid  }
0x8b: {  	s0 =	sand.u32 $0x1, s1  }
0x8c: {  	s17 =	sshll.u32 s0, $0xA;
	s2 =	sadd.s32 s3, s2  }
0x8d: {  	s2 =	sadd.s32 s2, s17  }
0x8e: {  	[smem:$0x3FBE] =	sst s2  }
0x8f: {  	_ = 	snop  }
0x90: {  	(tm) =	ssettm $0x1  }
0x91: {  	s18 =	sld [smem:$0x3FFB];
	_ =	sdelay $0x3  }
0x92: {  	_ =	strace s18  }
0x93: {  	s2 =	sld [smem:$0x3FFC];
	_ =	sdelay $0x3  }
0x94: {  	_ =	strace s2  }
0x95: {  	s2 =	sld [smem:$0x3FFD];
	_ =	sdelay $0x3  }
0x96: {  	_ =	strace s2  }
0x97: {  	_ =	strace $0x8FFFFFFF  }
0x98: {  	s19 =	sld [smem:$0x3FDB];
	_ =	sdelay $0x1  }
0x99: {  	s20 =	simm.s32 $_scs_section_size  }
0x9a: {  	s4 =	simm.s32 $_size__tile_overlayer_lowered;
	s5 =	simm.s32 $_tile_overlayer_lowered  }
0x9b: {  	s6 =	simm.s32 $0x1BFF;
	s21 =	sshll.u32 s5, $0x1;
	s3 =	sadd.s32 s20, s19  }
0x9c: {  	s22 =	simm.s32 $0x0;
	s4 =	sshll.u32 s4, $0x1;
	s5 =	sadd.s32 s21, s3  }
0x9d: {  	[timem:s22], [sflag:s6] =	dma.local [hbm:s5], s4  }
0x9e: {  	_ =	swait.ge [sflag:s6], s4  }
0x9f: {  	s4 =	ssub.s32 $0x0, s4;
	[sflag:s6] =	ssyncset.done $0x0  }
0xa0: {  	[sflag:s6] =	ssyncadd.s32 s4;
	_ =	sdelay $0x1  }
0xa1: {  	s23 =	simm.s32 $0x1B8B  }
0xa2: {  	_ =	swait.ge [sflag:s23], $0x1  }
0xa3: {  	[sflag:s23] =	ssyncset.done $0x0  }
0xa4: {  	[sflag:s23] =	ssyncadd.s32 $0xFFFFFFFF  }
0xa5: {  	s4 =	sld [smem:$0x0]  }
0xa6: {  	s5 =	sand.u32 $0xFFFFFFFE, s1  }
0xa7: {  	p0 =	sne.s32 s1, s5  }
0xa8: {  	s5 =	sshll.u32 @p0 s5, $0xE  }
0xa9: {  	s5 =	sadd.s32 @p0 $0x11B8D, s5;
	s6 =	sshll.u32 @p0 s4, $0x11  }
0xaa: {  	s5 =	sor.u32 @p0 s6, s5  }
0xab: {  	[sflag:s5] =	ssyncadd.remote.s32 @p0 $0x1;
	_ =	sdelay $0x1  }
0xac: {  	s5 =	simm.s32 @p0 $0x1B8D  }
0xad: {  	_ =	swait.eq @p0 [sflag:s5], $0x1  }
0xae: {  	[sflag:s5] =	ssyncadd.s32 @p0 $0xFFFFFFFF  }
0xaf: {  	s6 =	sshll.u32 @!p0 s1, $0xE  }
0xb0: {  	s6 =	sor.u32 @!p0 $0x4000, s6;
	s5 =	simm.s32 @!p0 $0x1B8D  }
0xb1: {  	s4 =	sshll.u32 @!p0 s4, $0x11;
	s6 =	sadd.s32 @!p0 $0x11B8D, s6;
	_ =	swait.eq @!p0 [sflag:s5], $0x1  }
0xb2: {  	s4 =	sor.u32 @!p0 s4, s6;
	[sflag:s5] =	ssyncadd.s32 @!p0 $0xFFFFFFFF  }
0xb3: {  	s25 =	simm.s32 $0x1B8E;
	s24 =	sld [smem:$0x3FFE];
	[sflag:s4] =	ssyncadd.remote.s32 @!p0 $0x1  }
0xb4: {  	s26 =	simm.s32 $execute0_lowered;
	[smem:$0x3FD2] =	sst s25  }
0xb5: {  	s5 =	sshll.u32 s26, $0x1;
	_ =	strace $0x8000004C;
	[dreg:$0x1] =	wrdreg $0xFFFFFFFF  }
0xb6: {  	s28 =	simm.s32 $_size_execute0_lowered;
	s3 =	sadd.s32 s3, s5;
	[dreg:$0x0] =	wrdreg $0x0  }
0xb7: {  	s5 =	sshll.u32 s28, $0x1;
	[dreg:$0x2] =	wrdreg s3  }
0xb8: {  	[dreg:$0x3] =	wrdreg s5  }
0xb9: {  	[dreg:$0x4] =	wrdreg $0xC0  }
0xba: {  	_ =	task [dreg:s22], $0x5FFFF  }
0xbb: {  	[dreg:$0x1] =	wrdreg $0xFFFFFFFF  }
0xbc: {  	[dreg:$0x0] =	wrdreg $0x60  }
0xbd: {  	[dreg:$0x2] =	wrdreg s24  }
0xbe: {  	[dreg:$0x3] =	wrdreg $0xB  }
0xbf: {  	_ =	task.clear_ibuf [dreg:s22], $0x4FFFF;
	_ =	strace $0x9000004C  }
0xc0: {  	s29 =	simm.s32 $0xB;
	_ =	strace $0x8000004E  }
0xc1: {  	_ =	swait.ge [sflag:s29], $0x1  }
0xc2: {  	[sflag:s29] =	ssyncadd.s32 $0xFFFFFFFF  }
0xc3: {  	_ =	strace $0x9000004E  }
0xc4: {  	_ =	sfence  }
0xc5: {  	s30 =	sld [smem:$0x0];
	_ =	sdelay $0x2  }
0xc6: {  	s31 =	sshll.u32 s1, $0xD;
	s1 =	sshrl.u32 s1, $0x2  }
0xc7: {  	s4 =	sand.u32 $0x4000, s31;
	s1 =	sadd.s32 s1, s30  }
0xc8: {  	s0 =	sor.u32 s4, s0;
	s1 =	sshll.u32 s1, $0x11  }
0xc9: {  	s0 =	sor.u32 s1, s0  }
0xca: {  	s0 =	sadd.s32 $0x8F2B, s0  }
0xcb: {  	[sflag:s0] =	ssyncadd.remote.s32 $0x1  }
0xcc: {  	_ =	sfence.sel $0xFFFF  }
0xcd: {  	[dreg:$0x0] =	wrdreg $0xFFFFFFFF;
	(pc) =	sbr.abs _section_cstart, $3  }
0xce: {  	[dreg:$0x1] =	wrdreg $0xFFFFFFFF  }
0xcf: {  	_ =	task.clear_ibuf [dreg:s22], $0x2FFFF;
	_ =	strace $0x9FFFFFFF  }
0xd0: {  	(tm) =	ssettm $0x7FFFFFFF  }
0xd1: {  	_ =	shalt  }
tec
execute0_lowered:
.L_overlay_start_1:
0x0: {  	(tag) =	ssettag $0x1  }
0x1: {  	s0 =	rddreg [dreg:$0x0];
	s2 =	simm.s32 $0x0;
	s1 =	srdreg.scid  }
0x2: {  	s8 =	stileid.u32;
	s10 =	simm.s32 $0x3;
	s11 =	simm.s32 $0x100  }
0x3: {  	s28 =	simm.s32 $0x80;
	s29 =	simm.s32 $0x8100;
	s30 =	simm.s32 $0x8900  }
0x4: {  	s31 =	simm.s32 $0x9100;
	s12 =	simm.s32 $0xC900;
	s13 =	simm.s32 $0xD100  }
0x5: {  	s14 =	simm.s32 $0xD900;
	s15 =	simm.s32 $0xE100;
	s16 =	simm.s32 $0xE900  }
0x6: {  	s17 =	simm.s32 $0xF100;
	s18 =	simm.s32 $0xF900;
	s19 =	simm.s32 $0x1  }
0x7: {  	[smem:$0x7FF] =	sst s2;
	s1 =	sand.u32 $0x1, s1;
	s4 =	sadd.s32 $0x5600, s0  }
0x8: {  	s5 =	sshll.u32 s8, $0xC;
	s3 =	sadd.s32 $0x432200, s0;
	s20 =	sshll.u32 s8, $0x11  }
0x9: {  	_ =	strace $0x8000004D;
	s6 =	sshll.u32 s1, $0xB;
	s7 =	ssub.s32 $0x2, s1  }
0xa: {  	s0 =	sadd.s32 s20, s0;
	s1 =	sshll.u32 s1, $0x10;
	s20 =	simm.s32 $0x2  }
0xb: {  	s5 =	sor.u32 s6, s5;
	s21 =	sshrl.u32 s7, $0x1;
	s0 =	sadd.s32 s1, s0  }
0xc: {  	s1 =	simm.s32 $0xA100;
	s9 =	sshrl.u32 s5, $0x3;
	s22 =	ssub.s32 s7, s21  }
0xd: {  	s24 =	sor.u32 $0x180, s5;
	s5 =	sor.u32 $0x100, s5;
	s0 =	sadd.s32 $0x442200, s0  }
0xe: {  	s23 =	sadd.s32 s4, s9;
	s6 =	smax.u32 s22, $0x1;
	[dreg:$0x5] =	wrdreg s0  }
0xf: {  	s25 =	sshrl.u32 s24, $0x3;
	s26 =	sshrl.u32 s5, $0x3;
	s24 =	simm.s32 $0x6900  }
.Ltmp0:
0x10: {  	s0 =	simm.s32 $0x9900;
	s5 =	simm.s32 $0xA900;
	(pc) =	sbr.rel .LBB2_1-.Ltmp0, $4  }
0x11: {  	s22 =	simm.s32 $0x0;
	[dreg:$0x2] =	wrdreg s23;
	s7 =	sadd.s32 $0x10, s23  }
0x12: {  	v2 =	vlaneseq.u32;
	[dreg:$0x4] =	wrdreg s6;
	s8 =	sadd.s32 s25, s4;
	s9 =	sadd.s32 s26, s4  }
0x13: {  	vm0 =	vmmov $0xffff;
	v1 =	vshrl.u32 v2, $0x3;
	s25 =	simm.s32 $0x7100;
	s26 =	simm.s32 $0x7900;
	s6 =	simm.s32 $0xB100  }
0x14: {  	v0 =	vand.u32 $0x7, v2;
	v2 =	vor.u32 $0x8, v2;
	v1 =	vmul.u32 $0x8, v1;
	s4 =	simm.s32 $0xC100;
	[dreg:$0x3] =	wrdreg s7;
	s7 =	simm.s32 $0xB900  }
.LBB2_6:
0x15: {  	s22 =	rddreg [dreg:$0x6]  }
0x16: {  	s21 =	rddreg [dreg:$0x4];
	s22 =	sadd.s32 $0x1, s22  }
0x17: {  	p0 =	sne.s32 s22, s21  }
.Ltmp1:
0x18: {  	_ = 	snop;
	(pc) =	sbr.rel @!p0 .LBB2_7-.Ltmp1, $1  }
0x19: {  	_ =	sdelay $0x3  }
.LBB2_1:
0x1a: {  	[dreg:$0x6] =	wrdreg s22  }
0x1b: {  	s21 =	rddreg [dreg:$0x2]  }
0x1c: {  	[tilespmem:s2], [sflag:$0x3] =	stream.linear.gather [hbm4b:s21+s2], $0x80, $0x38;
	[tilespmem:$0x10100] =	vst v63  }
0x1d: {  	_ =	swait.ge [sflag:s10], $0x80  }
0x1e: {  	[sflag:s10] =	ssyncset.done $0x0  }
0x1f: {  	[sflag:s10] =	ssyncadd.s32 $0xFFFFFF80  }
0x20: {  	v3 =	vld [tilespmem:$0x0];
	_ =	sdelay $0x4  }
0x21: {  	v4 =	vshll.u32 v3, $0x1  }
0x22: {  	v3 =	vand.u32 $0x7, v3;
	v4 =	vand.u32 $0xFFFFFFF0, v4  }
0x23: {  	v3 =	vor.u32 v3, v4  }
0x24: {  	v4 =	vperm.xlane v3, v0;
	_ =	sdelay $0x1  }
0x25: {  	v3 =	vperm.xlane v3, v2;
	v4 =	vadd.s32 v1, v4;
	_ =	sdelay $0x1  }
0x26: {  	v3 =	vadd.s32 v1, v3;
	_ =	sdelay $0x2  }
0x27: {  	[tilespmem:s11], [sflag:$0x1] =	stream.indirect_vreg.gather [hbm4b:s3+s2], $0x80, v4, vm0, $0xb8;
	[tilespmem:$0x10100] =	vst v63  }
0x28: {  	s23 =	simm.s32 $0x900  }
0x29: {  	[tilespmem:s23], [sflag:$0x1] =	stream.indirect_vreg.gather [hbm4b:s3+s2], $0x80, v3, vm0, $0xb8;
	[tilespmem:$0x10100] =	vst v63  }
0x2a: {  	v3 =	vld [tilespmem:$0x10];
	_ =	sdelay $0x4  }
0x2b: {  	v49 =	vshll.u32 v3, $0x1  }
0x2c: {  	v3 =	vand.u32 $0x7, v3;
	v4 =	vand.u32 $0xFFFFFFF0, v49  }
0x2d: {  	v3 =	vor.u32 v3, v4  }
0x2e: {  	v4 =	vperm.xlane v3, v0;
	_ =	sdelay $0x1  }
0x2f: {  	v3 =	vperm.xlane v3, v2;
	v4 =	vadd.s32 v1, v4;
	_ =	sdelay $0x1  }
0x30: {  	v3 =	vadd.s32 v1, v3;
	_ =	sdelay $0x1  }
0x31: {  	s22 =	simm.s32 $0x1100  }
0x32: {  	[tilespmem:s22], [sflag:$0x1] =	stream.indirect_vreg.gather [hbm4b:s3+s2], $0x80, v4, vm0, $0xb8;
	[tilespmem:$0x10100] =	vst v63  }
0x33: {  	s23 =	simm.s32 $0x1900  }
0x34: {  	[tilespmem:s23], [sflag:$0x1] =	stream.indirect_vreg.gather [hbm4b:s3+s2], $0x80, v3, vm0, $0xb8;
	[tilespmem:$0x10100] =	vst v63  }
0x35: {  	v3 =	vld [tilespmem:$0x20];
	_ =	sdelay $0x4  }
0x36: {  	v50 =	vshll.u32 v3, $0x1  }
0x37: {  	v3 =	vand.u32 $0x7, v3;
	v4 =	vand.u32 $0xFFFFFFF0, v50  }
0x38: {  	v3 =	vor.u32 v3, v4  }
0x39: {  	v4 =	vperm.xlane v3, v0;
	_ =	sdelay $0x1  }
0x3a: {  	v3 =	vperm.xlane v3, v2;
	v4 =	vadd.s32 v1, v4;
	_ =	sdelay $0x1  }
0x3b: {  	v3 =	vadd.s32 v1, v3;
	_ =	sdelay $0x1  }
0x3c: {  	s22 =	simm.s32 $0x2100  }
0x3d: {  	[tilespmem:s22], [sflag:$0x1] =	stream.indirect_vreg.gather [hbm4b:s3+s2], $0x80, v4, vm0, $0xb8;
	[tilespmem:$0x10100] =	vst v63  }
0x3e: {  	s23 =	simm.s32 $0x2900  }
0x3f: {  	[tilespmem:s23], [sflag:$0x1] =	stream.indirect_vreg.gather [hbm4b:s3+s2], $0x80, v3, vm0, $0xb8;
	[tilespmem:$0x10100] =	vst v63  }
0x40: {  	v3 =	vld [tilespmem:$0x30];
	_ =	sdelay $0x4  }
0x41: {  	v51 =	vshll.u32 v3, $0x1  }
0x42: {  	v3 =	vand.u32 $0x7, v3;
	v4 =	vand.u32 $0xFFFFFFF0, v51  }
0x43: {  	v3 =	vor.u32 v3, v4  }
0x44: {  	v4 =	vperm.xlane v3, v0;
	_ =	sdelay $0x1  }
0x45: {  	v3 =	vperm.xlane v3, v2;
	v4 =	vadd.s32 v1, v4;
	_ =	sdelay $0x1  }
0x46: {  	v3 =	vadd.s32 v1, v3;
	_ =	sdelay $0x1  }
0x47: {  	s22 =	simm.s32 $0x3100  }
0x48: {  	[tilespmem:s22], [sflag:$0x1] =	stream.indirect_vreg.gather [hbm4b:s3+s2], $0x80, v4, vm0, $0xb8;
	[tilespmem:$0x10100] =	vst v63  }
0x49: {  	s23 =	simm.s32 $0x3900  }
0x4a: {  	[tilespmem:s23], [sflag:$0x1] =	stream.indirect_vreg.gather [hbm4b:s3+s2], $0x80, v3, vm0, $0xb8;
	[tilespmem:$0x10100] =	vst v63  }
0x4b: {  	v3 =	vld [tilespmem:$0x40];
	_ =	sdelay $0x4  }
0x4c: {  	v52 =	vshll.u32 v3, $0x1  }
0x4d: {  	v3 =	vand.u32 $0x7, v3;
	v4 =	vand.u32 $0xFFFFFFF0, v52  }
0x4e: {  	v3 =	vor.u32 v3, v4  }
0x4f: {  	v4 =	vperm.xlane v3, v0;
	_ =	sdelay $0x1  }
0x50: {  	v3 =	vperm.xlane v3, v2;
	v4 =	vadd.s32 v1, v4;
	_ =	sdelay $0x1  }
0x51: {  	v3 =	vadd.s32 v1, v3;
	_ =	sdelay $0x1  }
0x52: {  	s22 =	simm.s32 $0x4100  }
0x53: {  	[tilespmem:s22], [sflag:$0x1] =	stream.indirect_vreg.gather [hbm4b:s3+s2], $0x80, v4, vm0, $0xb8;
	[tilespmem:$0x10100] =	vst v63  }
0x54: {  	s23 =	simm.s32 $0x4900  }
0x55: {  	[tilespmem:s23], [sflag:$0x1] =	stream.indirect_vreg.gather [hbm4b:s3+s2], $0x80, v3, vm0, $0xb8;
	[tilespmem:$0x10100] =	vst v63  }
0x56: {  	v3 =	vld [tilespmem:$0x50];
	_ =	sdelay $0x4  }
0x57: {  	v53 =	vshll.u32 v3, $0x1  }
0x58: {  	v3 =	vand.u32 $0x7, v3;
	v4 =	vand.u32 $0xFFFFFFF0, v53  }
0x59: {  	v3 =	vor.u32 v3, v4  }
0x5a: {  	v4 =	vperm.xlane v3, v0;
	_ =	sdelay $0x1  }
0x5b: {  	v3 =	vperm.xlane v3, v2;
	v4 =	vadd.s32 v1, v4;
	_ =	sdelay $0x1  }
0x5c: {  	v3 =	vadd.s32 v1, v3;
	_ =	sdelay $0x1  }
0x5d: {  	s22 =	simm.s32 $0x5100  }
0x5e: {  	[tilespmem:s22], [sflag:$0x1] =	stream.indirect_vreg.gather [hbm4b:s3+s2], $0x80, v4, vm0, $0xb8;
	[tilespmem:$0x10100] =	vst v63  }
0x5f: {  	s23 =	simm.s32 $0x5900  }
0x60: {  	[tilespmem:s23], [sflag:$0x1] =	stream.indirect_vreg.gather [hbm4b:s3+s2], $0x80, v3, vm0, $0xb8;
	[tilespmem:$0x10100] =	vst v63  }
0x61: {  	v3 =	vld [tilespmem:$0x60];
	_ =	sdelay $0x4  }
0x62: {  	v54 =	vshll.u32 v3, $0x1  }
0x63: {  	v3 =	vand.u32 $0x7, v3;
	v4 =	vand.u32 $0xFFFFFFF0, v54  }
0x64: {  	v3 =	vor.u32 v3, v4  }
0x65: {  	v4 =	vperm.xlane v3, v0;
	_ =	sdelay $0x1  }
0x66: {  	v3 =	vperm.xlane v3, v2;
	v4 =	vadd.s32 v1, v4;
	_ =	sdelay $0x1  }
0x67: {  	v3 =	vadd.s32 v1, v3;
	_ =	sdelay $0x1  }
0x68: {  	s22 =	simm.s32 $0x6100  }
0x69: {  	[tilespmem:s22], [sflag:$0x1] =	stream.indirect_vreg.gather [hbm4b:s3+s2], $0x80, v4, vm0, $0xb8;
	[tilespmem:$0x10100] =	vst v63  }
0x6a: {  	_ = 	snop  }
0x6b: {  	[tilespmem:s24], [sflag:$0x1] =	stream.indirect_vreg.gather [hbm4b:s3+s2], $0x80, v3, vm0, $0xb8;
	[tilespmem:$0x10100] =	vst v63  }
0x6c: {  	v3 =	vld [tilespmem:$0x70];
	_ =	sdelay $0x4  }
0x6d: {  	v55 =	vshll.u32 v3, $0x1  }
0x6e: {  	v3 =	vand.u32 $0x7, v3;
	v4 =	vand.u32 $0xFFFFFFF0, v55  }
0x6f: {  	v3 =	vor.u32 v3, v4  }
0x70: {  	v4 =	vperm.xlane v3, v0;
	_ =	sdelay $0x1  }
0x71: {  	v3 =	vperm.xlane v3, v2;
	v4 =	vadd.s32 v1, v4;
	_ =	sdelay $0x1  }
0x72: {  	v3 =	vadd.s32 v1, v3;
	_ =	sdelay $0x2  }
0x73: {  	[tilespmem:s25], [sflag:$0x1] =	stream.indirect_vreg.gather [hbm4b:s3+s2], $0x80, v4, vm0, $0xb8;
	[tilespmem:$0x10100] =	vst v63  }
0x74: {  	_ = 	snop  }
0x75: {  	[tilespmem:s26], [sflag:$0x1] =	stream.indirect_vreg.gather [hbm4b:s3+s2], $0x80, v3, vm0, $0xb8;
	[tilespmem:$0x10100] =	vst v63  }
0x76: {  	s23 =	rddreg [dreg:$0x3]  }
0x77: {  	[tilespmem:s28], [sflag:$0x3] =	stream.linear.gather [hbm4b:s23+s2], $0x80, $0x38;
	[tilespmem:$0x10100] =	vst v63  }
0x78: {  	_ =	swait.ge [sflag:s10], $0x80  }
0x79: {  	[sflag:s10] =	ssyncset.done $0x0  }
0x7a: {  	[sflag:s10] =	ssyncadd.s32 $0xFFFFFF80  }
0x7b: {  	v3 =	vld [tilespmem:$0x80];
	_ =	sdelay $0x4  }
0x7c: {  	v56 =	vshll.u32 v3, $0x1  }
0x7d: {  	v3 =	vand.u32 $0x7, v3;
	v4 =	vand.u32 $0xFFFFFFF0, v56  }
0x7e: {  	v3 =	vor.u32 v3, v4  }
0x7f: {  	v4 =	vperm.xlane v3, v0;
	_ =	sdelay $0x1  }
0x80: {  	v3 =	vperm.xlane v3, v2;
	v4 =	vadd.s32 v1, v4;
	_ =	sdelay $0x1  }
0x81: {  	v3 =	vadd.s32 v1, v3;
	_ =	sdelay $0x2  }
0x82: {  	[tilespmem:s29], [sflag:$0x2] =	stream.indirect_vreg.gather [hbm4b:s3+s2], $0x80, v4, vm0, $0xb8;
	[tilespmem:$0x10100] =	vst v63  }
0x83: {  	_ = 	snop  }
0x84: {  	[tilespmem:s30], [sflag:$0x2] =	stream.indirect_vreg.gather [hbm4b:s3+s2], $0x80, v3, vm0, $0xb8;
	[tilespmem:$0x10100] =	vst v63  }
0x85: {  	v3 =	vld [tilespmem:$0x90];
	_ =	sdelay $0x4  }
0x86: {  	v57 =	vshll.u32 v3, $0x1  }
0x87: {  	v3 =	vand.u32 $0x7, v3;
	v4 =	vand.u32 $0xFFFFFFF0, v57  }
0x88: {  	v3 =	vor.u32 v3, v4  }
0x89: {  	v4 =	vperm.xlane v3, v0;
	_ =	sdelay $0x1  }
0x8a: {  	v3 =	vperm.xlane v3, v2;
	v4 =	vadd.s32 v1, v4;
	_ =	sdelay $0x1  }
0x8b: {  	v3 =	vadd.s32 v1, v3;
	_ =	sdelay $0x2  }
0x8c: {  	[tilespmem:s31], [sflag:$0x2] =	stream.indirect_vreg.gather [hbm4b:s3+s2], $0x80, v4, vm0, $0xb8;
	[tilespmem:$0x10100] =	vst v63  }
0x8d: {  	_ = 	snop  }
0x8e: {  	[tilespmem:s0], [sflag:$0x2] =	stream.indirect_vreg.gather [hbm4b:s3+s2], $0x80, v3, vm0, $0xb8;
	[tilespmem:$0x10100] =	vst v63  }
0x8f: {  	v3 =	vld [tilespmem:$0xA0];
	_ =	sdelay $0x4  }
0x90: {  	v58 =	vshll.u32 v3, $0x1  }
0x91: {  	v3 =	vand.u32 $0x7, v3;
	v4 =	vand.u32 $0xFFFFFFF0, v58  }
0x92: {  	v3 =	vor.u32 v3, v4  }
0x93: {  	v4 =	vperm.xlane v3, v0;
	_ =	sdelay $0x1  }
0x94: {  	v3 =	vperm.xlane v3, v2;
	v4 =	vadd.s32 v1, v4;
	_ =	sdelay $0x1  }
0x95: {  	v3 =	vadd.s32 v1, v3;
	_ =	sdelay $0x2  }
0x96: {  	[tilespmem:s1], [sflag:$0x2] =	stream.indirect_vreg.gather [hbm4b:s3+s2], $0x80, v4, vm0, $0xb8;
	[tilespmem:$0x10100] =	vst v63  }
0x97: {  	_ = 	snop  }
0x98: {  	[tilespmem:s5], [sflag:$0x2] =	stream.indirect_vreg.gather [hbm4b:s3+s2], $0x80, v3, vm0, $0xb8;
	[tilespmem:$0x10100] =	vst v63  }
0x99: {  	v3 =	vld [tilespmem:$0xB0];
	_ =	sdelay $0x4  }
0x9a: {  	v59 =	vshll.u32 v3, $0x1  }
0x9b: {  	v3 =	vand.u32 $0x7, v3;
	v4 =	vand.u32 $0xFFFFFFF0, v59  }
0x9c: {  	v3 =	vor.u32 v3, v4  }
0x9d: {  	v4 =	vperm.xlane v3, v0;
	_ =	sdelay $0x1  }
0x9e: {  	v3 =	vperm.xlane v3, v2;
	v4 =	vadd.s32 v1, v4;
	_ =	sdelay $0x1  }
0x9f: {  	v3 =	vadd.s32 v1, v3;
	_ =	sdelay $0x2  }
0xa0: {  	[tilespmem:s6], [sflag:$0x2] =	stream.indirect_vreg.gather [hbm4b:s3+s2], $0x80, v4, vm0, $0xb8;
	[tilespmem:$0x10100] =	vst v63  }
0xa1: {  	_ = 	snop  }
0xa2: {  	[tilespmem:s7], [sflag:$0x2] =	stream.indirect_vreg.gather [hbm4b:s3+s2], $0x80, v3, vm0, $0xb8;
	[tilespmem:$0x10100] =	vst v63  }
0xa3: {  	v3 =	vld [tilespmem:$0xC0];
	_ =	sdelay $0x4  }
0xa4: {  	v60 =	vshll.u32 v3, $0x1  }
0xa5: {  	v3 =	vand.u32 $0x7, v3;
	v4 =	vand.u32 $0xFFFFFFF0, v60  }
0xa6: {  	v3 =	vor.u32 v3, v4  }
0xa7: {  	v4 =	vperm.xlane v3, v0;
	_ =	sdelay $0x1  }
0xa8: {  	v3 =	vperm.xlane v3, v2;
	v4 =	vadd.s32 v1, v4;
	_ =	sdelay $0x1  }
0xa9: {  	v3 =	vadd.s32 v1, v3;
	_ =	sdelay $0x2  }
0xaa: {  	[tilespmem:s4], [sflag:$0x2] =	stream.indirect_vreg.gather [hbm4b:s3+s2], $0x80, v4, vm0, $0xb8;
	[tilespmem:$0x10100] =	vst v63  }
0xab: {  	_ = 	snop  }
0xac: {  	[tilespmem:s12], [sflag:$0x2] =	stream.indirect_vreg.gather [hbm4b:s3+s2], $0x80, v3, vm0, $0xb8;
	[tilespmem:$0x10100] =	vst v63  }
0xad: {  	v3 =	vld [tilespmem:$0xD0];
	_ =	sdelay $0x4  }
0xae: {  	v61 =	vshll.u32 v3, $0x1  }
0xaf: {  	v3 =	vand.u32 $0x7, v3;
	v4 =	vand.u32 $0xFFFFFFF0, v61  }
0xb0: {  	v3 =	vor.u32 v3, v4  }
0xb1: {  	v4 =	vperm.xlane v3, v0;
	_ =	sdelay $0x1  }
0xb2: {  	v3 =	vperm.xlane v3, v2;
	v4 =	vadd.s32 v1, v4;
	_ =	sdelay $0x1  }
0xb3: {  	v3 =	vadd.s32 v1, v3;
	_ =	sdelay $0x2  }
0xb4: {  	[tilespmem:s13], [sflag:$0x2] =	stream.indirect_vreg.gather [hbm4b:s3+s2], $0x80, v4, vm0, $0xb8;
	[tilespmem:$0x10100] =	vst v63  }
0xb5: {  	_ = 	snop  }
0xb6: {  	[tilespmem:s14], [sflag:$0x2] =	stream.indirect_vreg.gather [hbm4b:s3+s2], $0x80, v3, vm0, $0xb8;
	[tilespmem:$0x10100] =	vst v63  }
0xb7: {  	v3 =	vld [tilespmem:$0xE0];
	_ =	sdelay $0x4  }
0xb8: {  	v62 =	vshll.u32 v3, $0x1  }
0xb9: {  	v3 =	vand.u32 $0x7, v3;
	v4 =	vand.u32 $0xFFFFFFF0, v62  }
0xba: {  	v3 =	vor.u32 v3, v4  }
0xbb: {  	v4 =	vperm.xlane v3, v0;
	_ =	sdelay $0x1  }
0xbc: {  	v3 =	vperm.xlane v3, v2;
	v4 =	vadd.s32 v1, v4;
	_ =	sdelay $0x1  }
0xbd: {  	v3 =	vadd.s32 v1, v3;
	_ =	sdelay $0x2  }
0xbe: {  	[tilespmem:s15], [sflag:$0x2] =	stream.indirect_vreg.gather [hbm4b:s3+s2], $0x80, v4, vm0, $0xb8;
	[tilespmem:$0x10100] =	vst v63  }
0xbf: {  	_ = 	snop  }
0xc0: {  	[tilespmem:s16], [sflag:$0x2] =	stream.indirect_vreg.gather [hbm4b:s3+s2], $0x80, v3, vm0, $0xb8;
	[tilespmem:$0x10100] =	vst v63  }
0xc1: {  	v3 =	vld [tilespmem:$0xF0];
	_ =	sdelay $0x4  }
0xc2: {  	v63 =	vshll.u32 v3, $0x1  }
0xc3: {  	v3 =	vand.u32 $0x7, v3;
	v4 =	vand.u32 $0xFFFFFFF0, v63  }
0xc4: {  	v3 =	vor.u32 v3, v4  }
0xc5: {  	v4 =	vperm.xlane v3, v0;
	_ =	sdelay $0x1  }
0xc6: {  	v3 =	vperm.xlane v3, v2;
	v4 =	vadd.s32 v1, v4;
	_ =	sdelay $0x1  }
0xc7: {  	v3 =	vadd.s32 v1, v3;
	_ =	sdelay $0x2  }
0xc8: {  	[tilespmem:s17], [sflag:$0x2] =	stream.indirect_vreg.gather [hbm4b:s3+s2], $0x80, v4, vm0, $0xb8;
	[tilespmem:$0x10100] =	vst v63  }
0xc9: {  	s21 =	simm.s32 $0x0;
	s22 =	rddreg [dreg:$0x5]  }
0xca: {  	[tilespmem:s18], [sflag:$0x2] =	stream.indirect_vreg.gather [hbm4b:s3+s2], $0x80, v3, vm0, $0xb8;
	[tilespmem:$0x10100] =	vst v63  }
.LBB2_2:
0xcb: {  	_ =	swait.ge [sflag:s19], $0x8000  }
0xcc: {  	p0 =	seq.s32 s21, $0xE0;
	[sflag:s19] =	ssyncset.done $0x0  }
.Ltmp2:
0xcd: {  	[sflag:s19] =	ssyncadd.s32 $0xFFFF8000;
	(pc) =	sbr.rel @p0 .LBB2_4-.Ltmp2, $4  }
0xce: {  	[hbm4b:s22+s2] =	stream.linear.scatter [tilespmem:s11], [sflag:$0x3], $0x8000, $0x38;
	[tilespmem:$0x10100] =	vst v63  }
0xcf: {  	_ =	swait.ge [sflag:s10], $0x8000  }
0xd0: {  	[sflag:s10] =	ssyncset.done $0x0  }
0xd1: {  	[sflag:s10] =	ssyncadd.s32 $0xFFFF8000  }
0xd2: {  	s23 =	sadd.s32 s21, s9  }
0xd3: {  	[tilespmem:s2], [sflag:$0x3] =	stream.linear.gather [hbm4b:s23+s2], $0x80, $0x38;
	[tilespmem:$0x10100] =	vst v63  }
0xd4: {  	_ =	swait.ge [sflag:s10], $0x80  }
0xd5: {  	[sflag:s10] =	ssyncset.done $0x0  }
0xd6: {  	[sflag:s10] =	ssyncadd.s32 $0xFFFFFF80  }
0xd7: {  	v3 =	vld [tilespmem:$0x0];
	_ =	sdelay $0x4  }
0xd8: {  	v4 =	vshll.u32 v3, $0x1  }
0xd9: {  	v3 =	vand.u32 $0x7, v3;
	v4 =	vand.u32 $0xFFFFFFF0, v4  }
0xda: {  	v3 =	vor.u32 v3, v4  }
0xdb: {  	v4 =	vperm.xlane v3, v0;
	_ =	sdelay $0x1  }
0xdc: {  	v3 =	vperm.xlane v3, v2;
	v4 =	vadd.s32 v1, v4;
	_ =	sdelay $0x1  }
0xdd: {  	v3 =	vadd.s32 v1, v3;
	_ =	sdelay $0x2  }
0xde: {  	[tilespmem:s11], [sflag:$0x1] =	stream.indirect_vreg.gather [hbm4b:s3+s2], $0x80, v4, vm0, $0xb8;
	[tilespmem:$0x10100] =	vst v63  }
0xdf: {  	s23 =	simm.s32 $0x900  }
0xe0: {  	[tilespmem:s23], [sflag:$0x1] =	stream.indirect_vreg.gather [hbm4b:s3+s2], $0x80, v3, vm0, $0xb8;
	[tilespmem:$0x10100] =	vst v63  }
0xe1: {  	v3 =	vld [tilespmem:$0x10];
	_ =	sdelay $0x4  }
0xe2: {  	v57 =	vshll.u32 v3, $0x1  }
0xe3: {  	v3 =	vand.u32 $0x7, v3;
	v4 =	vand.u32 $0xFFFFFFF0, v57  }
0xe4: {  	v3 =	vor.u32 v3, v4  }
0xe5: {  	v4 =	vperm.xlane v3, v0;
	_ =	sdelay $0x1  }
0xe6: {  	v3 =	vperm.xlane v3, v2;
	v4 =	vadd.s32 v1, v4;
	_ =	sdelay $0x1  }
0xe7: {  	v3 =	vadd.s32 v1, v3;
	_ =	sdelay $0x1  }
0xe8: {  	s23 =	simm.s32 $0x1100  }
0xe9: {  	[tilespmem:s23], [sflag:$0x1] =	stream.indirect_vreg.gather [hbm4b:s3+s2], $0x80, v4, vm0, $0xb8;
	[tilespmem:$0x10100] =	vst v63  }
0xea: {  	s23 =	simm.s32 $0x1900  }
0xeb: {  	[tilespmem:s23], [sflag:$0x1] =	stream.indirect_vreg.gather [hbm4b:s3+s2], $0x80, v3, vm0, $0xb8;
	[tilespmem:$0x10100] =	vst v63  }
0xec: {  	v3 =	vld [tilespmem:$0x20];
	_ =	sdelay $0x4  }
0xed: {  	v58 =	vshll.u32 v3, $0x1  }
0xee: {  	v3 =	vand.u32 $0x7, v3;
	v4 =	vand.u32 $0xFFFFFFF0, v58  }
0xef: {  	v3 =	vor.u32 v3, v4  }
0xf0: {  	v4 =	vperm.xlane v3, v0;
	_ =	sdelay $0x1  }
0xf1: {  	v3 =	vperm.xlane v3, v2;
	v4 =	vadd.s32 v1, v4;
	_ =	sdelay $0x1  }
0xf2: {  	v3 =	vadd.s32 v1, v3;
	_ =	sdelay $0x1  }
0xf3: {  	s23 =	simm.s32 $0x2100  }
0xf4: {  	[tilespmem:s23], [sflag:$0x1] =	stream.indirect_vreg.gather [hbm4b:s3+s2], $0x80, v4, vm0, $0xb8;
	[tilespmem:$0x10100] =	vst v63  }
0xf5: {  	s23 =	simm.s32 $0x2900  }
0xf6: {  	[tilespmem:s23], [sflag:$0x1] =	stream.indirect_vreg.gather [hbm4b:s3+s2], $0x80, v3, vm0, $0xb8;
	[tilespmem:$0x10100] =	vst v63  }
0xf7: {  	v3 =	vld [tilespmem:$0x30];
	_ =	sdelay $0x4  }
0xf8: {  	v59 =	vshll.u32 v3, $0x1  }
0xf9: {  	v3 =	vand.u32 $0x7, v3;
	v4 =	vand.u32 $0xFFFFFFF0, v59  }
0xfa: {  	v3 =	vor.u32 v3, v4  }
0xfb: {  	v4 =	vperm.xlane v3, v0;
	_ =	sdelay $0x1  }
0xfc: {  	v3 =	vperm.xlane v3, v2;
	v4 =	vadd.s32 v1, v4;
	_ =	sdelay $0x1  }
0xfd: {  	v3 =	vadd.s32 v1, v3;
	_ =	sdelay $0x1  }
0xfe: {  	s23 =	simm.s32 $0x3100  }
0xff: {  	[tilespmem:s23], [sflag:$0x1] =	stream.indirect_vreg.gather [hbm4b:s3+s2], $0x80, v4, vm0, $0xb8;
	[tilespmem:$0x10100] =	vst v63  }
0x100: {  	s23 =	simm.s32 $0x3900  }
0x101: {  	[tilespmem:s23], [sflag:$0x1] =	stream.indirect_vreg.gather [hbm4b:s3+s2], $0x80, v3, vm0, $0xb8;
	[tilespmem:$0x10100] =	vst v63  }
0x102: {  	v3 =	vld [tilespmem:$0x40];
	_ =	sdelay $0x4  }
0x103: {  	v60 =	vshll.u32 v3, $0x1  }
0x104: {  	v3 =	vand.u32 $0x7, v3;
	v4 =	vand.u32 $0xFFFFFFF0, v60  }
0x105: {  	v3 =	vor.u32 v3, v4  }
0x106: {  	v4 =	vperm.xlane v3, v0;
	_ =	sdelay $0x1  }
0x107: {  	v3 =	vperm.xlane v3, v2;
	v4 =	vadd.s32 v1, v4;
	_ =	sdelay $0x1  }
0x108: {  	v3 =	vadd.s32 v1, v3;
	_ =	sdelay $0x1  }
0x109: {  	s23 =	simm.s32 $0x4100  }
0x10a: {  	[tilespmem:s23], [sflag:$0x1] =	stream.indirect_vreg.gather [hbm4b:s3+s2], $0x80, v4, vm0, $0xb8;
	[tilespmem:$0x10100] =	vst v63  }
0x10b: {  	s23 =	simm.s32 $0x4900  }
0x10c: {  	[tilespmem:s23], [sflag:$0x1] =	stream.indirect_vreg.gather [hbm4b:s3+s2], $0x80, v3, vm0, $0xb8;
	[tilespmem:$0x10100] =	vst v63  }
0x10d: {  	v3 =	vld [tilespmem:$0x50];
	_ =	sdelay $0x4  }
0x10e: {  	v61 =	vshll.u32 v3, $0x1  }
0x10f: {  	v3 =	vand.u32 $0x7, v3;
	v4 =	vand.u32 $0xFFFFFFF0, v61  }
0x110: {  	v3 =	vor.u32 v3, v4  }
0x111: {  	v4 =	vperm.xlane v3, v0;
	_ =	sdelay $0x1  }
0x112: {  	v3 =	vperm.xlane v3, v2;
	v4 =	vadd.s32 v1, v4;
	_ =	sdelay $0x1  }
0x113: {  	v3 =	vadd.s32 v1, v3;
	_ =	sdelay $0x1  }
0x114: {  	s23 =	simm.s32 $0x5100  }
0x115: {  	[tilespmem:s23], [sflag:$0x1] =	stream.indirect_vreg.gather [hbm4b:s3+s2], $0x80, v4, vm0, $0xb8;
	[tilespmem:$0x10100] =	vst v63  }
0x116: {  	s23 =	simm.s32 $0x5900  }
0x117: {  	[tilespmem:s23], [sflag:$0x1] =	stream.indirect_vreg.gather [hbm4b:s3+s2], $0x80, v3, vm0, $0xb8;
	[tilespmem:$0x10100] =	vst v63  }
0x118: {  	v3 =	vld [tilespmem:$0x60];
	_ =	sdelay $0x4  }
0x119: {  	v62 =	vshll.u32 v3, $0x1  }
0x11a: {  	v3 =	vand.u32 $0x7, v3;
	v4 =	vand.u32 $0xFFFFFFF0, v62  }
0x11b: {  	v3 =	vor.u32 v3, v4  }
0x11c: {  	v4 =	vperm.xlane v3, v0;
	_ =	sdelay $0x1  }
0x11d: {  	v3 =	vperm.xlane v3, v2;
	v4 =	vadd.s32 v1, v4;
	_ =	sdelay $0x1  }
0x11e: {  	v3 =	vadd.s32 v1, v3;
	_ =	sdelay $0x1  }
0x11f: {  	s23 =	simm.s32 $0x6100  }
0x120: {  	[tilespmem:s23], [sflag:$0x1] =	stream.indirect_vreg.gather [hbm4b:s3+s2], $0x80, v4, vm0, $0xb8;
	[tilespmem:$0x10100] =	vst v63  }
0x121: {  	_ = 	snop  }
0x122: {  	[tilespmem:s24], [sflag:$0x1] =	stream.indirect_vreg.gather [hbm4b:s3+s2], $0x80, v3, vm0, $0xb8;
	[tilespmem:$0x10100] =	vst v63  }
0x123: {  	v3 =	vld [tilespmem:$0x70];
	_ =	sdelay $0x4  }
0x124: {  	v63 =	vshll.u32 v3, $0x1  }
0x125: {  	v3 =	vand.u32 $0x7, v3;
	v4 =	vand.u32 $0xFFFFFFF0, v63  }
0x126: {  	v3 =	vor.u32 v3, v4  }
0x127: {  	v4 =	vperm.xlane v3, v0;
	_ =	sdelay $0x1  }
0x128: {  	v3 =	vperm.xlane v3, v2;
	v4 =	vadd.s32 v1, v4;
	_ =	sdelay $0x1  }
0x129: {  	v3 =	vadd.s32 v1, v3;
	_ =	sdelay $0x2  }
0x12a: {  	[tilespmem:s25], [sflag:$0x1] =	stream.indirect_vreg.gather [hbm4b:s3+s2], $0x80, v4, vm0, $0xb8;
	[tilespmem:$0x10100] =	vst v63  }
0x12b: {  	_ = 	snop  }
0x12c: {  	[tilespmem:s26], [sflag:$0x1] =	stream.indirect_vreg.gather [hbm4b:s3+s2], $0x80, v3, vm0, $0xb8;
	[tilespmem:$0x10100] =	vst v63  }
.LBB2_4:
0x12d: {  	_ =	swait.ge [sflag:s20], $0x8000  }
0x12e: {  	[sflag:s20] =	ssyncset.done $0x0  }
.Ltmp3:
0x12f: {  	s23 =	sadd.s32 $0x1000, s22;
	[sflag:s20] =	ssyncadd.s32 $0xFFFF8000;
	(pc) =	sbr.rel @p0 .LBB2_6-.Ltmp3, $4  }
0x130: {  	[hbm4b:s23+s2] =	stream.linear.scatter [tilespmem:s29], [sflag:$0x3], $0x8000, $0x38;
	[tilespmem:$0x10100] =	vst v63  }
0x131: {  	_ =	swait.ge [sflag:s10], $0x8000  }
0x132: {  	[sflag:s10] =	ssyncset.done $0x0  }
0x133: {  	[sflag:s10] =	ssyncadd.s32 $0xFFFF8000  }
0x134: {  	s23 =	sadd.s32 s21, s8  }
0x135: {  	[tilespmem:s28], [sflag:$0x3] =	stream.linear.gather [hbm4b:s23+s2], $0x80, $0x38;
	[tilespmem:$0x10100] =	vst v63  }
0x136: {  	_ =	swait.ge [sflag:s10], $0x80  }
0x137: {  	[sflag:s10] =	ssyncset.done $0x0  }
0x138: {  	[sflag:s10] =	ssyncadd.s32 $0xFFFFFF80  }
0x139: {  	v3 =	vld [tilespmem:$0x80];
	_ =	sdelay $0x4  }
0x13a: {  	v4 =	vshll.u32 v3, $0x1  }
0x13b: {  	v3 =	vand.u32 $0x7, v3;
	v4 =	vand.u32 $0xFFFFFFF0, v4  }
0x13c: {  	v3 =	vor.u32 v3, v4  }
0x13d: {  	v4 =	vperm.xlane v3, v0;
	_ =	sdelay $0x1  }
0x13e: {  	v3 =	vperm.xlane v3, v2;
	v4 =	vadd.s32 v1, v4;
	_ =	sdelay $0x1  }
0x13f: {  	v3 =	vadd.s32 v1, v3;
	_ =	sdelay $0x2  }
0x140: {  	[tilespmem:s29], [sflag:$0x2] =	stream.indirect_vreg.gather [hbm4b:s3+s2], $0x80, v4, vm0, $0xb8;
	[tilespmem:$0x10100] =	vst v63  }
0x141: {  	_ = 	snop  }
0x142: {  	[tilespmem:s30], [sflag:$0x2] =	stream.indirect_vreg.gather [hbm4b:s3+s2], $0x80, v3, vm0, $0xb8;
	[tilespmem:$0x10100] =	vst v63  }
0x143: {  	v3 =	vld [tilespmem:$0x90];
	_ =	sdelay $0x4  }
0x144: {  	v57 =	vshll.u32 v3, $0x1  }
0x145: {  	v3 =	vand.u32 $0x7, v3;
	v4 =	vand.u32 $0xFFFFFFF0, v57  }
0x146: {  	v3 =	vor.u32 v3, v4  }
0x147: {  	v4 =	vperm.xlane v3, v0;
	_ =	sdelay $0x1  }
0x148: {  	v3 =	vperm.xlane v3, v2;
	v4 =	vadd.s32 v1, v4;
	_ =	sdelay $0x1  }
0x149: {  	v3 =	vadd.s32 v1, v3;
	_ =	sdelay $0x2  }
0x14a: {  	[tilespmem:s31], [sflag:$0x2] =	stream.indirect_vreg.gather [hbm4b:s3+s2], $0x80, v4, vm0, $0xb8;
	[tilespmem:$0x10100] =	vst v63  }
0x14b: {  	_ = 	snop  }
0x14c: {  	[tilespmem:s0], [sflag:$0x2] =	stream.indirect_vreg.gather [hbm4b:s3+s2], $0x80, v3, vm0, $0xb8;
	[tilespmem:$0x10100] =	vst v63  }
0x14d: {  	v3 =	vld [tilespmem:$0xA0];
	_ =	sdelay $0x4  }
0x14e: {  	v58 =	vshll.u32 v3, $0x1  }
0x14f: {  	v3 =	vand.u32 $0x7, v3;
	v4 =	vand.u32 $0xFFFFFFF0, v58  }
0x150: {  	v3 =	vor.u32 v3, v4  }
0x151: {  	v4 =	vperm.xlane v3, v0;
	_ =	sdelay $0x1  }
0x152: {  	v3 =	vperm.xlane v3, v2;
	v4 =	vadd.s32 v1, v4;
	_ =	sdelay $0x1  }
0x153: {  	v3 =	vadd.s32 v1, v3;
	_ =	sdelay $0x2  }
0x154: {  	[tilespmem:s1], [sflag:$0x2] =	stream.indirect_vreg.gather [hbm4b:s3+s2], $0x80, v4, vm0, $0xb8;
	[tilespmem:$0x10100] =	vst v63  }
0x155: {  	_ = 	snop  }
0x156: {  	[tilespmem:s5], [sflag:$0x2] =	stream.indirect_vreg.gather [hbm4b:s3+s2], $0x80, v3, vm0, $0xb8;
	[tilespmem:$0x10100] =	vst v63  }
0x157: {  	v3 =	vld [tilespmem:$0xB0];
	_ =	sdelay $0x4  }
0x158: {  	v59 =	vshll.u32 v3, $0x1  }
0x159: {  	v3 =	vand.u32 $0x7, v3;
	v4 =	vand.u32 $0xFFFFFFF0, v59  }
0x15a: {  	v3 =	vor.u32 v3, v4  }
0x15b: {  	v4 =	vperm.xlane v3, v0;
	_ =	sdelay $0x1  }
0x15c: {  	v3 =	vperm.xlane v3, v2;
	v4 =	vadd.s32 v1, v4;
	_ =	sdelay $0x1  }
0x15d: {  	v3 =	vadd.s32 v1, v3;
	_ =	sdelay $0x2  }
0x15e: {  	[tilespmem:s6], [sflag:$0x2] =	stream.indirect_vreg.gather [hbm4b:s3+s2], $0x80, v4, vm0, $0xb8;
	[tilespmem:$0x10100] =	vst v63  }
0x15f: {  	_ = 	snop  }
0x160: {  	[tilespmem:s7], [sflag:$0x2] =	stream.indirect_vreg.gather [hbm4b:s3+s2], $0x80, v3, vm0, $0xb8;
	[tilespmem:$0x10100] =	vst v63  }
0x161: {  	v3 =	vld [tilespmem:$0xC0];
	_ =	sdelay $0x4  }
0x162: {  	v60 =	vshll.u32 v3, $0x1  }
0x163: {  	v3 =	vand.u32 $0x7, v3;
	v4 =	vand.u32 $0xFFFFFFF0, v60  }
0x164: {  	v3 =	vor.u32 v3, v4  }
0x165: {  	v4 =	vperm.xlane v3, v0;
	_ =	sdelay $0x1  }
0x166: {  	v3 =	vperm.xlane v3, v2;
	v4 =	vadd.s32 v1, v4;
	_ =	sdelay $0x1  }
0x167: {  	v3 =	vadd.s32 v1, v3;
	_ =	sdelay $0x2  }
0x168: {  	[tilespmem:s4], [sflag:$0x2] =	stream.indirect_vreg.gather [hbm4b:s3+s2], $0x80, v4, vm0, $0xb8;
	[tilespmem:$0x10100] =	vst v63  }
0x169: {  	_ = 	snop  }
0x16a: {  	[tilespmem:s12], [sflag:$0x2] =	stream.indirect_vreg.gather [hbm4b:s3+s2], $0x80, v3, vm0, $0xb8;
	[tilespmem:$0x10100] =	vst v63  }
0x16b: {  	v3 =	vld [tilespmem:$0xD0];
	_ =	sdelay $0x4  }
0x16c: {  	v61 =	vshll.u32 v3, $0x1  }
0x16d: {  	v3 =	vand.u32 $0x7, v3;
	v4 =	vand.u32 $0xFFFFFFF0, v61  }
0x16e: {  	v3 =	vor.u32 v3, v4  }
0x16f: {  	v4 =	vperm.xlane v3, v0;
	_ =	sdelay $0x1  }
0x170: {  	v3 =	vperm.xlane v3, v2;
	v4 =	vadd.s32 v1, v4;
	_ =	sdelay $0x1  }
0x171: {  	v3 =	vadd.s32 v1, v3;
	_ =	sdelay $0x2  }
0x172: {  	[tilespmem:s13], [sflag:$0x2] =	stream.indirect_vreg.gather [hbm4b:s3+s2], $0x80, v4, vm0, $0xb8;
	[tilespmem:$0x10100] =	vst v63  }
0x173: {  	_ = 	snop  }
0x174: {  	[tilespmem:s14], [sflag:$0x2] =	stream.indirect_vreg.gather [hbm4b:s3+s2], $0x80, v3, vm0, $0xb8;
	[tilespmem:$0x10100] =	vst v63  }
0x175: {  	v3 =	vld [tilespmem:$0xE0];
	_ =	sdelay $0x4  }
0x176: {  	v62 =	vshll.u32 v3, $0x1  }
0x177: {  	v3 =	vand.u32 $0x7, v3;
	v4 =	vand.u32 $0xFFFFFFF0, v62  }
0x178: {  	v3 =	vor.u32 v3, v4  }
0x179: {  	v4 =	vperm.xlane v3, v0;
	_ =	sdelay $0x1  }
0x17a: {  	v3 =	vperm.xlane v3, v2;
	v4 =	vadd.s32 v1, v4;
	_ =	sdelay $0x1  }
0x17b: {  	v3 =	vadd.s32 v1, v3;
	_ =	sdelay $0x2  }
0x17c: {  	[tilespmem:s15], [sflag:$0x2] =	stream.indirect_vreg.gather [hbm4b:s3+s2], $0x80, v4, vm0, $0xb8;
	[tilespmem:$0x10100] =	vst v63  }
0x17d: {  	_ = 	snop  }
0x17e: {  	[tilespmem:s16], [sflag:$0x2] =	stream.indirect_vreg.gather [hbm4b:s3+s2], $0x80, v3, vm0, $0xb8;
	[tilespmem:$0x10100] =	vst v63  }
0x17f: {  	v3 =	vld [tilespmem:$0xF0];
	_ =	sdelay $0x4  }
0x180: {  	v63 =	vshll.u32 v3, $0x1  }
0x181: {  	v3 =	vand.u32 $0x7, v3;
	v4 =	vand.u32 $0xFFFFFFF0, v63  }
0x182: {  	v3 =	vor.u32 v3, v4  }
0x183: {  	v4 =	vperm.xlane v3, v0;
	_ =	sdelay $0x1  }
0x184: {  	v3 =	vperm.xlane v3, v2;
	v4 =	vadd.s32 v1, v4;
	_ =	sdelay $0x1  }
0x185: {  	v3 =	vadd.s32 v1, v3  }
.Ltmp4:
0x186: {  	_ = 	snop;
	(pc) =	sbr.rel .LBB2_2-.Ltmp4, $4  }
0x187: {  	_ = 	snop  }
0x188: {  	[tilespmem:s17], [sflag:$0x2] =	stream.indirect_vreg.gather [hbm4b:s3+s2], $0x80, v4, vm0, $0xb8;
	[tilespmem:$0x10100] =	vst v63  }
0x189: {  	s22 =	sadd.s32 $0x2000, s22;
	s21 =	sadd.s32 $0x20, s21  }
0x18a: {  	[tilespmem:s18], [sflag:$0x2] =	stream.indirect_vreg.gather [hbm4b:s3+s2], $0x80, v3, vm0, $0xb8;
	[tilespmem:$0x10100] =	vst v63  }
.LBB2_7:
0x18b: {  	_ =	sfence.sel $0x180000  }
0x18c: {  	[bflag:$0x0] =	sbarrier.arrive $0xFFFF  }
0x18d: {  	_ =	strace $0x9000004D  }
0x18e: {  	s0 =	stileid.u32;
	[bflag:$0x2] =	sbarrier.arrive $0xFFFF  }
0x18f: {  	p0 =	sne.s32 s0, $0x0;
	s0 =	rddreg [dreg:$0x1]  }
0x190: {  	s0 =	sadd.s32 @!p0 $0x100000, s0  }
0x191: {  	[sflag:s0] =	ssyncadd.tile.s32 @!p0 $0x1;
	_ =	shalt  }
.Lfunc_end2:
_tile_overlayer_lowered:
.L_overlay_start_2:
0x192: {  	(tag) =	ssettag $0x2  }
0x193: {  	s0 =	rddreg [dreg:$0x0];
	s2 =	stileid.u32  }
0x194: {  	s1 =	rddreg [dreg:$0x1];
	p0 =	sne.s32 s2, $0x0  }
0x195: {  	s3 =	rddreg [dreg:$0x2];
	[bflag:$0x3] =	sbarrier.arrive $0xFFFF;
	s2 =	simm.s32 @!p0 $0x1C03  }
0x196: {  	[timem:s3], [sflag:s2] =	dma.local @!p0 [hbm:s0], s1  }
0x197: {  	s0 =	simm.s32 @!p0 $0x3  }
0x198: {  	_ =	swait.ge @!p0 [sflag:s0], s1  }
0x199: {  	s1 =	ssub.s32 @!p0 $0x0, s1;
	[sflag:s0] =	ssyncset.done @!p0 $0x0  }
0x19a: {  	[sflag:s0] =	ssyncadd.s32 @!p0 s1  }
0x19b: {  	[bflag:$0x3] =	sbarrier.arrive $0xFFFF  }
0x19c: {  	_ =	shalt  }

// kernel: kernel.24.cloned.1.call-start
scs
__scs_entry_jumppad:
0x0: {  	(pc) =	sbr.rel $0x88, $3  }
0x1: {  	(tag) =	ssettag $0x0;
	lr =	simm.s32 $0x1  }
0x2: {  	[smem:$0x3F97] =	sst lr;
	_ =	strace $0xD0000000  }
0x3: {  	_ = 	snop  }
0x4: {  	_ = 	snop  }
0x5: {  	_ = 	snop  }
0x6: {  	_ = 	snop  }
0x7: {  	_ = 	snop  }
__scs_overlays_trampoline_lowered:
0x8: {  	[smem:$0x3FA6] =	sst s0  }
0x9: {  	[smem:$0x3FA7] =	sst s1  }
0xa: {  	[smem:$0x3FA8] =	sst s2  }
0xb: {  	[smem:$0x3FA9] =	sst s3  }
0xc: {  	[smem:$0x3FAA] =	sst s4  }
0xd: {  	[smem:$0x3FAB] =	sst s5  }
0xe: {  	[smem:$0x3FAC] =	sst s6  }
0xf: {  	[smem:$0x3FAD] =	sst s7  }
0x10: {  	[smem:$0x3FAE] =	sst s8  }
0x11: {  	[smem:$0x3FAF] =	sst s9;
	s0 =	simm.s32 @!p0 $0x0  }
0x12: {  	s1 =	sld [smem:$0x3F95];
	s0 =	simm.s32 @p0 $0x1  }
0x13: {  	[smem:$0x3FB0] =	sst s0;
	s0 =	simm.s32 @!p1 $0x0  }
0x14: {  	s2 =	sld [smem:$0x3F94];
	s0 =	simm.s32 @p1 $0x1  }
0x15: {  	[smem:$0x3FB1] =	sst s0;
	s0 =	simm.s32 @!p2 $0x0  }
0x16: {  	s3 =	sld [smem:$0x3FDB];
	s0 =	simm.s32 @p2 $0x1  }
0x17: {  	s4 =	simm.s32 $0x1BF5;
	[smem:$0x3FB3] =	sst s0  }
0x18: {  	s0 =	sld [smem:$0x3F96];
	_ =	swait.ge [sflag:s4], $0x0  }
0x19: {  	s7 =	sld [smem:$0x3F97]  }
0x1a: {  	s8 =	sadd.s32 $0xFFFFE003, lr  }
0x1b: {  	s9 =	sadd.s32 $0xFFFFFEF7, lr;
	s5 =	simm.s32 $0xFFFFFFFF;
	p2 =	slt.u32 s8, $0xFFFFF086  }
0x1c: {  	p1 =	slt.u32 s9, $0xF7A;
	s5 =	simm.s32 @!p2 $0x0  }
0x1d: {  	s5 =	simm.s32 @p1 $0x1;
	p0 =	seq.s32 s7, s2  }
0x1e: {  	s7 =	smul.u32 @!p0 $0xF7A, s2;
	p2 =	seq.s32 @!p0 s5, $0x0  }
0x1f: {  	s9 =	smul.u32 $0xF7A, s1;
	s8 =	simm.s32 @!p0 $0x1BF5;
	p2 =	por !p2, p0  }
0x20: {  	[sflag:s8] =	ssyncset.s32 @!p0 $0xFFFFF086;
	s6 =	sadd.s32 @!p0 s3, s7;
	s7 =	simm.s32 @!p0 $0x108  }
0x21: {  	s3 =	sadd.s32 s3, s9;
	s6 =	sadd.s32 @!p0 $0x88, s6;
	s7 =	simm.s32 @p2 $0x1082  }
0x22: {  	[simem:s7], [sflag:s8] =	dma.local @!p0 [hbm:s6], $0xF7A  }
0x23: {  	s9 =	sor.u32 $0xD0000000, s2;
	s6 =	simm.s32 $0x108;
	_ =	swait.ge @!p0 [sflag:s8], $0x0  }
0x24: {  	s3 =	sadd.s32 $0x88, s3;
	s6 =	simm.s32 @!p1 $0x1082;
	[sflag:s4] =	ssyncset.s32 $0xFFFFF086  }
0x25: {  	[simem:s6], [sflag:s4] =	dma.local [hbm:s3], $0xF7A  }
0x26: {  	[smem:$0x3F97] =	sst s1;
	(tag) =	ssettag s2;
	_ =	strace s9  }
0x27: {  	s1 =	sld [smem:$0x3FA7]  }
0x28: {  	s2 =	sld [smem:$0x3FA8]  }
0x29: {  	s4 =	sld [smem:$0x3FAA]  }
0x2a: {  	p0 =	seq.s32 s5, $0x0;
	s5 =	sld [smem:$0x3FAB]  }
0x2b: {  	s6 =	sld [smem:$0x3FAC]  }
0x2c: {  	s7 =	sld [smem:$0x3FAD]  }
0x2d: {  	s3 =	simm.s32 $0x108;
	s8 =	sld [smem:$0x3FAE]  }
0x2e: {  	s3 =	simm.s32 @!p0 $0x1082;
	s9 =	sld [smem:$0x3FAF]  }
0x2f: {  	lr =	sadd.s32 s0, s3;
	s0 =	sld [smem:$0x3FA6]  }
0x30: {  	s3 =	sld [smem:$0x3FA9]  }
0x31: {  	[smem:$0x3FB2] =	sst s10  }
0x32: {  	s10 =	sld [smem:$0x3FB0];
	_ =	sdelay $0x3  }
0x33: {  	p0 =	seq.s32 s10, $0x1;
	s10 =	sld [smem:$0x3FB2];
	_ =	sdelay $0x3  }
0x34: {  	[smem:$0x3FB2] =	sst s10  }
0x35: {  	s10 =	sld [smem:$0x3FB1];
	_ =	sdelay $0x3  }
0x36: {  	p1 =	seq.s32 s10, $0x1;
	s10 =	sld [smem:$0x3FB2];
	_ =	sdelay $0x3  }
0x37: {  	[smem:$0x3FB2] =	sst s10  }
0x38: {  	s10 =	sld [smem:$0x3FB3]  }
0x39: {  	_ = 	snop;
	(pc) =	sbr.ind lr, $3  }
0x3a: {  	_ = 	snop  }
0x3b: {  	_ = 	snop  }
0x3c: {  	p2 =	seq.s32 s10, $0x1;
	s10 =	sld [smem:$0x3FB2]  }
0x3d: {  	_ =	shalt  }
0x3e: {  	_ =	shalt  }
0x3f: {  	_ =	shalt  }
0x40: {  	_ =	shalt  }
0x41: {  	_ =	shalt  }
0x42: {  	_ =	shalt  }
0x43: {  	_ =	shalt  }
0x44: {  	_ =	shalt  }
0x45: {  	_ =	shalt  }
0x46: {  	_ =	shalt  }
0x47: {  	_ =	shalt  }
0x48: {  	_ =	shalt  }
0x49: {  	_ =	shalt  }
0x4a: {  	_ =	shalt  }
0x4b: {  	_ =	shalt  }
0x4c: {  	_ =	shalt  }
0x4d: {  	_ =	shalt  }
0x4e: {  	_ =	shalt  }
0x4f: {  	_ =	shalt  }
0x50: {  	_ =	shalt  }
0x51: {  	_ =	shalt  }
0x52: {  	_ =	shalt  }
0x53: {  	_ =	shalt  }
0x54: {  	_ =	shalt  }
0x55: {  	_ =	shalt  }
0x56: {  	_ =	shalt  }
0x57: {  	_ =	shalt  }
0x58: {  	_ =	shalt  }
0x59: {  	_ =	shalt  }
0x5a: {  	_ =	shalt  }
0x5b: {  	_ =	shalt  }
0x5c: {  	_ =	shalt  }
0x5d: {  	_ =	shalt  }
0x5e: {  	_ =	shalt  }
0x5f: {  	_ =	shalt  }
0x60: {  	_ =	shalt  }
0x61: {  	_ =	shalt  }
0x62: {  	_ =	shalt  }
0x63: {  	_ =	shalt  }
0x64: {  	_ =	shalt  }
0x65: {  	_ =	shalt  }
0x66: {  	_ =	shalt  }
0x67: {  	_ =	shalt  }
0x68: {  	_ =	shalt  }
0x69: {  	_ =	shalt  }
0x6a: {  	_ =	shalt  }
0x6b: {  	_ =	shalt  }
0x6c: {  	_ =	shalt  }
0x6d: {  	_ =	shalt  }
0x6e: {  	_ =	shalt  }
0x6f: {  	_ =	shalt  }
0x70: {  	_ =	shalt  }
0x71: {  	_ =	shalt  }
0x72: {  	_ =	shalt  }
0x73: {  	_ =	shalt  }
0x74: {  	_ =	shalt  }
0x75: {  	_ =	shalt  }
0x76: {  	_ =	shalt  }
0x77: {  	_ =	shalt  }
0x78: {  	_ =	shalt  }
0x79: {  	_ =	shalt  }
0x7a: {  	_ =	shalt  }
0x7b: {  	_ =	shalt  }
0x7c: {  	_ =	shalt  }
0x7d: {  	_ =	shalt  }
0x7e: {  	_ =	shalt  }
0x7f: {  	_ =	shalt  }
0x80: {  	_ =	shalt  }
0x81: {  	_ =	shalt  }
0x82: {  	_ =	shalt  }
0x83: {  	_ =	shalt  }
0x84: {  	_ =	shalt  }
0x85: {  	_ =	shalt  }
0x86: {  	_ =	shalt  }
0x87: {  	_ =	shalt  }
.Lfunc_end0:
.L_simem_size_0:
called_computation.3_lowered:
.L_overlay_start_0:
0x88: {  	s2 =	sld [smem:$0x3FD9]  }
0x89: {  	s3 =	sld [smem:$0x3FFE];
	_ =	sdelay $0x1  }
0x8a: {  	s1 =	srdreg.scid  }
0x8b: {  	s0 =	sand.u32 $0x1, s1  }
0x8c: {  	s17 =	sshll.u32 s0, $0xA;
	s2 =	sadd.s32 s3, s2  }
0x8d: {  	s2 =	sadd.s32 s2, s17  }
0x8e: {  	[smem:$0x3FBE] =	sst s2  }
0x8f: {  	_ = 	snop  }
0x90: {  	s18 =	sld [smem:$0x3FD0];
	(tm) =	ssettm $0x1  }
0x91: {  	s19 =	sld [smem:$0x3FFB];
	_ =	sdelay $0x3  }
0x92: {  	_ =	strace s19  }
0x93: {  	s2 =	sld [smem:$0x3FFC];
	_ =	sdelay $0x3  }
0x94: {  	_ =	strace s2  }
0x95: {  	s2 =	sld [smem:$0x3FFD];
	_ =	sdelay $0x3  }
0x96: {  	_ =	strace s2  }
0x97: {  	_ =	strace $0x8FFFFFFF  }
0x98: {  	s20 =	sld [smem:$0x3FDB];
	_ =	sdelay $0x1  }
0x99: {  	s4 =	simm.s32 $_scs_section_size  }
0x9a: {  	s5 =	simm.s32 $_size__tile_overlayer_lowered;
	s6 =	simm.s32 $_tile_overlayer_lowered  }
0x9b: {  	s7 =	simm.s32 $0x1BFF;
	s21 =	sshll.u32 s6, $0x1;
	s4 =	sadd.s32 s4, s20  }
0x9c: {  	s22 =	simm.s32 $0x0;
	s5 =	sshll.u32 s5, $0x1;
	s6 =	sadd.s32 s21, s4  }
0x9d: {  	[timem:s22], [sflag:s7] =	dma.local [hbm:s6], s5  }
0x9e: {  	_ =	swait.ge [sflag:s7], s5  }
0x9f: {  	s5 =	ssub.s32 $0x0, s5;
	[sflag:s7] =	ssyncset.done $0x0  }
0xa0: {  	[sflag:s7] =	ssyncadd.s32 s5;
	_ =	sdelay $0x1  }
0xa1: {  	s23 =	simm.s32 $0x1B8B  }
0xa2: {  	_ =	swait.ge [sflag:s23], $0x1  }
0xa3: {  	[sflag:s23] =	ssyncset.done $0x0  }
0xa4: {  	[sflag:s23] =	ssyncadd.s32 $0xFFFFFFFF  }
0xa5: {  	s5 =	sld [smem:$0x0]  }
0xa6: {  	s6 =	sand.u32 $0xFFFFFFFE, s1  }
0xa7: {  	p0 =	sne.s32 s1, s6  }
0xa8: {  	s6 =	sshll.u32 @p0 s6, $0xE  }
0xa9: {  	s6 =	sadd.s32 @p0 $0x11B8D, s6;
	s7 =	sshll.u32 @p0 s5, $0x11  }
0xaa: {  	s6 =	sor.u32 @p0 s7, s6  }
0xab: {  	[sflag:s6] =	ssyncadd.remote.s32 @p0 $0x1;
	_ =	sdelay $0x1  }
0xac: {  	s6 =	simm.s32 @p0 $0x1B8D  }
0xad: {  	_ =	swait.eq @p0 [sflag:s6], $0x1  }
0xae: {  	[sflag:s6] =	ssyncadd.s32 @p0 $0xFFFFFFFF  }
0xaf: {  	s7 =	sshll.u32 @!p0 s1, $0xE  }
0xb0: {  	s7 =	sor.u32 @!p0 $0x4000, s7;
	s6 =	simm.s32 @!p0 $0x1B8D  }
0xb1: {  	s5 =	sshll.u32 @!p0 s5, $0x11;
	s7 =	sadd.s32 @!p0 $0x11B8D, s7;
	_ =	swait.eq @!p0 [sflag:s6], $0x1  }
0xb2: {  	s5 =	sor.u32 @!p0 s5, s7;
	[sflag:s6] =	ssyncadd.s32 @!p0 $0xFFFFFFFF  }
0xb3: {  	s25 =	simm.s32 $0x1B8E;
	s24 =	sld [smem:$0x3FFE];
	[sflag:s5] =	ssyncadd.remote.s32 @!p0 $0x1  }
0xb4: {  	s26 =	simm.s32 $execute0_lowered;
	[smem:$0x3FD2] =	sst s25  }
0xb5: {  	s6 =	sshll.u32 s26, $0x1;
	_ =	strace $0x8000004F;
	[dreg:$0x1] =	wrdreg $0xFFFFFFFF  }
0xb6: {  	s28 =	simm.s32 $_size_execute0_lowered;
	s4 =	sadd.s32 s4, s6;
	[dreg:$0x0] =	wrdreg $0x0  }
0xb7: {  	s6 =	sshll.u32 s28, $0x1;
	[dreg:$0x2] =	wrdreg s4  }
0xb8: {  	[dreg:$0x3] =	wrdreg s6  }
0xb9: {  	[dreg:$0x4] =	wrdreg $0xC0  }
0xba: {  	_ =	task [dreg:s22], $0x5FFFF  }
0xbb: {  	[dreg:$0x1] =	wrdreg $0xFFFFFFFF  }
0xbc: {  	[dreg:$0x0] =	wrdreg $0x60  }
0xbd: {  	[dreg:$0x2] =	wrdreg s24  }
0xbe: {  	[dreg:$0x3] =	wrdreg s18  }
0xbf: {  	[dreg:$0x4] =	wrdreg $0xC  }
0xc0: {  	_ =	task.clear_ibuf [dreg:s22], $0x5FFFF;
	_ =	strace $0x9000004F  }
0xc1: {  	s29 =	simm.s32 $0xC;
	_ =	strace $0x80000051  }
0xc2: {  	_ =	swait.ge [sflag:s29], $0x1  }
0xc3: {  	[sflag:s29] =	ssyncadd.s32 $0xFFFFFFFF  }
0xc4: {  	_ =	strace $0x90000051  }
0xc5: {  	_ =	sfence  }
0xc6: {  	s30 =	sld [smem:$0x0];
	_ =	sdelay $0x2  }
0xc7: {  	s31 =	sshll.u32 s1, $0xD;
	s1 =	sshrl.u32 s1, $0x2  }
0xc8: {  	s4 =	sand.u32 $0x4000, s31;
	s1 =	sadd.s32 s1, s30  }
0xc9: {  	s0 =	sor.u32 s4, s0;
	s1 =	sshll.u32 s1, $0x11  }
0xca: {  	s0 =	sor.u32 s1, s0  }
0xcb: {  	s0 =	sadd.s32 $0x8F2B, s0  }
0xcc: {  	[sflag:s0] =	ssyncadd.remote.s32 $0x1  }
0xcd: {  	_ =	sfence.sel $0xFFFF  }
0xce: {  	[dreg:$0x0] =	wrdreg $0xFFFFFFFF;
	(pc) =	sbr.abs _section_cstart, $3  }
0xcf: {  	[dreg:$0x1] =	wrdreg $0xFFFFFFFF  }
0xd0: {  	_ =	task.clear_ibuf [dreg:s22], $0x2FFFF;
	_ =	strace $0x9FFFFFFF  }
0xd1: {  	(tm) =	ssettm $0x7FFFFFFF  }
tec
execute0_lowered:
.L_overlay_start_1:
0x0: {  	(tag) =	ssettag $0x1  }
0x1: {  	s0 =	rddreg [dreg:$0x0]  }
0x2: {  	s1 =	rddreg [dreg:$0x1];
	s3 =	simm.s32 $0x0  }
0x3: {  	s2 =	srdreg.scid;
	s8 =	stileid.u32;
	s10 =	simm.s32 $0x3  }
0x4: {  	s11 =	simm.s32 $0x100;
	s28 =	simm.s32 $0x80;
	s29 =	simm.s32 $0x8100  }
0x5: {  	s30 =	simm.s32 $0x8900;
	s31 =	simm.s32 $0x9100;
	s12 =	simm.s32 $0xC900  }
0x6: {  	s13 =	simm.s32 $0xD100;
	s14 =	simm.s32 $0xD900;
	s15 =	simm.s32 $0xE100  }
0x7: {  	s16 =	simm.s32 $0xE900;
	s17 =	simm.s32 $0xF100;
	s18 =	simm.s32 $0xF900  }
0x8: {  	s19 =	simm.s32 $0x1;
	[smem:$0x7FF] =	sst s3;
	s2 =	sand.u32 $0x1, s2  }
0x9: {  	s4 =	sshll.u32 s8, $0xC;
	s6 =	sadd.s32 $0x7600, s0;
	s20 =	sshll.u32 s8, $0x11  }
0xa: {  	_ =	strace $0x80000050;
	s5 =	sshll.u32 s2, $0xB;
	s7 =	ssub.s32 $0x2, s2  }
0xb: {  	s0 =	sadd.s32 s20, s0;
	s2 =	sshll.u32 s2, $0x10;
	s20 =	simm.s32 $0x2  }
0xc: {  	s4 =	sor.u32 s5, s4;
	s21 =	sshrl.u32 s7, $0x1;
	s0 =	sadd.s32 s2, s0  }
0xd: {  	s2 =	simm.s32 $0xA100;
	s9 =	sshrl.u32 s4, $0x3;
	s22 =	ssub.s32 s7, s21  }
0xe: {  	s24 =	sor.u32 $0x180, s4;
	s4 =	sor.u32 $0x100, s4;
	s0 =	sadd.s32 $0x642200, s0  }
0xf: {  	s23 =	sadd.s32 s6, s9;
	s5 =	smax.u32 s22, $0x1;
	[dreg:$0x6] =	wrdreg s0  }
0x10: {  	s25 =	sshrl.u32 s24, $0x3;
	s26 =	sshrl.u32 s4, $0x3;
	s24 =	simm.s32 $0x6900  }
.Ltmp0:
0x11: {  	s0 =	simm.s32 $0x9900;
	s4 =	simm.s32 $0xC100;
	(pc) =	sbr.rel .LBB2_1-.Ltmp0, $4  }
0x12: {  	s22 =	simm.s32 $0x0;
	[dreg:$0x3] =	wrdreg s23;
	s7 =	sadd.s32 $0x10, s23  }
0x13: {  	v2 =	vlaneseq.u32;
	[dreg:$0x5] =	wrdreg s5;
	s8 =	sadd.s32 s25, s6;
	s9 =	sadd.s32 s26, s6  }
0x14: {  	vm0 =	vmmov $0xffff;
	v1 =	vshrl.u32 v2, $0x3;
	s25 =	simm.s32 $0x7100;
	s26 =	simm.s32 $0x7900;
	s5 =	simm.s32 $0xA900  }
0x15: {  	v0 =	vand.u32 $0x7, v2;
	v2 =	vor.u32 $0x8, v2;
	v1 =	vmul.u32 $0x8, v1;
	s6 =	simm.s32 $0xB100;
	[dreg:$0x4] =	wrdreg s7;
	s7 =	simm.s32 $0xB900  }
.LBB2_6:
0x16: {  	s22 =	rddreg [dreg:$0x7]  }
0x17: {  	s21 =	rddreg [dreg:$0x5];
	s22 =	sadd.s32 $0x1, s22  }
0x18: {  	p0 =	sne.s32 s22, s21  }
.Ltmp1:
0x19: {  	_ = 	snop;
	(pc) =	sbr.rel @!p0 .LBB2_7-.Ltmp1, $1  }
0x1a: {  	_ =	sdelay $0x3  }
.LBB2_1:
0x1b: {  	[dreg:$0x7] =	wrdreg s22  }
0x1c: {  	s21 =	rddreg [dreg:$0x3]  }
0x1d: {  	[tilespmem:s3], [sflag:$0x3] =	stream.linear.gather [hbm4b:s21+s3], $0x80, $0x38;
	[tilespmem:$0x10100] =	vst v63  }
0x1e: {  	_ =	swait.ge [sflag:s10], $0x80  }
0x1f: {  	[sflag:s10] =	ssyncset.done $0x0  }
0x20: {  	[sflag:s10] =	ssyncadd.s32 $0xFFFFFF80  }
0x21: {  	v3 =	vld [tilespmem:$0x0];
	_ =	sdelay $0x4  }
0x22: {  	v4 =	vshll.u32 v3, $0x1  }
0x23: {  	v3 =	vand.u32 $0x7, v3;
	v4 =	vand.u32 $0xFFFFFFF0, v4  }
0x24: {  	v3 =	vor.u32 v3, v4  }
0x25: {  	v4 =	vperm.xlane v3, v0;
	_ =	sdelay $0x1  }
0x26: {  	v3 =	vperm.xlane v3, v2;
	v4 =	vadd.s32 v1, v4;
	_ =	sdelay $0x1  }
0x27: {  	v3 =	vadd.s32 v1, v3;
	_ =	sdelay $0x2  }
0x28: {  	[tilespmem:s11], [sflag:$0x1] =	stream.indirect_vreg.gather [hbm4b:s1+s3], $0x80, v4, vm0, $0xb8;
	[tilespmem:$0x10100] =	vst v63  }
0x29: {  	s23 =	simm.s32 $0x900  }
0x2a: {  	[tilespmem:s23], [sflag:$0x1] =	stream.indirect_vreg.gather [hbm4b:s1+s3], $0x80, v3, vm0, $0xb8;
	[tilespmem:$0x10100] =	vst v63  }
0x2b: {  	v3 =	vld [tilespmem:$0x10];
	_ =	sdelay $0x4  }
0x2c: {  	v49 =	vshll.u32 v3, $0x1  }
0x2d: {  	v3 =	vand.u32 $0x7, v3;
	v4 =	vand.u32 $0xFFFFFFF0, v49  }
0x2e: {  	v3 =	vor.u32 v3, v4  }
0x2f: {  	v4 =	vperm.xlane v3, v0;
	_ =	sdelay $0x1  }
0x30: {  	v3 =	vperm.xlane v3, v2;
	v4 =	vadd.s32 v1, v4;
	_ =	sdelay $0x1  }
0x31: {  	v3 =	vadd.s32 v1, v3;
	_ =	sdelay $0x1  }
0x32: {  	s22 =	simm.s32 $0x1100  }
0x33: {  	[tilespmem:s22], [sflag:$0x1] =	stream.indirect_vreg.gather [hbm4b:s1+s3], $0x80, v4, vm0, $0xb8;
	[tilespmem:$0x10100] =	vst v63  }
0x34: {  	s23 =	simm.s32 $0x1900  }
0x35: {  	[tilespmem:s23], [sflag:$0x1] =	stream.indirect_vreg.gather [hbm4b:s1+s3], $0x80, v3, vm0, $0xb8;
	[tilespmem:$0x10100] =	vst v63  }
0x36: {  	v3 =	vld [tilespmem:$0x20];
	_ =	sdelay $0x4  }
0x37: {  	v50 =	vshll.u32 v3, $0x1  }
0x38: {  	v3 =	vand.u32 $0x7, v3;
	v4 =	vand.u32 $0xFFFFFFF0, v50  }
0x39: {  	v3 =	vor.u32 v3, v4  }
0x3a: {  	v4 =	vperm.xlane v3, v0;
	_ =	sdelay $0x1  }
0x3b: {  	v3 =	vperm.xlane v3, v2;
	v4 =	vadd.s32 v1, v4;
	_ =	sdelay $0x1  }
0x3c: {  	v3 =	vadd.s32 v1, v3;
	_ =	sdelay $0x1  }
0x3d: {  	s22 =	simm.s32 $0x2100  }
0x3e: {  	[tilespmem:s22], [sflag:$0x1] =	stream.indirect_vreg.gather [hbm4b:s1+s3], $0x80, v4, vm0, $0xb8;
	[tilespmem:$0x10100] =	vst v63  }
0x3f: {  	s23 =	simm.s32 $0x2900  }
0x40: {  	[tilespmem:s23], [sflag:$0x1] =	stream.indirect_vreg.gather [hbm4b:s1+s3], $0x80, v3, vm0, $0xb8;
	[tilespmem:$0x10100] =	vst v63  }
0x41: {  	v3 =	vld [tilespmem:$0x30];
	_ =	sdelay $0x4  }
0x42: {  	v51 =	vshll.u32 v3, $0x1  }
0x43: {  	v3 =	vand.u32 $0x7, v3;
	v4 =	vand.u32 $0xFFFFFFF0, v51  }
0x44: {  	v3 =	vor.u32 v3, v4  }
0x45: {  	v4 =	vperm.xlane v3, v0;
	_ =	sdelay $0x1  }
0x46: {  	v3 =	vperm.xlane v3, v2;
	v4 =	vadd.s32 v1, v4;
	_ =	sdelay $0x1  }
0x47: {  	v3 =	vadd.s32 v1, v3;
	_ =	sdelay $0x1  }
0x48: {  	s22 =	simm.s32 $0x3100  }
0x49: {  	[tilespmem:s22], [sflag:$0x1] =	stream.indirect_vreg.gather [hbm4b:s1+s3], $0x80, v4, vm0, $0xb8;
	[tilespmem:$0x10100] =	vst v63  }
0x4a: {  	s23 =	simm.s32 $0x3900  }
0x4b: {  	[tilespmem:s23], [sflag:$0x1] =	stream.indirect_vreg.gather [hbm4b:s1+s3], $0x80, v3, vm0, $0xb8;
	[tilespmem:$0x10100] =	vst v63  }
0x4c: {  	v3 =	vld [tilespmem:$0x40];
	_ =	sdelay $0x4  }
0x4d: {  	v52 =	vshll.u32 v3, $0x1  }
0x4e: {  	v3 =	vand.u32 $0x7, v3;
	v4 =	vand.u32 $0xFFFFFFF0, v52  }
0x4f: {  	v3 =	vor.u32 v3, v4  }
0x50: {  	v4 =	vperm.xlane v3, v0;
	_ =	sdelay $0x1  }
0x51: {  	v3 =	vperm.xlane v3, v2;
	v4 =	vadd.s32 v1, v4;
	_ =	sdelay $0x1  }
0x52: {  	v3 =	vadd.s32 v1, v3;
	_ =	sdelay $0x1  }
0x53: {  	s22 =	simm.s32 $0x4100  }
0x54: {  	[tilespmem:s22], [sflag:$0x1] =	stream.indirect_vreg.gather [hbm4b:s1+s3], $0x80, v4, vm0, $0xb8;
	[tilespmem:$0x10100] =	vst v63  }
0x55: {  	s23 =	simm.s32 $0x4900  }
0x56: {  	[tilespmem:s23], [sflag:$0x1] =	stream.indirect_vreg.gather [hbm4b:s1+s3], $0x80, v3, vm0, $0xb8;
	[tilespmem:$0x10100] =	vst v63  }
0x57: {  	v3 =	vld [tilespmem:$0x50];
	_ =	sdelay $0x4  }
0x58: {  	v53 =	vshll.u32 v3, $0x1  }
0x59: {  	v3 =	vand.u32 $0x7, v3;
	v4 =	vand.u32 $0xFFFFFFF0, v53  }
0x5a: {  	v3 =	vor.u32 v3, v4  }
0x5b: {  	v4 =	vperm.xlane v3, v0;
	_ =	sdelay $0x1  }
0x5c: {  	v3 =	vperm.xlane v3, v2;
	v4 =	vadd.s32 v1, v4;
	_ =	sdelay $0x1  }
0x5d: {  	v3 =	vadd.s32 v1, v3;
	_ =	sdelay $0x1  }
0x5e: {  	s22 =	simm.s32 $0x5100  }
0x5f: {  	[tilespmem:s22], [sflag:$0x1] =	stream.indirect_vreg.gather [hbm4b:s1+s3], $0x80, v4, vm0, $0xb8;
	[tilespmem:$0x10100] =	vst v63  }
0x60: {  	s23 =	simm.s32 $0x5900  }
0x61: {  	[tilespmem:s23], [sflag:$0x1] =	stream.indirect_vreg.gather [hbm4b:s1+s3], $0x80, v3, vm0, $0xb8;
	[tilespmem:$0x10100] =	vst v63  }
0x62: {  	v3 =	vld [tilespmem:$0x60];
	_ =	sdelay $0x4  }
0x63: {  	v54 =	vshll.u32 v3, $0x1  }
0x64: {  	v3 =	vand.u32 $0x7, v3;
	v4 =	vand.u32 $0xFFFFFFF0, v54  }
0x65: {  	v3 =	vor.u32 v3, v4  }
0x66: {  	v4 =	vperm.xlane v3, v0;
	_ =	sdelay $0x1  }
0x67: {  	v3 =	vperm.xlane v3, v2;
	v4 =	vadd.s32 v1, v4;
	_ =	sdelay $0x1  }
0x68: {  	v3 =	vadd.s32 v1, v3;
	_ =	sdelay $0x1  }
0x69: {  	s22 =	simm.s32 $0x6100  }
0x6a: {  	[tilespmem:s22], [sflag:$0x1] =	stream.indirect_vreg.gather [hbm4b:s1+s3], $0x80, v4, vm0, $0xb8;
	[tilespmem:$0x10100] =	vst v63  }
0x6b: {  	_ = 	snop  }
0x6c: {  	[tilespmem:s24], [sflag:$0x1] =	stream.indirect_vreg.gather [hbm4b:s1+s3], $0x80, v3, vm0, $0xb8;
	[tilespmem:$0x10100] =	vst v63  }
0x6d: {  	v3 =	vld [tilespmem:$0x70];
	_ =	sdelay $0x4  }
0x6e: {  	v55 =	vshll.u32 v3, $0x1  }
0x6f: {  	v3 =	vand.u32 $0x7, v3;
	v4 =	vand.u32 $0xFFFFFFF0, v55  }
0x70: {  	v3 =	vor.u32 v3, v4  }
0x71: {  	v4 =	vperm.xlane v3, v0;
	_ =	sdelay $0x1  }
0x72: {  	v3 =	vperm.xlane v3, v2;
	v4 =	vadd.s32 v1, v4;
	_ =	sdelay $0x1  }
0x73: {  	v3 =	vadd.s32 v1, v3;
	_ =	sdelay $0x2  }
0x74: {  	[tilespmem:s25], [sflag:$0x1] =	stream.indirect_vreg.gather [hbm4b:s1+s3], $0x80, v4, vm0, $0xb8;
	[tilespmem:$0x10100] =	vst v63  }
0x75: {  	_ = 	snop  }
0x76: {  	[tilespmem:s26], [sflag:$0x1] =	stream.indirect_vreg.gather [hbm4b:s1+s3], $0x80, v3, vm0, $0xb8;
	[tilespmem:$0x10100] =	vst v63  }
0x77: {  	s23 =	rddreg [dreg:$0x4]  }
0x78: {  	[tilespmem:s28], [sflag:$0x3] =	stream.linear.gather [hbm4b:s23+s3], $0x80, $0x38;
	[tilespmem:$0x10100] =	vst v63  }
0x79: {  	_ =	swait.ge [sflag:s10], $0x80  }
0x7a: {  	[sflag:s10] =	ssyncset.done $0x0  }
0x7b: {  	[sflag:s10] =	ssyncadd.s32 $0xFFFFFF80  }
0x7c: {  	v3 =	vld [tilespmem:$0x80];
	_ =	sdelay $0x4  }
0x7d: {  	v56 =	vshll.u32 v3, $0x1  }
0x7e: {  	v3 =	vand.u32 $0x7, v3;
	v4 =	vand.u32 $0xFFFFFFF0, v56  }
0x7f: {  	v3 =	vor.u32 v3, v4  }
0x80: {  	v4 =	vperm.xlane v3, v0;
	_ =	sdelay $0x1  }
0x81: {  	v3 =	vperm.xlane v3, v2;
	v4 =	vadd.s32 v1, v4;
	_ =	sdelay $0x1  }
0x82: {  	v3 =	vadd.s32 v1, v3;
	_ =	sdelay $0x2  }
0x83: {  	[tilespmem:s29], [sflag:$0x2] =	stream.indirect_vreg.gather [hbm4b:s1+s3], $0x80, v4, vm0, $0xb8;
	[tilespmem:$0x10100] =	vst v63  }
0x84: {  	_ = 	snop  }
0x85: {  	[tilespmem:s30], [sflag:$0x2] =	stream.indirect_vreg.gather [hbm4b:s1+s3], $0x80, v3, vm0, $0xb8;
	[tilespmem:$0x10100] =	vst v63  }
0x86: {  	v3 =	vld [tilespmem:$0x90];
	_ =	sdelay $0x4  }
0x87: {  	v57 =	vshll.u32 v3, $0x1  }
0x88: {  	v3 =	vand.u32 $0x7, v3;
	v4 =	vand.u32 $0xFFFFFFF0, v57  }
0x89: {  	v3 =	vor.u32 v3, v4  }
0x8a: {  	v4 =	vperm.xlane v3, v0;
	_ =	sdelay $0x1  }
0x8b: {  	v3 =	vperm.xlane v3, v2;
	v4 =	vadd.s32 v1, v4;
	_ =	sdelay $0x1  }
0x8c: {  	v3 =	vadd.s32 v1, v3;
	_ =	sdelay $0x2  }
0x8d: {  	[tilespmem:s31], [sflag:$0x2] =	stream.indirect_vreg.gather [hbm4b:s1+s3], $0x80, v4, vm0, $0xb8;
	[tilespmem:$0x10100] =	vst v63  }
0x8e: {  	_ = 	snop  }
0x8f: {  	[tilespmem:s0], [sflag:$0x2] =	stream.indirect_vreg.gather [hbm4b:s1+s3], $0x80, v3, vm0, $0xb8;
	[tilespmem:$0x10100] =	vst v63  }
0x90: {  	v3 =	vld [tilespmem:$0xA0];
	_ =	sdelay $0x4  }
0x91: {  	v58 =	vshll.u32 v3, $0x1  }
0x92: {  	v3 =	vand.u32 $0x7, v3;
	v4 =	vand.u32 $0xFFFFFFF0, v58  }
0x93: {  	v3 =	vor.u32 v3, v4  }
0x94: {  	v4 =	vperm.xlane v3, v0;
	_ =	sdelay $0x1  }
0x95: {  	v3 =	vperm.xlane v3, v2;
	v4 =	vadd.s32 v1, v4;
	_ =	sdelay $0x1  }
0x96: {  	v3 =	vadd.s32 v1, v3;
	_ =	sdelay $0x2  }
0x97: {  	[tilespmem:s2], [sflag:$0x2] =	stream.indirect_vreg.gather [hbm4b:s1+s3], $0x80, v4, vm0, $0xb8;
	[tilespmem:$0x10100] =	vst v63  }
0x98: {  	_ = 	snop  }
0x99: {  	[tilespmem:s5], [sflag:$0x2] =	stream.indirect_vreg.gather [hbm4b:s1+s3], $0x80, v3, vm0, $0xb8;
	[tilespmem:$0x10100] =	vst v63  }
0x9a: {  	v3 =	vld [tilespmem:$0xB0];
	_ =	sdelay $0x4  }
0x9b: {  	v59 =	vshll.u32 v3, $0x1  }
0x9c: {  	v3 =	vand.u32 $0x7, v3;
	v4 =	vand.u32 $0xFFFFFFF0, v59  }
0x9d: {  	v3 =	vor.u32 v3, v4  }
0x9e: {  	v4 =	vperm.xlane v3, v0;
	_ =	sdelay $0x1  }
0x9f: {  	v3 =	vperm.xlane v3, v2;
	v4 =	vadd.s32 v1, v4;
	_ =	sdelay $0x1  }
0xa0: {  	v3 =	vadd.s32 v1, v3;
	_ =	sdelay $0x2  }
0xa1: {  	[tilespmem:s6], [sflag:$0x2] =	stream.indirect_vreg.gather [hbm4b:s1+s3], $0x80, v4, vm0, $0xb8;
	[tilespmem:$0x10100] =	vst v63  }
0xa2: {  	_ = 	snop  }
0xa3: {  	[tilespmem:s7], [sflag:$0x2] =	stream.indirect_vreg.gather [hbm4b:s1+s3], $0x80, v3, vm0, $0xb8;
	[tilespmem:$0x10100] =	vst v63  }
0xa4: {  	v3 =	vld [tilespmem:$0xC0];
	_ =	sdelay $0x4  }
0xa5: {  	v60 =	vshll.u32 v3, $0x1  }
0xa6: {  	v3 =	vand.u32 $0x7, v3;
	v4 =	vand.u32 $0xFFFFFFF0, v60  }
0xa7: {  	v3 =	vor.u32 v3, v4  }
0xa8: {  	v4 =	vperm.xlane v3, v0;
	_ =	sdelay $0x1  }
0xa9: {  	v3 =	vperm.xlane v3, v2;
	v4 =	vadd.s32 v1, v4;
	_ =	sdelay $0x1  }
0xaa: {  	v3 =	vadd.s32 v1, v3;
	_ =	sdelay $0x2  }
0xab: {  	[tilespmem:s4], [sflag:$0x2] =	stream.indirect_vreg.gather [hbm4b:s1+s3], $0x80, v4, vm0, $0xb8;
	[tilespmem:$0x10100] =	vst v63  }
0xac: {  	_ = 	snop  }
0xad: {  	[tilespmem:s12], [sflag:$0x2] =	stream.indirect_vreg.gather [hbm4b:s1+s3], $0x80, v3, vm0, $0xb8;
	[tilespmem:$0x10100] =	vst v63  }
0xae: {  	v3 =	vld [tilespmem:$0xD0];
	_ =	sdelay $0x4  }
0xaf: {  	v61 =	vshll.u32 v3, $0x1  }
0xb0: {  	v3 =	vand.u32 $0x7, v3;
	v4 =	vand.u32 $0xFFFFFFF0, v61  }
0xb1: {  	v3 =	vor.u32 v3, v4  }
0xb2: {  	v4 =	vperm.xlane v3, v0;
	_ =	sdelay $0x1  }
0xb3: {  	v3 =	vperm.xlane v3, v2;
	v4 =	vadd.s32 v1, v4;
	_ =	sdelay $0x1  }
0xb4: {  	v3 =	vadd.s32 v1, v3;
	_ =	sdelay $0x2  }
0xb5: {  	[tilespmem:s13], [sflag:$0x2] =	stream.indirect_vreg.gather [hbm4b:s1+s3], $0x80, v4, vm0, $0xb8;
	[tilespmem:$0x10100] =	vst v63  }
0xb6: {  	_ = 	snop  }
0xb7: {  	[tilespmem:s14], [sflag:$0x2] =	stream.indirect_vreg.gather [hbm4b:s1+s3], $0x80, v3, vm0, $0xb8;
	[tilespmem:$0x10100] =	vst v63  }
0xb8: {  	v3 =	vld [tilespmem:$0xE0];
	_ =	sdelay $0x4  }
0xb9: {  	v62 =	vshll.u32 v3, $0x1  }
0xba: {  	v3 =	vand.u32 $0x7, v3;
	v4 =	vand.u32 $0xFFFFFFF0, v62  }
0xbb: {  	v3 =	vor.u32 v3, v4  }
0xbc: {  	v4 =	vperm.xlane v3, v0;
	_ =	sdelay $0x1  }
0xbd: {  	v3 =	vperm.xlane v3, v2;
	v4 =	vadd.s32 v1, v4;
	_ =	sdelay $0x1  }
0xbe: {  	v3 =	vadd.s32 v1, v3;
	_ =	sdelay $0x2  }
0xbf: {  	[tilespmem:s15], [sflag:$0x2] =	stream.indirect_vreg.gather [hbm4b:s1+s3], $0x80, v4, vm0, $0xb8;
	[tilespmem:$0x10100] =	vst v63  }
0xc0: {  	_ = 	snop  }
0xc1: {  	[tilespmem:s16], [sflag:$0x2] =	stream.indirect_vreg.gather [hbm4b:s1+s3], $0x80, v3, vm0, $0xb8;
	[tilespmem:$0x10100] =	vst v63  }
0xc2: {  	v3 =	vld [tilespmem:$0xF0];
	_ =	sdelay $0x4  }
0xc3: {  	v63 =	vshll.u32 v3, $0x1  }
0xc4: {  	v3 =	vand.u32 $0x7, v3;
	v4 =	vand.u32 $0xFFFFFFF0, v63  }
0xc5: {  	v3 =	vor.u32 v3, v4  }
0xc6: {  	v4 =	vperm.xlane v3, v0;
	_ =	sdelay $0x1  }
0xc7: {  	v3 =	vperm.xlane v3, v2;
	v4 =	vadd.s32 v1, v4;
	_ =	sdelay $0x1  }
0xc8: {  	v3 =	vadd.s32 v1, v3;
	_ =	sdelay $0x2  }
0xc9: {  	[tilespmem:s17], [sflag:$0x2] =	stream.indirect_vreg.gather [hbm4b:s1+s3], $0x80, v4, vm0, $0xb8;
	[tilespmem:$0x10100] =	vst v63  }
0xca: {  	s21 =	simm.s32 $0x0;
	s22 =	rddreg [dreg:$0x6]  }
0xcb: {  	[tilespmem:s18], [sflag:$0x2] =	stream.indirect_vreg.gather [hbm4b:s1+s3], $0x80, v3, vm0, $0xb8;
	[tilespmem:$0x10100] =	vst v63  }
.LBB2_2:
0xcc: {  	_ =	swait.ge [sflag:s19], $0x8000  }
0xcd: {  	p0 =	seq.s32 s21, $0xE0;
	[sflag:s19] =	ssyncset.done $0x0  }
.Ltmp2:
0xce: {  	[sflag:s19] =	ssyncadd.s32 $0xFFFF8000;
	(pc) =	sbr.rel @p0 .LBB2_4-.Ltmp2, $4  }
0xcf: {  	[hbm4b:s22+s3] =	stream.linear.scatter [tilespmem:s11], [sflag:$0x3], $0x8000, $0x38;
	[tilespmem:$0x10100] =	vst v63  }
0xd0: {  	_ =	swait.ge [sflag:s10], $0x8000  }
0xd1: {  	[sflag:s10] =	ssyncset.done $0x0  }
0xd2: {  	[sflag:s10] =	ssyncadd.s32 $0xFFFF8000  }
0xd3: {  	s23 =	sadd.s32 s21, s9  }
0xd4: {  	[tilespmem:s3], [sflag:$0x3] =	stream.linear.gather [hbm4b:s23+s3], $0x80, $0x38;
	[tilespmem:$0x10100] =	vst v63  }
0xd5: {  	_ =	swait.ge [sflag:s10], $0x80  }
0xd6: {  	[sflag:s10] =	ssyncset.done $0x0  }
0xd7: {  	[sflag:s10] =	ssyncadd.s32 $0xFFFFFF80  }
0xd8: {  	v3 =	vld [tilespmem:$0x0];
	_ =	sdelay $0x4  }
0xd9: {  	v4 =	vshll.u32 v3, $0x1  }
0xda: {  	v3 =	vand.u32 $0x7, v3;
	v4 =	vand.u32 $0xFFFFFFF0, v4  }
0xdb: {  	v3 =	vor.u32 v3, v4  }
0xdc: {  	v4 =	vperm.xlane v3, v0;
	_ =	sdelay $0x1  }
0xdd: {  	v3 =	vperm.xlane v3, v2;
	v4 =	vadd.s32 v1, v4;
	_ =	sdelay $0x1  }
0xde: {  	v3 =	vadd.s32 v1, v3;
	_ =	sdelay $0x2  }
0xdf: {  	[tilespmem:s11], [sflag:$0x1] =	stream.indirect_vreg.gather [hbm4b:s1+s3], $0x80, v4, vm0, $0xb8;
	[tilespmem:$0x10100] =	vst v63  }
0xe0: {  	s23 =	simm.s32 $0x900  }
0xe1: {  	[tilespmem:s23], [sflag:$0x1] =	stream.indirect_vreg.gather [hbm4b:s1+s3], $0x80, v3, vm0, $0xb8;
	[tilespmem:$0x10100] =	vst v63  }
0xe2: {  	v3 =	vld [tilespmem:$0x10];
	_ =	sdelay $0x4  }
0xe3: {  	v57 =	vshll.u32 v3, $0x1  }
0xe4: {  	v3 =	vand.u32 $0x7, v3;
	v4 =	vand.u32 $0xFFFFFFF0, v57  }
0xe5: {  	v3 =	vor.u32 v3, v4  }
0xe6: {  	v4 =	vperm.xlane v3, v0;
	_ =	sdelay $0x1  }
0xe7: {  	v3 =	vperm.xlane v3, v2;
	v4 =	vadd.s32 v1, v4;
	_ =	sdelay $0x1  }
0xe8: {  	v3 =	vadd.s32 v1, v3;
	_ =	sdelay $0x1  }
0xe9: {  	s23 =	simm.s32 $0x1100  }
0xea: {  	[tilespmem:s23], [sflag:$0x1] =	stream.indirect_vreg.gather [hbm4b:s1+s3], $0x80, v4, vm0, $0xb8;
	[tilespmem:$0x10100] =	vst v63  }
0xeb: {  	s23 =	simm.s32 $0x1900  }
0xec: {  	[tilespmem:s23], [sflag:$0x1] =	stream.indirect_vreg.gather [hbm4b:s1+s3], $0x80, v3, vm0, $0xb8;
	[tilespmem:$0x10100] =	vst v63  }
0xed: {  	v3 =	vld [tilespmem:$0x20];
	_ =	sdelay $0x4  }
0xee: {  	v58 =	vshll.u32 v3, $0x1  }
0xef: {  	v3 =	vand.u32 $0x7, v3;
	v4 =	vand.u32 $0xFFFFFFF0, v58  }
0xf0: {  	v3 =	vor.u32 v3, v4  }
0xf1: {  	v4 =	vperm.xlane v3, v0;
	_ =	sdelay $0x1  }
0xf2: {  	v3 =	vperm.xlane v3, v2;
	v4 =	vadd.s32 v1, v4;
	_ =	sdelay $0x1  }
0xf3: {  	v3 =	vadd.s32 v1, v3;
	_ =	sdelay $0x1  }
0xf4: {  	s23 =	simm.s32 $0x2100  }
0xf5: {  	[tilespmem:s23], [sflag:$0x1] =	stream.indirect_vreg.gather [hbm4b:s1+s3], $0x80, v4, vm0, $0xb8;
	[tilespmem:$0x10100] =	vst v63  }
0xf6: {  	s23 =	simm.s32 $0x2900  }
0xf7: {  	[tilespmem:s23], [sflag:$0x1] =	stream.indirect_vreg.gather [hbm4b:s1+s3], $0x80, v3, vm0, $0xb8;
	[tilespmem:$0x10100] =	vst v63  }
0xf8: {  	v3 =	vld [tilespmem:$0x30];
	_ =	sdelay $0x4  }
0xf9: {  	v59 =	vshll.u32 v3, $0x1  }
0xfa: {  	v3 =	vand.u32 $0x7, v3;
	v4 =	vand.u32 $0xFFFFFFF0, v59  }
0xfb: {  	v3 =	vor.u32 v3, v4  }
0xfc: {  	v4 =	vperm.xlane v3, v0;
	_ =	sdelay $0x1  }
0xfd: {  	v3 =	vperm.xlane v3, v2;
	v4 =	vadd.s32 v1, v4;
	_ =	sdelay $0x1  }
0xfe: {  	v3 =	vadd.s32 v1, v3;
	_ =	sdelay $0x1  }
0xff: {  	s23 =	simm.s32 $0x3100  }
0x100: {  	[tilespmem:s23], [sflag:$0x1] =	stream.indirect_vreg.gather [hbm4b:s1+s3], $0x80, v4, vm0, $0xb8;
	[tilespmem:$0x10100] =	vst v63  }
0x101: {  	s23 =	simm.s32 $0x3900  }
0x102: {  	[tilespmem:s23], [sflag:$0x1] =	stream.indirect_vreg.gather [hbm4b:s1+s3], $0x80, v3, vm0, $0xb8;
	[tilespmem:$0x10100] =	vst v63  }
0x103: {  	v3 =	vld [tilespmem:$0x40];
	_ =	sdelay $0x4  }
0x104: {  	v60 =	vshll.u32 v3, $0x1  }
0x105: {  	v3 =	vand.u32 $0x7, v3;
	v4 =	vand.u32 $0xFFFFFFF0, v60  }
0x106: {  	v3 =	vor.u32 v3, v4  }
0x107: {  	v4 =	vperm.xlane v3, v0;
	_ =	sdelay $0x1  }
0x108: {  	v3 =	vperm.xlane v3, v2;
	v4 =	vadd.s32 v1, v4;
	_ =	sdelay $0x1  }
0x109: {  	v3 =	vadd.s32 v1, v3;
	_ =	sdelay $0x1  }
0x10a: {  	s23 =	simm.s32 $0x4100  }
0x10b: {  	[tilespmem:s23], [sflag:$0x1] =	stream.indirect_vreg.gather [hbm4b:s1+s3], $0x80, v4, vm0, $0xb8;
	[tilespmem:$0x10100] =	vst v63  }
0x10c: {  	s23 =	simm.s32 $0x4900  }
0x10d: {  	[tilespmem:s23], [sflag:$0x1] =	stream.indirect_vreg.gather [hbm4b:s1+s3], $0x80, v3, vm0, $0xb8;
	[tilespmem:$0x10100] =	vst v63  }
0x10e: {  	v3 =	vld [tilespmem:$0x50];
	_ =	sdelay $0x4  }
0x10f: {  	v61 =	vshll.u32 v3, $0x1  }
0x110: {  	v3 =	vand.u32 $0x7, v3;
	v4 =	vand.u32 $0xFFFFFFF0, v61  }
0x111: {  	v3 =	vor.u32 v3, v4  }
0x112: {  	v4 =	vperm.xlane v3, v0;
	_ =	sdelay $0x1  }
0x113: {  	v3 =	vperm.xlane v3, v2;
	v4 =	vadd.s32 v1, v4;
	_ =	sdelay $0x1  }
0x114: {  	v3 =	vadd.s32 v1, v3;
	_ =	sdelay $0x1  }
0x115: {  	s23 =	simm.s32 $0x5100  }
0x116: {  	[tilespmem:s23], [sflag:$0x1] =	stream.indirect_vreg.gather [hbm4b:s1+s3], $0x80, v4, vm0, $0xb8;
	[tilespmem:$0x10100] =	vst v63  }
0x117: {  	s23 =	simm.s32 $0x5900  }
0x118: {  	[tilespmem:s23], [sflag:$0x1] =	stream.indirect_vreg.gather [hbm4b:s1+s3], $0x80, v3, vm0, $0xb8;
	[tilespmem:$0x10100] =	vst v63  }
0x119: {  	v3 =	vld [tilespmem:$0x60];
	_ =	sdelay $0x4  }
0x11a: {  	v62 =	vshll.u32 v3, $0x1  }
0x11b: {  	v3 =	vand.u32 $0x7, v3;
	v4 =	vand.u32 $0xFFFFFFF0, v62  }
0x11c: {  	v3 =	vor.u32 v3, v4  }
0x11d: {  	v4 =	vperm.xlane v3, v0;
	_ =	sdelay $0x1  }
0x11e: {  	v3 =	vperm.xlane v3, v2;
	v4 =	vadd.s32 v1, v4;
	_ =	sdelay $0x1  }
0x11f: {  	v3 =	vadd.s32 v1, v3;
	_ =	sdelay $0x1  }
0x120: {  	s23 =	simm.s32 $0x6100  }
0x121: {  	[tilespmem:s23], [sflag:$0x1] =	stream.indirect_vreg.gather [hbm4b:s1+s3], $0x80, v4, vm0, $0xb8;
	[tilespmem:$0x10100] =	vst v63  }
0x122: {  	_ = 	snop  }
0x123: {  	[tilespmem:s24], [sflag:$0x1] =	stream.indirect_vreg.gather [hbm4b:s1+s3], $0x80, v3, vm0, $0xb8;
	[tilespmem:$0x10100] =	vst v63  }
0x124: {  	v3 =	vld [tilespmem:$0x70];
	_ =	sdelay $0x4  }
0x125: {  	v63 =	vshll.u32 v3, $0x1  }
0x126: {  	v3 =	vand.u32 $0x7, v3;
	v4 =	vand.u32 $0xFFFFFFF0, v63  }
0x127: {  	v3 =	vor.u32 v3, v4  }
0x128: {  	v4 =	vperm.xlane v3, v0;
	_ =	sdelay $0x1  }
0x129: {  	v3 =	vperm.xlane v3, v2;
	v4 =	vadd.s32 v1, v4;
	_ =	sdelay $0x1  }
0x12a: {  	v3 =	vadd.s32 v1, v3;
	_ =	sdelay $0x2  }
0x12b: {  	[tilespmem:s25], [sflag:$0x1] =	stream.indirect_vreg.gather [hbm4b:s1+s3], $0x80, v4, vm0, $0xb8;
	[tilespmem:$0x10100] =	vst v63  }
0x12c: {  	_ = 	snop  }
0x12d: {  	[tilespmem:s26], [sflag:$0x1] =	stream.indirect_vreg.gather [hbm4b:s1+s3], $0x80, v3, vm0, $0xb8;
	[tilespmem:$0x10100] =	vst v63  }
.LBB2_4:
0x12e: {  	_ =	swait.ge [sflag:s20], $0x8000  }
0x12f: {  	[sflag:s20] =	ssyncset.done $0x0  }
.Ltmp3:
0x130: {  	s23 =	sadd.s32 $0x1000, s22;
	[sflag:s20] =	ssyncadd.s32 $0xFFFF8000;
	(pc) =	sbr.rel @p0 .LBB2_6-.Ltmp3, $4  }
0x131: {  	[hbm4b:s23+s3] =	stream.linear.scatter [tilespmem:s29], [sflag:$0x3], $0x8000, $0x38;
	[tilespmem:$0x10100] =	vst v63  }
0x132: {  	_ =	swait.ge [sflag:s10], $0x8000  }
0x133: {  	[sflag:s10] =	ssyncset.done $0x0  }
0x134: {  	[sflag:s10] =	ssyncadd.s32 $0xFFFF8000  }
0x135: {  	s23 =	sadd.s32 s21, s8  }
0x136: {  	[tilespmem:s28], [sflag:$0x3] =	stream.linear.gather [hbm4b:s23+s3], $0x80, $0x38;
	[tilespmem:$0x10100] =	vst v63  }
0x137: {  	_ =	swait.ge [sflag:s10], $0x80  }
0x138: {  	[sflag:s10] =	ssyncset.done $0x0  }
0x139: {  	[sflag:s10] =	ssyncadd.s32 $0xFFFFFF80  }
0x13a: {  	v3 =	vld [tilespmem:$0x80];
	_ =	sdelay $0x4  }
0x13b: {  	v4 =	vshll.u32 v3, $0x1  }
0x13c: {  	v3 =	vand.u32 $0x7, v3;
	v4 =	vand.u32 $0xFFFFFFF0, v4  }
0x13d: {  	v3 =	vor.u32 v3, v4  }
0x13e: {  	v4 =	vperm.xlane v3, v0;
	_ =	sdelay $0x1  }
0x13f: {  	v3 =	vperm.xlane v3, v2;
	v4 =	vadd.s32 v1, v4;
	_ =	sdelay $0x1  }
0x140: {  	v3 =	vadd.s32 v1, v3;
	_ =	sdelay $0x2  }
0x141: {  	[tilespmem:s29], [sflag:$0x2] =	stream.indirect_vreg.gather [hbm4b:s1+s3], $0x80, v4, vm0, $0xb8;
	[tilespmem:$0x10100] =	vst v63  }
0x142: {  	_ = 	snop  }
0x143: {  	[tilespmem:s30], [sflag:$0x2] =	stream.indirect_vreg.gather [hbm4b:s1+s3], $0x80, v3, vm0, $0xb8;
	[tilespmem:$0x10100] =	vst v63  }
0x144: {  	v3 =	vld [tilespmem:$0x90];
	_ =	sdelay $0x4  }
0x145: {  	v57 =	vshll.u32 v3, $0x1  }
0x146: {  	v3 =	vand.u32 $0x7, v3;
	v4 =	vand.u32 $0xFFFFFFF0, v57  }
0x147: {  	v3 =	vor.u32 v3, v4  }
0x148: {  	v4 =	vperm.xlane v3, v0;
	_ =	sdelay $0x1  }
0x149: {  	v3 =	vperm.xlane v3, v2;
	v4 =	vadd.s32 v1, v4;
	_ =	sdelay $0x1  }
0x14a: {  	v3 =	vadd.s32 v1, v3;
	_ =	sdelay $0x2  }
0x14b: {  	[tilespmem:s31], [sflag:$0x2] =	stream.indirect_vreg.gather [hbm4b:s1+s3], $0x80, v4, vm0, $0xb8;
	[tilespmem:$0x10100] =	vst v63  }
0x14c: {  	_ = 	snop  }
0x14d: {  	[tilespmem:s0], [sflag:$0x2] =	stream.indirect_vreg.gather [hbm4b:s1+s3], $0x80, v3, vm0, $0xb8;
	[tilespmem:$0x10100] =	vst v63  }
0x14e: {  	v3 =	vld [tilespmem:$0xA0];
	_ =	sdelay $0x4  }
0x14f: {  	v58 =	vshll.u32 v3, $0x1  }
0x150: {  	v3 =	vand.u32 $0x7, v3;
	v4 =	vand.u32 $0xFFFFFFF0, v58  }
0x151: {  	v3 =	vor.u32 v3, v4  }
0x152: {  	v4 =	vperm.xlane v3, v0;
	_ =	sdelay $0x1  }
0x153: {  	v3 =	vperm.xlane v3, v2;
	v4 =	vadd.s32 v1, v4;
	_ =	sdelay $0x1  }
0x154: {  	v3 =	vadd.s32 v1, v3;
	_ =	sdelay $0x2  }
0x155: {  	[tilespmem:s2], [sflag:$0x2] =	stream.indirect_vreg.gather [hbm4b:s1+s3], $0x80, v4, vm0, $0xb8;
	[tilespmem:$0x10100] =	vst v63  }
0x156: {  	_ = 	snop  }
0x157: {  	[tilespmem:s5], [sflag:$0x2] =	stream.indirect_vreg.gather [hbm4b:s1+s3], $0x80, v3, vm0, $0xb8;
	[tilespmem:$0x10100] =	vst v63  }
0x158: {  	v3 =	vld [tilespmem:$0xB0];
	_ =	sdelay $0x4  }
0x159: {  	v59 =	vshll.u32 v3, $0x1  }
0x15a: {  	v3 =	vand.u32 $0x7, v3;
	v4 =	vand.u32 $0xFFFFFFF0, v59  }
0x15b: {  	v3 =	vor.u32 v3, v4  }
0x15c: {  	v4 =	vperm.xlane v3, v0;
	_ =	sdelay $0x1  }
0x15d: {  	v3 =	vperm.xlane v3, v2;
	v4 =	vadd.s32 v1, v4;
	_ =	sdelay $0x1  }
0x15e: {  	v3 =	vadd.s32 v1, v3;
	_ =	sdelay $0x2  }
0x15f: {  	[tilespmem:s6], [sflag:$0x2] =	stream.indirect_vreg.gather [hbm4b:s1+s3], $0x80, v4, vm0, $0xb8;
	[tilespmem:$0x10100] =	vst v63  }
0x160: {  	_ = 	snop  }
0x161: {  	[tilespmem:s7], [sflag:$0x2] =	stream.indirect_vreg.gather [hbm4b:s1+s3], $0x80, v3, vm0, $0xb8;
	[tilespmem:$0x10100] =	vst v63  }
0x162: {  	v3 =	vld [tilespmem:$0xC0];
	_ =	sdelay $0x4  }
0x163: {  	v60 =	vshll.u32 v3, $0x1  }
0x164: {  	v3 =	vand.u32 $0x7, v3;
	v4 =	vand.u32 $0xFFFFFFF0, v60  }
0x165: {  	v3 =	vor.u32 v3, v4  }
0x166: {  	v4 =	vperm.xlane v3, v0;
	_ =	sdelay $0x1  }
0x167: {  	v3 =	vperm.xlane v3, v2;
	v4 =	vadd.s32 v1, v4;
	_ =	sdelay $0x1  }
0x168: {  	v3 =	vadd.s32 v1, v3;
	_ =	sdelay $0x2  }
0x169: {  	[tilespmem:s4], [sflag:$0x2] =	stream.indirect_vreg.gather [hbm4b:s1+s3], $0x80, v4, vm0, $0xb8;
	[tilespmem:$0x10100] =	vst v63  }
0x16a: {  	_ = 	snop  }
0x16b: {  	[tilespmem:s12], [sflag:$0x2] =	stream.indirect_vreg.gather [hbm4b:s1+s3], $0x80, v3, vm0, $0xb8;
	[tilespmem:$0x10100] =	vst v63  }
0x16c: {  	v3 =	vld [tilespmem:$0xD0];
	_ =	sdelay $0x4  }
0x16d: {  	v61 =	vshll.u32 v3, $0x1  }
0x16e: {  	v3 =	vand.u32 $0x7, v3;
	v4 =	vand.u32 $0xFFFFFFF0, v61  }
0x16f: {  	v3 =	vor.u32 v3, v4  }
0x170: {  	v4 =	vperm.xlane v3, v0;
	_ =	sdelay $0x1  }
0x171: {  	v3 =	vperm.xlane v3, v2;
	v4 =	vadd.s32 v1, v4;
	_ =	sdelay $0x1  }
0x172: {  	v3 =	vadd.s32 v1, v3;
	_ =	sdelay $0x2  }
0x173: {  	[tilespmem:s13], [sflag:$0x2] =	stream.indirect_vreg.gather [hbm4b:s1+s3], $0x80, v4, vm0, $0xb8;
	[tilespmem:$0x10100] =	vst v63  }
0x174: {  	_ = 	snop  }
0x175: {  	[tilespmem:s14], [sflag:$0x2] =	stream.indirect_vreg.gather [hbm4b:s1+s3], $0x80, v3, vm0, $0xb8;
	[tilespmem:$0x10100] =	vst v63  }
0x176: {  	v3 =	vld [tilespmem:$0xE0];
	_ =	sdelay $0x4  }
0x177: {  	v62 =	vshll.u32 v3, $0x1  }
0x178: {  	v3 =	vand.u32 $0x7, v3;
	v4 =	vand.u32 $0xFFFFFFF0, v62  }
0x179: {  	v3 =	vor.u32 v3, v4  }
0x17a: {  	v4 =	vperm.xlane v3, v0;
	_ =	sdelay $0x1  }
0x17b: {  	v3 =	vperm.xlane v3, v2;
	v4 =	vadd.s32 v1, v4;
	_ =	sdelay $0x1  }
0x17c: {  	v3 =	vadd.s32 v1, v3;
	_ =	sdelay $0x2  }
0x17d: {  	[tilespmem:s15], [sflag:$0x2] =	stream.indirect_vreg.gather [hbm4b:s1+s3], $0x80, v4, vm0, $0xb8;
	[tilespmem:$0x10100] =	vst v63  }
0x17e: {  	_ = 	snop  }
0x17f: {  	[tilespmem:s16], [sflag:$0x2] =	stream.indirect_vreg.gather [hbm4b:s1+s3], $0x80, v3, vm0, $0xb8;
	[tilespmem:$0x10100] =	vst v63  }
0x180: {  	v3 =	vld [tilespmem:$0xF0];
	_ =	sdelay $0x4  }
0x181: {  	v63 =	vshll.u32 v3, $0x1  }
0x182: {  	v3 =	vand.u32 $0x7, v3;
	v4 =	vand.u32 $0xFFFFFFF0, v63  }
0x183: {  	v3 =	vor.u32 v3, v4  }
0x184: {  	v4 =	vperm.xlane v3, v0;
	_ =	sdelay $0x1  }
0x185: {  	v3 =	vperm.xlane v3, v2;
	v4 =	vadd.s32 v1, v4;
	_ =	sdelay $0x1  }
0x186: {  	v3 =	vadd.s32 v1, v3  }
.Ltmp4:
0x187: {  	_ = 	snop;
	(pc) =	sbr.rel .LBB2_2-.Ltmp4, $4  }
0x188: {  	_ = 	snop  }
0x189: {  	[tilespmem:s17], [sflag:$0x2] =	stream.indirect_vreg.gather [hbm4b:s1+s3], $0x80, v4, vm0, $0xb8;
	[tilespmem:$0x10100] =	vst v63  }
0x18a: {  	s22 =	sadd.s32 $0x2000, s22;
	s21 =	sadd.s32 $0x20, s21  }
0x18b: {  	[tilespmem:s18], [sflag:$0x2] =	stream.indirect_vreg.gather [hbm4b:s1+s3], $0x80, v3, vm0, $0xb8;
	[tilespmem:$0x10100] =	vst v63  }
.LBB2_7:
0x18c: {  	_ =	sfence.sel $0x180000  }
0x18d: {  	[bflag:$0x0] =	sbarrier.arrive $0xFFFF  }
0x18e: {  	_ =	strace $0x90000050  }
0x18f: {  	s0 =	stileid.u32;
	[bflag:$0x2] =	sbarrier.arrive $0xFFFF  }
0x190: {  	p0 =	sne.s32 s0, $0x0;
	s0 =	rddreg [dreg:$0x2]  }
0x191: {  	s0 =	sadd.s32 @!p0 $0x100000, s0  }
0x192: {  	[sflag:s0] =	ssyncadd.tile.s32 @!p0 $0x1;
	_ =	shalt  }
.Lfunc_end2:
_tile_overlayer_lowered:
.L_overlay_start_2:
0x193: {  	(tag) =	ssettag $0x2  }
0x194: {  	s0 =	rddreg [dreg:$0x0];
	s2 =	stileid.u32  }
0x195: {  	s1 =	rddreg [dreg:$0x1];
	p0 =	sne.s32 s2, $0x0  }
0x196: {  	s3 =	rddreg [dreg:$0x2];
	[bflag:$0x3] =	sbarrier.arrive $0xFFFF;
	s2 =	simm.s32 @!p0 $0x1C03  }
0x197: {  	[timem:s3], [sflag:s2] =	dma.local @!p0 [hbm:s0], s1  }
0x198: {  	s0 =	simm.s32 @!p0 $0x3  }
0x199: {  	_ =	swait.ge @!p0 [sflag:s0], s1  }
0x19a: {  	s1 =	ssub.s32 @!p0 $0x0, s1;
	[sflag:s0] =	ssyncset.done @!p0 $0x0  }
0x19b: {  	[sflag:s0] =	ssyncadd.s32 @!p0 s1  }
0x19c: {  	[bflag:$0x3] =	sbarrier.arrive $0xFFFF  }
0x19d: {  	_ =	shalt  }

</sc_bundles>
